<compile_context>
chip_gen: v7x
topology: tpu7x:2x2x1
jax: 0.10.2.dev20260603
libtpu: 0.0.44.dev20260713+nightly
codegen_flags: <defaults>
</compile_context>

<pallas_src>
import functools

import numpy as np
import jax
import jax.numpy as jnp
from jax import lax
from jax.experimental import pallas as pl
from jax.experimental.pallas import tpu as pltpu
from jax.experimental.pallas import tpu_sc as plsc

_LAYOUT = [3, 128, 256, 256, 128]
_NOFF = np.cumsum([0] + _LAYOUT)
_ROWS = [_LAYOUT[j] * _LAYOUT[j + 1] for j in range(4)]
_EOFF = np.cumsum([0] + _ROWS)
_CROP_F = [6, 7, 8, 11, 12, 13, 16, 17, 18]
_B = 16
_EFLAT = int(_EOFF[4]) * 25
_CPC = 12800
_WN = [384 * 9, 32768 * 9, 65536 * 9, 32768 * 25]
_BN = [128, 256, 256, 128]
_FR = (np.float32(0.75), np.float32(0.5), np.float32(0.25))


def _unit_rows():
    def row(src, base, nchunks, nvec, tab, n, col):
        ks = [int(np.floor(q * (n - 1))) for q in (0.25, 0.5, 0.75)]
        assert base % 8 == 0
        return [src, base // 8, nchunks, nvec, tab, ks[0], ks[1], ks[2], col, n]
    rows = [
        row(0, int(_EOFF[3]) * 25, 64, 800, 288, _WN[3], 6),
        row(0, 0, 1, 216, 0, _WN[0], 0),
        row(1, 0 * 256, 1, _BN[0] // 16, 288, _BN[0], 1),
        row(1, 1 * 256, 1, _BN[1] // 16, 288, _BN[1], 3),
        row(1, 2 * 256, 1, _BN[2] // 16, 288, _BN[2], 5),
        row(1, 3 * 256, 1, _BN[3] // 16, 288, _BN[3], 7),
        row(0, int(_EOFF[2]) * 25, 128, 288, 0, _WN[2], 4),
        row(0, int(_EOFF[1]) * 25, 64, 288, 0, _WN[1], 2),
    ]
    out = np.zeros((8, 16), np.int32)
    out[:, : len(rows[0])] = np.array(rows, np.int32)
    return out.reshape(-1)


def _recip_rows():
    t = np.zeros((8, 16), np.float32)
    ns = [_WN[3], _WN[0], _BN[0], _BN[1], _BN[2], _BN[3], _WN[2], _WN[1]]
    for i, n in enumerate(ns):
        t[i, 0] = np.float32(1.0 / n)
        t[i, 1] = np.float32(1.0 / (n - 1))
    return t.reshape(-1)


def _gidx_table():
    crop = (25 * np.arange(512)[:, None] + np.array(_CROP_F)[None, :]).reshape(-1)
    full = np.arange(_CPC)
    return np.concatenate([crop, full]).astype(np.int32)


def _key(xv):
    xi = plsc.bitcast(xv, jnp.int32)
    return xi ^ (lax.shift_right_arithmetic(xi, 31) | jnp.int32(-(2 ** 31)))


def _inv_key(k_scalar):
    kv = jnp.full((16,), k_scalar, jnp.int32)
    orig = jnp.where(kv < 0, kv & jnp.int32(0x7FFFFFFF), ~kv)
    return jnp.max(plsc.bitcast(orig, jnp.float32))


def _sc_body(xb_hbm, ef_hbm, gidx_hbm, pi_hbm, pf_hbm, out_hbm,
             buf, gidxv, piv, pfv, hist1, hist2, hist3, outrow, sem):
    wid = lax.axis_index("s") * 2 + lax.axis_index("c")
    b = wid % _B
    g = wid // _B

    pltpu.sync_copy(gidx_hbm, gidxv)
    pltpu.sync_copy(pi_hbm, piv)
    pltpu.sync_copy(pf_hbm, pfv)

    ones = jnp.ones((16,), jnp.int32)
    zi = jnp.zeros((16,), jnp.int32)
    lanes = lax.iota(jnp.int32, 16)
    nunits = jnp.where(g == 0, 6, 2)

    def zero_hist(ref, n16):
        def zb(i, c):
            ref[pl.ds(i * 16, 16)] = zi
            return c
        lax.fori_loop(0, n16, zb, 0)

    def scan_hist(ref, base_off, n16, rank):
        def sb(i, carry):
            cum, bkt, resid = carry
            cs = plsc.cumsum(ref[pl.ds(base_off + i * 16, 16)])
            total = jnp.max(cs)
            cond = (cum + cs) > rank
            lane = jnp.sum(jnp.where(cond, 0, 1))
            cum_excl = cum + jnp.max(jnp.where(cond, 0, cs))
            found = (lane < 16) & (bkt < 0)
            bkt = jnp.where(found, i * 16 + lane, bkt)
            resid = jnp.where(found, rank - cum_excl, resid)
            return (cum + total, bkt, resid)
        _, bkt, resid = lax.fori_loop(0, n16, sb,
                                      (jnp.int32(0), jnp.int32(-1), jnp.int32(0)))
        return bkt, resid

    def unit_body(u, carry):
        urow = jnp.where(g == 0, u, 6 + u)
        pr = piv[pl.ds(urow * 16, 16)]
        prf = pfv[pl.ds(urow * 16, 16)]
        src = pr[0]
        base0 = pr[1]
        nchunks = pr[2]
        nvec = pr[3]
        tab = pr[4]
        col = pr[8]
        rn = prf[0]
        rn1 = prf[1]
        base8 = jnp.where(src == 0, b * (_EFLAT // 8), b * 128) + base0

        def stream(pass_fn, carry):
            @pl.when(src == 0)
            def _():
                pltpu.sync_copy(ef_hbm.at[pl.ds(base8 * 8, _CPC)],
                                buf.at[pl.ds(0, _CPC)])

            @pl.when(src != 0)
            def _():
                pltpu.sync_copy(xb_hbm.at[pl.ds(base8 * 8, 1024)],
                                buf.at[pl.ds(0, 1024)])

            def cb(ci, c):
                @pl.when(ci + 1 < nchunks)
                def _():
                    off8 = (base8 + (ci + 1) * (_CPC // 8)) * 8
                    half = ((ci + 1) & 1) * _CPC
                    pltpu.async_copy(ef_hbm.at[pl.ds(off8, _CPC)],
                                     buf.at[pl.ds(half, _CPC)], sem)

                boff = (ci & 1) * _CPC

                def vb(i, cc):
                    row = (tab + i * 2) * 16
                    idx0 = gidxv[pl.ds(row, 16)] + boff
                    idx1 = gidxv[pl.ds(row + 16, 16)] + boff
                    cc = pass_fn(plsc.load_gather(buf, [idx0]), cc)
                    return pass_fn(plsc.load_gather(buf, [idx1]), cc)
                c2 = lax.fori_loop(0, lax.shift_right_logical(nvec, 1), vb, c)

                @pl.when(ci + 1 < nchunks)
                def _():
                    off8 = (base8 + (ci + 1) * (_CPC // 8)) * 8
                    half = ((ci + 1) & 1) * _CPC
                    pltpu.make_async_copy(ef_hbm.at[pl.ds(off8, _CPC)],
                                          buf.at[pl.ds(half, _CPC)],
                                          sem).wait()
                return c2
            return lax.fori_loop(0, nchunks, cb, carry)

        zero_hist(hist1, 128)
        def p1(xv, c):
            s, s2, mn, mx = c
            plsc.addupdate_scatter(
                hist1, [lax.shift_right_logical(_key(xv), 21)], ones)
            return (s + xv, s2 + xv * xv, jnp.minimum(mn, xv),
                    jnp.maximum(mx, xv))
        big = jnp.float32(3.4e38)
        s, s2, mn, mx = stream(p1, (jnp.zeros((16,), jnp.float32),
                                    jnp.zeros((16,), jnp.float32),
                                    jnp.full((16,), big, jnp.float32),
                                    jnp.full((16,), -big, jnp.float32)))

        def search6(ref, n16, rank_of_t, rows_v):
            def tb(t, c):
                bv, rv = c
                base = jnp.max(jnp.where(lanes == t, rows_v,
                                         jnp.int32(-2 ** 31))) * (n16 * 16)
                bkt, resid = scan_hist(ref, base, n16, rank_of_t(t))
                return (jnp.where(lanes == t, bkt, bv),
                        jnp.where(lanes == t, resid, rv))
            return lax.fori_loop(0, 6, tb, (zi, zi))

        def pick(vec, t):
            return jnp.max(jnp.where(lanes == t, vec, jnp.int32(-2 ** 31)))

        def rank1(t):
            idx = 5 + lax.shift_right_logical(t, 1)
            return jnp.max(jnp.where(lanes == idx, pr, jnp.int32(-2 ** 31))) \
                + (t & 1)

        def tscan1(t, c):
            bv, rv = c
            bkt, resid = scan_hist(hist1, 0, 128, rank1(t))
            return (jnp.where(lanes == t, bkt, bv),
                    jnp.where(lanes == t, resid, rv))
        b1v, r1v = lax.fori_loop(0, 6, tscan1, (zi, zi))
        b1s = [pick(b1v, t) for t in range(6)]

        zero_hist(hist2, 768)
        def p2(xv, c):
            k = _key(xv)
            bm = lax.shift_right_logical(k, 21)
            b2 = lax.shift_right_logical(k, 10) & jnp.int32(0x7FF)
            for t in range(6):
                plsc.addupdate_scatter(hist2, [t * 2048 + b2], ones,
                                       mask=bm == b1s[t])
            return c
        stream(p2, 0)
        b2v, r2v = search6(hist2, 128, lambda t: pick(r1v, t), lanes)
        b2s = [pick(b2v, t) for t in range(6)]

        zero_hist(hist3, 384)
        def p3(xv, c):
            k = _key(xv)
            bm = lax.shift_right_logical(k, 21)
            b2 = lax.shift_right_logical(k, 10) & jnp.int32(0x7FF)
            b3 = k & jnp.int32(0x3FF)
            for t in range(6):
                plsc.addupdate_scatter(hist3, [t * 1024 + b3], ones,
                                       mask=(bm == b1s[t]) & (b2 == b2s[t]))
            return c
        stream(p3, 0)
        b3v, _ = search6(hist3, 64, lambda t: pick(r2v, t), lanes)

        vals = []
        for t in range(6):
            kk = (lax.shift_left(b1s[t], 21) | lax.shift_left(b2s[t], 10)
                  | pick(b3v, t))
            vals.append(_inv_key(kk))

        S = jnp.sum(s)
        mean = S * rn
        var = (jnp.sum(s2) - S * S * rn) * rn1
        q25 = vals[0] * (np.float32(1) - _FR[0]) + vals[1] * _FR[0]
        q50 = vals[2] * (np.float32(1) - _FR[1]) + vals[3] * _FR[1]
        q75 = vals[4] * (np.float32(1) - _FR[2]) + vals[5] * _FR[2]
        ov = jnp.zeros((16,), jnp.float32)
        for slot, val in enumerate([mean, var, jnp.min(mn), q25, q50, q75,
                                    jnp.max(mx)]):
            ov = jnp.where(lanes == slot, val, ov)
        outrow[...] = ov
        pltpu.sync_copy(outrow, out_hbm.at[pl.ds((b * 8 + col) * 16, 16)])
        return carry

    lax.fori_loop(0, nunits, unit_body, 0)


@jax.jit
def _run(xb, ef, gidx, pi, pf):
    mesh = plsc.VectorSubcoreMesh(core_axis_name="c", subcore_axis_name="s")
    f = functools.partial(
        pl.kernel,
        mesh=mesh,
        compiler_params=pltpu.CompilerParams(needs_layout_passes=False),
        out_type=jax.ShapeDtypeStruct((2048,), jnp.float32),
        scratch_types=[
            pltpu.VMEM((2 * _CPC,), jnp.float32),
            pltpu.VMEM((1088 * 16,), jnp.int32),
            pltpu.VMEM((128,), jnp.int32),
            pltpu.VMEM((128,), jnp.float32),
            pltpu.VMEM((2048,), jnp.int32),
            pltpu.VMEM((6 * 2048 + 16,), jnp.int32),
            pltpu.VMEM((6 * 1024 + 16,), jnp.int32),
            pltpu.VMEM((16,), jnp.float32),
            pltpu.SemaphoreType.DMA,
        ],
    )(_sc_body)
    return f(xb, ef, gidx, pi, pf)


def kernel(x, edge_attr):
    segs = [jnp.pad(x[:, int(_NOFF[j + 1]):int(_NOFF[j + 2])],
                    ((0, 0), (0, 256 - _BN[j]))) for j in range(4)]
    xb = jnp.concatenate(segs, axis=1).reshape(-1)
    xb = jnp.pad(xb, (0, 1024))
    ef = edge_attr.reshape(-1)
    raw = _run(xb, ef, jnp.asarray(_gidx_table()), jnp.asarray(_unit_rows()),
               jnp.asarray(_recip_rows()))
    res = raw.reshape(_B, 8, 16)[:, :, :7].reshape(_B, 56)
    return jnp.pad(res, ((0, 0), (0, 14)))

# --- scband reference (transcript-rebuilt; emitter-appended) ---
"""Pipeline reference for scband-dynamic-stat-featurizer-35673998360738 (READ-ONLY COPY).

The authoritative reference and input builder live on the scoring server;
editing this copy changes nothing except your own understanding.
"""

import jax, jax.numpy as jnp
import numpy as np

LAYER_LAYOUT = [3, 128, 256, 256, 128]
INITIAL_WEIGHT_SHAPES = [(3, 3), (3, 3), (3, 3)]
MAX_KD = (5, 5)
MAX_NUM_HIDDEN_LAYERS = 4
MAX_SIZE = 2 * 7 * (MAX_NUM_HIDDEN_LAYERS + 1)


def compute_stats(t):
    flat = t.reshape(-1)
    mean = jnp.mean(flat)
    var = jnp.var(flat, ddof=1)
    q = jnp.quantile(flat, jnp.array([0.0, 0.25, 0.5, 0.75, 1.0], dtype=flat.dtype))
    return jnp.concatenate([jnp.stack([mean, var]), q])


def _per_elem(x_i, ea_i):
    n_off = np.cumsum([0] + LAYER_LAYOUT)
    biases = [x_i[int(n_off[k]):int(n_off[k + 1])] for k in range(1, len(LAYER_LAYOUT))]
    prods = [LAYER_LAYOUT[j] * LAYER_LAYOUT[j + 1] for j in range(len(LAYER_LAYOUT) - 1)]
    e_off = np.cumsum([0] + prods)
    weights = [ea_i[int(e_off[j]):int(e_off[j + 1])] for j in range(len(prods))]
    stats = []
    for j, (w, b) in enumerate(zip(weights, biases)):
        if j < len(INITIAL_WEIGHT_SHAPES):
            w = w.reshape(w.shape[0], MAX_KD[0], MAX_KD[1])
            s0 = (MAX_KD[0] - INITIAL_WEIGHT_SHAPES[j][0]) // 2
            e0 = s0 + INITIAL_WEIGHT_SHAPES[j][0]
            s1 = (MAX_KD[1] - INITIAL_WEIGHT_SHAPES[j][1]) // 2
            e1 = s1 + INITIAL_WEIGHT_SHAPES[j][1]
            w = w[:, s0:e0, s1:e1]
        stats.append(compute_stats(w))
        stats.append(compute_stats(b))
    elem = jnp.concatenate(stats)
    return jnp.pad(elem, (0, MAX_SIZE - elem.shape[0]))


def setup_inputs(seed: int = 0):
    key = jax.random.key(seed)
    k1, k2 = jax.random.split(key)
    B = 16
    N = sum(LAYER_LAYOUT)
    E = sum(LAYER_LAYOUT[j] * LAYER_LAYOUT[j + 1] for j in range(len(LAYER_LAYOUT) - 1))
    x = jax.random.normal(k1, (B, N), dtype=jnp.float32)
    edge_attr = jax.random.normal(k2, (B, E, MAX_KD[0] * MAX_KD[1]), dtype=jnp.float32)
    return {"x": x, "edge_attr": edge_attr}


def reference(x, edge_attr):
    return jax.vmap(_per_elem)(x, edge_attr)

if __name__ == "__main__":
    import jax
    _d = setup_inputs()
    print(jax.jit(kernel)(*tuple(_d.values())))

</pallas_src>

<mosaic_0001>
#map = affine_map<(d0, d1) -> (0)>
module attributes {stable_mosaic.version = 14 : i64} {
  func.func @_sc_body(%arg0: i32, %arg1: i32, %arg2: memref<17408xf32, #tpu.memory_space<hbm>>, %arg3: memref<52582400xf32, #tpu.memory_space<hbm>>, %arg4: memref<17408xi32, #tpu.memory_space<hbm>>, %arg5: memref<128xi32, #tpu.memory_space<hbm>>, %arg6: memref<128xf32, #tpu.memory_space<hbm>>, %arg7: memref<2048xf32, #tpu.memory_space<hbm>>, %arg8: memref<25600xf32, #tpu.memory_space<vmem>>, %arg9: memref<17408xi32, #tpu.memory_space<vmem>>, %arg10: memref<128xi32, #tpu.memory_space<vmem>>, %arg11: memref<128xf32, #tpu.memory_space<vmem>>, %arg12: memref<2048xi32, #tpu.memory_space<vmem>>, %arg13: memref<12304xi32, #tpu.memory_space<vmem>>, %arg14: memref<6160xi32, #tpu.memory_space<vmem>>, %arg15: memref<16xf32, #tpu.memory_space<vmem>>, %arg16: memref<!tpu.dma_semaphore, #tpu.memory_space<semaphore_mem>>) attributes {dimension_semantics = [#tpu.dimension_semantics<core_parallel>, #tpu.dimension_semantics<subcore_parallel>], iteration_bounds = array<i64: 2, 16>, scalar_prefetch = 0 : i64, scratch_operands = 9 : i64, tpu.core_type = #tpu.core_type<sc_vector_subcore>, window_params = [{transform_indices = #map}, {transform_indices = #map}, {transform_indices = #map}, {transform_indices = #map}, {transform_indices = #map}, {transform_indices = #map}]} {
    %mul3A = arith.constant 2 : i32
    %mul3A_0 = arith.muli %arg1, %mul3A : i32
    %add3A = arith.addi %mul3A_0, %arg0 : i32
    %jit3A = arith.constant 16 : i32
    %eq3A = arith.constant 0 : i32
    %eq3A_1 = arith.cmpi eq, %jit3A, %eq3A : i32
    %jit3A_2 = arith.constant 1 : i32
    %select_n3A = arith.select %eq3A_1, %jit3A_2, %jit3A : i32
    %rem3A = arith.remsi %add3A, %select_n3A : i32
    %ne3A = arith.constant 0 : i32
    %ne3A_3 = arith.cmpi ne, %rem3A, %ne3A : i32
    %lt3A = arith.constant 0 : i32
    %lt3A_4 = arith.cmpi slt, %rem3A, %lt3A : i32
    %lt3A_5 = arith.constant 0 : i32
    %lt3A_6 = arith.cmpi slt, %select_n3A, %lt3A_5 : i32
    %ne3A_7 = arith.xori %lt3A_4, %lt3A_6 : i1
    %and3A = arith.andi %ne3A_7, %ne3A_3 : i1
    %add3A_8 = arith.addi %rem3A, %select_n3A : i32
    %select_n3A_9 = arith.select %and3A, %add3A_8, %rem3A : i32
    %jit3A_10 = arith.constant 16 : i32
    %div3A = arith.divsi %add3A, %jit3A_10 : i32
    %sign3A = arith.constant 0 : i32
    %sign3A_11 = arith.cmpi sgt, %add3A, %sign3A : i32
    %sign3A_12 = arith.extui %sign3A_11 : i1 to i32
    %sign3A_13 = arith.constant 0 : i32
    %sign3A_14 = arith.cmpi slt, %add3A, %sign3A_13 : i32
    %sign3A_15 = arith.extui %sign3A_14 : i1 to i32
    %sign3A_16 = arith.subi %sign3A_12, %sign3A_15 : i32
    %sign3A_17 = arith.constant 0 : i32
    %sign3A_18 = arith.cmpi sgt, %jit3A_10, %sign3A_17 : i32
    %sign3A_19 = arith.extui %sign3A_18 : i1 to i32
    %sign3A_20 = arith.constant 0 : i32
    %sign3A_21 = arith.cmpi slt, %jit3A_10, %sign3A_20 : i32
    %sign3A_22 = arith.extui %sign3A_21 : i1 to i32
    %sign3A_23 = arith.subi %sign3A_19, %sign3A_22 : i32
    %ne3A_24 = arith.cmpi ne, %sign3A_16, %sign3A_23 : i32
    %rem3A_25 = arith.remsi %add3A, %jit3A_10 : i32
    %ne3A_26 = arith.constant 0 : i32
    %ne3A_27 = arith.cmpi ne, %rem3A_25, %ne3A_26 : i32
    %and3A_28 = arith.andi %ne3A_24, %ne3A_27 : i1
    %sub3A = arith.constant 1 : i32
    %sub3A_29 = arith.subi %div3A, %sub3A : i32
    %select_n3A_30 = arith.select %and3A_28, %sub3A_29, %div3A : i32
    "tpu.region"() ({
      %run_scoped3A = tpu.sem_alloc : memref<!tpu.dma_semaphore, #tpu.memory_space<semaphore_mem>>
      tpu.enqueue_dma source(%arg4 : memref<17408xi32, #tpu.memory_space<hbm>>) target(%arg9 : memref<17408xi32, #tpu.memory_space<vmem>>) target_semaphore(%run_scoped3A : memref<!tpu.dma_semaphore, #tpu.memory_space<semaphore_mem>>)
      tpu.wait_dma2 semaphore(%run_scoped3A : memref<!tpu.dma_semaphore, #tpu.memory_space<semaphore_mem>>) src(%arg4 : memref<17408xi32, #tpu.memory_space<hbm>>) dst(%arg9 : memref<17408xi32, #tpu.memory_space<vmem>>)
      tpu.yield
    }) : () -> ()
    "tpu.region"() ({
      %run_scoped3A = tpu.sem_alloc : memref<!tpu.dma_semaphore, #tpu.memory_space<semaphore_mem>>
      tpu.enqueue_dma source(%arg5 : memref<128xi32, #tpu.memory_space<hbm>>) target(%arg10 : memref<128xi32, #tpu.memory_space<vmem>>) target_semaphore(%run_scoped3A : memref<!tpu.dma_semaphore, #tpu.memory_space<semaphore_mem>>)
      tpu.wait_dma2 semaphore(%run_scoped3A : memref<!tpu.dma_semaphore, #tpu.memory_space<semaphore_mem>>) src(%arg5 : memref<128xi32, #tpu.memory_space<hbm>>) dst(%arg10 : memref<128xi32, #tpu.memory_space<vmem>>)
      tpu.yield
    }) : () -> ()
    "tpu.region"() ({
      %run_scoped3A = tpu.sem_alloc : memref<!tpu.dma_semaphore, #tpu.memory_space<semaphore_mem>>
      tpu.enqueue_dma source(%arg6 : memref<128xf32, #tpu.memory_space<hbm>>) target(%arg11 : memref<128xf32, #tpu.memory_space<vmem>>) target_semaphore(%run_scoped3A : memref<!tpu.dma_semaphore, #tpu.memory_space<semaphore_mem>>)
      tpu.wait_dma2 semaphore(%run_scoped3A : memref<!tpu.dma_semaphore, #tpu.memory_space<semaphore_mem>>) src(%arg6 : memref<128xf32, #tpu.memory_space<hbm>>) dst(%arg11 : memref<128xf32, #tpu.memory_space<vmem>>)
      tpu.yield
    }) : () -> ()
    %broadcast_in_dim3A = arith.constant 1 : i32
    %broadcast_in_dim3A_31 = vector.broadcast %broadcast_in_dim3A : i32 to vector<16xi32>
    %broadcast_in_dim3A_32 = arith.constant 0 : i32
    %broadcast_in_dim3A_33 = vector.broadcast %broadcast_in_dim3A_32 : i32 to vector<16xi32>
    %iota3A = tpu.iota {dimensions = array<i32: 0>} : vector<16xi32>
    %eq3A_34 = arith.constant 0 : i32
    %eq3A_35 = arith.cmpi eq, %select_n3A_30, %eq3A_34 : i32
    %jit3A_36 = arith.constant 6 : i32
    %jit3A_37 = arith.constant 2 : i32
    %select_n3A_38 = arith.select %eq3A_35, %jit3A_36, %jit3A_37 : i32
    %while3A = arith.constant 0 : i32
    %while3A_39 = arith.constant 0 : i32
    %while3A_40 = arith.subi %select_n3A_38, %while3A_39 : i32
    %while3A_41 = arith.addi %while3A_39, %while3A_40 : i32
    %while3A_42 = arith.constant 1 : i32
    %while3A_43 = arith.divsi %while3A_40, %while3A_42 : i32
    %while3A_44 = arith.muli %while3A_43, %while3A_42 : i32
    %while3A_45 = arith.addi %while3A_39, %while3A_44 : i32
    %while3A_46 = arith.constant 1 : i32
    scf.for %while3A_48 = %while3A_39 to %while3A_45 step %while3A_46  : i32 {
      %eq3A_49 = arith.constant 0 : i32
      %eq3A_50 = arith.cmpi eq, %select_n3A_30, %eq3A_49 : i32
      %add3A_51 = arith.constant 6 : i32
      %add3A_52 = arith.addi %add3A_51, %while3A_48 : i32
      %select_n3A_53 = arith.select %eq3A_50, %while3A_48, %add3A_52 : i32
      %mul3A_54 = arith.constant 16 : i32
      %mul3A_55 = arith.muli %select_n3A_53, %mul3A_54 : i32
      %get3A = arith.index_cast %mul3A_55 : i32 to index
      %get3A_56 = tpu.vector_load %arg10[%get3A] {strides = array<i32>} : memref<128xi32, #tpu.memory_space<vmem>>, vector<16xi32>,
      %mul3A_57 = arith.constant 16 : i32
      %mul3A_58 = arith.muli %select_n3A_53, %mul3A_57 : i32
      %get3A_59 = arith.index_cast %mul3A_58 : i32 to index
      %get3A_60 = tpu.vector_load %arg11[%get3A_59] {strides = array<i32>} : memref<128xf32, #tpu.memory_space<vmem>>, vector<16xf32>,
      %slice3A = vector.extract_strided_slice %get3A_56 {offsets = [0], sizes = [1], strides = [1]} : vector<16xi32> to vector<1xi32>
      %squeeze3A = vector.extract %slice3A[0] : i32 from vector<1xi32>
      %slice3A_61 = vector.extract_strided_slice %get3A_56 {offsets = [1], sizes = [1], strides = [1]} : vector<16xi32> to vector<1xi32>
      %squeeze3A_62 = vector.extract %slice3A_61[0] : i32 from vector<1xi32>
      %slice3A_63 = vector.extract_strided_slice %get3A_56 {offsets = [2], sizes = [1], strides = [1]} : vector<16xi32> to vector<1xi32>
      %squeeze3A_64 = vector.extract %slice3A_63[0] : i32 from vector<1xi32>
      %slice3A_65 = vector.extract_strided_slice %get3A_56 {offsets = [3], sizes = [1], strides = [1]} : vector<16xi32> to vector<1xi32>
      %squeeze3A_66 = vector.extract %slice3A_65[0] : i32 from vector<1xi32>
      %slice3A_67 = vector.extract_strided_slice %get3A_56 {offsets = [4], sizes = [1], strides = [1]} : vector<16xi32> to vector<1xi32>
      %squeeze3A_68 = vector.extract %slice3A_67[0] : i32 from vector<1xi32>
      %slice3A_69 = vector.extract_strided_slice %get3A_56 {offsets = [8], sizes = [1], strides = [1]} : vector<16xi32> to vector<1xi32>
      %squeeze3A_70 = vector.extract %slice3A_69[0] : i32 from vector<1xi32>
      %slice3A_71 = vector.extract_strided_slice %get3A_60 {offsets = [0], sizes = [1], strides = [1]} : vector<16xf32> to vector<1xf32>
      %squeeze3A_72 = vector.extract %slice3A_71[0] : f32 from vector<1xf32>
      %slice3A_73 = vector.extract_strided_slice %get3A_60 {offsets = [1], sizes = [1], strides = [1]} : vector<16xf32> to vector<1xf32>
      %squeeze3A_74 = vector.extract %slice3A_73[0] : f32 from vector<1xf32>
      %eq3A_75 = arith.constant 0 : i32
      %eq3A_76 = arith.cmpi eq, %squeeze3A, %eq3A_75 : i32
      %mul3A_77 = arith.constant 410800 : i32
      %mul3A_78 = arith.muli %select_n3A_9, %mul3A_77 : i32
      %mul3A_79 = arith.constant 128 : i32
      %mul3A_80 = arith.muli %select_n3A_9, %mul3A_79 : i32
      %select_n3A_81 = arith.select %eq3A_76, %mul3A_78, %mul3A_80 : i32
      %add3A_82 = arith.addi %select_n3A_81, %squeeze3A_62 : i32
      %scan3A = arith.constant 0 : i32
      %scan3A_83 = arith.constant 0 : i32
      %scan3A_84 = arith.constant 128 : i32
      %scan3A_85 = arith.addi %scan3A_83, %scan3A_84 : i32
      %scan3A_86 = arith.constant 1 : i32
      scf.for %scan3A_636 = %scan3A_83 to %scan3A_85 step %scan3A_86  : i32 {
        %mul3A_637 = arith.constant 16 : i32
        %mul3A_638 = arith.muli %scan3A_636, %mul3A_637 : i32
        %swap3A_639 = arith.index_cast %mul3A_638 : i32 to index
        %swap3A_640 = tpu.vector_load %arg12[%swap3A_639] {strides = array<i32>} : memref<2048xi32, #tpu.memory_space<vmem>>, vector<16xi32>,
        tpu.vector_store %arg12[%swap3A_639], %broadcast_in_dim3A_33 {strides = array<i32>} : memref<2048xi32, #tpu.memory_space<vmem>>, vector<16xi32>,
      }
      %scan3A_87 = arith.constant 128 : i32
      %broadcast_in_dim3A_88 = arith.constant 0.000000e+00 : f32
      %broadcast_in_dim3A_89 = vector.broadcast %broadcast_in_dim3A_88 : f32 to vector<16xf32>
      %broadcast_in_dim3A_90 = arith.constant 0.000000e+00 : f32
      %broadcast_in_dim3A_91 = vector.broadcast %broadcast_in_dim3A_90 : f32 to vector<16xf32>
      %broadcast_in_dim3A_92 = arith.constant 3.400000e+38 : f32
      %broadcast_in_dim3A_93 = vector.broadcast %broadcast_in_dim3A_92 : f32 to vector<16xf32>
      %neg3A = arith.constant 0.000000e+00 : f32
      %neg3A_94 = arith.constant 3.400000e+38 : f32
      %neg3A_95 = arith.subf %neg3A, %neg3A_94 : f32
      %broadcast_in_dim3A_96 = vector.broadcast %neg3A_95 : f32 to vector<16xf32>
      %eq3A_97 = arith.constant 0 : i32
      %eq3A_98 = arith.cmpi eq, %squeeze3A, %eq3A_97 : i32
      %convert_element_type3A = arith.extui %eq3A_98 : i1 to i32
      %cond3A = arith.constant 0 : i32
      %cond3A_99 = arith.cmpi ne, %convert_element_type3A, %cond3A : i32
      scf.if %cond3A_99 {
        %mul3A_636 = arith.constant 8 : i32
        %mul3A_637 = arith.muli %add3A_82, %mul3A_636 : i32
        "tpu.region"() ({
          %run_scoped3A = tpu.sem_alloc : memref<!tpu.dma_semaphore, #tpu.memory_space<semaphore_mem>>
          %dma_start3A = arith.constant 0 : i32
          %dma_start3A_638 = tpu.memref_slice %arg8[%dma_start3A] : memref<25600xf32, #tpu.memory_space<vmem>> -> memref<12800xf32, #tpu.memory_space<vmem>>
          %dma_start3A_639 = tpu.memref_slice %arg3[%mul3A_637] : memref<52582400xf32, #tpu.memory_space<hbm>> -> memref<12800xf32, #tpu.memory_space<hbm>>
          %dma_start3A_640 = arith.constant 0 : i32
          %dma_start3A_641 = tpu.memref_slice %arg8[%dma_start3A_640] : memref<25600xf32, #tpu.memory_space<vmem>> -> memref<12800xf32, #tpu.memory_space<vmem>>
          %dma_start3A_642 = tpu.memref_slice %arg3[%mul3A_637] : memref<52582400xf32, #tpu.memory_space<hbm>> -> memref<12800xf32, #tpu.memory_space<hbm>>
          tpu.enqueue_dma source(%dma_start3A_642 : memref<12800xf32, #tpu.memory_space<hbm>>) target(%dma_start3A_641 : memref<12800xf32, #tpu.memory_space<vmem>>) target_semaphore(%run_scoped3A : memref<!tpu.dma_semaphore, #tpu.memory_space<semaphore_mem>>)
          %dma_wait3A = arith.constant 0 : i32
          %dma_wait3A_643 = tpu.memref_slice %arg8[%dma_wait3A] : memref<25600xf32, #tpu.memory_space<vmem>> -> memref<12800xf32, #tpu.memory_space<vmem>>
          %dma_wait3A_644 = tpu.memref_slice %arg3[%mul3A_637] : memref<52582400xf32, #tpu.memory_space<hbm>> -> memref<12800xf32, #tpu.memory_space<hbm>>
          %dma_wait3A_645 = arith.constant 0 : i32
          %dma_wait3A_646 = tpu.memref_slice %arg8[%dma_wait3A_645] : memref<25600xf32, #tpu.memory_space<vmem>> -> memref<12800xf32, #tpu.memory_space<vmem>>
          %dma_wait3A_647 = tpu.memref_slice %arg3[%mul3A_637] : memref<52582400xf32, #tpu.memory_space<hbm>> -> memref<12800xf32, #tpu.memory_space<hbm>>
          tpu.wait_dma2 semaphore(%run_scoped3A : memref<!tpu.dma_semaphore, #tpu.memory_space<semaphore_mem>>) src(%dma_wait3A_647 : memref<12800xf32, #tpu.memory_space<hbm>>) dst(%dma_wait3A_646 : memref<12800xf32, #tpu.memory_space<vmem>>)
          tpu.yield
        }) : () -> ()
      } else {
      }
      %ne3A_100 = arith.constant 0 : i32
      %ne3A_101 = arith.cmpi ne, %squeeze3A, %ne3A_100 : i32
      %convert_element_type3A_102 = arith.extui %ne3A_101 : i1 to i32
      %cond3A_103 = arith.constant 0 : i32
      %cond3A_104 = arith.cmpi ne, %convert_element_type3A_102, %cond3A_103 : i32
      scf.if %cond3A_104 {
        %mul3A_636 = arith.constant 8 : i32
        %mul3A_637 = arith.muli %add3A_82, %mul3A_636 : i32
        "tpu.region"() ({
          %run_scoped3A = tpu.sem_alloc : memref<!tpu.dma_semaphore, #tpu.memory_space<semaphore_mem>>
          %dma_start3A = arith.constant 0 : i32
          %dma_start3A_638 = tpu.memref_slice %arg8[%dma_start3A] : memref<25600xf32, #tpu.memory_space<vmem>> -> memref<1024xf32, #tpu.memory_space<vmem>>
          %dma_start3A_639 = tpu.memref_slice %arg2[%mul3A_637] : memref<17408xf32, #tpu.memory_space<hbm>> -> memref<1024xf32, #tpu.memory_space<hbm>>
          %dma_start3A_640 = arith.constant 0 : i32
          %dma_start3A_641 = tpu.memref_slice %arg8[%dma_start3A_640] : memref<25600xf32, #tpu.memory_space<vmem>> -> memref<1024xf32, #tpu.memory_space<vmem>>
          %dma_start3A_642 = tpu.memref_slice %arg2[%mul3A_637] : memref<17408xf32, #tpu.memory_space<hbm>> -> memref<1024xf32, #tpu.memory_space<hbm>>
          tpu.enqueue_dma source(%dma_start3A_642 : memref<1024xf32, #tpu.memory_space<hbm>>) target(%dma_start3A_641 : memref<1024xf32, #tpu.memory_space<vmem>>) target_semaphore(%run_scoped3A : memref<!tpu.dma_semaphore, #tpu.memory_space<semaphore_mem>>)
          %dma_wait3A = arith.constant 0 : i32
          %dma_wait3A_643 = tpu.memref_slice %arg8[%dma_wait3A] : memref<25600xf32, #tpu.memory_space<vmem>> -> memref<1024xf32, #tpu.memory_space<vmem>>
          %dma_wait3A_644 = tpu.memref_slice %arg2[%mul3A_637] : memref<17408xf32, #tpu.memory_space<hbm>> -> memref<1024xf32, #tpu.memory_space<hbm>>
          %dma_wait3A_645 = arith.constant 0 : i32
          %dma_wait3A_646 = tpu.memref_slice %arg8[%dma_wait3A_645] : memref<25600xf32, #tpu.memory_space<vmem>> -> memref<1024xf32, #tpu.memory_space<vmem>>
          %dma_wait3A_647 = tpu.memref_slice %arg2[%mul3A_637] : memref<17408xf32, #tpu.memory_space<hbm>> -> memref<1024xf32, #tpu.memory_space<hbm>>
          tpu.wait_dma2 semaphore(%run_scoped3A : memref<!tpu.dma_semaphore, #tpu.memory_space<semaphore_mem>>) src(%dma_wait3A_647 : memref<1024xf32, #tpu.memory_space<hbm>>) dst(%dma_wait3A_646 : memref<1024xf32, #tpu.memory_space<vmem>>)
          tpu.yield
        }) : () -> ()
      } else {
      }
      %while3A_105 = arith.constant 0 : i32
      %while3A_106 = arith.subi %squeeze3A_64, %while3A_105 : i32
      %while3A_107 = arith.addi %while3A_105, %while3A_106 : i32
      %while3A_108 = arith.constant 1 : i32
      %while3A_109 = arith.divsi %while3A_106, %while3A_108 : i32
      %while3A_110 = arith.muli %while3A_109, %while3A_108 : i32
      %while3A_111 = arith.addi %while3A_105, %while3A_110 : i32
      %while3A_112 = arith.constant 1 : i32
      %while3A_113:4 = scf.for %while3A_636 = %while3A_105 to %while3A_111 step %while3A_112 iter_args(%while3A_637 = %broadcast_in_dim3A_89, %while3A_638 = %broadcast_in_dim3A_91, %while3A_639 = %broadcast_in_dim3A_93, %while3A_640 = %broadcast_in_dim3A_96) -> (vector<16xf32>, vector<16xf32>, vector<16xf32>, vector<16xf32>)  : i32 {
        %add3A_641 = arith.constant 1 : i32
        %add3A_642 = arith.addi %while3A_636, %add3A_641 : i32
        %lt3A_643 = arith.cmpi slt, %add3A_642, %squeeze3A_64 : i32
        %convert_element_type3A_644 = arith.extui %lt3A_643 : i1 to i32
        %cond3A_645 = arith.constant 0 : i32
        %cond3A_646 = arith.cmpi ne, %convert_element_type3A_644, %cond3A_645 : i32
        scf.if %cond3A_646 {
          %add3A_669 = arith.constant 1 : i32
          %add3A_670 = arith.addi %while3A_636, %add3A_669 : i32
          %mul3A_671 = arith.constant 1600 : i32
          %mul3A_672 = arith.muli %add3A_670, %mul3A_671 : i32
          %add3A_673 = arith.addi %add3A_82, %mul3A_672 : i32
          %mul3A_674 = arith.constant 8 : i32
          %mul3A_675 = arith.muli %add3A_673, %mul3A_674 : i32
          %add3A_676 = arith.constant 1 : i32
          %add3A_677 = arith.addi %while3A_636, %add3A_676 : i32
          %and3A_678 = arith.constant 1 : i32
          %and3A_679 = arith.andi %add3A_677, %and3A_678 : i32
          %mul3A_680 = arith.constant 12800 : i32
          %mul3A_681 = arith.muli %and3A_679, %mul3A_680 : i32
          %dma_start3A = tpu.memref_slice %arg8[%mul3A_681] : memref<25600xf32, #tpu.memory_space<vmem>> -> memref<12800xf32, #tpu.memory_space<vmem>>
          %dma_start3A_682 = tpu.memref_slice %arg3[%mul3A_675] : memref<52582400xf32, #tpu.memory_space<hbm>> -> memref<12800xf32, #tpu.memory_space<hbm>>
          %dma_start3A_683 = tpu.memref_slice %arg8[%mul3A_681] : memref<25600xf32, #tpu.memory_space<vmem>> -> memref<12800xf32, #tpu.memory_space<vmem>>
          %dma_start3A_684 = tpu.memref_slice %arg3[%mul3A_675] : memref<52582400xf32, #tpu.memory_space<hbm>> -> memref<12800xf32, #tpu.memory_space<hbm>>
          tpu.enqueue_dma source(%dma_start3A_684 : memref<12800xf32, #tpu.memory_space<hbm>>) target(%dma_start3A_683 : memref<12800xf32, #tpu.memory_space<vmem>>) target_semaphore(%arg16 : memref<!tpu.dma_semaphore, #tpu.memory_space<semaphore_mem>>)
        } else {
        }
        %and3A_647 = arith.constant 1 : i32
        %and3A_648 = arith.andi %while3A_636, %and3A_647 : i32
        %mul3A_649 = arith.constant 12800 : i32
        %mul3A_650 = arith.muli %and3A_648, %mul3A_649 : i32
        %shift_right_logical3A = arith.constant 1 : i32
        %shift_right_logical3A_651 = arith.shrui %squeeze3A_66, %shift_right_logical3A : i32
        %while3A_652 = arith.constant 0 : i32
        %while3A_653 = arith.subi %shift_right_logical3A_651, %while3A_652 : i32
        %while3A_654 = arith.addi %while3A_652, %while3A_653 : i32
        %while3A_655 = arith.constant 1 : i32
        %while3A_656 = arith.divsi %while3A_653, %while3A_655 : i32
        %while3A_657 = arith.muli %while3A_656, %while3A_655 : i32
        %while3A_658 = arith.addi %while3A_652, %while3A_657 : i32
        %while3A_659 = arith.constant 1 : i32
        %while3A_660:4 = scf.for %while3A_669 = %while3A_652 to %while3A_658 step %while3A_659 iter_args(%while3A_670 = %while3A_637, %while3A_671 = %while3A_638, %while3A_672 = %while3A_639, %while3A_673 = %while3A_640) -> (vector<16xf32>, vector<16xf32>, vector<16xf32>, vector<16xf32>)  : i32 {
          %mul3A_674 = arith.constant 2 : i32
          %mul3A_675 = arith.muli %while3A_669, %mul3A_674 : i32
          %add3A_676 = arith.addi %squeeze3A_68, %mul3A_675 : i32
          %mul3A_677 = arith.constant 16 : i32
          %mul3A_678 = arith.muli %add3A_676, %mul3A_677 : i32
          %get3A_679 = arith.index_cast %mul3A_678 : i32 to index
          %get3A_680 = tpu.vector_load %arg9[%get3A_679] {strides = array<i32>} : memref<17408xi32, #tpu.memory_space<vmem>>, vector<16xi32>,
          %add3A_681 = vector.broadcast %mul3A_650 : i32 to vector<16xi32>
          %add3A_682 = arith.addi %get3A_680, %add3A_681 : vector<16xi32>
          %add3A_683 = arith.constant 16 : i32
          %add3A_684 = arith.addi %mul3A_678, %add3A_683 : i32
          %get3A_685 = arith.index_cast %add3A_684 : i32 to index
          %get3A_686 = tpu.vector_load %arg9[%get3A_685] {strides = array<i32>} : memref<17408xi32, #tpu.memory_space<vmem>>, vector<16xi32>,
          %add3A_687 = vector.broadcast %mul3A_650 : i32 to vector<16xi32>
          %add3A_688 = arith.addi %get3A_686, %add3A_687 : vector<16xi32>
          %gather3A = tpu.vector_load_idx %arg8[%add3A_682] : memref<25600xf32, #tpu.memory_space<vmem>>[vector<16xi32>], vector<16xf32>,
          %bitcast3A_689 = vector.bitcast %gather3A : vector<16xf32> to vector<16xi32>
          %shift_right_arithmetic3A = arith.constant 31 : i32
          %shift_right_arithmetic3A_690 = vector.broadcast %shift_right_arithmetic3A : i32 to vector<16xi32>
          %shift_right_arithmetic3A_691 = arith.shrsi %bitcast3A_689, %shift_right_arithmetic3A_690 : vector<16xi32>
          %or3A_692 = arith.constant -2147483648 : i32
          %or3A_693 = vector.broadcast %or3A_692 : i32 to vector<16xi32>
          %or3A_694 = arith.ori %shift_right_arithmetic3A_691, %or3A_693 : vector<16xi32>
          %xor3A = arith.xori %bitcast3A_689, %or3A_694 : vector<16xi32>
          %shift_right_logical3A_695 = arith.constant 21 : i32
          %shift_right_logical3A_696 = vector.broadcast %shift_right_logical3A_695 : i32 to vector<16xi32>
          %shift_right_logical3A_697 = arith.shrui %xor3A, %shift_right_logical3A_696 : vector<16xi32>
          tpu.vector_store_idx %arg12[%shift_right_logical3A_697], %broadcast_in_dim3A_31 {add = true} : memref<2048xi32, #tpu.memory_space<vmem>>[vector<16xi32>], vector<16xi32>,
          %add3A_698 = arith.addf %while3A_670, %gather3A : vector<16xf32>
          %mul3A_699 = arith.mulf %gather3A, %gather3A : vector<16xf32>
          %add3A_700 = arith.addf %while3A_671, %mul3A_699 : vector<16xf32>
          %min3A = arith.minimumf %while3A_672, %gather3A : vector<16xf32>
          %max3A = arith.maximumf %while3A_673, %gather3A : vector<16xf32>
          %gather3A_701 = tpu.vector_load_idx %arg8[%add3A_688] : memref<25600xf32, #tpu.memory_space<vmem>>[vector<16xi32>], vector<16xf32>,
          %bitcast3A_702 = vector.bitcast %gather3A_701 : vector<16xf32> to vector<16xi32>
          %shift_right_arithmetic3A_703 = arith.constant 31 : i32
          %shift_right_arithmetic3A_704 = vector.broadcast %shift_right_arithmetic3A_703 : i32 to vector<16xi32>
          %shift_right_arithmetic3A_705 = arith.shrsi %bitcast3A_702, %shift_right_arithmetic3A_704 : vector<16xi32>
          %or3A_706 = arith.constant -2147483648 : i32
          %or3A_707 = vector.broadcast %or3A_706 : i32 to vector<16xi32>
          %or3A_708 = arith.ori %shift_right_arithmetic3A_705, %or3A_707 : vector<16xi32>
          %xor3A_709 = arith.xori %bitcast3A_702, %or3A_708 : vector<16xi32>
          %shift_right_logical3A_710 = arith.constant 21 : i32
          %shift_right_logical3A_711 = vector.broadcast %shift_right_logical3A_710 : i32 to vector<16xi32>
          %shift_right_logical3A_712 = arith.shrui %xor3A_709, %shift_right_logical3A_711 : vector<16xi32>
          tpu.vector_store_idx %arg12[%shift_right_logical3A_712], %broadcast_in_dim3A_31 {add = true} : memref<2048xi32, #tpu.memory_space<vmem>>[vector<16xi32>], vector<16xi32>,
          %add3A_713 = arith.addf %add3A_698, %gather3A_701 : vector<16xf32>
          %mul3A_714 = arith.mulf %gather3A_701, %gather3A_701 : vector<16xf32>
          %add3A_715 = arith.addf %add3A_700, %mul3A_714 : vector<16xf32>
          %min3A_716 = arith.minimumf %min3A, %gather3A_701 : vector<16xf32>
          %max3A_717 = arith.maximumf %max3A, %gather3A_701 : vector<16xf32>
          scf.yield %add3A_713, %add3A_715, %min3A_716, %max3A_717 : vector<16xf32>, vector<16xf32>, vector<16xf32>, vector<16xf32>
        }
        %while3A_661 = arith.constant 1 : i32
        %while3A_662:4 = scf.for %while3A_669 = %while3A_658 to %while3A_654 step %while3A_661 iter_args(%while3A_670 = %while3A_660#0, %while3A_671 = %while3A_660#1, %while3A_672 = %while3A_660#2, %while3A_673 = %while3A_660#3) -> (vector<16xf32>, vector<16xf32>, vector<16xf32>, vector<16xf32>)  : i32 {
          %mul3A_674 = arith.constant 2 : i32
          %mul3A_675 = arith.muli %while3A_669, %mul3A_674 : i32
          %add3A_676 = arith.addi %squeeze3A_68, %mul3A_675 : i32
          %mul3A_677 = arith.constant 16 : i32
          %mul3A_678 = arith.muli %add3A_676, %mul3A_677 : i32
          %get3A_679 = arith.index_cast %mul3A_678 : i32 to index
          %get3A_680 = tpu.vector_load %arg9[%get3A_679] {strides = array<i32>} : memref<17408xi32, #tpu.memory_space<vmem>>, vector<16xi32>,
          %add3A_681 = vector.broadcast %mul3A_650 : i32 to vector<16xi32>
          %add3A_682 = arith.addi %get3A_680, %add3A_681 : vector<16xi32>
          %add3A_683 = arith.constant 16 : i32
          %add3A_684 = arith.addi %mul3A_678, %add3A_683 : i32
          %get3A_685 = arith.index_cast %add3A_684 : i32 to index
          %get3A_686 = tpu.vector_load %arg9[%get3A_685] {strides = array<i32>} : memref<17408xi32, #tpu.memory_space<vmem>>, vector<16xi32>,
          %add3A_687 = vector.broadcast %mul3A_650 : i32 to vector<16xi32>
          %add3A_688 = arith.addi %get3A_686, %add3A_687 : vector<16xi32>
          %gather3A = tpu.vector_load_idx %arg8[%add3A_682] : memref<25600xf32, #tpu.memory_space<vmem>>[vector<16xi32>], vector<16xf32>,
          %bitcast3A_689 = vector.bitcast %gather3A : vector<16xf32> to vector<16xi32>
          %shift_right_arithmetic3A = arith.constant 31 : i32
          %shift_right_arithmetic3A_690 = vector.broadcast %shift_right_arithmetic3A : i32 to vector<16xi32>
          %shift_right_arithmetic3A_691 = arith.shrsi %bitcast3A_689, %shift_right_arithmetic3A_690 : vector<16xi32>
          %or3A_692 = arith.constant -2147483648 : i32
          %or3A_693 = vector.broadcast %or3A_692 : i32 to vector<16xi32>
          %or3A_694 = arith.ori %shift_right_arithmetic3A_691, %or3A_693 : vector<16xi32>
          %xor3A = arith.xori %bitcast3A_689, %or3A_694 : vector<16xi32>
          %shift_right_logical3A_695 = arith.constant 21 : i32
          %shift_right_logical3A_696 = vector.broadcast %shift_right_logical3A_695 : i32 to vector<16xi32>
          %shift_right_logical3A_697 = arith.shrui %xor3A, %shift_right_logical3A_696 : vector<16xi32>
          tpu.vector_store_idx %arg12[%shift_right_logical3A_697], %broadcast_in_dim3A_31 {add = true} : memref<2048xi32, #tpu.memory_space<vmem>>[vector<16xi32>], vector<16xi32>,
          %add3A_698 = arith.addf %while3A_670, %gather3A : vector<16xf32>
          %mul3A_699 = arith.mulf %gather3A, %gather3A : vector<16xf32>
          %add3A_700 = arith.addf %while3A_671, %mul3A_699 : vector<16xf32>
          %min3A = arith.minimumf %while3A_672, %gather3A : vector<16xf32>
          %max3A = arith.maximumf %while3A_673, %gather3A : vector<16xf32>
          %gather3A_701 = tpu.vector_load_idx %arg8[%add3A_688] : memref<25600xf32, #tpu.memory_space<vmem>>[vector<16xi32>], vector<16xf32>,
          %bitcast3A_702 = vector.bitcast %gather3A_701 : vector<16xf32> to vector<16xi32>
          %shift_right_arithmetic3A_703 = arith.constant 31 : i32
          %shift_right_arithmetic3A_704 = vector.broadcast %shift_right_arithmetic3A_703 : i32 to vector<16xi32>
          %shift_right_arithmetic3A_705 = arith.shrsi %bitcast3A_702, %shift_right_arithmetic3A_704 : vector<16xi32>
          %or3A_706 = arith.constant -2147483648 : i32
          %or3A_707 = vector.broadcast %or3A_706 : i32 to vector<16xi32>
          %or3A_708 = arith.ori %shift_right_arithmetic3A_705, %or3A_707 : vector<16xi32>
          %xor3A_709 = arith.xori %bitcast3A_702, %or3A_708 : vector<16xi32>
          %shift_right_logical3A_710 = arith.constant 21 : i32
          %shift_right_logical3A_711 = vector.broadcast %shift_right_logical3A_710 : i32 to vector<16xi32>
          %shift_right_logical3A_712 = arith.shrui %xor3A_709, %shift_right_logical3A_711 : vector<16xi32>
          tpu.vector_store_idx %arg12[%shift_right_logical3A_712], %broadcast_in_dim3A_31 {add = true} : memref<2048xi32, #tpu.memory_space<vmem>>[vector<16xi32>], vector<16xi32>,
          %add3A_713 = arith.addf %add3A_698, %gather3A_701 : vector<16xf32>
          %mul3A_714 = arith.mulf %gather3A_701, %gather3A_701 : vector<16xf32>
          %add3A_715 = arith.addf %add3A_700, %mul3A_714 : vector<16xf32>
          %min3A_716 = arith.minimumf %min3A, %gather3A_701 : vector<16xf32>
          %max3A_717 = arith.maximumf %max3A, %gather3A_701 : vector<16xf32>
          scf.yield %add3A_713, %add3A_715, %min3A_716, %max3A_717 : vector<16xf32>, vector<16xf32>, vector<16xf32>, vector<16xf32>
        }
        %add3A_663 = arith.constant 1 : i32
        %add3A_664 = arith.addi %while3A_636, %add3A_663 : i32
        %lt3A_665 = arith.cmpi slt, %add3A_664, %squeeze3A_64 : i32
        %convert_element_type3A_666 = arith.extui %lt3A_665 : i1 to i32
        %cond3A_667 = arith.constant 0 : i32
        %cond3A_668 = arith.cmpi ne, %convert_element_type3A_666, %cond3A_667 : i32
        scf.if %cond3A_668 {
          %add3A_669 = arith.constant 1 : i32
          %add3A_670 = arith.addi %while3A_636, %add3A_669 : i32
          %mul3A_671 = arith.constant 1600 : i32
          %mul3A_672 = arith.muli %add3A_670, %mul3A_671 : i32
          %add3A_673 = arith.addi %add3A_82, %mul3A_672 : i32
          %mul3A_674 = arith.constant 8 : i32
          %mul3A_675 = arith.muli %add3A_673, %mul3A_674 : i32
          %add3A_676 = arith.constant 1 : i32
          %add3A_677 = arith.addi %while3A_636, %add3A_676 : i32
          %and3A_678 = arith.constant 1 : i32
          %and3A_679 = arith.andi %add3A_677, %and3A_678 : i32
          %mul3A_680 = arith.constant 12800 : i32
          %mul3A_681 = arith.muli %and3A_679, %mul3A_680 : i32
          %dma_wait3A = tpu.memref_slice %arg8[%mul3A_681] : memref<25600xf32, #tpu.memory_space<vmem>> -> memref<12800xf32, #tpu.memory_space<vmem>>
          %dma_wait3A_682 = tpu.memref_slice %arg3[%mul3A_675] : memref<52582400xf32, #tpu.memory_space<hbm>> -> memref<12800xf32, #tpu.memory_space<hbm>>
          %dma_wait3A_683 = tpu.memref_slice %arg8[%mul3A_681] : memref<25600xf32, #tpu.memory_space<vmem>> -> memref<12800xf32, #tpu.memory_space<vmem>>
          %dma_wait3A_684 = tpu.memref_slice %arg3[%mul3A_675] : memref<52582400xf32, #tpu.memory_space<hbm>> -> memref<12800xf32, #tpu.memory_space<hbm>>
          tpu.wait_dma2 semaphore(%arg16 : memref<!tpu.dma_semaphore, #tpu.memory_space<semaphore_mem>>) src(%dma_wait3A_684 : memref<12800xf32, #tpu.memory_space<hbm>>) dst(%dma_wait3A_683 : memref<12800xf32, #tpu.memory_space<vmem>>)
        } else {
        }
        scf.yield %while3A_662#0, %while3A_662#1, %while3A_662#2, %while3A_662#3 : vector<16xf32>, vector<16xf32>, vector<16xf32>, vector<16xf32>
      }
      %while3A_114 = arith.constant 1 : i32
      %while3A_115:4 = scf.for %while3A_636 = %while3A_111 to %while3A_107 step %while3A_114 iter_args(%while3A_637 = %while3A_113#0, %while3A_638 = %while3A_113#1, %while3A_639 = %while3A_113#2, %while3A_640 = %while3A_113#3) -> (vector<16xf32>, vector<16xf32>, vector<16xf32>, vector<16xf32>)  : i32 {
        %add3A_641 = arith.constant 1 : i32
        %add3A_642 = arith.addi %while3A_636, %add3A_641 : i32
        %lt3A_643 = arith.cmpi slt, %add3A_642, %squeeze3A_64 : i32
        %convert_element_type3A_644 = arith.extui %lt3A_643 : i1 to i32
        %cond3A_645 = arith.constant 0 : i32
        %cond3A_646 = arith.cmpi ne, %convert_element_type3A_644, %cond3A_645 : i32
        scf.if %cond3A_646 {
          %add3A_669 = arith.constant 1 : i32
          %add3A_670 = arith.addi %while3A_636, %add3A_669 : i32
          %mul3A_671 = arith.constant 1600 : i32
          %mul3A_672 = arith.muli %add3A_670, %mul3A_671 : i32
          %add3A_673 = arith.addi %add3A_82, %mul3A_672 : i32
          %mul3A_674 = arith.constant 8 : i32
          %mul3A_675 = arith.muli %add3A_673, %mul3A_674 : i32
          %add3A_676 = arith.constant 1 : i32
          %add3A_677 = arith.addi %while3A_636, %add3A_676 : i32
          %and3A_678 = arith.constant 1 : i32
          %and3A_679 = arith.andi %add3A_677, %and3A_678 : i32
          %mul3A_680 = arith.constant 12800 : i32
          %mul3A_681 = arith.muli %and3A_679, %mul3A_680 : i32
          %dma_start3A = tpu.memref_slice %arg8[%mul3A_681] : memref<25600xf32, #tpu.memory_space<vmem>> -> memref<12800xf32, #tpu.memory_space<vmem>>
          %dma_start3A_682 = tpu.memref_slice %arg3[%mul3A_675] : memref<52582400xf32, #tpu.memory_space<hbm>> -> memref<12800xf32, #tpu.memory_space<hbm>>
          %dma_start3A_683 = tpu.memref_slice %arg8[%mul3A_681] : memref<25600xf32, #tpu.memory_space<vmem>> -> memref<12800xf32, #tpu.memory_space<vmem>>
          %dma_start3A_684 = tpu.memref_slice %arg3[%mul3A_675] : memref<52582400xf32, #tpu.memory_space<hbm>> -> memref<12800xf32, #tpu.memory_space<hbm>>
          tpu.enqueue_dma source(%dma_start3A_684 : memref<12800xf32, #tpu.memory_space<hbm>>) target(%dma_start3A_683 : memref<12800xf32, #tpu.memory_space<vmem>>) target_semaphore(%arg16 : memref<!tpu.dma_semaphore, #tpu.memory_space<semaphore_mem>>)
        } else {
        }
        %and3A_647 = arith.constant 1 : i32
        %and3A_648 = arith.andi %while3A_636, %and3A_647 : i32
        %mul3A_649 = arith.constant 12800 : i32
        %mul3A_650 = arith.muli %and3A_648, %mul3A_649 : i32
        %shift_right_logical3A = arith.constant 1 : i32
        %shift_right_logical3A_651 = arith.shrui %squeeze3A_66, %shift_right_logical3A : i32
        %while3A_652 = arith.constant 0 : i32
        %while3A_653 = arith.subi %shift_right_logical3A_651, %while3A_652 : i32
        %while3A_654 = arith.addi %while3A_652, %while3A_653 : i32
        %while3A_655 = arith.constant 1 : i32
        %while3A_656 = arith.divsi %while3A_653, %while3A_655 : i32
        %while3A_657 = arith.muli %while3A_656, %while3A_655 : i32
        %while3A_658 = arith.addi %while3A_652, %while3A_657 : i32
        %while3A_659 = arith.constant 1 : i32
        %while3A_660:4 = scf.for %while3A_669 = %while3A_652 to %while3A_658 step %while3A_659 iter_args(%while3A_670 = %while3A_637, %while3A_671 = %while3A_638, %while3A_672 = %while3A_639, %while3A_673 = %while3A_640) -> (vector<16xf32>, vector<16xf32>, vector<16xf32>, vector<16xf32>)  : i32 {
          %mul3A_674 = arith.constant 2 : i32
          %mul3A_675 = arith.muli %while3A_669, %mul3A_674 : i32
          %add3A_676 = arith.addi %squeeze3A_68, %mul3A_675 : i32
          %mul3A_677 = arith.constant 16 : i32
          %mul3A_678 = arith.muli %add3A_676, %mul3A_677 : i32
          %get3A_679 = arith.index_cast %mul3A_678 : i32 to index
          %get3A_680 = tpu.vector_load %arg9[%get3A_679] {strides = array<i32>} : memref<17408xi32, #tpu.memory_space<vmem>>, vector<16xi32>,
          %add3A_681 = vector.broadcast %mul3A_650 : i32 to vector<16xi32>
          %add3A_682 = arith.addi %get3A_680, %add3A_681 : vector<16xi32>
          %add3A_683 = arith.constant 16 : i32
          %add3A_684 = arith.addi %mul3A_678, %add3A_683 : i32
          %get3A_685 = arith.index_cast %add3A_684 : i32 to index
          %get3A_686 = tpu.vector_load %arg9[%get3A_685] {strides = array<i32>} : memref<17408xi32, #tpu.memory_space<vmem>>, vector<16xi32>,
          %add3A_687 = vector.broadcast %mul3A_650 : i32 to vector<16xi32>
          %add3A_688 = arith.addi %get3A_686, %add3A_687 : vector<16xi32>
          %gather3A = tpu.vector_load_idx %arg8[%add3A_682] : memref<25600xf32, #tpu.memory_space<vmem>>[vector<16xi32>], vector<16xf32>,
          %bitcast3A_689 = vector.bitcast %gather3A : vector<16xf32> to vector<16xi32>
          %shift_right_arithmetic3A = arith.constant 31 : i32
          %shift_right_arithmetic3A_690 = vector.broadcast %shift_right_arithmetic3A : i32 to vector<16xi32>
          %shift_right_arithmetic3A_691 = arith.shrsi %bitcast3A_689, %shift_right_arithmetic3A_690 : vector<16xi32>
          %or3A_692 = arith.constant -2147483648 : i32
          %or3A_693 = vector.broadcast %or3A_692 : i32 to vector<16xi32>
          %or3A_694 = arith.ori %shift_right_arithmetic3A_691, %or3A_693 : vector<16xi32>
          %xor3A = arith.xori %bitcast3A_689, %or3A_694 : vector<16xi32>
          %shift_right_logical3A_695 = arith.constant 21 : i32
          %shift_right_logical3A_696 = vector.broadcast %shift_right_logical3A_695 : i32 to vector<16xi32>
          %shift_right_logical3A_697 = arith.shrui %xor3A, %shift_right_logical3A_696 : vector<16xi32>
          tpu.vector_store_idx %arg12[%shift_right_logical3A_697], %broadcast_in_dim3A_31 {add = true} : memref<2048xi32, #tpu.memory_space<vmem>>[vector<16xi32>], vector<16xi32>,
          %add3A_698 = arith.addf %while3A_670, %gather3A : vector<16xf32>
          %mul3A_699 = arith.mulf %gather3A, %gather3A : vector<16xf32>
          %add3A_700 = arith.addf %while3A_671, %mul3A_699 : vector<16xf32>
          %min3A = arith.minimumf %while3A_672, %gather3A : vector<16xf32>
          %max3A = arith.maximumf %while3A_673, %gather3A : vector<16xf32>
          %gather3A_701 = tpu.vector_load_idx %arg8[%add3A_688] : memref<25600xf32, #tpu.memory_space<vmem>>[vector<16xi32>], vector<16xf32>,
          %bitcast3A_702 = vector.bitcast %gather3A_701 : vector<16xf32> to vector<16xi32>
          %shift_right_arithmetic3A_703 = arith.constant 31 : i32
          %shift_right_arithmetic3A_704 = vector.broadcast %shift_right_arithmetic3A_703 : i32 to vector<16xi32>
          %shift_right_arithmetic3A_705 = arith.shrsi %bitcast3A_702, %shift_right_arithmetic3A_704 : vector<16xi32>
          %or3A_706 = arith.constant -2147483648 : i32
          %or3A_707 = vector.broadcast %or3A_706 : i32 to vector<16xi32>
          %or3A_708 = arith.ori %shift_right_arithmetic3A_705, %or3A_707 : vector<16xi32>
          %xor3A_709 = arith.xori %bitcast3A_702, %or3A_708 : vector<16xi32>
          %shift_right_logical3A_710 = arith.constant 21 : i32
          %shift_right_logical3A_711 = vector.broadcast %shift_right_logical3A_710 : i32 to vector<16xi32>
          %shift_right_logical3A_712 = arith.shrui %xor3A_709, %shift_right_logical3A_711 : vector<16xi32>
          tpu.vector_store_idx %arg12[%shift_right_logical3A_712], %broadcast_in_dim3A_31 {add = true} : memref<2048xi32, #tpu.memory_space<vmem>>[vector<16xi32>], vector<16xi32>,
          %add3A_713 = arith.addf %add3A_698, %gather3A_701 : vector<16xf32>
          %mul3A_714 = arith.mulf %gather3A_701, %gather3A_701 : vector<16xf32>
          %add3A_715 = arith.addf %add3A_700, %mul3A_714 : vector<16xf32>
          %min3A_716 = arith.minimumf %min3A, %gather3A_701 : vector<16xf32>
          %max3A_717 = arith.maximumf %max3A, %gather3A_701 : vector<16xf32>
          scf.yield %add3A_713, %add3A_715, %min3A_716, %max3A_717 : vector<16xf32>, vector<16xf32>, vector<16xf32>, vector<16xf32>
        }
        %while3A_661 = arith.constant 1 : i32
        %while3A_662:4 = scf.for %while3A_669 = %while3A_658 to %while3A_654 step %while3A_661 iter_args(%while3A_670 = %while3A_660#0, %while3A_671 = %while3A_660#1, %while3A_672 = %while3A_660#2, %while3A_673 = %while3A_660#3) -> (vector<16xf32>, vector<16xf32>, vector<16xf32>, vector<16xf32>)  : i32 {
          %mul3A_674 = arith.constant 2 : i32
          %mul3A_675 = arith.muli %while3A_669, %mul3A_674 : i32
          %add3A_676 = arith.addi %squeeze3A_68, %mul3A_675 : i32
          %mul3A_677 = arith.constant 16 : i32
          %mul3A_678 = arith.muli %add3A_676, %mul3A_677 : i32
          %get3A_679 = arith.index_cast %mul3A_678 : i32 to index
          %get3A_680 = tpu.vector_load %arg9[%get3A_679] {strides = array<i32>} : memref<17408xi32, #tpu.memory_space<vmem>>, vector<16xi32>,
          %add3A_681 = vector.broadcast %mul3A_650 : i32 to vector<16xi32>
          %add3A_682 = arith.addi %get3A_680, %add3A_681 : vector<16xi32>
          %add3A_683 = arith.constant 16 : i32
          %add3A_684 = arith.addi %mul3A_678, %add3A_683 : i32
          %get3A_685 = arith.index_cast %add3A_684 : i32 to index
          %get3A_686 = tpu.vector_load %arg9[%get3A_685] {strides = array<i32>} : memref<17408xi32, #tpu.memory_space<vmem>>, vector<16xi32>,
          %add3A_687 = vector.broadcast %mul3A_650 : i32 to vector<16xi32>
          %add3A_688 = arith.addi %get3A_686, %add3A_687 : vector<16xi32>
          %gather3A = tpu.vector_load_idx %arg8[%add3A_682] : memref<25600xf32, #tpu.memory_space<vmem>>[vector<16xi32>], vector<16xf32>,
          %bitcast3A_689 = vector.bitcast %gather3A : vector<16xf32> to vector<16xi32>
          %shift_right_arithmetic3A = arith.constant 31 : i32
          %shift_right_arithmetic3A_690 = vector.broadcast %shift_right_arithmetic3A : i32 to vector<16xi32>
          %shift_right_arithmetic3A_691 = arith.shrsi %bitcast3A_689, %shift_right_arithmetic3A_690 : vector<16xi32>
          %or3A_692 = arith.constant -2147483648 : i32
          %or3A_693 = vector.broadcast %or3A_692 : i32 to vector<16xi32>
          %or3A_694 = arith.ori %shift_right_arithmetic3A_691, %or3A_693 : vector<16xi32>
          %xor3A = arith.xori %bitcast3A_689, %or3A_694 : vector<16xi32>
          %shift_right_logical3A_695 = arith.constant 21 : i32
          %shift_right_logical3A_696 = vector.broadcast %shift_right_logical3A_695 : i32 to vector<16xi32>
          %shift_right_logical3A_697 = arith.shrui %xor3A, %shift_right_logical3A_696 : vector<16xi32>
          tpu.vector_store_idx %arg12[%shift_right_logical3A_697], %broadcast_in_dim3A_31 {add = true} : memref<2048xi32, #tpu.memory_space<vmem>>[vector<16xi32>], vector<16xi32>,
          %add3A_698 = arith.addf %while3A_670, %gather3A : vector<16xf32>
          %mul3A_699 = arith.mulf %gather3A, %gather3A : vector<16xf32>
          %add3A_700 = arith.addf %while3A_671, %mul3A_699 : vector<16xf32>
          %min3A = arith.minimumf %while3A_672, %gather3A : vector<16xf32>
          %max3A = arith.maximumf %while3A_673, %gather3A : vector<16xf32>
          %gather3A_701 = tpu.vector_load_idx %arg8[%add3A_688] : memref<25600xf32, #tpu.memory_space<vmem>>[vector<16xi32>], vector<16xf32>,
          %bitcast3A_702 = vector.bitcast %gather3A_701 : vector<16xf32> to vector<16xi32>
          %shift_right_arithmetic3A_703 = arith.constant 31 : i32
          %shift_right_arithmetic3A_704 = vector.broadcast %shift_right_arithmetic3A_703 : i32 to vector<16xi32>
          %shift_right_arithmetic3A_705 = arith.shrsi %bitcast3A_702, %shift_right_arithmetic3A_704 : vector<16xi32>
          %or3A_706 = arith.constant -2147483648 : i32
          %or3A_707 = vector.broadcast %or3A_706 : i32 to vector<16xi32>
          %or3A_708 = arith.ori %shift_right_arithmetic3A_705, %or3A_707 : vector<16xi32>
          %xor3A_709 = arith.xori %bitcast3A_702, %or3A_708 : vector<16xi32>
          %shift_right_logical3A_710 = arith.constant 21 : i32
          %shift_right_logical3A_711 = vector.broadcast %shift_right_logical3A_710 : i32 to vector<16xi32>
          %shift_right_logical3A_712 = arith.shrui %xor3A_709, %shift_right_logical3A_711 : vector<16xi32>
          tpu.vector_store_idx %arg12[%shift_right_logical3A_712], %broadcast_in_dim3A_31 {add = true} : memref<2048xi32, #tpu.memory_space<vmem>>[vector<16xi32>], vector<16xi32>,
          %add3A_713 = arith.addf %add3A_698, %gather3A_701 : vector<16xf32>
          %mul3A_714 = arith.mulf %gather3A_701, %gather3A_701 : vector<16xf32>
          %add3A_715 = arith.addf %add3A_700, %mul3A_714 : vector<16xf32>
          %min3A_716 = arith.minimumf %min3A, %gather3A_701 : vector<16xf32>
          %max3A_717 = arith.maximumf %max3A, %gather3A_701 : vector<16xf32>
          scf.yield %add3A_713, %add3A_715, %min3A_716, %max3A_717 : vector<16xf32>, vector<16xf32>, vector<16xf32>, vector<16xf32>
        }
        %add3A_663 = arith.constant 1 : i32
        %add3A_664 = arith.addi %while3A_636, %add3A_663 : i32
        %lt3A_665 = arith.cmpi slt, %add3A_664, %squeeze3A_64 : i32
        %convert_element_type3A_666 = arith.extui %lt3A_665 : i1 to i32
        %cond3A_667 = arith.constant 0 : i32
        %cond3A_668 = arith.cmpi ne, %convert_element_type3A_666, %cond3A_667 : i32
        scf.if %cond3A_668 {
          %add3A_669 = arith.constant 1 : i32
          %add3A_670 = arith.addi %while3A_636, %add3A_669 : i32
          %mul3A_671 = arith.constant 1600 : i32
          %mul3A_672 = arith.muli %add3A_670, %mul3A_671 : i32
          %add3A_673 = arith.addi %add3A_82, %mul3A_672 : i32
          %mul3A_674 = arith.constant 8 : i32
          %mul3A_675 = arith.muli %add3A_673, %mul3A_674 : i32
          %add3A_676 = arith.constant 1 : i32
          %add3A_677 = arith.addi %while3A_636, %add3A_676 : i32
          %and3A_678 = arith.constant 1 : i32
          %and3A_679 = arith.andi %add3A_677, %and3A_678 : i32
          %mul3A_680 = arith.constant 12800 : i32
          %mul3A_681 = arith.muli %and3A_679, %mul3A_680 : i32
          %dma_wait3A = tpu.memref_slice %arg8[%mul3A_681] : memref<25600xf32, #tpu.memory_space<vmem>> -> memref<12800xf32, #tpu.memory_space<vmem>>
          %dma_wait3A_682 = tpu.memref_slice %arg3[%mul3A_675] : memref<52582400xf32, #tpu.memory_space<hbm>> -> memref<12800xf32, #tpu.memory_space<hbm>>
          %dma_wait3A_683 = tpu.memref_slice %arg8[%mul3A_681] : memref<25600xf32, #tpu.memory_space<vmem>> -> memref<12800xf32, #tpu.memory_space<vmem>>
          %dma_wait3A_684 = tpu.memref_slice %arg3[%mul3A_675] : memref<52582400xf32, #tpu.memory_space<hbm>> -> memref<12800xf32, #tpu.memory_space<hbm>>
          tpu.wait_dma2 semaphore(%arg16 : memref<!tpu.dma_semaphore, #tpu.memory_space<semaphore_mem>>) src(%dma_wait3A_684 : memref<12800xf32, #tpu.memory_space<hbm>>) dst(%dma_wait3A_683 : memref<12800xf32, #tpu.memory_space<vmem>>)
        } else {
        }
        scf.yield %while3A_662#0, %while3A_662#1, %while3A_662#2, %while3A_662#3 : vector<16xf32>, vector<16xf32>, vector<16xf32>, vector<16xf32>
      }
      %scan3A_116 = arith.constant 0 : i32
      %scan3A_117 = arith.constant 6 : i32
      %scan3A_118 = arith.addi %scan3A_116, %scan3A_117 : i32
      %scan3A_119 = arith.constant 1 : i32
      %scan3A_120:2 = scf.for %scan3A_636 = %scan3A_116 to %scan3A_118 step %scan3A_119 iter_args(%scan3A_637 = %broadcast_in_dim3A_33, %scan3A_638 = %broadcast_in_dim3A_33) -> (vector<16xi32>, vector<16xi32>)  : i32 {
        %shift_right_logical3A = arith.constant 1 : i32
        %shift_right_logical3A_639 = arith.shrui %scan3A_636, %shift_right_logical3A : i32
        %add3A_640 = arith.constant 5 : i32
        %add3A_641 = arith.addi %add3A_640, %shift_right_logical3A_639 : i32
        %eq3A_642 = vector.broadcast %add3A_641 : i32 to vector<16xi32>
        %eq3A_643 = arith.cmpi eq, %iota3A, %eq3A_642 : vector<16xi32>
        %jit3A_644 = arith.constant -2147483648 : i32
        %broadcast_in_dim3A_645 = vector.broadcast %jit3A_644 : i32 to vector<16xi32>
        %select_n3A_646 = arith.select %eq3A_643, %get3A_56, %broadcast_in_dim3A_645 : vector<16xi1>, vector<16xi32>
        %reduce_max3A_647 = arith.constant true
        %reduce_max3A_648 = vector.broadcast %reduce_max3A_647 : i1 to vector<16xi1>
        %reduce_max3A_649 = arith.constant -2147483648 : i32
        %reduce_max3A_650 = vector.broadcast %reduce_max3A_649 : i32 to vector<16xi32>
        %reduce_max3A_651 = arith.xori %select_n3A_646, %reduce_max3A_650 : vector<16xi32>
        %reduce_max3A_652 = tpu.scan <max>, %reduce_max3A_651 masked %reduce_max3A_648 : vector<16xi32>, vector<16xi1> -> vector<16xi32>
        %reduce_max3A_653 = arith.xori %reduce_max3A_652, %reduce_max3A_650 : vector<16xi32>
        %reduce_max3A_654 = vector.extract %reduce_max3A_653[15] : i32 from vector<16xi32>
        %and3A_655 = arith.constant 1 : i32
        %and3A_656 = arith.andi %scan3A_636, %and3A_655 : i32
        %add3A_657 = arith.addi %reduce_max3A_654, %and3A_656 : i32
        %scan3A_658 = arith.constant 0 : i32
        %scan3A_659 = arith.constant -1 : i32
        %scan3A_660 = arith.constant 0 : i32
        %scan3A_661 = arith.constant 0 : i32
        %scan3A_662 = arith.constant 128 : i32
        %scan3A_663 = arith.addi %scan3A_661, %scan3A_662 : i32
        %scan3A_664 = arith.constant 1 : i32
        %scan3A_665:3 = scf.for %scan3A_675 = %scan3A_661 to %scan3A_663 step %scan3A_664 iter_args(%scan3A_676 = %scan3A_658, %scan3A_677 = %scan3A_659, %scan3A_678 = %scan3A_660) -> (i32, i32, i32)  : i32 {
          %mul3A_679 = arith.constant 16 : i32
          %mul3A_680 = arith.muli %scan3A_675, %mul3A_679 : i32
          %add3A_681 = arith.constant 0 : i32
          %add3A_682 = arith.addi %add3A_681, %mul3A_680 : i32
          %get3A_683 = arith.index_cast %add3A_682 : i32 to index
          %get3A_684 = tpu.vector_load %arg12[%get3A_683] {strides = array<i32>} : memref<2048xi32, #tpu.memory_space<vmem>>, vector<16xi32>,
          %broadcast_in_dim3A_685 = arith.constant true
          %broadcast_in_dim3A_686 = vector.broadcast %broadcast_in_dim3A_685 : i1 to vector<16xi1>
          %masked_cumsum3A = tpu.scan <sum>, %get3A_684 masked %broadcast_in_dim3A_686 : vector<16xi32>, vector<16xi1> -> vector<16xi32>
          %reduce_max3A_687 = arith.constant true
          %reduce_max3A_688 = vector.broadcast %reduce_max3A_687 : i1 to vector<16xi1>
          %reduce_max3A_689 = arith.constant -2147483648 : i32
          %reduce_max3A_690 = vector.broadcast %reduce_max3A_689 : i32 to vector<16xi32>
          %reduce_max3A_691 = arith.xori %masked_cumsum3A, %reduce_max3A_690 : vector<16xi32>
          %reduce_max3A_692 = tpu.scan <max>, %reduce_max3A_691 masked %reduce_max3A_688 : vector<16xi32>, vector<16xi1> -> vector<16xi32>
          %reduce_max3A_693 = arith.xori %reduce_max3A_692, %reduce_max3A_690 : vector<16xi32>
          %reduce_max3A_694 = vector.extract %reduce_max3A_693[15] : i32 from vector<16xi32>
          %add3A_695 = vector.broadcast %scan3A_676 : i32 to vector<16xi32>
          %add3A_696 = arith.addi %add3A_695, %masked_cumsum3A : vector<16xi32>
          %gt3A = vector.broadcast %add3A_657 : i32 to vector<16xi32>
          %gt3A_697 = arith.cmpi sgt, %add3A_696, %gt3A : vector<16xi32>
          %jit3A_698 = arith.constant 0 : i32
          %jit3A_699 = arith.constant 1 : i32
          %broadcast_in_dim3A_700 = vector.broadcast %jit3A_698 : i32 to vector<16xi32>
          %broadcast_in_dim3A_701 = vector.broadcast %jit3A_699 : i32 to vector<16xi32>
          %select_n3A_702 = arith.select %gt3A_697, %broadcast_in_dim3A_700, %broadcast_in_dim3A_701 : vector<16xi1>, vector<16xi32>
          %reduce_sum3A_703 = arith.constant true
          %reduce_sum3A_704 = vector.broadcast %reduce_sum3A_703 : i1 to vector<16xi1>
          %reduce_sum3A_705 = tpu.scan <sum>, %select_n3A_702 masked %reduce_sum3A_704 : vector<16xi32>, vector<16xi1> -> vector<16xi32>
          %reduce_sum3A_706 = vector.extract %reduce_sum3A_705[15] : i32 from vector<16xi32>
          %jit3A_707 = arith.constant 0 : i32
          %broadcast_in_dim3A_708 = vector.broadcast %jit3A_707 : i32 to vector<16xi32>
          %select_n3A_709 = arith.select %gt3A_697, %broadcast_in_dim3A_708, %masked_cumsum3A : vector<16xi1>, vector<16xi32>
          %reduce_max3A_710 = arith.constant true
          %reduce_max3A_711 = vector.broadcast %reduce_max3A_710 : i1 to vector<16xi1>
          %reduce_max3A_712 = arith.constant -2147483648 : i32
          %reduce_max3A_713 = vector.broadcast %reduce_max3A_712 : i32 to vector<16xi32>
          %reduce_max3A_714 = arith.xori %select_n3A_709, %reduce_max3A_713 : vector<16xi32>
          %reduce_max3A_715 = tpu.scan <max>, %reduce_max3A_714 masked %reduce_max3A_711 : vector<16xi32>, vector<16xi1> -> vector<16xi32>
          %reduce_max3A_716 = arith.xori %reduce_max3A_715, %reduce_max3A_713 : vector<16xi32>
          %reduce_max3A_717 = vector.extract %reduce_max3A_716[15] : i32 from vector<16xi32>
          %add3A_718 = arith.addi %scan3A_676, %reduce_max3A_717 : i32
          %lt3A_719 = arith.constant 16 : i32
          %lt3A_720 = arith.cmpi slt, %reduce_sum3A_706, %lt3A_719 : i32
          %lt3A_721 = arith.constant 0 : i32
          %lt3A_722 = arith.cmpi slt, %scan3A_677, %lt3A_721 : i32
          %and3A_723 = arith.andi %lt3A_720, %lt3A_722 : i1
          %mul3A_724 = arith.constant 16 : i32
          %mul3A_725 = arith.muli %scan3A_675, %mul3A_724 : i32
          %add3A_726 = arith.addi %mul3A_725, %reduce_sum3A_706 : i32
          %select_n3A_727 = arith.select %and3A_723, %add3A_726, %scan3A_677 : i32
          %sub3A_728 = arith.subi %add3A_657, %add3A_718 : i32
          %select_n3A_729 = arith.select %and3A_723, %sub3A_728, %scan3A_678 : i32
          %add3A_730 = arith.addi %scan3A_676, %reduce_max3A_694 : i32
          scf.yield %add3A_730, %select_n3A_727, %select_n3A_729 : i32, i32, i32
        }
        %scan3A_666 = arith.constant 128 : i32
        %eq3A_667 = vector.broadcast %scan3A_636 : i32 to vector<16xi32>
        %eq3A_668 = arith.cmpi eq, %iota3A, %eq3A_667 : vector<16xi32>
        %broadcast_in_dim3A_669 = vector.broadcast %scan3A_665#1 : i32 to vector<16xi32>
        %select_n3A_670 = arith.select %eq3A_668, %broadcast_in_dim3A_669, %scan3A_637 : vector<16xi1>, vector<16xi32>
        %eq3A_671 = vector.broadcast %scan3A_636 : i32 to vector<16xi32>
        %eq3A_672 = arith.cmpi eq, %iota3A, %eq3A_671 : vector<16xi32>
        %broadcast_in_dim3A_673 = vector.broadcast %scan3A_665#2 : i32 to vector<16xi32>
        %select_n3A_674 = arith.select %eq3A_672, %broadcast_in_dim3A_673, %scan3A_638 : vector<16xi1>, vector<16xi32>
        scf.yield %select_n3A_670, %select_n3A_674 : vector<16xi32>, vector<16xi32>
      }
      %scan3A_121 = arith.constant 6 : i32
      %eq3A_122 = arith.constant 0 : i32
      %eq3A_123 = vector.broadcast %eq3A_122 : i32 to vector<16xi32>
      %eq3A_124 = arith.cmpi eq, %iota3A, %eq3A_123 : vector<16xi32>
      %jit3A_125 = arith.constant -2147483648 : i32
      %broadcast_in_dim3A_126 = vector.broadcast %jit3A_125 : i32 to vector<16xi32>
      %select_n3A_127 = arith.select %eq3A_124, %scan3A_120#0, %broadcast_in_dim3A_126 : vector<16xi1>, vector<16xi32>
      %reduce_max3A = arith.constant true
      %reduce_max3A_128 = vector.broadcast %reduce_max3A : i1 to vector<16xi1>
      %reduce_max3A_129 = arith.constant -2147483648 : i32
      %reduce_max3A_130 = vector.broadcast %reduce_max3A_129 : i32 to vector<16xi32>
      %reduce_max3A_131 = arith.xori %select_n3A_127, %reduce_max3A_130 : vector<16xi32>
      %reduce_max3A_132 = tpu.scan <max>, %reduce_max3A_131 masked %reduce_max3A_128 : vector<16xi32>, vector<16xi1> -> vector<16xi32>
      %reduce_max3A_133 = arith.xori %reduce_max3A_132, %reduce_max3A_130 : vector<16xi32>
      %reduce_max3A_134 = vector.extract %reduce_max3A_133[15] : i32 from vector<16xi32>
      %eq3A_135 = arith.constant 1 : i32
      %eq3A_136 = vector.broadcast %eq3A_135 : i32 to vector<16xi32>
      %eq3A_137 = arith.cmpi eq, %iota3A, %eq3A_136 : vector<16xi32>
      %jit3A_138 = arith.constant -2147483648 : i32
      %broadcast_in_dim3A_139 = vector.broadcast %jit3A_138 : i32 to vector<16xi32>
      %select_n3A_140 = arith.select %eq3A_137, %scan3A_120#0, %broadcast_in_dim3A_139 : vector<16xi1>, vector<16xi32>
      %reduce_max3A_141 = arith.constant true
      %reduce_max3A_142 = vector.broadcast %reduce_max3A_141 : i1 to vector<16xi1>
      %reduce_max3A_143 = arith.constant -2147483648 : i32
      %reduce_max3A_144 = vector.broadcast %reduce_max3A_143 : i32 to vector<16xi32>
      %reduce_max3A_145 = arith.xori %select_n3A_140, %reduce_max3A_144 : vector<16xi32>
      %reduce_max3A_146 = tpu.scan <max>, %reduce_max3A_145 masked %reduce_max3A_142 : vector<16xi32>, vector<16xi1> -> vector<16xi32>
      %reduce_max3A_147 = arith.xori %reduce_max3A_146, %reduce_max3A_144 : vector<16xi32>
      %reduce_max3A_148 = vector.extract %reduce_max3A_147[15] : i32 from vector<16xi32>
      %eq3A_149 = arith.constant 2 : i32
      %eq3A_150 = vector.broadcast %eq3A_149 : i32 to vector<16xi32>
      %eq3A_151 = arith.cmpi eq, %iota3A, %eq3A_150 : vector<16xi32>
      %jit3A_152 = arith.constant -2147483648 : i32
      %broadcast_in_dim3A_153 = vector.broadcast %jit3A_152 : i32 to vector<16xi32>
      %select_n3A_154 = arith.select %eq3A_151, %scan3A_120#0, %broadcast_in_dim3A_153 : vector<16xi1>, vector<16xi32>
      %reduce_max3A_155 = arith.constant true
      %reduce_max3A_156 = vector.broadcast %reduce_max3A_155 : i1 to vector<16xi1>
      %reduce_max3A_157 = arith.constant -2147483648 : i32
      %reduce_max3A_158 = vector.broadcast %reduce_max3A_157 : i32 to vector<16xi32>
      %reduce_max3A_159 = arith.xori %select_n3A_154, %reduce_max3A_158 : vector<16xi32>
      %reduce_max3A_160 = tpu.scan <max>, %reduce_max3A_159 masked %reduce_max3A_156 : vector<16xi32>, vector<16xi1> -> vector<16xi32>
      %reduce_max3A_161 = arith.xori %reduce_max3A_160, %reduce_max3A_158 : vector<16xi32>
      %reduce_max3A_162 = vector.extract %reduce_max3A_161[15] : i32 from vector<16xi32>
      %eq3A_163 = arith.constant 3 : i32
      %eq3A_164 = vector.broadcast %eq3A_163 : i32 to vector<16xi32>
      %eq3A_165 = arith.cmpi eq, %iota3A, %eq3A_164 : vector<16xi32>
      %jit3A_166 = arith.constant -2147483648 : i32
      %broadcast_in_dim3A_167 = vector.broadcast %jit3A_166 : i32 to vector<16xi32>
      %select_n3A_168 = arith.select %eq3A_165, %scan3A_120#0, %broadcast_in_dim3A_167 : vector<16xi1>, vector<16xi32>
      %reduce_max3A_169 = arith.constant true
      %reduce_max3A_170 = vector.broadcast %reduce_max3A_169 : i1 to vector<16xi1>
      %reduce_max3A_171 = arith.constant -2147483648 : i32
      %reduce_max3A_172 = vector.broadcast %reduce_max3A_171 : i32 to vector<16xi32>
      %reduce_max3A_173 = arith.xori %select_n3A_168, %reduce_max3A_172 : vector<16xi32>
      %reduce_max3A_174 = tpu.scan <max>, %reduce_max3A_173 masked %reduce_max3A_170 : vector<16xi32>, vector<16xi1> -> vector<16xi32>
      %reduce_max3A_175 = arith.xori %reduce_max3A_174, %reduce_max3A_172 : vector<16xi32>
      %reduce_max3A_176 = vector.extract %reduce_max3A_175[15] : i32 from vector<16xi32>
      %eq3A_177 = arith.constant 4 : i32
      %eq3A_178 = vector.broadcast %eq3A_177 : i32 to vector<16xi32>
      %eq3A_179 = arith.cmpi eq, %iota3A, %eq3A_178 : vector<16xi32>
      %jit3A_180 = arith.constant -2147483648 : i32
      %broadcast_in_dim3A_181 = vector.broadcast %jit3A_180 : i32 to vector<16xi32>
      %select_n3A_182 = arith.select %eq3A_179, %scan3A_120#0, %broadcast_in_dim3A_181 : vector<16xi1>, vector<16xi32>
      %reduce_max3A_183 = arith.constant true
      %reduce_max3A_184 = vector.broadcast %reduce_max3A_183 : i1 to vector<16xi1>
      %reduce_max3A_185 = arith.constant -2147483648 : i32
      %reduce_max3A_186 = vector.broadcast %reduce_max3A_185 : i32 to vector<16xi32>
      %reduce_max3A_187 = arith.xori %select_n3A_182, %reduce_max3A_186 : vector<16xi32>
      %reduce_max3A_188 = tpu.scan <max>, %reduce_max3A_187 masked %reduce_max3A_184 : vector<16xi32>, vector<16xi1> -> vector<16xi32>
      %reduce_max3A_189 = arith.xori %reduce_max3A_188, %reduce_max3A_186 : vector<16xi32>
      %reduce_max3A_190 = vector.extract %reduce_max3A_189[15] : i32 from vector<16xi32>
      %eq3A_191 = arith.constant 5 : i32
      %eq3A_192 = vector.broadcast %eq3A_191 : i32 to vector<16xi32>
      %eq3A_193 = arith.cmpi eq, %iota3A, %eq3A_192 : vector<16xi32>
      %jit3A_194 = arith.constant -2147483648 : i32
      %broadcast_in_dim3A_195 = vector.broadcast %jit3A_194 : i32 to vector<16xi32>
      %select_n3A_196 = arith.select %eq3A_193, %scan3A_120#0, %broadcast_in_dim3A_195 : vector<16xi1>, vector<16xi32>
      %reduce_max3A_197 = arith.constant true
      %reduce_max3A_198 = vector.broadcast %reduce_max3A_197 : i1 to vector<16xi1>
      %reduce_max3A_199 = arith.constant -2147483648 : i32
      %reduce_max3A_200 = vector.broadcast %reduce_max3A_199 : i32 to vector<16xi32>
      %reduce_max3A_201 = arith.xori %select_n3A_196, %reduce_max3A_200 : vector<16xi32>
      %reduce_max3A_202 = tpu.scan <max>, %reduce_max3A_201 masked %reduce_max3A_198 : vector<16xi32>, vector<16xi1> -> vector<16xi32>
      %reduce_max3A_203 = arith.xori %reduce_max3A_202, %reduce_max3A_200 : vector<16xi32>
      %reduce_max3A_204 = vector.extract %reduce_max3A_203[15] : i32 from vector<16xi32>
      %scan3A_205 = arith.constant 0 : i32
      %scan3A_206 = arith.constant 0 : i32
      %scan3A_207 = arith.constant 768 : i32
      %scan3A_208 = arith.addi %scan3A_206, %scan3A_207 : i32
      %scan3A_209 = arith.constant 1 : i32
      scf.for %scan3A_636 = %scan3A_206 to %scan3A_208 step %scan3A_209  : i32 {
        %mul3A_637 = arith.constant 16 : i32
        %mul3A_638 = arith.muli %scan3A_636, %mul3A_637 : i32
        %swap3A_639 = arith.index_cast %mul3A_638 : i32 to index
        %swap3A_640 = tpu.vector_load %arg13[%swap3A_639] {strides = array<i32>} : memref<12304xi32, #tpu.memory_space<vmem>>, vector<16xi32>,
        tpu.vector_store %arg13[%swap3A_639], %broadcast_in_dim3A_33 {strides = array<i32>} : memref<12304xi32, #tpu.memory_space<vmem>>, vector<16xi32>,
      }
      %scan3A_210 = arith.constant 768 : i32
      %eq3A_211 = arith.constant 0 : i32
      %eq3A_212 = arith.cmpi eq, %squeeze3A, %eq3A_211 : i32
      %convert_element_type3A_213 = arith.extui %eq3A_212 : i1 to i32
      %cond3A_214 = arith.constant 0 : i32
      %cond3A_215 = arith.cmpi ne, %convert_element_type3A_213, %cond3A_214 : i32
      scf.if %cond3A_215 {
        %mul3A_636 = arith.constant 8 : i32
        %mul3A_637 = arith.muli %add3A_82, %mul3A_636 : i32
        "tpu.region"() ({
          %run_scoped3A = tpu.sem_alloc : memref<!tpu.dma_semaphore, #tpu.memory_space<semaphore_mem>>
          %dma_start3A = arith.constant 0 : i32
          %dma_start3A_638 = tpu.memref_slice %arg8[%dma_start3A] : memref<25600xf32, #tpu.memory_space<vmem>> -> memref<12800xf32, #tpu.memory_space<vmem>>
          %dma_start3A_639 = tpu.memref_slice %arg3[%mul3A_637] : memref<52582400xf32, #tpu.memory_space<hbm>> -> memref<12800xf32, #tpu.memory_space<hbm>>
          %dma_start3A_640 = arith.constant 0 : i32
          %dma_start3A_641 = tpu.memref_slice %arg8[%dma_start3A_640] : memref<25600xf32, #tpu.memory_space<vmem>> -> memref<12800xf32, #tpu.memory_space<vmem>>
          %dma_start3A_642 = tpu.memref_slice %arg3[%mul3A_637] : memref<52582400xf32, #tpu.memory_space<hbm>> -> memref<12800xf32, #tpu.memory_space<hbm>>
          tpu.enqueue_dma source(%dma_start3A_642 : memref<12800xf32, #tpu.memory_space<hbm>>) target(%dma_start3A_641 : memref<12800xf32, #tpu.memory_space<vmem>>) target_semaphore(%run_scoped3A : memref<!tpu.dma_semaphore, #tpu.memory_space<semaphore_mem>>)
          %dma_wait3A = arith.constant 0 : i32
          %dma_wait3A_643 = tpu.memref_slice %arg8[%dma_wait3A] : memref<25600xf32, #tpu.memory_space<vmem>> -> memref<12800xf32, #tpu.memory_space<vmem>>
          %dma_wait3A_644 = tpu.memref_slice %arg3[%mul3A_637] : memref<52582400xf32, #tpu.memory_space<hbm>> -> memref<12800xf32, #tpu.memory_space<hbm>>
          %dma_wait3A_645 = arith.constant 0 : i32
          %dma_wait3A_646 = tpu.memref_slice %arg8[%dma_wait3A_645] : memref<25600xf32, #tpu.memory_space<vmem>> -> memref<12800xf32, #tpu.memory_space<vmem>>
          %dma_wait3A_647 = tpu.memref_slice %arg3[%mul3A_637] : memref<52582400xf32, #tpu.memory_space<hbm>> -> memref<12800xf32, #tpu.memory_space<hbm>>
          tpu.wait_dma2 semaphore(%run_scoped3A : memref<!tpu.dma_semaphore, #tpu.memory_space<semaphore_mem>>) src(%dma_wait3A_647 : memref<12800xf32, #tpu.memory_space<hbm>>) dst(%dma_wait3A_646 : memref<12800xf32, #tpu.memory_space<vmem>>)
          tpu.yield
        }) : () -> ()
      } else {
      }
      %ne3A_216 = arith.constant 0 : i32
      %ne3A_217 = arith.cmpi ne, %squeeze3A, %ne3A_216 : i32
      %convert_element_type3A_218 = arith.extui %ne3A_217 : i1 to i32
      %cond3A_219 = arith.constant 0 : i32
      %cond3A_220 = arith.cmpi ne, %convert_element_type3A_218, %cond3A_219 : i32
      scf.if %cond3A_220 {
        %mul3A_636 = arith.constant 8 : i32
        %mul3A_637 = arith.muli %add3A_82, %mul3A_636 : i32
        "tpu.region"() ({
          %run_scoped3A = tpu.sem_alloc : memref<!tpu.dma_semaphore, #tpu.memory_space<semaphore_mem>>
          %dma_start3A = arith.constant 0 : i32
          %dma_start3A_638 = tpu.memref_slice %arg8[%dma_start3A] : memref<25600xf32, #tpu.memory_space<vmem>> -> memref<1024xf32, #tpu.memory_space<vmem>>
          %dma_start3A_639 = tpu.memref_slice %arg2[%mul3A_637] : memref<17408xf32, #tpu.memory_space<hbm>> -> memref<1024xf32, #tpu.memory_space<hbm>>
          %dma_start3A_640 = arith.constant 0 : i32
          %dma_start3A_641 = tpu.memref_slice %arg8[%dma_start3A_640] : memref<25600xf32, #tpu.memory_space<vmem>> -> memref<1024xf32, #tpu.memory_space<vmem>>
          %dma_start3A_642 = tpu.memref_slice %arg2[%mul3A_637] : memref<17408xf32, #tpu.memory_space<hbm>> -> memref<1024xf32, #tpu.memory_space<hbm>>
          tpu.enqueue_dma source(%dma_start3A_642 : memref<1024xf32, #tpu.memory_space<hbm>>) target(%dma_start3A_641 : memref<1024xf32, #tpu.memory_space<vmem>>) target_semaphore(%run_scoped3A : memref<!tpu.dma_semaphore, #tpu.memory_space<semaphore_mem>>)
          %dma_wait3A = arith.constant 0 : i32
          %dma_wait3A_643 = tpu.memref_slice %arg8[%dma_wait3A] : memref<25600xf32, #tpu.memory_space<vmem>> -> memref<1024xf32, #tpu.memory_space<vmem>>
          %dma_wait3A_644 = tpu.memref_slice %arg2[%mul3A_637] : memref<17408xf32, #tpu.memory_space<hbm>> -> memref<1024xf32, #tpu.memory_space<hbm>>
          %dma_wait3A_645 = arith.constant 0 : i32
          %dma_wait3A_646 = tpu.memref_slice %arg8[%dma_wait3A_645] : memref<25600xf32, #tpu.memory_space<vmem>> -> memref<1024xf32, #tpu.memory_space<vmem>>
          %dma_wait3A_647 = tpu.memref_slice %arg2[%mul3A_637] : memref<17408xf32, #tpu.memory_space<hbm>> -> memref<1024xf32, #tpu.memory_space<hbm>>
          tpu.wait_dma2 semaphore(%run_scoped3A : memref<!tpu.dma_semaphore, #tpu.memory_space<semaphore_mem>>) src(%dma_wait3A_647 : memref<1024xf32, #tpu.memory_space<hbm>>) dst(%dma_wait3A_646 : memref<1024xf32, #tpu.memory_space<vmem>>)
          tpu.yield
        }) : () -> ()
      } else {
      }
      %while3A_221 = arith.constant 0 : i32
      %while3A_222 = arith.constant 0 : i32
      %while3A_223 = arith.subi %squeeze3A_64, %while3A_222 : i32
      %while3A_224 = arith.addi %while3A_222, %while3A_223 : i32
      %while3A_225 = arith.constant 1 : i32
      %while3A_226 = arith.divsi %while3A_223, %while3A_225 : i32
      %while3A_227 = arith.muli %while3A_226, %while3A_225 : i32
      %while3A_228 = arith.addi %while3A_222, %while3A_227 : i32
      %while3A_229 = arith.constant 1 : i32
      scf.for %while3A_636 = %while3A_222 to %while3A_228 step %while3A_229  : i32 {
        %add3A_637 = arith.constant 1 : i32
        %add3A_638 = arith.addi %while3A_636, %add3A_637 : i32
        %lt3A_639 = arith.cmpi slt, %add3A_638, %squeeze3A_64 : i32
        %convert_element_type3A_640 = arith.extui %lt3A_639 : i1 to i32
        %cond3A_641 = arith.constant 0 : i32
        %cond3A_642 = arith.cmpi ne, %convert_element_type3A_640, %cond3A_641 : i32
        scf.if %cond3A_642 {
          %add3A_663 = arith.constant 1 : i32
          %add3A_664 = arith.addi %while3A_636, %add3A_663 : i32
          %mul3A_665 = arith.constant 1600 : i32
          %mul3A_666 = arith.muli %add3A_664, %mul3A_665 : i32
          %add3A_667 = arith.addi %add3A_82, %mul3A_666 : i32
          %mul3A_668 = arith.constant 8 : i32
          %mul3A_669 = arith.muli %add3A_667, %mul3A_668 : i32
          %add3A_670 = arith.constant 1 : i32
          %add3A_671 = arith.addi %while3A_636, %add3A_670 : i32
          %and3A_672 = arith.constant 1 : i32
          %and3A_673 = arith.andi %add3A_671, %and3A_672 : i32
          %mul3A_674 = arith.constant 12800 : i32
          %mul3A_675 = arith.muli %and3A_673, %mul3A_674 : i32
          %dma_start3A = tpu.memref_slice %arg8[%mul3A_675] : memref<25600xf32, #tpu.memory_space<vmem>> -> memref<12800xf32, #tpu.memory_space<vmem>>
          %dma_start3A_676 = tpu.memref_slice %arg3[%mul3A_669] : memref<52582400xf32, #tpu.memory_space<hbm>> -> memref<12800xf32, #tpu.memory_space<hbm>>
          %dma_start3A_677 = tpu.memref_slice %arg8[%mul3A_675] : memref<25600xf32, #tpu.memory_space<vmem>> -> memref<12800xf32, #tpu.memory_space<vmem>>
          %dma_start3A_678 = tpu.memref_slice %arg3[%mul3A_669] : memref<52582400xf32, #tpu.memory_space<hbm>> -> memref<12800xf32, #tpu.memory_space<hbm>>
          tpu.enqueue_dma source(%dma_start3A_678 : memref<12800xf32, #tpu.memory_space<hbm>>) target(%dma_start3A_677 : memref<12800xf32, #tpu.memory_space<vmem>>) target_semaphore(%arg16 : memref<!tpu.dma_semaphore, #tpu.memory_space<semaphore_mem>>)
        } else {
        }
        %and3A_643 = arith.constant 1 : i32
        %and3A_644 = arith.andi %while3A_636, %and3A_643 : i32
        %mul3A_645 = arith.constant 12800 : i32
        %mul3A_646 = arith.muli %and3A_644, %mul3A_645 : i32
        %shift_right_logical3A = arith.constant 1 : i32
        %shift_right_logical3A_647 = arith.shrui %squeeze3A_66, %shift_right_logical3A : i32
        %while3A_648 = arith.constant 0 : i32
        %while3A_649 = arith.subi %shift_right_logical3A_647, %while3A_648 : i32
        %while3A_650 = arith.addi %while3A_648, %while3A_649 : i32
        %while3A_651 = arith.constant 1 : i32
        %while3A_652 = arith.divsi %while3A_649, %while3A_651 : i32
        %while3A_653 = arith.muli %while3A_652, %while3A_651 : i32
        %while3A_654 = arith.addi %while3A_648, %while3A_653 : i32
        %while3A_655 = arith.constant 1 : i32
        scf.for %while3A_663 = %while3A_648 to %while3A_654 step %while3A_655  : i32 {
          %mul3A_664 = arith.constant 2 : i32
          %mul3A_665 = arith.muli %while3A_663, %mul3A_664 : i32
          %add3A_666 = arith.addi %squeeze3A_68, %mul3A_665 : i32
          %mul3A_667 = arith.constant 16 : i32
          %mul3A_668 = arith.muli %add3A_666, %mul3A_667 : i32
          %get3A_669 = arith.index_cast %mul3A_668 : i32 to index
          %get3A_670 = tpu.vector_load %arg9[%get3A_669] {strides = array<i32>} : memref<17408xi32, #tpu.memory_space<vmem>>, vector<16xi32>,
          %add3A_671 = vector.broadcast %mul3A_646 : i32 to vector<16xi32>
          %add3A_672 = arith.addi %get3A_670, %add3A_671 : vector<16xi32>
          %add3A_673 = arith.constant 16 : i32
          %add3A_674 = arith.addi %mul3A_668, %add3A_673 : i32
          %get3A_675 = arith.index_cast %add3A_674 : i32 to index
          %get3A_676 = tpu.vector_load %arg9[%get3A_675] {strides = array<i32>} : memref<17408xi32, #tpu.memory_space<vmem>>, vector<16xi32>,
          %add3A_677 = vector.broadcast %mul3A_646 : i32 to vector<16xi32>
          %add3A_678 = arith.addi %get3A_676, %add3A_677 : vector<16xi32>
          %gather3A = tpu.vector_load_idx %arg8[%add3A_672] : memref<25600xf32, #tpu.memory_space<vmem>>[vector<16xi32>], vector<16xf32>,
          %bitcast3A_679 = vector.bitcast %gather3A : vector<16xf32> to vector<16xi32>
          %shift_right_arithmetic3A = arith.constant 31 : i32
          %shift_right_arithmetic3A_680 = vector.broadcast %shift_right_arithmetic3A : i32 to vector<16xi32>
          %shift_right_arithmetic3A_681 = arith.shrsi %bitcast3A_679, %shift_right_arithmetic3A_680 : vector<16xi32>
          %or3A_682 = arith.constant -2147483648 : i32
          %or3A_683 = vector.broadcast %or3A_682 : i32 to vector<16xi32>
          %or3A_684 = arith.ori %shift_right_arithmetic3A_681, %or3A_683 : vector<16xi32>
          %xor3A = arith.xori %bitcast3A_679, %or3A_684 : vector<16xi32>
          %shift_right_logical3A_685 = arith.constant 21 : i32
          %shift_right_logical3A_686 = vector.broadcast %shift_right_logical3A_685 : i32 to vector<16xi32>
          %shift_right_logical3A_687 = arith.shrui %xor3A, %shift_right_logical3A_686 : vector<16xi32>
          %shift_right_logical3A_688 = arith.constant 10 : i32
          %shift_right_logical3A_689 = vector.broadcast %shift_right_logical3A_688 : i32 to vector<16xi32>
          %shift_right_logical3A_690 = arith.shrui %xor3A, %shift_right_logical3A_689 : vector<16xi32>
          %and3A_691 = arith.constant 2047 : i32
          %and3A_692 = vector.broadcast %and3A_691 : i32 to vector<16xi32>
          %and3A_693 = arith.andi %shift_right_logical3A_690, %and3A_692 : vector<16xi32>
          %add3A_694 = arith.constant 0 : i32
          %add3A_695 = vector.broadcast %add3A_694 : i32 to vector<16xi32>
          %add3A_696 = arith.addi %add3A_695, %and3A_693 : vector<16xi32>
          %eq3A_697 = vector.broadcast %reduce_max3A_134 : i32 to vector<16xi32>
          %eq3A_698 = arith.cmpi eq, %shift_right_logical3A_687, %eq3A_697 : vector<16xi32>
          tpu.vector_store_idx %arg13[%add3A_696], %broadcast_in_dim3A_31 masked %eq3A_698 {add = true} : memref<12304xi32, #tpu.memory_space<vmem>>[vector<16xi32>], vector<16xi32>, vector<16xi1>
          %add3A_699 = arith.constant 2048 : i32
          %add3A_700 = vector.broadcast %add3A_699 : i32 to vector<16xi32>
          %add3A_701 = arith.addi %add3A_700, %and3A_693 : vector<16xi32>
          %eq3A_702 = vector.broadcast %reduce_max3A_148 : i32 to vector<16xi32>
          %eq3A_703 = arith.cmpi eq, %shift_right_logical3A_687, %eq3A_702 : vector<16xi32>
          tpu.vector_store_idx %arg13[%add3A_701], %broadcast_in_dim3A_31 masked %eq3A_703 {add = true} : memref<12304xi32, #tpu.memory_space<vmem>>[vector<16xi32>], vector<16xi32>, vector<16xi1>
          %add3A_704 = arith.constant 4096 : i32
          %add3A_705 = vector.broadcast %add3A_704 : i32 to vector<16xi32>
          %add3A_706 = arith.addi %add3A_705, %and3A_693 : vector<16xi32>
          %eq3A_707 = vector.broadcast %reduce_max3A_162 : i32 to vector<16xi32>
          %eq3A_708 = arith.cmpi eq, %shift_right_logical3A_687, %eq3A_707 : vector<16xi32>
          tpu.vector_store_idx %arg13[%add3A_706], %broadcast_in_dim3A_31 masked %eq3A_708 {add = true} : memref<12304xi32, #tpu.memory_space<vmem>>[vector<16xi32>], vector<16xi32>, vector<16xi1>
          %add3A_709 = arith.constant 6144 : i32
          %add3A_710 = vector.broadcast %add3A_709 : i32 to vector<16xi32>
          %add3A_711 = arith.addi %add3A_710, %and3A_693 : vector<16xi32>
          %eq3A_712 = vector.broadcast %reduce_max3A_176 : i32 to vector<16xi32>
          %eq3A_713 = arith.cmpi eq, %shift_right_logical3A_687, %eq3A_712 : vector<16xi32>
          tpu.vector_store_idx %arg13[%add3A_711], %broadcast_in_dim3A_31 masked %eq3A_713 {add = true} : memref<12304xi32, #tpu.memory_space<vmem>>[vector<16xi32>], vector<16xi32>, vector<16xi1>
          %add3A_714 = arith.constant 8192 : i32
          %add3A_715 = vector.broadcast %add3A_714 : i32 to vector<16xi32>
          %add3A_716 = arith.addi %add3A_715, %and3A_693 : vector<16xi32>
          %eq3A_717 = vector.broadcast %reduce_max3A_190 : i32 to vector<16xi32>
          %eq3A_718 = arith.cmpi eq, %shift_right_logical3A_687, %eq3A_717 : vector<16xi32>
          tpu.vector_store_idx %arg13[%add3A_716], %broadcast_in_dim3A_31 masked %eq3A_718 {add = true} : memref<12304xi32, #tpu.memory_space<vmem>>[vector<16xi32>], vector<16xi32>, vector<16xi1>
          %add3A_719 = arith.constant 10240 : i32
          %add3A_720 = vector.broadcast %add3A_719 : i32 to vector<16xi32>
          %add3A_721 = arith.addi %add3A_720, %and3A_693 : vector<16xi32>
          %eq3A_722 = vector.broadcast %reduce_max3A_204 : i32 to vector<16xi32>
          %eq3A_723 = arith.cmpi eq, %shift_right_logical3A_687, %eq3A_722 : vector<16xi32>
          tpu.vector_store_idx %arg13[%add3A_721], %broadcast_in_dim3A_31 masked %eq3A_723 {add = true} : memref<12304xi32, #tpu.memory_space<vmem>>[vector<16xi32>], vector<16xi32>, vector<16xi1>
          %gather3A_724 = tpu.vector_load_idx %arg8[%add3A_678] : memref<25600xf32, #tpu.memory_space<vmem>>[vector<16xi32>], vector<16xf32>,
          %bitcast3A_725 = vector.bitcast %gather3A_724 : vector<16xf32> to vector<16xi32>
          %shift_right_arithmetic3A_726 = arith.constant 31 : i32
          %shift_right_arithmetic3A_727 = vector.broadcast %shift_right_arithmetic3A_726 : i32 to vector<16xi32>
          %shift_right_arithmetic3A_728 = arith.shrsi %bitcast3A_725, %shift_right_arithmetic3A_727 : vector<16xi32>
          %or3A_729 = arith.constant -2147483648 : i32
          %or3A_730 = vector.broadcast %or3A_729 : i32 to vector<16xi32>
          %or3A_731 = arith.ori %shift_right_arithmetic3A_728, %or3A_730 : vector<16xi32>
          %xor3A_732 = arith.xori %bitcast3A_725, %or3A_731 : vector<16xi32>
          %shift_right_logical3A_733 = arith.constant 21 : i32
          %shift_right_logical3A_734 = vector.broadcast %shift_right_logical3A_733 : i32 to vector<16xi32>
          %shift_right_logical3A_735 = arith.shrui %xor3A_732, %shift_right_logical3A_734 : vector<16xi32>
          %shift_right_logical3A_736 = arith.constant 10 : i32
          %shift_right_logical3A_737 = vector.broadcast %shift_right_logical3A_736 : i32 to vector<16xi32>
          %shift_right_logical3A_738 = arith.shrui %xor3A_732, %shift_right_logical3A_737 : vector<16xi32>
          %and3A_739 = arith.constant 2047 : i32
          %and3A_740 = vector.broadcast %and3A_739 : i32 to vector<16xi32>
          %and3A_741 = arith.andi %shift_right_logical3A_738, %and3A_740 : vector<16xi32>
          %add3A_742 = arith.constant 0 : i32
          %add3A_743 = vector.broadcast %add3A_742 : i32 to vector<16xi32>
          %add3A_744 = arith.addi %add3A_743, %and3A_741 : vector<16xi32>
          %eq3A_745 = vector.broadcast %reduce_max3A_134 : i32 to vector<16xi32>
          %eq3A_746 = arith.cmpi eq, %shift_right_logical3A_735, %eq3A_745 : vector<16xi32>
          tpu.vector_store_idx %arg13[%add3A_744], %broadcast_in_dim3A_31 masked %eq3A_746 {add = true} : memref<12304xi32, #tpu.memory_space<vmem>>[vector<16xi32>], vector<16xi32>, vector<16xi1>
          %add3A_747 = arith.constant 2048 : i32
          %add3A_748 = vector.broadcast %add3A_747 : i32 to vector<16xi32>
          %add3A_749 = arith.addi %add3A_748, %and3A_741 : vector<16xi32>
          %eq3A_750 = vector.broadcast %reduce_max3A_148 : i32 to vector<16xi32>
          %eq3A_751 = arith.cmpi eq, %shift_right_logical3A_735, %eq3A_750 : vector<16xi32>
          tpu.vector_store_idx %arg13[%add3A_749], %broadcast_in_dim3A_31 masked %eq3A_751 {add = true} : memref<12304xi32, #tpu.memory_space<vmem>>[vector<16xi32>], vector<16xi32>, vector<16xi1>
          %add3A_752 = arith.constant 4096 : i32
          %add3A_753 = vector.broadcast %add3A_752 : i32 to vector<16xi32>
          %add3A_754 = arith.addi %add3A_753, %and3A_741 : vector<16xi32>
          %eq3A_755 = vector.broadcast %reduce_max3A_162 : i32 to vector<16xi32>
          %eq3A_756 = arith.cmpi eq, %shift_right_logical3A_735, %eq3A_755 : vector<16xi32>
          tpu.vector_store_idx %arg13[%add3A_754], %broadcast_in_dim3A_31 masked %eq3A_756 {add = true} : memref<12304xi32, #tpu.memory_space<vmem>>[vector<16xi32>], vector<16xi32>, vector<16xi1>
          %add3A_757 = arith.constant 6144 : i32
          %add3A_758 = vector.broadcast %add3A_757 : i32 to vector<16xi32>
          %add3A_759 = arith.addi %add3A_758, %and3A_741 : vector<16xi32>
          %eq3A_760 = vector.broadcast %reduce_max3A_176 : i32 to vector<16xi32>
          %eq3A_761 = arith.cmpi eq, %shift_right_logical3A_735, %eq3A_760 : vector<16xi32>
          tpu.vector_store_idx %arg13[%add3A_759], %broadcast_in_dim3A_31 masked %eq3A_761 {add = true} : memref<12304xi32, #tpu.memory_space<vmem>>[vector<16xi32>], vector<16xi32>, vector<16xi1>
          %add3A_762 = arith.constant 8192 : i32
          %add3A_763 = vector.broadcast %add3A_762 : i32 to vector<16xi32>
          %add3A_764 = arith.addi %add3A_763, %and3A_741 : vector<16xi32>
          %eq3A_765 = vector.broadcast %reduce_max3A_190 : i32 to vector<16xi32>
          %eq3A_766 = arith.cmpi eq, %shift_right_logical3A_735, %eq3A_765 : vector<16xi32>
          tpu.vector_store_idx %arg13[%add3A_764], %broadcast_in_dim3A_31 masked %eq3A_766 {add = true} : memref<12304xi32, #tpu.memory_space<vmem>>[vector<16xi32>], vector<16xi32>, vector<16xi1>
          %add3A_767 = arith.constant 10240 : i32
          %add3A_768 = vector.broadcast %add3A_767 : i32 to vector<16xi32>
          %add3A_769 = arith.addi %add3A_768, %and3A_741 : vector<16xi32>
          %eq3A_770 = vector.broadcast %reduce_max3A_204 : i32 to vector<16xi32>
          %eq3A_771 = arith.cmpi eq, %shift_right_logical3A_735, %eq3A_770 : vector<16xi32>
          tpu.vector_store_idx %arg13[%add3A_769], %broadcast_in_dim3A_31 masked %eq3A_771 {add = true} : memref<12304xi32, #tpu.memory_space<vmem>>[vector<16xi32>], vector<16xi32>, vector<16xi1>
        }
        %while3A_656 = arith.constant 1 : i32
        scf.for %while3A_663 = %while3A_654 to %while3A_650 step %while3A_656  : i32 {
          %mul3A_664 = arith.constant 2 : i32
          %mul3A_665 = arith.muli %while3A_663, %mul3A_664 : i32
          %add3A_666 = arith.addi %squeeze3A_68, %mul3A_665 : i32
          %mul3A_667 = arith.constant 16 : i32
          %mul3A_668 = arith.muli %add3A_666, %mul3A_667 : i32
          %get3A_669 = arith.index_cast %mul3A_668 : i32 to index
          %get3A_670 = tpu.vector_load %arg9[%get3A_669] {strides = array<i32>} : memref<17408xi32, #tpu.memory_space<vmem>>, vector<16xi32>,
          %add3A_671 = vector.broadcast %mul3A_646 : i32 to vector<16xi32>
          %add3A_672 = arith.addi %get3A_670, %add3A_671 : vector<16xi32>
          %add3A_673 = arith.constant 16 : i32
          %add3A_674 = arith.addi %mul3A_668, %add3A_673 : i32
          %get3A_675 = arith.index_cast %add3A_674 : i32 to index
          %get3A_676 = tpu.vector_load %arg9[%get3A_675] {strides = array<i32>} : memref<17408xi32, #tpu.memory_space<vmem>>, vector<16xi32>,
          %add3A_677 = vector.broadcast %mul3A_646 : i32 to vector<16xi32>
          %add3A_678 = arith.addi %get3A_676, %add3A_677 : vector<16xi32>
          %gather3A = tpu.vector_load_idx %arg8[%add3A_672] : memref<25600xf32, #tpu.memory_space<vmem>>[vector<16xi32>], vector<16xf32>,
          %bitcast3A_679 = vector.bitcast %gather3A : vector<16xf32> to vector<16xi32>
          %shift_right_arithmetic3A = arith.constant 31 : i32
          %shift_right_arithmetic3A_680 = vector.broadcast %shift_right_arithmetic3A : i32 to vector<16xi32>
          %shift_right_arithmetic3A_681 = arith.shrsi %bitcast3A_679, %shift_right_arithmetic3A_680 : vector<16xi32>
          %or3A_682 = arith.constant -2147483648 : i32
          %or3A_683 = vector.broadcast %or3A_682 : i32 to vector<16xi32>
          %or3A_684 = arith.ori %shift_right_arithmetic3A_681, %or3A_683 : vector<16xi32>
          %xor3A = arith.xori %bitcast3A_679, %or3A_684 : vector<16xi32>
          %shift_right_logical3A_685 = arith.constant 21 : i32
          %shift_right_logical3A_686 = vector.broadcast %shift_right_logical3A_685 : i32 to vector<16xi32>
          %shift_right_logical3A_687 = arith.shrui %xor3A, %shift_right_logical3A_686 : vector<16xi32>
          %shift_right_logical3A_688 = arith.constant 10 : i32
          %shift_right_logical3A_689 = vector.broadcast %shift_right_logical3A_688 : i32 to vector<16xi32>
          %shift_right_logical3A_690 = arith.shrui %xor3A, %shift_right_logical3A_689 : vector<16xi32>
          %and3A_691 = arith.constant 2047 : i32
          %and3A_692 = vector.broadcast %and3A_691 : i32 to vector<16xi32>
          %and3A_693 = arith.andi %shift_right_logical3A_690, %and3A_692 : vector<16xi32>
          %add3A_694 = arith.constant 0 : i32
          %add3A_695 = vector.broadcast %add3A_694 : i32 to vector<16xi32>
          %add3A_696 = arith.addi %add3A_695, %and3A_693 : vector<16xi32>
          %eq3A_697 = vector.broadcast %reduce_max3A_134 : i32 to vector<16xi32>
          %eq3A_698 = arith.cmpi eq, %shift_right_logical3A_687, %eq3A_697 : vector<16xi32>
          tpu.vector_store_idx %arg13[%add3A_696], %broadcast_in_dim3A_31 masked %eq3A_698 {add = true} : memref<12304xi32, #tpu.memory_space<vmem>>[vector<16xi32>], vector<16xi32>, vector<16xi1>
          %add3A_699 = arith.constant 2048 : i32
          %add3A_700 = vector.broadcast %add3A_699 : i32 to vector<16xi32>
          %add3A_701 = arith.addi %add3A_700, %and3A_693 : vector<16xi32>
          %eq3A_702 = vector.broadcast %reduce_max3A_148 : i32 to vector<16xi32>
          %eq3A_703 = arith.cmpi eq, %shift_right_logical3A_687, %eq3A_702 : vector<16xi32>
          tpu.vector_store_idx %arg13[%add3A_701], %broadcast_in_dim3A_31 masked %eq3A_703 {add = true} : memref<12304xi32, #tpu.memory_space<vmem>>[vector<16xi32>], vector<16xi32>, vector<16xi1>
          %add3A_704 = arith.constant 4096 : i32
          %add3A_705 = vector.broadcast %add3A_704 : i32 to vector<16xi32>
          %add3A_706 = arith.addi %add3A_705, %and3A_693 : vector<16xi32>
          %eq3A_707 = vector.broadcast %reduce_max3A_162 : i32 to vector<16xi32>
          %eq3A_708 = arith.cmpi eq, %shift_right_logical3A_687, %eq3A_707 : vector<16xi32>
          tpu.vector_store_idx %arg13[%add3A_706], %broadcast_in_dim3A_31 masked %eq3A_708 {add = true} : memref<12304xi32, #tpu.memory_space<vmem>>[vector<16xi32>], vector<16xi32>, vector<16xi1>
          %add3A_709 = arith.constant 6144 : i32
          %add3A_710 = vector.broadcast %add3A_709 : i32 to vector<16xi32>
          %add3A_711 = arith.addi %add3A_710, %and3A_693 : vector<16xi32>
          %eq3A_712 = vector.broadcast %reduce_max3A_176 : i32 to vector<16xi32>
          %eq3A_713 = arith.cmpi eq, %shift_right_logical3A_687, %eq3A_712 : vector<16xi32>
          tpu.vector_store_idx %arg13[%add3A_711], %broadcast_in_dim3A_31 masked %eq3A_713 {add = true} : memref<12304xi32, #tpu.memory_space<vmem>>[vector<16xi32>], vector<16xi32>, vector<16xi1>
          %add3A_714 = arith.constant 8192 : i32
          %add3A_715 = vector.broadcast %add3A_714 : i32 to vector<16xi32>
          %add3A_716 = arith.addi %add3A_715, %and3A_693 : vector<16xi32>
          %eq3A_717 = vector.broadcast %reduce_max3A_190 : i32 to vector<16xi32>
          %eq3A_718 = arith.cmpi eq, %shift_right_logical3A_687, %eq3A_717 : vector<16xi32>
          tpu.vector_store_idx %arg13[%add3A_716], %broadcast_in_dim3A_31 masked %eq3A_718 {add = true} : memref<12304xi32, #tpu.memory_space<vmem>>[vector<16xi32>], vector<16xi32>, vector<16xi1>
          %add3A_719 = arith.constant 10240 : i32
          %add3A_720 = vector.broadcast %add3A_719 : i32 to vector<16xi32>
          %add3A_721 = arith.addi %add3A_720, %and3A_693 : vector<16xi32>
          %eq3A_722 = vector.broadcast %reduce_max3A_204 : i32 to vector<16xi32>
          %eq3A_723 = arith.cmpi eq, %shift_right_logical3A_687, %eq3A_722 : vector<16xi32>
          tpu.vector_store_idx %arg13[%add3A_721], %broadcast_in_dim3A_31 masked %eq3A_723 {add = true} : memref<12304xi32, #tpu.memory_space<vmem>>[vector<16xi32>], vector<16xi32>, vector<16xi1>
          %gather3A_724 = tpu.vector_load_idx %arg8[%add3A_678] : memref<25600xf32, #tpu.memory_space<vmem>>[vector<16xi32>], vector<16xf32>,
          %bitcast3A_725 = vector.bitcast %gather3A_724 : vector<16xf32> to vector<16xi32>
          %shift_right_arithmetic3A_726 = arith.constant 31 : i32
          %shift_right_arithmetic3A_727 = vector.broadcast %shift_right_arithmetic3A_726 : i32 to vector<16xi32>
          %shift_right_arithmetic3A_728 = arith.shrsi %bitcast3A_725, %shift_right_arithmetic3A_727 : vector<16xi32>
          %or3A_729 = arith.constant -2147483648 : i32
          %or3A_730 = vector.broadcast %or3A_729 : i32 to vector<16xi32>
          %or3A_731 = arith.ori %shift_right_arithmetic3A_728, %or3A_730 : vector<16xi32>
          %xor3A_732 = arith.xori %bitcast3A_725, %or3A_731 : vector<16xi32>
          %shift_right_logical3A_733 = arith.constant 21 : i32
          %shift_right_logical3A_734 = vector.broadcast %shift_right_logical3A_733 : i32 to vector<16xi32>
          %shift_right_logical3A_735 = arith.shrui %xor3A_732, %shift_right_logical3A_734 : vector<16xi32>
          %shift_right_logical3A_736 = arith.constant 10 : i32
          %shift_right_logical3A_737 = vector.broadcast %shift_right_logical3A_736 : i32 to vector<16xi32>
          %shift_right_logical3A_738 = arith.shrui %xor3A_732, %shift_right_logical3A_737 : vector<16xi32>
          %and3A_739 = arith.constant 2047 : i32
          %and3A_740 = vector.broadcast %and3A_739 : i32 to vector<16xi32>
          %and3A_741 = arith.andi %shift_right_logical3A_738, %and3A_740 : vector<16xi32>
          %add3A_742 = arith.constant 0 : i32
          %add3A_743 = vector.broadcast %add3A_742 : i32 to vector<16xi32>
          %add3A_744 = arith.addi %add3A_743, %and3A_741 : vector<16xi32>
          %eq3A_745 = vector.broadcast %reduce_max3A_134 : i32 to vector<16xi32>
          %eq3A_746 = arith.cmpi eq, %shift_right_logical3A_735, %eq3A_745 : vector<16xi32>
          tpu.vector_store_idx %arg13[%add3A_744], %broadcast_in_dim3A_31 masked %eq3A_746 {add = true} : memref<12304xi32, #tpu.memory_space<vmem>>[vector<16xi32>], vector<16xi32>, vector<16xi1>
          %add3A_747 = arith.constant 2048 : i32
          %add3A_748 = vector.broadcast %add3A_747 : i32 to vector<16xi32>
          %add3A_749 = arith.addi %add3A_748, %and3A_741 : vector<16xi32>
          %eq3A_750 = vector.broadcast %reduce_max3A_148 : i32 to vector<16xi32>
          %eq3A_751 = arith.cmpi eq, %shift_right_logical3A_735, %eq3A_750 : vector<16xi32>
          tpu.vector_store_idx %arg13[%add3A_749], %broadcast_in_dim3A_31 masked %eq3A_751 {add = true} : memref<12304xi32, #tpu.memory_space<vmem>>[vector<16xi32>], vector<16xi32>, vector<16xi1>
          %add3A_752 = arith.constant 4096 : i32
          %add3A_753 = vector.broadcast %add3A_752 : i32 to vector<16xi32>
          %add3A_754 = arith.addi %add3A_753, %and3A_741 : vector<16xi32>
          %eq3A_755 = vector.broadcast %reduce_max3A_162 : i32 to vector<16xi32>
          %eq3A_756 = arith.cmpi eq, %shift_right_logical3A_735, %eq3A_755 : vector<16xi32>
          tpu.vector_store_idx %arg13[%add3A_754], %broadcast_in_dim3A_31 masked %eq3A_756 {add = true} : memref<12304xi32, #tpu.memory_space<vmem>>[vector<16xi32>], vector<16xi32>, vector<16xi1>
          %add3A_757 = arith.constant 6144 : i32
          %add3A_758 = vector.broadcast %add3A_757 : i32 to vector<16xi32>
          %add3A_759 = arith.addi %add3A_758, %and3A_741 : vector<16xi32>
          %eq3A_760 = vector.broadcast %reduce_max3A_176 : i32 to vector<16xi32>
          %eq3A_761 = arith.cmpi eq, %shift_right_logical3A_735, %eq3A_760 : vector<16xi32>
          tpu.vector_store_idx %arg13[%add3A_759], %broadcast_in_dim3A_31 masked %eq3A_761 {add = true} : memref<12304xi32, #tpu.memory_space<vmem>>[vector<16xi32>], vector<16xi32>, vector<16xi1>
          %add3A_762 = arith.constant 8192 : i32
          %add3A_763 = vector.broadcast %add3A_762 : i32 to vector<16xi32>
          %add3A_764 = arith.addi %add3A_763, %and3A_741 : vector<16xi32>
          %eq3A_765 = vector.broadcast %reduce_max3A_190 : i32 to vector<16xi32>
          %eq3A_766 = arith.cmpi eq, %shift_right_logical3A_735, %eq3A_765 : vector<16xi32>
          tpu.vector_store_idx %arg13[%add3A_764], %broadcast_in_dim3A_31 masked %eq3A_766 {add = true} : memref<12304xi32, #tpu.memory_space<vmem>>[vector<16xi32>], vector<16xi32>, vector<16xi1>
          %add3A_767 = arith.constant 10240 : i32
          %add3A_768 = vector.broadcast %add3A_767 : i32 to vector<16xi32>
          %add3A_769 = arith.addi %add3A_768, %and3A_741 : vector<16xi32>
          %eq3A_770 = vector.broadcast %reduce_max3A_204 : i32 to vector<16xi32>
          %eq3A_771 = arith.cmpi eq, %shift_right_logical3A_735, %eq3A_770 : vector<16xi32>
          tpu.vector_store_idx %arg13[%add3A_769], %broadcast_in_dim3A_31 masked %eq3A_771 {add = true} : memref<12304xi32, #tpu.memory_space<vmem>>[vector<16xi32>], vector<16xi32>, vector<16xi1>
        }
        %add3A_657 = arith.constant 1 : i32
        %add3A_658 = arith.addi %while3A_636, %add3A_657 : i32
        %lt3A_659 = arith.cmpi slt, %add3A_658, %squeeze3A_64 : i32
        %convert_element_type3A_660 = arith.extui %lt3A_659 : i1 to i32
        %cond3A_661 = arith.constant 0 : i32
        %cond3A_662 = arith.cmpi ne, %convert_element_type3A_660, %cond3A_661 : i32
        scf.if %cond3A_662 {
          %add3A_663 = arith.constant 1 : i32
          %add3A_664 = arith.addi %while3A_636, %add3A_663 : i32
          %mul3A_665 = arith.constant 1600 : i32
          %mul3A_666 = arith.muli %add3A_664, %mul3A_665 : i32
          %add3A_667 = arith.addi %add3A_82, %mul3A_666 : i32
          %mul3A_668 = arith.constant 8 : i32
          %mul3A_669 = arith.muli %add3A_667, %mul3A_668 : i32
          %add3A_670 = arith.constant 1 : i32
          %add3A_671 = arith.addi %while3A_636, %add3A_670 : i32
          %and3A_672 = arith.constant 1 : i32
          %and3A_673 = arith.andi %add3A_671, %and3A_672 : i32
          %mul3A_674 = arith.constant 12800 : i32
          %mul3A_675 = arith.muli %and3A_673, %mul3A_674 : i32
          %dma_wait3A = tpu.memref_slice %arg8[%mul3A_675] : memref<25600xf32, #tpu.memory_space<vmem>> -> memref<12800xf32, #tpu.memory_space<vmem>>
          %dma_wait3A_676 = tpu.memref_slice %arg3[%mul3A_669] : memref<52582400xf32, #tpu.memory_space<hbm>> -> memref<12800xf32, #tpu.memory_space<hbm>>
          %dma_wait3A_677 = tpu.memref_slice %arg8[%mul3A_675] : memref<25600xf32, #tpu.memory_space<vmem>> -> memref<12800xf32, #tpu.memory_space<vmem>>
          %dma_wait3A_678 = tpu.memref_slice %arg3[%mul3A_669] : memref<52582400xf32, #tpu.memory_space<hbm>> -> memref<12800xf32, #tpu.memory_space<hbm>>
          tpu.wait_dma2 semaphore(%arg16 : memref<!tpu.dma_semaphore, #tpu.memory_space<semaphore_mem>>) src(%dma_wait3A_678 : memref<12800xf32, #tpu.memory_space<hbm>>) dst(%dma_wait3A_677 : memref<12800xf32, #tpu.memory_space<vmem>>)
        } else {
        }
      }
      %while3A_230 = arith.constant 1 : i32
      scf.for %while3A_636 = %while3A_228 to %while3A_224 step %while3A_230  : i32 {
        %add3A_637 = arith.constant 1 : i32
        %add3A_638 = arith.addi %while3A_636, %add3A_637 : i32
        %lt3A_639 = arith.cmpi slt, %add3A_638, %squeeze3A_64 : i32
        %convert_element_type3A_640 = arith.extui %lt3A_639 : i1 to i32
        %cond3A_641 = arith.constant 0 : i32
        %cond3A_642 = arith.cmpi ne, %convert_element_type3A_640, %cond3A_641 : i32
        scf.if %cond3A_642 {
          %add3A_663 = arith.constant 1 : i32
          %add3A_664 = arith.addi %while3A_636, %add3A_663 : i32
          %mul3A_665 = arith.constant 1600 : i32
          %mul3A_666 = arith.muli %add3A_664, %mul3A_665 : i32
          %add3A_667 = arith.addi %add3A_82, %mul3A_666 : i32
          %mul3A_668 = arith.constant 8 : i32
          %mul3A_669 = arith.muli %add3A_667, %mul3A_668 : i32
          %add3A_670 = arith.constant 1 : i32
          %add3A_671 = arith.addi %while3A_636, %add3A_670 : i32
          %and3A_672 = arith.constant 1 : i32
          %and3A_673 = arith.andi %add3A_671, %and3A_672 : i32
          %mul3A_674 = arith.constant 12800 : i32
          %mul3A_675 = arith.muli %and3A_673, %mul3A_674 : i32
          %dma_start3A = tpu.memref_slice %arg8[%mul3A_675] : memref<25600xf32, #tpu.memory_space<vmem>> -> memref<12800xf32, #tpu.memory_space<vmem>>
          %dma_start3A_676 = tpu.memref_slice %arg3[%mul3A_669] : memref<52582400xf32, #tpu.memory_space<hbm>> -> memref<12800xf32, #tpu.memory_space<hbm>>
          %dma_start3A_677 = tpu.memref_slice %arg8[%mul3A_675] : memref<25600xf32, #tpu.memory_space<vmem>> -> memref<12800xf32, #tpu.memory_space<vmem>>
          %dma_start3A_678 = tpu.memref_slice %arg3[%mul3A_669] : memref<52582400xf32, #tpu.memory_space<hbm>> -> memref<12800xf32, #tpu.memory_space<hbm>>
          tpu.enqueue_dma source(%dma_start3A_678 : memref<12800xf32, #tpu.memory_space<hbm>>) target(%dma_start3A_677 : memref<12800xf32, #tpu.memory_space<vmem>>) target_semaphore(%arg16 : memref<!tpu.dma_semaphore, #tpu.memory_space<semaphore_mem>>)
        } else {
        }
        %and3A_643 = arith.constant 1 : i32
        %and3A_644 = arith.andi %while3A_636, %and3A_643 : i32
        %mul3A_645 = arith.constant 12800 : i32
        %mul3A_646 = arith.muli %and3A_644, %mul3A_645 : i32
        %shift_right_logical3A = arith.constant 1 : i32
        %shift_right_logical3A_647 = arith.shrui %squeeze3A_66, %shift_right_logical3A : i32
        %while3A_648 = arith.constant 0 : i32
        %while3A_649 = arith.subi %shift_right_logical3A_647, %while3A_648 : i32
        %while3A_650 = arith.addi %while3A_648, %while3A_649 : i32
        %while3A_651 = arith.constant 1 : i32
        %while3A_652 = arith.divsi %while3A_649, %while3A_651 : i32
        %while3A_653 = arith.muli %while3A_652, %while3A_651 : i32
        %while3A_654 = arith.addi %while3A_648, %while3A_653 : i32
        %while3A_655 = arith.constant 1 : i32
        scf.for %while3A_663 = %while3A_648 to %while3A_654 step %while3A_655  : i32 {
          %mul3A_664 = arith.constant 2 : i32
          %mul3A_665 = arith.muli %while3A_663, %mul3A_664 : i32
          %add3A_666 = arith.addi %squeeze3A_68, %mul3A_665 : i32
          %mul3A_667 = arith.constant 16 : i32
          %mul3A_668 = arith.muli %add3A_666, %mul3A_667 : i32
          %get3A_669 = arith.index_cast %mul3A_668 : i32 to index
          %get3A_670 = tpu.vector_load %arg9[%get3A_669] {strides = array<i32>} : memref<17408xi32, #tpu.memory_space<vmem>>, vector<16xi32>,
          %add3A_671 = vector.broadcast %mul3A_646 : i32 to vector<16xi32>
          %add3A_672 = arith.addi %get3A_670, %add3A_671 : vector<16xi32>
          %add3A_673 = arith.constant 16 : i32
          %add3A_674 = arith.addi %mul3A_668, %add3A_673 : i32
          %get3A_675 = arith.index_cast %add3A_674 : i32 to index
          %get3A_676 = tpu.vector_load %arg9[%get3A_675] {strides = array<i32>} : memref<17408xi32, #tpu.memory_space<vmem>>, vector<16xi32>,
          %add3A_677 = vector.broadcast %mul3A_646 : i32 to vector<16xi32>
          %add3A_678 = arith.addi %get3A_676, %add3A_677 : vector<16xi32>
          %gather3A = tpu.vector_load_idx %arg8[%add3A_672] : memref<25600xf32, #tpu.memory_space<vmem>>[vector<16xi32>], vector<16xf32>,
          %bitcast3A_679 = vector.bitcast %gather3A : vector<16xf32> to vector<16xi32>
          %shift_right_arithmetic3A = arith.constant 31 : i32
          %shift_right_arithmetic3A_680 = vector.broadcast %shift_right_arithmetic3A : i32 to vector<16xi32>
          %shift_right_arithmetic3A_681 = arith.shrsi %bitcast3A_679, %shift_right_arithmetic3A_680 : vector<16xi32>
          %or3A_682 = arith.constant -2147483648 : i32
          %or3A_683 = vector.broadcast %or3A_682 : i32 to vector<16xi32>
          %or3A_684 = arith.ori %shift_right_arithmetic3A_681, %or3A_683 : vector<16xi32>
          %xor3A = arith.xori %bitcast3A_679, %or3A_684 : vector<16xi32>
          %shift_right_logical3A_685 = arith.constant 21 : i32
          %shift_right_logical3A_686 = vector.broadcast %shift_right_logical3A_685 : i32 to vector<16xi32>
          %shift_right_logical3A_687 = arith.shrui %xor3A, %shift_right_logical3A_686 : vector<16xi32>
          %shift_right_logical3A_688 = arith.constant 10 : i32
          %shift_right_logical3A_689 = vector.broadcast %shift_right_logical3A_688 : i32 to vector<16xi32>
          %shift_right_logical3A_690 = arith.shrui %xor3A, %shift_right_logical3A_689 : vector<16xi32>
          %and3A_691 = arith.constant 2047 : i32
          %and3A_692 = vector.broadcast %and3A_691 : i32 to vector<16xi32>
          %and3A_693 = arith.andi %shift_right_logical3A_690, %and3A_692 : vector<16xi32>
          %add3A_694 = arith.constant 0 : i32
          %add3A_695 = vector.broadcast %add3A_694 : i32 to vector<16xi32>
          %add3A_696 = arith.addi %add3A_695, %and3A_693 : vector<16xi32>
          %eq3A_697 = vector.broadcast %reduce_max3A_134 : i32 to vector<16xi32>
          %eq3A_698 = arith.cmpi eq, %shift_right_logical3A_687, %eq3A_697 : vector<16xi32>
          tpu.vector_store_idx %arg13[%add3A_696], %broadcast_in_dim3A_31 masked %eq3A_698 {add = true} : memref<12304xi32, #tpu.memory_space<vmem>>[vector<16xi32>], vector<16xi32>, vector<16xi1>
          %add3A_699 = arith.constant 2048 : i32
          %add3A_700 = vector.broadcast %add3A_699 : i32 to vector<16xi32>
          %add3A_701 = arith.addi %add3A_700, %and3A_693 : vector<16xi32>
          %eq3A_702 = vector.broadcast %reduce_max3A_148 : i32 to vector<16xi32>
          %eq3A_703 = arith.cmpi eq, %shift_right_logical3A_687, %eq3A_702 : vector<16xi32>
          tpu.vector_store_idx %arg13[%add3A_701], %broadcast_in_dim3A_31 masked %eq3A_703 {add = true} : memref<12304xi32, #tpu.memory_space<vmem>>[vector<16xi32>], vector<16xi32>, vector<16xi1>
          %add3A_704 = arith.constant 4096 : i32
          %add3A_705 = vector.broadcast %add3A_704 : i32 to vector<16xi32>
          %add3A_706 = arith.addi %add3A_705, %and3A_693 : vector<16xi32>
          %eq3A_707 = vector.broadcast %reduce_max3A_162 : i32 to vector<16xi32>
          %eq3A_708 = arith.cmpi eq, %shift_right_logical3A_687, %eq3A_707 : vector<16xi32>
          tpu.vector_store_idx %arg13[%add3A_706], %broadcast_in_dim3A_31 masked %eq3A_708 {add = true} : memref<12304xi32, #tpu.memory_space<vmem>>[vector<16xi32>], vector<16xi32>, vector<16xi1>
          %add3A_709 = arith.constant 6144 : i32
          %add3A_710 = vector.broadcast %add3A_709 : i32 to vector<16xi32>
          %add3A_711 = arith.addi %add3A_710, %and3A_693 : vector<16xi32>
          %eq3A_712 = vector.broadcast %reduce_max3A_176 : i32 to vector<16xi32>
          %eq3A_713 = arith.cmpi eq, %shift_right_logical3A_687, %eq3A_712 : vector<16xi32>
          tpu.vector_store_idx %arg13[%add3A_711], %broadcast_in_dim3A_31 masked %eq3A_713 {add = true} : memref<12304xi32, #tpu.memory_space<vmem>>[vector<16xi32>], vector<16xi32>, vector<16xi1>
          %add3A_714 = arith.constant 8192 : i32
          %add3A_715 = vector.broadcast %add3A_714 : i32 to vector<16xi32>
          %add3A_716 = arith.addi %add3A_715, %and3A_693 : vector<16xi32>
          %eq3A_717 = vector.broadcast %reduce_max3A_190 : i32 to vector<16xi32>
          %eq3A_718 = arith.cmpi eq, %shift_right_logical3A_687, %eq3A_717 : vector<16xi32>
          tpu.vector_store_idx %arg13[%add3A_716], %broadcast_in_dim3A_31 masked %eq3A_718 {add = true} : memref<12304xi32, #tpu.memory_space<vmem>>[vector<16xi32>], vector<16xi32>, vector<16xi1>
          %add3A_719 = arith.constant 10240 : i32
          %add3A_720 = vector.broadcast %add3A_719 : i32 to vector<16xi32>
          %add3A_721 = arith.addi %add3A_720, %and3A_693 : vector<16xi32>
          %eq3A_722 = vector.broadcast %reduce_max3A_204 : i32 to vector<16xi32>
          %eq3A_723 = arith.cmpi eq, %shift_right_logical3A_687, %eq3A_722 : vector<16xi32>
          tpu.vector_store_idx %arg13[%add3A_721], %broadcast_in_dim3A_31 masked %eq3A_723 {add = true} : memref<12304xi32, #tpu.memory_space<vmem>>[vector<16xi32>], vector<16xi32>, vector<16xi1>
          %gather3A_724 = tpu.vector_load_idx %arg8[%add3A_678] : memref<25600xf32, #tpu.memory_space<vmem>>[vector<16xi32>], vector<16xf32>,
          %bitcast3A_725 = vector.bitcast %gather3A_724 : vector<16xf32> to vector<16xi32>
          %shift_right_arithmetic3A_726 = arith.constant 31 : i32
          %shift_right_arithmetic3A_727 = vector.broadcast %shift_right_arithmetic3A_726 : i32 to vector<16xi32>
          %shift_right_arithmetic3A_728 = arith.shrsi %bitcast3A_725, %shift_right_arithmetic3A_727 : vector<16xi32>
          %or3A_729 = arith.constant -2147483648 : i32
          %or3A_730 = vector.broadcast %or3A_729 : i32 to vector<16xi32>
          %or3A_731 = arith.ori %shift_right_arithmetic3A_728, %or3A_730 : vector<16xi32>
          %xor3A_732 = arith.xori %bitcast3A_725, %or3A_731 : vector<16xi32>
          %shift_right_logical3A_733 = arith.constant 21 : i32
          %shift_right_logical3A_734 = vector.broadcast %shift_right_logical3A_733 : i32 to vector<16xi32>
          %shift_right_logical3A_735 = arith.shrui %xor3A_732, %shift_right_logical3A_734 : vector<16xi32>
          %shift_right_logical3A_736 = arith.constant 10 : i32
          %shift_right_logical3A_737 = vector.broadcast %shift_right_logical3A_736 : i32 to vector<16xi32>
          %shift_right_logical3A_738 = arith.shrui %xor3A_732, %shift_right_logical3A_737 : vector<16xi32>
          %and3A_739 = arith.constant 2047 : i32
          %and3A_740 = vector.broadcast %and3A_739 : i32 to vector<16xi32>
          %and3A_741 = arith.andi %shift_right_logical3A_738, %and3A_740 : vector<16xi32>
          %add3A_742 = arith.constant 0 : i32
          %add3A_743 = vector.broadcast %add3A_742 : i32 to vector<16xi32>
          %add3A_744 = arith.addi %add3A_743, %and3A_741 : vector<16xi32>
          %eq3A_745 = vector.broadcast %reduce_max3A_134 : i32 to vector<16xi32>
          %eq3A_746 = arith.cmpi eq, %shift_right_logical3A_735, %eq3A_745 : vector<16xi32>
          tpu.vector_store_idx %arg13[%add3A_744], %broadcast_in_dim3A_31 masked %eq3A_746 {add = true} : memref<12304xi32, #tpu.memory_space<vmem>>[vector<16xi32>], vector<16xi32>, vector<16xi1>
          %add3A_747 = arith.constant 2048 : i32
          %add3A_748 = vector.broadcast %add3A_747 : i32 to vector<16xi32>
          %add3A_749 = arith.addi %add3A_748, %and3A_741 : vector<16xi32>
          %eq3A_750 = vector.broadcast %reduce_max3A_148 : i32 to vector<16xi32>
          %eq3A_751 = arith.cmpi eq, %shift_right_logical3A_735, %eq3A_750 : vector<16xi32>
          tpu.vector_store_idx %arg13[%add3A_749], %broadcast_in_dim3A_31 masked %eq3A_751 {add = true} : memref<12304xi32, #tpu.memory_space<vmem>>[vector<16xi32>], vector<16xi32>, vector<16xi1>
          %add3A_752 = arith.constant 4096 : i32
          %add3A_753 = vector.broadcast %add3A_752 : i32 to vector<16xi32>
          %add3A_754 = arith.addi %add3A_753, %and3A_741 : vector<16xi32>
          %eq3A_755 = vector.broadcast %reduce_max3A_162 : i32 to vector<16xi32>
          %eq3A_756 = arith.cmpi eq, %shift_right_logical3A_735, %eq3A_755 : vector<16xi32>
          tpu.vector_store_idx %arg13[%add3A_754], %broadcast_in_dim3A_31 masked %eq3A_756 {add = true} : memref<12304xi32, #tpu.memory_space<vmem>>[vector<16xi32>], vector<16xi32>, vector<16xi1>
          %add3A_757 = arith.constant 6144 : i32
          %add3A_758 = vector.broadcast %add3A_757 : i32 to vector<16xi32>
          %add3A_759 = arith.addi %add3A_758, %and3A_741 : vector<16xi32>
          %eq3A_760 = vector.broadcast %reduce_max3A_176 : i32 to vector<16xi32>
          %eq3A_761 = arith.cmpi eq, %shift_right_logical3A_735, %eq3A_760 : vector<16xi32>
          tpu.vector_store_idx %arg13[%add3A_759], %broadcast_in_dim3A_31 masked %eq3A_761 {add = true} : memref<12304xi32, #tpu.memory_space<vmem>>[vector<16xi32>], vector<16xi32>, vector<16xi1>
          %add3A_762 = arith.constant 8192 : i32
          %add3A_763 = vector.broadcast %add3A_762 : i32 to vector<16xi32>
          %add3A_764 = arith.addi %add3A_763, %and3A_741 : vector<16xi32>
          %eq3A_765 = vector.broadcast %reduce_max3A_190 : i32 to vector<16xi32>
          %eq3A_766 = arith.cmpi eq, %shift_right_logical3A_735, %eq3A_765 : vector<16xi32>
          tpu.vector_store_idx %arg13[%add3A_764], %broadcast_in_dim3A_31 masked %eq3A_766 {add = true} : memref<12304xi32, #tpu.memory_space<vmem>>[vector<16xi32>], vector<16xi32>, vector<16xi1>
          %add3A_767 = arith.constant 10240 : i32
          %add3A_768 = vector.broadcast %add3A_767 : i32 to vector<16xi32>
          %add3A_769 = arith.addi %add3A_768, %and3A_741 : vector<16xi32>
          %eq3A_770 = vector.broadcast %reduce_max3A_204 : i32 to vector<16xi32>
          %eq3A_771 = arith.cmpi eq, %shift_right_logical3A_735, %eq3A_770 : vector<16xi32>
          tpu.vector_store_idx %arg13[%add3A_769], %broadcast_in_dim3A_31 masked %eq3A_771 {add = true} : memref<12304xi32, #tpu.memory_space<vmem>>[vector<16xi32>], vector<16xi32>, vector<16xi1>
        }
        %while3A_656 = arith.constant 1 : i32
        scf.for %while3A_663 = %while3A_654 to %while3A_650 step %while3A_656  : i32 {
          %mul3A_664 = arith.constant 2 : i32
          %mul3A_665 = arith.muli %while3A_663, %mul3A_664 : i32
          %add3A_666 = arith.addi %squeeze3A_68, %mul3A_665 : i32
          %mul3A_667 = arith.constant 16 : i32
          %mul3A_668 = arith.muli %add3A_666, %mul3A_667 : i32
          %get3A_669 = arith.index_cast %mul3A_668 : i32 to index
          %get3A_670 = tpu.vector_load %arg9[%get3A_669] {strides = array<i32>} : memref<17408xi32, #tpu.memory_space<vmem>>, vector<16xi32>,
          %add3A_671 = vector.broadcast %mul3A_646 : i32 to vector<16xi32>
          %add3A_672 = arith.addi %get3A_670, %add3A_671 : vector<16xi32>
          %add3A_673 = arith.constant 16 : i32
          %add3A_674 = arith.addi %mul3A_668, %add3A_673 : i32
          %get3A_675 = arith.index_cast %add3A_674 : i32 to index
          %get3A_676 = tpu.vector_load %arg9[%get3A_675] {strides = array<i32>} : memref<17408xi32, #tpu.memory_space<vmem>>, vector<16xi32>,
          %add3A_677 = vector.broadcast %mul3A_646 : i32 to vector<16xi32>
          %add3A_678 = arith.addi %get3A_676, %add3A_677 : vector<16xi32>
          %gather3A = tpu.vector_load_idx %arg8[%add3A_672] : memref<25600xf32, #tpu.memory_space<vmem>>[vector<16xi32>], vector<16xf32>,
          %bitcast3A_679 = vector.bitcast %gather3A : vector<16xf32> to vector<16xi32>
          %shift_right_arithmetic3A = arith.constant 31 : i32
          %shift_right_arithmetic3A_680 = vector.broadcast %shift_right_arithmetic3A : i32 to vector<16xi32>
          %shift_right_arithmetic3A_681 = arith.shrsi %bitcast3A_679, %shift_right_arithmetic3A_680 : vector<16xi32>
          %or3A_682 = arith.constant -2147483648 : i32
          %or3A_683 = vector.broadcast %or3A_682 : i32 to vector<16xi32>
          %or3A_684 = arith.ori %shift_right_arithmetic3A_681, %or3A_683 : vector<16xi32>
          %xor3A = arith.xori %bitcast3A_679, %or3A_684 : vector<16xi32>
          %shift_right_logical3A_685 = arith.constant 21 : i32
          %shift_right_logical3A_686 = vector.broadcast %shift_right_logical3A_685 : i32 to vector<16xi32>
          %shift_right_logical3A_687 = arith.shrui %xor3A, %shift_right_logical3A_686 : vector<16xi32>
          %shift_right_logical3A_688 = arith.constant 10 : i32
          %shift_right_logical3A_689 = vector.broadcast %shift_right_logical3A_688 : i32 to vector<16xi32>
          %shift_right_logical3A_690 = arith.shrui %xor3A, %shift_right_logical3A_689 : vector<16xi32>
          %and3A_691 = arith.constant 2047 : i32
          %and3A_692 = vector.broadcast %and3A_691 : i32 to vector<16xi32>
          %and3A_693 = arith.andi %shift_right_logical3A_690, %and3A_692 : vector<16xi32>
          %add3A_694 = arith.constant 0 : i32
          %add3A_695 = vector.broadcast %add3A_694 : i32 to vector<16xi32>
          %add3A_696 = arith.addi %add3A_695, %and3A_693 : vector<16xi32>
          %eq3A_697 = vector.broadcast %reduce_max3A_134 : i32 to vector<16xi32>
          %eq3A_698 = arith.cmpi eq, %shift_right_logical3A_687, %eq3A_697 : vector<16xi32>
          tpu.vector_store_idx %arg13[%add3A_696], %broadcast_in_dim3A_31 masked %eq3A_698 {add = true} : memref<12304xi32, #tpu.memory_space<vmem>>[vector<16xi32>], vector<16xi32>, vector<16xi1>
          %add3A_699 = arith.constant 2048 : i32
          %add3A_700 = vector.broadcast %add3A_699 : i32 to vector<16xi32>
          %add3A_701 = arith.addi %add3A_700, %and3A_693 : vector<16xi32>
          %eq3A_702 = vector.broadcast %reduce_max3A_148 : i32 to vector<16xi32>
          %eq3A_703 = arith.cmpi eq, %shift_right_logical3A_687, %eq3A_702 : vector<16xi32>
          tpu.vector_store_idx %arg13[%add3A_701], %broadcast_in_dim3A_31 masked %eq3A_703 {add = true} : memref<12304xi32, #tpu.memory_space<vmem>>[vector<16xi32>], vector<16xi32>, vector<16xi1>
          %add3A_704 = arith.constant 4096 : i32
          %add3A_705 = vector.broadcast %add3A_704 : i32 to vector<16xi32>
          %add3A_706 = arith.addi %add3A_705, %and3A_693 : vector<16xi32>
          %eq3A_707 = vector.broadcast %reduce_max3A_162 : i32 to vector<16xi32>
          %eq3A_708 = arith.cmpi eq, %shift_right_logical3A_687, %eq3A_707 : vector<16xi32>
          tpu.vector_store_idx %arg13[%add3A_706], %broadcast_in_dim3A_31 masked %eq3A_708 {add = true} : memref<12304xi32, #tpu.memory_space<vmem>>[vector<16xi32>], vector<16xi32>, vector<16xi1>
          %add3A_709 = arith.constant 6144 : i32
          %add3A_710 = vector.broadcast %add3A_709 : i32 to vector<16xi32>
          %add3A_711 = arith.addi %add3A_710, %and3A_693 : vector<16xi32>
          %eq3A_712 = vector.broadcast %reduce_max3A_176 : i32 to vector<16xi32>
          %eq3A_713 = arith.cmpi eq, %shift_right_logical3A_687, %eq3A_712 : vector<16xi32>
          tpu.vector_store_idx %arg13[%add3A_711], %broadcast_in_dim3A_31 masked %eq3A_713 {add = true} : memref<12304xi32, #tpu.memory_space<vmem>>[vector<16xi32>], vector<16xi32>, vector<16xi1>
          %add3A_714 = arith.constant 8192 : i32
          %add3A_715 = vector.broadcast %add3A_714 : i32 to vector<16xi32>
          %add3A_716 = arith.addi %add3A_715, %and3A_693 : vector<16xi32>
          %eq3A_717 = vector.broadcast %reduce_max3A_190 : i32 to vector<16xi32>
          %eq3A_718 = arith.cmpi eq, %shift_right_logical3A_687, %eq3A_717 : vector<16xi32>
          tpu.vector_store_idx %arg13[%add3A_716], %broadcast_in_dim3A_31 masked %eq3A_718 {add = true} : memref<12304xi32, #tpu.memory_space<vmem>>[vector<16xi32>], vector<16xi32>, vector<16xi1>
          %add3A_719 = arith.constant 10240 : i32
          %add3A_720 = vector.broadcast %add3A_719 : i32 to vector<16xi32>
          %add3A_721 = arith.addi %add3A_720, %and3A_693 : vector<16xi32>
          %eq3A_722 = vector.broadcast %reduce_max3A_204 : i32 to vector<16xi32>
          %eq3A_723 = arith.cmpi eq, %shift_right_logical3A_687, %eq3A_722 : vector<16xi32>
          tpu.vector_store_idx %arg13[%add3A_721], %broadcast_in_dim3A_31 masked %eq3A_723 {add = true} : memref<12304xi32, #tpu.memory_space<vmem>>[vector<16xi32>], vector<16xi32>, vector<16xi1>
          %gather3A_724 = tpu.vector_load_idx %arg8[%add3A_678] : memref<25600xf32, #tpu.memory_space<vmem>>[vector<16xi32>], vector<16xf32>,
          %bitcast3A_725 = vector.bitcast %gather3A_724 : vector<16xf32> to vector<16xi32>
          %shift_right_arithmetic3A_726 = arith.constant 31 : i32
          %shift_right_arithmetic3A_727 = vector.broadcast %shift_right_arithmetic3A_726 : i32 to vector<16xi32>
          %shift_right_arithmetic3A_728 = arith.shrsi %bitcast3A_725, %shift_right_arithmetic3A_727 : vector<16xi32>
          %or3A_729 = arith.constant -2147483648 : i32
          %or3A_730 = vector.broadcast %or3A_729 : i32 to vector<16xi32>
          %or3A_731 = arith.ori %shift_right_arithmetic3A_728, %or3A_730 : vector<16xi32>
          %xor3A_732 = arith.xori %bitcast3A_725, %or3A_731 : vector<16xi32>
          %shift_right_logical3A_733 = arith.constant 21 : i32
          %shift_right_logical3A_734 = vector.broadcast %shift_right_logical3A_733 : i32 to vector<16xi32>
          %shift_right_logical3A_735 = arith.shrui %xor3A_732, %shift_right_logical3A_734 : vector<16xi32>
          %shift_right_logical3A_736 = arith.constant 10 : i32
          %shift_right_logical3A_737 = vector.broadcast %shift_right_logical3A_736 : i32 to vector<16xi32>
          %shift_right_logical3A_738 = arith.shrui %xor3A_732, %shift_right_logical3A_737 : vector<16xi32>
          %and3A_739 = arith.constant 2047 : i32
          %and3A_740 = vector.broadcast %and3A_739 : i32 to vector<16xi32>
          %and3A_741 = arith.andi %shift_right_logical3A_738, %and3A_740 : vector<16xi32>
          %add3A_742 = arith.constant 0 : i32
          %add3A_743 = vector.broadcast %add3A_742 : i32 to vector<16xi32>
          %add3A_744 = arith.addi %add3A_743, %and3A_741 : vector<16xi32>
          %eq3A_745 = vector.broadcast %reduce_max3A_134 : i32 to vector<16xi32>
          %eq3A_746 = arith.cmpi eq, %shift_right_logical3A_735, %eq3A_745 : vector<16xi32>
          tpu.vector_store_idx %arg13[%add3A_744], %broadcast_in_dim3A_31 masked %eq3A_746 {add = true} : memref<12304xi32, #tpu.memory_space<vmem>>[vector<16xi32>], vector<16xi32>, vector<16xi1>
          %add3A_747 = arith.constant 2048 : i32
          %add3A_748 = vector.broadcast %add3A_747 : i32 to vector<16xi32>
          %add3A_749 = arith.addi %add3A_748, %and3A_741 : vector<16xi32>
          %eq3A_750 = vector.broadcast %reduce_max3A_148 : i32 to vector<16xi32>
          %eq3A_751 = arith.cmpi eq, %shift_right_logical3A_735, %eq3A_750 : vector<16xi32>
          tpu.vector_store_idx %arg13[%add3A_749], %broadcast_in_dim3A_31 masked %eq3A_751 {add = true} : memref<12304xi32, #tpu.memory_space<vmem>>[vector<16xi32>], vector<16xi32>, vector<16xi1>
          %add3A_752 = arith.constant 4096 : i32
          %add3A_753 = vector.broadcast %add3A_752 : i32 to vector<16xi32>
          %add3A_754 = arith.addi %add3A_753, %and3A_741 : vector<16xi32>
          %eq3A_755 = vector.broadcast %reduce_max3A_162 : i32 to vector<16xi32>
          %eq3A_756 = arith.cmpi eq, %shift_right_logical3A_735, %eq3A_755 : vector<16xi32>
          tpu.vector_store_idx %arg13[%add3A_754], %broadcast_in_dim3A_31 masked %eq3A_756 {add = true} : memref<12304xi32, #tpu.memory_space<vmem>>[vector<16xi32>], vector<16xi32>, vector<16xi1>
          %add3A_757 = arith.constant 6144 : i32
          %add3A_758 = vector.broadcast %add3A_757 : i32 to vector<16xi32>
          %add3A_759 = arith.addi %add3A_758, %and3A_741 : vector<16xi32>
          %eq3A_760 = vector.broadcast %reduce_max3A_176 : i32 to vector<16xi32>
          %eq3A_761 = arith.cmpi eq, %shift_right_logical3A_735, %eq3A_760 : vector<16xi32>
          tpu.vector_store_idx %arg13[%add3A_759], %broadcast_in_dim3A_31 masked %eq3A_761 {add = true} : memref<12304xi32, #tpu.memory_space<vmem>>[vector<16xi32>], vector<16xi32>, vector<16xi1>
          %add3A_762 = arith.constant 8192 : i32
          %add3A_763 = vector.broadcast %add3A_762 : i32 to vector<16xi32>
          %add3A_764 = arith.addi %add3A_763, %and3A_741 : vector<16xi32>
          %eq3A_765 = vector.broadcast %reduce_max3A_190 : i32 to vector<16xi32>
          %eq3A_766 = arith.cmpi eq, %shift_right_logical3A_735, %eq3A_765 : vector<16xi32>
          tpu.vector_store_idx %arg13[%add3A_764], %broadcast_in_dim3A_31 masked %eq3A_766 {add = true} : memref<12304xi32, #tpu.memory_space<vmem>>[vector<16xi32>], vector<16xi32>, vector<16xi1>
          %add3A_767 = arith.constant 10240 : i32
          %add3A_768 = vector.broadcast %add3A_767 : i32 to vector<16xi32>
          %add3A_769 = arith.addi %add3A_768, %and3A_741 : vector<16xi32>
          %eq3A_770 = vector.broadcast %reduce_max3A_204 : i32 to vector<16xi32>
          %eq3A_771 = arith.cmpi eq, %shift_right_logical3A_735, %eq3A_770 : vector<16xi32>
          tpu.vector_store_idx %arg13[%add3A_769], %broadcast_in_dim3A_31 masked %eq3A_771 {add = true} : memref<12304xi32, #tpu.memory_space<vmem>>[vector<16xi32>], vector<16xi32>, vector<16xi1>
        }
        %add3A_657 = arith.constant 1 : i32
        %add3A_658 = arith.addi %while3A_636, %add3A_657 : i32
        %lt3A_659 = arith.cmpi slt, %add3A_658, %squeeze3A_64 : i32
        %convert_element_type3A_660 = arith.extui %lt3A_659 : i1 to i32
        %cond3A_661 = arith.constant 0 : i32
        %cond3A_662 = arith.cmpi ne, %convert_element_type3A_660, %cond3A_661 : i32
        scf.if %cond3A_662 {
          %add3A_663 = arith.constant 1 : i32
          %add3A_664 = arith.addi %while3A_636, %add3A_663 : i32
          %mul3A_665 = arith.constant 1600 : i32
          %mul3A_666 = arith.muli %add3A_664, %mul3A_665 : i32
          %add3A_667 = arith.addi %add3A_82, %mul3A_666 : i32
          %mul3A_668 = arith.constant 8 : i32
          %mul3A_669 = arith.muli %add3A_667, %mul3A_668 : i32
          %add3A_670 = arith.constant 1 : i32
          %add3A_671 = arith.addi %while3A_636, %add3A_670 : i32
          %and3A_672 = arith.constant 1 : i32
          %and3A_673 = arith.andi %add3A_671, %and3A_672 : i32
          %mul3A_674 = arith.constant 12800 : i32
          %mul3A_675 = arith.muli %and3A_673, %mul3A_674 : i32
          %dma_wait3A = tpu.memref_slice %arg8[%mul3A_675] : memref<25600xf32, #tpu.memory_space<vmem>> -> memref<12800xf32, #tpu.memory_space<vmem>>
          %dma_wait3A_676 = tpu.memref_slice %arg3[%mul3A_669] : memref<52582400xf32, #tpu.memory_space<hbm>> -> memref<12800xf32, #tpu.memory_space<hbm>>
          %dma_wait3A_677 = tpu.memref_slice %arg8[%mul3A_675] : memref<25600xf32, #tpu.memory_space<vmem>> -> memref<12800xf32, #tpu.memory_space<vmem>>
          %dma_wait3A_678 = tpu.memref_slice %arg3[%mul3A_669] : memref<52582400xf32, #tpu.memory_space<hbm>> -> memref<12800xf32, #tpu.memory_space<hbm>>
          tpu.wait_dma2 semaphore(%arg16 : memref<!tpu.dma_semaphore, #tpu.memory_space<semaphore_mem>>) src(%dma_wait3A_678 : memref<12800xf32, #tpu.memory_space<hbm>>) dst(%dma_wait3A_677 : memref<12800xf32, #tpu.memory_space<vmem>>)
        } else {
        }
      }
      %scan3A_231 = arith.constant 0 : i32
      %scan3A_232 = arith.constant 6 : i32
      %scan3A_233 = arith.addi %scan3A_231, %scan3A_232 : i32
      %scan3A_234 = arith.constant 1 : i32
      %scan3A_235:2 = scf.for %scan3A_636 = %scan3A_231 to %scan3A_233 step %scan3A_234 iter_args(%scan3A_637 = %broadcast_in_dim3A_33, %scan3A_638 = %broadcast_in_dim3A_33) -> (vector<16xi32>, vector<16xi32>)  : i32 {
        %eq3A_639 = vector.broadcast %scan3A_636 : i32 to vector<16xi32>
        %eq3A_640 = arith.cmpi eq, %iota3A, %eq3A_639 : vector<16xi32>
        %jit3A_641 = arith.constant -2147483648 : i32
        %broadcast_in_dim3A_642 = vector.broadcast %jit3A_641 : i32 to vector<16xi32>
        %select_n3A_643 = arith.select %eq3A_640, %iota3A, %broadcast_in_dim3A_642 : vector<16xi1>, vector<16xi32>
        %reduce_max3A_644 = arith.constant true
        %reduce_max3A_645 = vector.broadcast %reduce_max3A_644 : i1 to vector<16xi1>
        %reduce_max3A_646 = arith.constant -2147483648 : i32
        %reduce_max3A_647 = vector.broadcast %reduce_max3A_646 : i32 to vector<16xi32>
        %reduce_max3A_648 = arith.xori %select_n3A_643, %reduce_max3A_647 : vector<16xi32>
        %reduce_max3A_649 = tpu.scan <max>, %reduce_max3A_648 masked %reduce_max3A_645 : vector<16xi32>, vector<16xi1> -> vector<16xi32>
        %reduce_max3A_650 = arith.xori %reduce_max3A_649, %reduce_max3A_647 : vector<16xi32>
        %reduce_max3A_651 = vector.extract %reduce_max3A_650[15] : i32 from vector<16xi32>
        %mul3A_652 = arith.constant 2048 : i32
        %mul3A_653 = arith.muli %reduce_max3A_651, %mul3A_652 : i32
        %eq3A_654 = vector.broadcast %scan3A_636 : i32 to vector<16xi32>
        %eq3A_655 = arith.cmpi eq, %iota3A, %eq3A_654 : vector<16xi32>
        %jit3A_656 = arith.constant -2147483648 : i32
        %broadcast_in_dim3A_657 = vector.broadcast %jit3A_656 : i32 to vector<16xi32>
        %select_n3A_658 = arith.select %eq3A_655, %scan3A_120#1, %broadcast_in_dim3A_657 : vector<16xi1>, vector<16xi32>
        %reduce_max3A_659 = arith.constant true
        %reduce_max3A_660 = vector.broadcast %reduce_max3A_659 : i1 to vector<16xi1>
        %reduce_max3A_661 = arith.constant -2147483648 : i32
        %reduce_max3A_662 = vector.broadcast %reduce_max3A_661 : i32 to vector<16xi32>
        %reduce_max3A_663 = arith.xori %select_n3A_658, %reduce_max3A_662 : vector<16xi32>
        %reduce_max3A_664 = tpu.scan <max>, %reduce_max3A_663 masked %reduce_max3A_660 : vector<16xi32>, vector<16xi1> -> vector<16xi32>
        %reduce_max3A_665 = arith.xori %reduce_max3A_664, %reduce_max3A_662 : vector<16xi32>
        %reduce_max3A_666 = vector.extract %reduce_max3A_665[15] : i32 from vector<16xi32>
        %scan3A_667 = arith.constant 0 : i32
        %scan3A_668 = arith.constant -1 : i32
        %scan3A_669 = arith.constant 0 : i32
        %scan3A_670 = arith.constant 0 : i32
        %scan3A_671 = arith.constant 128 : i32
        %scan3A_672 = arith.addi %scan3A_670, %scan3A_671 : i32
        %scan3A_673 = arith.constant 1 : i32
        %scan3A_674:3 = scf.for %scan3A_684 = %scan3A_670 to %scan3A_672 step %scan3A_673 iter_args(%scan3A_685 = %scan3A_667, %scan3A_686 = %scan3A_668, %scan3A_687 = %scan3A_669) -> (i32, i32, i32)  : i32 {
          %mul3A_688 = arith.constant 16 : i32
          %mul3A_689 = arith.muli %scan3A_684, %mul3A_688 : i32
          %add3A_690 = arith.addi %mul3A_653, %mul3A_689 : i32
          %get3A_691 = arith.index_cast %add3A_690 : i32 to index
          %get3A_692 = tpu.vector_load %arg13[%get3A_691] {strides = array<i32>} : memref<12304xi32, #tpu.memory_space<vmem>>, vector<16xi32>,
          %broadcast_in_dim3A_693 = arith.constant true
          %broadcast_in_dim3A_694 = vector.broadcast %broadcast_in_dim3A_693 : i1 to vector<16xi1>
          %masked_cumsum3A = tpu.scan <sum>, %get3A_692 masked %broadcast_in_dim3A_694 : vector<16xi32>, vector<16xi1> -> vector<16xi32>
          %reduce_max3A_695 = arith.constant true
          %reduce_max3A_696 = vector.broadcast %reduce_max3A_695 : i1 to vector<16xi1>
          %reduce_max3A_697 = arith.constant -2147483648 : i32
          %reduce_max3A_698 = vector.broadcast %reduce_max3A_697 : i32 to vector<16xi32>
          %reduce_max3A_699 = arith.xori %masked_cumsum3A, %reduce_max3A_698 : vector<16xi32>
          %reduce_max3A_700 = tpu.scan <max>, %reduce_max3A_699 masked %reduce_max3A_696 : vector<16xi32>, vector<16xi1> -> vector<16xi32>
          %reduce_max3A_701 = arith.xori %reduce_max3A_700, %reduce_max3A_698 : vector<16xi32>
          %reduce_max3A_702 = vector.extract %reduce_max3A_701[15] : i32 from vector<16xi32>
          %add3A_703 = vector.broadcast %scan3A_685 : i32 to vector<16xi32>
          %add3A_704 = arith.addi %add3A_703, %masked_cumsum3A : vector<16xi32>
          %gt3A = vector.broadcast %reduce_max3A_666 : i32 to vector<16xi32>
          %gt3A_705 = arith.cmpi sgt, %add3A_704, %gt3A : vector<16xi32>
          %jit3A_706 = arith.constant 0 : i32
          %jit3A_707 = arith.constant 1 : i32
          %broadcast_in_dim3A_708 = vector.broadcast %jit3A_706 : i32 to vector<16xi32>
          %broadcast_in_dim3A_709 = vector.broadcast %jit3A_707 : i32 to vector<16xi32>
          %select_n3A_710 = arith.select %gt3A_705, %broadcast_in_dim3A_708, %broadcast_in_dim3A_709 : vector<16xi1>, vector<16xi32>
          %reduce_sum3A_711 = arith.constant true
          %reduce_sum3A_712 = vector.broadcast %reduce_sum3A_711 : i1 to vector<16xi1>
          %reduce_sum3A_713 = tpu.scan <sum>, %select_n3A_710 masked %reduce_sum3A_712 : vector<16xi32>, vector<16xi1> -> vector<16xi32>
          %reduce_sum3A_714 = vector.extract %reduce_sum3A_713[15] : i32 from vector<16xi32>
          %jit3A_715 = arith.constant 0 : i32
          %broadcast_in_dim3A_716 = vector.broadcast %jit3A_715 : i32 to vector<16xi32>
          %select_n3A_717 = arith.select %gt3A_705, %broadcast_in_dim3A_716, %masked_cumsum3A : vector<16xi1>, vector<16xi32>
          %reduce_max3A_718 = arith.constant true
          %reduce_max3A_719 = vector.broadcast %reduce_max3A_718 : i1 to vector<16xi1>
          %reduce_max3A_720 = arith.constant -2147483648 : i32
          %reduce_max3A_721 = vector.broadcast %reduce_max3A_720 : i32 to vector<16xi32>
          %reduce_max3A_722 = arith.xori %select_n3A_717, %reduce_max3A_721 : vector<16xi32>
          %reduce_max3A_723 = tpu.scan <max>, %reduce_max3A_722 masked %reduce_max3A_719 : vector<16xi32>, vector<16xi1> -> vector<16xi32>
          %reduce_max3A_724 = arith.xori %reduce_max3A_723, %reduce_max3A_721 : vector<16xi32>
          %reduce_max3A_725 = vector.extract %reduce_max3A_724[15] : i32 from vector<16xi32>
          %add3A_726 = arith.addi %scan3A_685, %reduce_max3A_725 : i32
          %lt3A_727 = arith.constant 16 : i32
          %lt3A_728 = arith.cmpi slt, %reduce_sum3A_714, %lt3A_727 : i32
          %lt3A_729 = arith.constant 0 : i32
          %lt3A_730 = arith.cmpi slt, %scan3A_686, %lt3A_729 : i32
          %and3A_731 = arith.andi %lt3A_728, %lt3A_730 : i1
          %mul3A_732 = arith.constant 16 : i32
          %mul3A_733 = arith.muli %scan3A_684, %mul3A_732 : i32
          %add3A_734 = arith.addi %mul3A_733, %reduce_sum3A_714 : i32
          %select_n3A_735 = arith.select %and3A_731, %add3A_734, %scan3A_686 : i32
          %sub3A_736 = arith.subi %reduce_max3A_666, %add3A_726 : i32
          %select_n3A_737 = arith.select %and3A_731, %sub3A_736, %scan3A_687 : i32
          %add3A_738 = arith.addi %scan3A_685, %reduce_max3A_702 : i32
          scf.yield %add3A_738, %select_n3A_735, %select_n3A_737 : i32, i32, i32
        }
        %scan3A_675 = arith.constant 128 : i32
        %eq3A_676 = vector.broadcast %scan3A_636 : i32 to vector<16xi32>
        %eq3A_677 = arith.cmpi eq, %iota3A, %eq3A_676 : vector<16xi32>
        %broadcast_in_dim3A_678 = vector.broadcast %scan3A_674#1 : i32 to vector<16xi32>
        %select_n3A_679 = arith.select %eq3A_677, %broadcast_in_dim3A_678, %scan3A_637 : vector<16xi1>, vector<16xi32>
        %eq3A_680 = vector.broadcast %scan3A_636 : i32 to vector<16xi32>
        %eq3A_681 = arith.cmpi eq, %iota3A, %eq3A_680 : vector<16xi32>
        %broadcast_in_dim3A_682 = vector.broadcast %scan3A_674#2 : i32 to vector<16xi32>
        %select_n3A_683 = arith.select %eq3A_681, %broadcast_in_dim3A_682, %scan3A_638 : vector<16xi1>, vector<16xi32>
        scf.yield %select_n3A_679, %select_n3A_683 : vector<16xi32>, vector<16xi32>
      }
      %scan3A_236 = arith.constant 6 : i32
      %eq3A_237 = arith.constant 0 : i32
      %eq3A_238 = vector.broadcast %eq3A_237 : i32 to vector<16xi32>
      %eq3A_239 = arith.cmpi eq, %iota3A, %eq3A_238 : vector<16xi32>
      %jit3A_240 = arith.constant -2147483648 : i32
      %broadcast_in_dim3A_241 = vector.broadcast %jit3A_240 : i32 to vector<16xi32>
      %select_n3A_242 = arith.select %eq3A_239, %scan3A_235#0, %broadcast_in_dim3A_241 : vector<16xi1>, vector<16xi32>
      %reduce_max3A_243 = arith.constant true
      %reduce_max3A_244 = vector.broadcast %reduce_max3A_243 : i1 to vector<16xi1>
      %reduce_max3A_245 = arith.constant -2147483648 : i32
      %reduce_max3A_246 = vector.broadcast %reduce_max3A_245 : i32 to vector<16xi32>
      %reduce_max3A_247 = arith.xori %select_n3A_242, %reduce_max3A_246 : vector<16xi32>
      %reduce_max3A_248 = tpu.scan <max>, %reduce_max3A_247 masked %reduce_max3A_244 : vector<16xi32>, vector<16xi1> -> vector<16xi32>
      %reduce_max3A_249 = arith.xori %reduce_max3A_248, %reduce_max3A_246 : vector<16xi32>
      %reduce_max3A_250 = vector.extract %reduce_max3A_249[15] : i32 from vector<16xi32>
      %eq3A_251 = arith.constant 1 : i32
      %eq3A_252 = vector.broadcast %eq3A_251 : i32 to vector<16xi32>
      %eq3A_253 = arith.cmpi eq, %iota3A, %eq3A_252 : vector<16xi32>
      %jit3A_254 = arith.constant -2147483648 : i32
      %broadcast_in_dim3A_255 = vector.broadcast %jit3A_254 : i32 to vector<16xi32>
      %select_n3A_256 = arith.select %eq3A_253, %scan3A_235#0, %broadcast_in_dim3A_255 : vector<16xi1>, vector<16xi32>
      %reduce_max3A_257 = arith.constant true
      %reduce_max3A_258 = vector.broadcast %reduce_max3A_257 : i1 to vector<16xi1>
      %reduce_max3A_259 = arith.constant -2147483648 : i32
      %reduce_max3A_260 = vector.broadcast %reduce_max3A_259 : i32 to vector<16xi32>
      %reduce_max3A_261 = arith.xori %select_n3A_256, %reduce_max3A_260 : vector<16xi32>
      %reduce_max3A_262 = tpu.scan <max>, %reduce_max3A_261 masked %reduce_max3A_258 : vector<16xi32>, vector<16xi1> -> vector<16xi32>
      %reduce_max3A_263 = arith.xori %reduce_max3A_262, %reduce_max3A_260 : vector<16xi32>
      %reduce_max3A_264 = vector.extract %reduce_max3A_263[15] : i32 from vector<16xi32>
      %eq3A_265 = arith.constant 2 : i32
      %eq3A_266 = vector.broadcast %eq3A_265 : i32 to vector<16xi32>
      %eq3A_267 = arith.cmpi eq, %iota3A, %eq3A_266 : vector<16xi32>
      %jit3A_268 = arith.constant -2147483648 : i32
      %broadcast_in_dim3A_269 = vector.broadcast %jit3A_268 : i32 to vector<16xi32>
      %select_n3A_270 = arith.select %eq3A_267, %scan3A_235#0, %broadcast_in_dim3A_269 : vector<16xi1>, vector<16xi32>
      %reduce_max3A_271 = arith.constant true
      %reduce_max3A_272 = vector.broadcast %reduce_max3A_271 : i1 to vector<16xi1>
      %reduce_max3A_273 = arith.constant -2147483648 : i32
      %reduce_max3A_274 = vector.broadcast %reduce_max3A_273 : i32 to vector<16xi32>
      %reduce_max3A_275 = arith.xori %select_n3A_270, %reduce_max3A_274 : vector<16xi32>
      %reduce_max3A_276 = tpu.scan <max>, %reduce_max3A_275 masked %reduce_max3A_272 : vector<16xi32>, vector<16xi1> -> vector<16xi32>
      %reduce_max3A_277 = arith.xori %reduce_max3A_276, %reduce_max3A_274 : vector<16xi32>
      %reduce_max3A_278 = vector.extract %reduce_max3A_277[15] : i32 from vector<16xi32>
      %eq3A_279 = arith.constant 3 : i32
      %eq3A_280 = vector.broadcast %eq3A_279 : i32 to vector<16xi32>
      %eq3A_281 = arith.cmpi eq, %iota3A, %eq3A_280 : vector<16xi32>
      %jit3A_282 = arith.constant -2147483648 : i32
      %broadcast_in_dim3A_283 = vector.broadcast %jit3A_282 : i32 to vector<16xi32>
      %select_n3A_284 = arith.select %eq3A_281, %scan3A_235#0, %broadcast_in_dim3A_283 : vector<16xi1>, vector<16xi32>
      %reduce_max3A_285 = arith.constant true
      %reduce_max3A_286 = vector.broadcast %reduce_max3A_285 : i1 to vector<16xi1>
      %reduce_max3A_287 = arith.constant -2147483648 : i32
      %reduce_max3A_288 = vector.broadcast %reduce_max3A_287 : i32 to vector<16xi32>
      %reduce_max3A_289 = arith.xori %select_n3A_284, %reduce_max3A_288 : vector<16xi32>
      %reduce_max3A_290 = tpu.scan <max>, %reduce_max3A_289 masked %reduce_max3A_286 : vector<16xi32>, vector<16xi1> -> vector<16xi32>
      %reduce_max3A_291 = arith.xori %reduce_max3A_290, %reduce_max3A_288 : vector<16xi32>
      %reduce_max3A_292 = vector.extract %reduce_max3A_291[15] : i32 from vector<16xi32>
      %eq3A_293 = arith.constant 4 : i32
      %eq3A_294 = vector.broadcast %eq3A_293 : i32 to vector<16xi32>
      %eq3A_295 = arith.cmpi eq, %iota3A, %eq3A_294 : vector<16xi32>
      %jit3A_296 = arith.constant -2147483648 : i32
      %broadcast_in_dim3A_297 = vector.broadcast %jit3A_296 : i32 to vector<16xi32>
      %select_n3A_298 = arith.select %eq3A_295, %scan3A_235#0, %broadcast_in_dim3A_297 : vector<16xi1>, vector<16xi32>
      %reduce_max3A_299 = arith.constant true
      %reduce_max3A_300 = vector.broadcast %reduce_max3A_299 : i1 to vector<16xi1>
      %reduce_max3A_301 = arith.constant -2147483648 : i32
      %reduce_max3A_302 = vector.broadcast %reduce_max3A_301 : i32 to vector<16xi32>
      %reduce_max3A_303 = arith.xori %select_n3A_298, %reduce_max3A_302 : vector<16xi32>
      %reduce_max3A_304 = tpu.scan <max>, %reduce_max3A_303 masked %reduce_max3A_300 : vector<16xi32>, vector<16xi1> -> vector<16xi32>
      %reduce_max3A_305 = arith.xori %reduce_max3A_304, %reduce_max3A_302 : vector<16xi32>
      %reduce_max3A_306 = vector.extract %reduce_max3A_305[15] : i32 from vector<16xi32>
      %eq3A_307 = arith.constant 5 : i32
      %eq3A_308 = vector.broadcast %eq3A_307 : i32 to vector<16xi32>
      %eq3A_309 = arith.cmpi eq, %iota3A, %eq3A_308 : vector<16xi32>
      %jit3A_310 = arith.constant -2147483648 : i32
      %broadcast_in_dim3A_311 = vector.broadcast %jit3A_310 : i32 to vector<16xi32>
      %select_n3A_312 = arith.select %eq3A_309, %scan3A_235#0, %broadcast_in_dim3A_311 : vector<16xi1>, vector<16xi32>
      %reduce_max3A_313 = arith.constant true
      %reduce_max3A_314 = vector.broadcast %reduce_max3A_313 : i1 to vector<16xi1>
      %reduce_max3A_315 = arith.constant -2147483648 : i32
      %reduce_max3A_316 = vector.broadcast %reduce_max3A_315 : i32 to vector<16xi32>
      %reduce_max3A_317 = arith.xori %select_n3A_312, %reduce_max3A_316 : vector<16xi32>
      %reduce_max3A_318 = tpu.scan <max>, %reduce_max3A_317 masked %reduce_max3A_314 : vector<16xi32>, vector<16xi1> -> vector<16xi32>
      %reduce_max3A_319 = arith.xori %reduce_max3A_318, %reduce_max3A_316 : vector<16xi32>
      %reduce_max3A_320 = vector.extract %reduce_max3A_319[15] : i32 from vector<16xi32>
      %scan3A_321 = arith.constant 0 : i32
      %scan3A_322 = arith.constant 0 : i32
      %scan3A_323 = arith.constant 384 : i32
      %scan3A_324 = arith.addi %scan3A_322, %scan3A_323 : i32
      %scan3A_325 = arith.constant 1 : i32
      scf.for %scan3A_636 = %scan3A_322 to %scan3A_324 step %scan3A_325  : i32 {
        %mul3A_637 = arith.constant 16 : i32
        %mul3A_638 = arith.muli %scan3A_636, %mul3A_637 : i32
        %swap3A_639 = arith.index_cast %mul3A_638 : i32 to index
        %swap3A_640 = tpu.vector_load %arg14[%swap3A_639] {strides = array<i32>} : memref<6160xi32, #tpu.memory_space<vmem>>, vector<16xi32>,
        tpu.vector_store %arg14[%swap3A_639], %broadcast_in_dim3A_33 {strides = array<i32>} : memref<6160xi32, #tpu.memory_space<vmem>>, vector<16xi32>,
      }
      %scan3A_326 = arith.constant 384 : i32
      %eq3A_327 = arith.constant 0 : i32
      %eq3A_328 = arith.cmpi eq, %squeeze3A, %eq3A_327 : i32
      %convert_element_type3A_329 = arith.extui %eq3A_328 : i1 to i32
      %cond3A_330 = arith.constant 0 : i32
      %cond3A_331 = arith.cmpi ne, %convert_element_type3A_329, %cond3A_330 : i32
      scf.if %cond3A_331 {
        %mul3A_636 = arith.constant 8 : i32
        %mul3A_637 = arith.muli %add3A_82, %mul3A_636 : i32
        "tpu.region"() ({
          %run_scoped3A = tpu.sem_alloc : memref<!tpu.dma_semaphore, #tpu.memory_space<semaphore_mem>>
          %dma_start3A = arith.constant 0 : i32
          %dma_start3A_638 = tpu.memref_slice %arg8[%dma_start3A] : memref<25600xf32, #tpu.memory_space<vmem>> -> memref<12800xf32, #tpu.memory_space<vmem>>
          %dma_start3A_639 = tpu.memref_slice %arg3[%mul3A_637] : memref<52582400xf32, #tpu.memory_space<hbm>> -> memref<12800xf32, #tpu.memory_space<hbm>>
          %dma_start3A_640 = arith.constant 0 : i32
          %dma_start3A_641 = tpu.memref_slice %arg8[%dma_start3A_640] : memref<25600xf32, #tpu.memory_space<vmem>> -> memref<12800xf32, #tpu.memory_space<vmem>>
          %dma_start3A_642 = tpu.memref_slice %arg3[%mul3A_637] : memref<52582400xf32, #tpu.memory_space<hbm>> -> memref<12800xf32, #tpu.memory_space<hbm>>
          tpu.enqueue_dma source(%dma_start3A_642 : memref<12800xf32, #tpu.memory_space<hbm>>) target(%dma_start3A_641 : memref<12800xf32, #tpu.memory_space<vmem>>) target_semaphore(%run_scoped3A : memref<!tpu.dma_semaphore, #tpu.memory_space<semaphore_mem>>)
          %dma_wait3A = arith.constant 0 : i32
          %dma_wait3A_643 = tpu.memref_slice %arg8[%dma_wait3A] : memref<25600xf32, #tpu.memory_space<vmem>> -> memref<12800xf32, #tpu.memory_space<vmem>>
          %dma_wait3A_644 = tpu.memref_slice %arg3[%mul3A_637] : memref<52582400xf32, #tpu.memory_space<hbm>> -> memref<12800xf32, #tpu.memory_space<hbm>>
          %dma_wait3A_645 = arith.constant 0 : i32
          %dma_wait3A_646 = tpu.memref_slice %arg8[%dma_wait3A_645] : memref<25600xf32, #tpu.memory_space<vmem>> -> memref<12800xf32, #tpu.memory_space<vmem>>
          %dma_wait3A_647 = tpu.memref_slice %arg3[%mul3A_637] : memref<52582400xf32, #tpu.memory_space<hbm>> -> memref<12800xf32, #tpu.memory_space<hbm>>
          tpu.wait_dma2 semaphore(%run_scoped3A : memref<!tpu.dma_semaphore, #tpu.memory_space<semaphore_mem>>) src(%dma_wait3A_647 : memref<12800xf32, #tpu.memory_space<hbm>>) dst(%dma_wait3A_646 : memref<12800xf32, #tpu.memory_space<vmem>>)
          tpu.yield
        }) : () -> ()
      } else {
      }
      %ne3A_332 = arith.constant 0 : i32
      %ne3A_333 = arith.cmpi ne, %squeeze3A, %ne3A_332 : i32
      %convert_element_type3A_334 = arith.extui %ne3A_333 : i1 to i32
      %cond3A_335 = arith.constant 0 : i32
      %cond3A_336 = arith.cmpi ne, %convert_element_type3A_334, %cond3A_335 : i32
      scf.if %cond3A_336 {
        %mul3A_636 = arith.constant 8 : i32
        %mul3A_637 = arith.muli %add3A_82, %mul3A_636 : i32
        "tpu.region"() ({
          %run_scoped3A = tpu.sem_alloc : memref<!tpu.dma_semaphore, #tpu.memory_space<semaphore_mem>>
          %dma_start3A = arith.constant 0 : i32
          %dma_start3A_638 = tpu.memref_slice %arg8[%dma_start3A] : memref<25600xf32, #tpu.memory_space<vmem>> -> memref<1024xf32, #tpu.memory_space<vmem>>
          %dma_start3A_639 = tpu.memref_slice %arg2[%mul3A_637] : memref<17408xf32, #tpu.memory_space<hbm>> -> memref<1024xf32, #tpu.memory_space<hbm>>
          %dma_start3A_640 = arith.constant 0 : i32
          %dma_start3A_641 = tpu.memref_slice %arg8[%dma_start3A_640] : memref<25600xf32, #tpu.memory_space<vmem>> -> memref<1024xf32, #tpu.memory_space<vmem>>
          %dma_start3A_642 = tpu.memref_slice %arg2[%mul3A_637] : memref<17408xf32, #tpu.memory_space<hbm>> -> memref<1024xf32, #tpu.memory_space<hbm>>
          tpu.enqueue_dma source(%dma_start3A_642 : memref<1024xf32, #tpu.memory_space<hbm>>) target(%dma_start3A_641 : memref<1024xf32, #tpu.memory_space<vmem>>) target_semaphore(%run_scoped3A : memref<!tpu.dma_semaphore, #tpu.memory_space<semaphore_mem>>)
          %dma_wait3A = arith.constant 0 : i32
          %dma_wait3A_643 = tpu.memref_slice %arg8[%dma_wait3A] : memref<25600xf32, #tpu.memory_space<vmem>> -> memref<1024xf32, #tpu.memory_space<vmem>>
          %dma_wait3A_644 = tpu.memref_slice %arg2[%mul3A_637] : memref<17408xf32, #tpu.memory_space<hbm>> -> memref<1024xf32, #tpu.memory_space<hbm>>
          %dma_wait3A_645 = arith.constant 0 : i32
          %dma_wait3A_646 = tpu.memref_slice %arg8[%dma_wait3A_645] : memref<25600xf32, #tpu.memory_space<vmem>> -> memref<1024xf32, #tpu.memory_space<vmem>>
          %dma_wait3A_647 = tpu.memref_slice %arg2[%mul3A_637] : memref<17408xf32, #tpu.memory_space<hbm>> -> memref<1024xf32, #tpu.memory_space<hbm>>
          tpu.wait_dma2 semaphore(%run_scoped3A : memref<!tpu.dma_semaphore, #tpu.memory_space<semaphore_mem>>) src(%dma_wait3A_647 : memref<1024xf32, #tpu.memory_space<hbm>>) dst(%dma_wait3A_646 : memref<1024xf32, #tpu.memory_space<vmem>>)
          tpu.yield
        }) : () -> ()
      } else {
      }
      %while3A_337 = arith.constant 0 : i32
      %while3A_338 = arith.constant 0 : i32
      %while3A_339 = arith.subi %squeeze3A_64, %while3A_338 : i32
      %while3A_340 = arith.addi %while3A_338, %while3A_339 : i32
      %while3A_341 = arith.constant 1 : i32
      %while3A_342 = arith.divsi %while3A_339, %while3A_341 : i32
      %while3A_343 = arith.muli %while3A_342, %while3A_341 : i32
      %while3A_344 = arith.addi %while3A_338, %while3A_343 : i32
      %while3A_345 = arith.constant 1 : i32
      scf.for %while3A_636 = %while3A_338 to %while3A_344 step %while3A_345  : i32 {
        %add3A_637 = arith.constant 1 : i32
        %add3A_638 = arith.addi %while3A_636, %add3A_637 : i32
        %lt3A_639 = arith.cmpi slt, %add3A_638, %squeeze3A_64 : i32
        %convert_element_type3A_640 = arith.extui %lt3A_639 : i1 to i32
        %cond3A_641 = arith.constant 0 : i32
        %cond3A_642 = arith.cmpi ne, %convert_element_type3A_640, %cond3A_641 : i32
        scf.if %cond3A_642 {
          %add3A_663 = arith.constant 1 : i32
          %add3A_664 = arith.addi %while3A_636, %add3A_663 : i32
          %mul3A_665 = arith.constant 1600 : i32
          %mul3A_666 = arith.muli %add3A_664, %mul3A_665 : i32
          %add3A_667 = arith.addi %add3A_82, %mul3A_666 : i32
          %mul3A_668 = arith.constant 8 : i32
          %mul3A_669 = arith.muli %add3A_667, %mul3A_668 : i32
          %add3A_670 = arith.constant 1 : i32
          %add3A_671 = arith.addi %while3A_636, %add3A_670 : i32
          %and3A_672 = arith.constant 1 : i32
          %and3A_673 = arith.andi %add3A_671, %and3A_672 : i32
          %mul3A_674 = arith.constant 12800 : i32
          %mul3A_675 = arith.muli %and3A_673, %mul3A_674 : i32
          %dma_start3A = tpu.memref_slice %arg8[%mul3A_675] : memref<25600xf32, #tpu.memory_space<vmem>> -> memref<12800xf32, #tpu.memory_space<vmem>>
          %dma_start3A_676 = tpu.memref_slice %arg3[%mul3A_669] : memref<52582400xf32, #tpu.memory_space<hbm>> -> memref<12800xf32, #tpu.memory_space<hbm>>
          %dma_start3A_677 = tpu.memref_slice %arg8[%mul3A_675] : memref<25600xf32, #tpu.memory_space<vmem>> -> memref<12800xf32, #tpu.memory_space<vmem>>
          %dma_start3A_678 = tpu.memref_slice %arg3[%mul3A_669] : memref<52582400xf32, #tpu.memory_space<hbm>> -> memref<12800xf32, #tpu.memory_space<hbm>>
          tpu.enqueue_dma source(%dma_start3A_678 : memref<12800xf32, #tpu.memory_space<hbm>>) target(%dma_start3A_677 : memref<12800xf32, #tpu.memory_space<vmem>>) target_semaphore(%arg16 : memref<!tpu.dma_semaphore, #tpu.memory_space<semaphore_mem>>)
        } else {
        }
        %and3A_643 = arith.constant 1 : i32
        %and3A_644 = arith.andi %while3A_636, %and3A_643 : i32
        %mul3A_645 = arith.constant 12800 : i32
        %mul3A_646 = arith.muli %and3A_644, %mul3A_645 : i32
        %shift_right_logical3A = arith.constant 1 : i32
        %shift_right_logical3A_647 = arith.shrui %squeeze3A_66, %shift_right_logical3A : i32
        %while3A_648 = arith.constant 0 : i32
        %while3A_649 = arith.subi %shift_right_logical3A_647, %while3A_648 : i32
        %while3A_650 = arith.addi %while3A_648, %while3A_649 : i32
        %while3A_651 = arith.constant 1 : i32
        %while3A_652 = arith.divsi %while3A_649, %while3A_651 : i32
        %while3A_653 = arith.muli %while3A_652, %while3A_651 : i32
        %while3A_654 = arith.addi %while3A_648, %while3A_653 : i32
        %while3A_655 = arith.constant 1 : i32
        scf.for %while3A_663 = %while3A_648 to %while3A_654 step %while3A_655  : i32 {
          %mul3A_664 = arith.constant 2 : i32
          %mul3A_665 = arith.muli %while3A_663, %mul3A_664 : i32
          %add3A_666 = arith.addi %squeeze3A_68, %mul3A_665 : i32
          %mul3A_667 = arith.constant 16 : i32
          %mul3A_668 = arith.muli %add3A_666, %mul3A_667 : i32
          %get3A_669 = arith.index_cast %mul3A_668 : i32 to index
          %get3A_670 = tpu.vector_load %arg9[%get3A_669] {strides = array<i32>} : memref<17408xi32, #tpu.memory_space<vmem>>, vector<16xi32>,
          %add3A_671 = vector.broadcast %mul3A_646 : i32 to vector<16xi32>
          %add3A_672 = arith.addi %get3A_670, %add3A_671 : vector<16xi32>
          %add3A_673 = arith.constant 16 : i32
          %add3A_674 = arith.addi %mul3A_668, %add3A_673 : i32
          %get3A_675 = arith.index_cast %add3A_674 : i32 to index
          %get3A_676 = tpu.vector_load %arg9[%get3A_675] {strides = array<i32>} : memref<17408xi32, #tpu.memory_space<vmem>>, vector<16xi32>,
          %add3A_677 = vector.broadcast %mul3A_646 : i32 to vector<16xi32>
          %add3A_678 = arith.addi %get3A_676, %add3A_677 : vector<16xi32>
          %gather3A = tpu.vector_load_idx %arg8[%add3A_672] : memref<25600xf32, #tpu.memory_space<vmem>>[vector<16xi32>], vector<16xf32>,
          %bitcast3A_679 = vector.bitcast %gather3A : vector<16xf32> to vector<16xi32>
          %shift_right_arithmetic3A = arith.constant 31 : i32
          %shift_right_arithmetic3A_680 = vector.broadcast %shift_right_arithmetic3A : i32 to vector<16xi32>
          %shift_right_arithmetic3A_681 = arith.shrsi %bitcast3A_679, %shift_right_arithmetic3A_680 : vector<16xi32>
          %or3A_682 = arith.constant -2147483648 : i32
          %or3A_683 = vector.broadcast %or3A_682 : i32 to vector<16xi32>
          %or3A_684 = arith.ori %shift_right_arithmetic3A_681, %or3A_683 : vector<16xi32>
          %xor3A = arith.xori %bitcast3A_679, %or3A_684 : vector<16xi32>
          %shift_right_logical3A_685 = arith.constant 21 : i32
          %shift_right_logical3A_686 = vector.broadcast %shift_right_logical3A_685 : i32 to vector<16xi32>
          %shift_right_logical3A_687 = arith.shrui %xor3A, %shift_right_logical3A_686 : vector<16xi32>
          %shift_right_logical3A_688 = arith.constant 10 : i32
          %shift_right_logical3A_689 = vector.broadcast %shift_right_logical3A_688 : i32 to vector<16xi32>
          %shift_right_logical3A_690 = arith.shrui %xor3A, %shift_right_logical3A_689 : vector<16xi32>
          %and3A_691 = arith.constant 2047 : i32
          %and3A_692 = vector.broadcast %and3A_691 : i32 to vector<16xi32>
          %and3A_693 = arith.andi %shift_right_logical3A_690, %and3A_692 : vector<16xi32>
          %and3A_694 = arith.constant 1023 : i32
          %and3A_695 = vector.broadcast %and3A_694 : i32 to vector<16xi32>
          %and3A_696 = arith.andi %xor3A, %and3A_695 : vector<16xi32>
          %add3A_697 = arith.constant 0 : i32
          %add3A_698 = vector.broadcast %add3A_697 : i32 to vector<16xi32>
          %add3A_699 = arith.addi %add3A_698, %and3A_696 : vector<16xi32>
          %eq3A_700 = vector.broadcast %reduce_max3A_134 : i32 to vector<16xi32>
          %eq3A_701 = arith.cmpi eq, %shift_right_logical3A_687, %eq3A_700 : vector<16xi32>
          %eq3A_702 = vector.broadcast %reduce_max3A_250 : i32 to vector<16xi32>
          %eq3A_703 = arith.cmpi eq, %and3A_693, %eq3A_702 : vector<16xi32>
          %and3A_704 = arith.andi %eq3A_701, %eq3A_703 : vector<16xi1>
          tpu.vector_store_idx %arg14[%add3A_699], %broadcast_in_dim3A_31 masked %and3A_704 {add = true} : memref<6160xi32, #tpu.memory_space<vmem>>[vector<16xi32>], vector<16xi32>, vector<16xi1>
          %add3A_705 = arith.constant 1024 : i32
          %add3A_706 = vector.broadcast %add3A_705 : i32 to vector<16xi32>
          %add3A_707 = arith.addi %add3A_706, %and3A_696 : vector<16xi32>
          %eq3A_708 = vector.broadcast %reduce_max3A_148 : i32 to vector<16xi32>
          %eq3A_709 = arith.cmpi eq, %shift_right_logical3A_687, %eq3A_708 : vector<16xi32>
          %eq3A_710 = vector.broadcast %reduce_max3A_264 : i32 to vector<16xi32>
          %eq3A_711 = arith.cmpi eq, %and3A_693, %eq3A_710 : vector<16xi32>
          %and3A_712 = arith.andi %eq3A_709, %eq3A_711 : vector<16xi1>
          tpu.vector_store_idx %arg14[%add3A_707], %broadcast_in_dim3A_31 masked %and3A_712 {add = true} : memref<6160xi32, #tpu.memory_space<vmem>>[vector<16xi32>], vector<16xi32>, vector<16xi1>
          %add3A_713 = arith.constant 2048 : i32
          %add3A_714 = vector.broadcast %add3A_713 : i32 to vector<16xi32>
          %add3A_715 = arith.addi %add3A_714, %and3A_696 : vector<16xi32>
          %eq3A_716 = vector.broadcast %reduce_max3A_162 : i32 to vector<16xi32>
          %eq3A_717 = arith.cmpi eq, %shift_right_logical3A_687, %eq3A_716 : vector<16xi32>
          %eq3A_718 = vector.broadcast %reduce_max3A_278 : i32 to vector<16xi32>
          %eq3A_719 = arith.cmpi eq, %and3A_693, %eq3A_718 : vector<16xi32>
          %and3A_720 = arith.andi %eq3A_717, %eq3A_719 : vector<16xi1>
          tpu.vector_store_idx %arg14[%add3A_715], %broadcast_in_dim3A_31 masked %and3A_720 {add = true} : memref<6160xi32, #tpu.memory_space<vmem>>[vector<16xi32>], vector<16xi32>, vector<16xi1>
          %add3A_721 = arith.constant 3072 : i32
          %add3A_722 = vector.broadcast %add3A_721 : i32 to vector<16xi32>
          %add3A_723 = arith.addi %add3A_722, %and3A_696 : vector<16xi32>
          %eq3A_724 = vector.broadcast %reduce_max3A_176 : i32 to vector<16xi32>
          %eq3A_725 = arith.cmpi eq, %shift_right_logical3A_687, %eq3A_724 : vector<16xi32>
          %eq3A_726 = vector.broadcast %reduce_max3A_292 : i32 to vector<16xi32>
          %eq3A_727 = arith.cmpi eq, %and3A_693, %eq3A_726 : vector<16xi32>
          %and3A_728 = arith.andi %eq3A_725, %eq3A_727 : vector<16xi1>
          tpu.vector_store_idx %arg14[%add3A_723], %broadcast_in_dim3A_31 masked %and3A_728 {add = true} : memref<6160xi32, #tpu.memory_space<vmem>>[vector<16xi32>], vector<16xi32>, vector<16xi1>
          %add3A_729 = arith.constant 4096 : i32
          %add3A_730 = vector.broadcast %add3A_729 : i32 to vector<16xi32>
          %add3A_731 = arith.addi %add3A_730, %and3A_696 : vector<16xi32>
          %eq3A_732 = vector.broadcast %reduce_max3A_190 : i32 to vector<16xi32>
          %eq3A_733 = arith.cmpi eq, %shift_right_logical3A_687, %eq3A_732 : vector<16xi32>
          %eq3A_734 = vector.broadcast %reduce_max3A_306 : i32 to vector<16xi32>
          %eq3A_735 = arith.cmpi eq, %and3A_693, %eq3A_734 : vector<16xi32>
          %and3A_736 = arith.andi %eq3A_733, %eq3A_735 : vector<16xi1>
          tpu.vector_store_idx %arg14[%add3A_731], %broadcast_in_dim3A_31 masked %and3A_736 {add = true} : memref<6160xi32, #tpu.memory_space<vmem>>[vector<16xi32>], vector<16xi32>, vector<16xi1>
          %add3A_737 = arith.constant 5120 : i32
          %add3A_738 = vector.broadcast %add3A_737 : i32 to vector<16xi32>
          %add3A_739 = arith.addi %add3A_738, %and3A_696 : vector<16xi32>
          %eq3A_740 = vector.broadcast %reduce_max3A_204 : i32 to vector<16xi32>
          %eq3A_741 = arith.cmpi eq, %shift_right_logical3A_687, %eq3A_740 : vector<16xi32>
          %eq3A_742 = vector.broadcast %reduce_max3A_320 : i32 to vector<16xi32>
          %eq3A_743 = arith.cmpi eq, %and3A_693, %eq3A_742 : vector<16xi32>
          %and3A_744 = arith.andi %eq3A_741, %eq3A_743 : vector<16xi1>
          tpu.vector_store_idx %arg14[%add3A_739], %broadcast_in_dim3A_31 masked %and3A_744 {add = true} : memref<6160xi32, #tpu.memory_space<vmem>>[vector<16xi32>], vector<16xi32>, vector<16xi1>
          %gather3A_745 = tpu.vector_load_idx %arg8[%add3A_678] : memref<25600xf32, #tpu.memory_space<vmem>>[vector<16xi32>], vector<16xf32>,
          %bitcast3A_746 = vector.bitcast %gather3A_745 : vector<16xf32> to vector<16xi32>
          %shift_right_arithmetic3A_747 = arith.constant 31 : i32
          %shift_right_arithmetic3A_748 = vector.broadcast %shift_right_arithmetic3A_747 : i32 to vector<16xi32>
          %shift_right_arithmetic3A_749 = arith.shrsi %bitcast3A_746, %shift_right_arithmetic3A_748 : vector<16xi32>
          %or3A_750 = arith.constant -2147483648 : i32
          %or3A_751 = vector.broadcast %or3A_750 : i32 to vector<16xi32>
          %or3A_752 = arith.ori %shift_right_arithmetic3A_749, %or3A_751 : vector<16xi32>
          %xor3A_753 = arith.xori %bitcast3A_746, %or3A_752 : vector<16xi32>
          %shift_right_logical3A_754 = arith.constant 21 : i32
          %shift_right_logical3A_755 = vector.broadcast %shift_right_logical3A_754 : i32 to vector<16xi32>
          %shift_right_logical3A_756 = arith.shrui %xor3A_753, %shift_right_logical3A_755 : vector<16xi32>
          %shift_right_logical3A_757 = arith.constant 10 : i32
          %shift_right_logical3A_758 = vector.broadcast %shift_right_logical3A_757 : i32 to vector<16xi32>
          %shift_right_logical3A_759 = arith.shrui %xor3A_753, %shift_right_logical3A_758 : vector<16xi32>
          %and3A_760 = arith.constant 2047 : i32
          %and3A_761 = vector.broadcast %and3A_760 : i32 to vector<16xi32>
          %and3A_762 = arith.andi %shift_right_logical3A_759, %and3A_761 : vector<16xi32>
          %and3A_763 = arith.constant 1023 : i32
          %and3A_764 = vector.broadcast %and3A_763 : i32 to vector<16xi32>
          %and3A_765 = arith.andi %xor3A_753, %and3A_764 : vector<16xi32>
          %add3A_766 = arith.constant 0 : i32
          %add3A_767 = vector.broadcast %add3A_766 : i32 to vector<16xi32>
          %add3A_768 = arith.addi %add3A_767, %and3A_765 : vector<16xi32>
          %eq3A_769 = vector.broadcast %reduce_max3A_134 : i32 to vector<16xi32>
          %eq3A_770 = arith.cmpi eq, %shift_right_logical3A_756, %eq3A_769 : vector<16xi32>
          %eq3A_771 = vector.broadcast %reduce_max3A_250 : i32 to vector<16xi32>
          %eq3A_772 = arith.cmpi eq, %and3A_762, %eq3A_771 : vector<16xi32>
          %and3A_773 = arith.andi %eq3A_770, %eq3A_772 : vector<16xi1>
          tpu.vector_store_idx %arg14[%add3A_768], %broadcast_in_dim3A_31 masked %and3A_773 {add = true} : memref<6160xi32, #tpu.memory_space<vmem>>[vector<16xi32>], vector<16xi32>, vector<16xi1>
          %add3A_774 = arith.constant 1024 : i32
          %add3A_775 = vector.broadcast %add3A_774 : i32 to vector<16xi32>
          %add3A_776 = arith.addi %add3A_775, %and3A_765 : vector<16xi32>
          %eq3A_777 = vector.broadcast %reduce_max3A_148 : i32 to vector<16xi32>
          %eq3A_778 = arith.cmpi eq, %shift_right_logical3A_756, %eq3A_777 : vector<16xi32>
          %eq3A_779 = vector.broadcast %reduce_max3A_264 : i32 to vector<16xi32>
          %eq3A_780 = arith.cmpi eq, %and3A_762, %eq3A_779 : vector<16xi32>
          %and3A_781 = arith.andi %eq3A_778, %eq3A_780 : vector<16xi1>
          tpu.vector_store_idx %arg14[%add3A_776], %broadcast_in_dim3A_31 masked %and3A_781 {add = true} : memref<6160xi32, #tpu.memory_space<vmem>>[vector<16xi32>], vector<16xi32>, vector<16xi1>
          %add3A_782 = arith.constant 2048 : i32
          %add3A_783 = vector.broadcast %add3A_782 : i32 to vector<16xi32>
          %add3A_784 = arith.addi %add3A_783, %and3A_765 : vector<16xi32>
          %eq3A_785 = vector.broadcast %reduce_max3A_162 : i32 to vector<16xi32>
          %eq3A_786 = arith.cmpi eq, %shift_right_logical3A_756, %eq3A_785 : vector<16xi32>
          %eq3A_787 = vector.broadcast %reduce_max3A_278 : i32 to vector<16xi32>
          %eq3A_788 = arith.cmpi eq, %and3A_762, %eq3A_787 : vector<16xi32>
          %and3A_789 = arith.andi %eq3A_786, %eq3A_788 : vector<16xi1>
          tpu.vector_store_idx %arg14[%add3A_784], %broadcast_in_dim3A_31 masked %and3A_789 {add = true} : memref<6160xi32, #tpu.memory_space<vmem>>[vector<16xi32>], vector<16xi32>, vector<16xi1>
          %add3A_790 = arith.constant 3072 : i32
          %add3A_791 = vector.broadcast %add3A_790 : i32 to vector<16xi32>
          %add3A_792 = arith.addi %add3A_791, %and3A_765 : vector<16xi32>
          %eq3A_793 = vector.broadcast %reduce_max3A_176 : i32 to vector<16xi32>
          %eq3A_794 = arith.cmpi eq, %shift_right_logical3A_756, %eq3A_793 : vector<16xi32>
          %eq3A_795 = vector.broadcast %reduce_max3A_292 : i32 to vector<16xi32>
          %eq3A_796 = arith.cmpi eq, %and3A_762, %eq3A_795 : vector<16xi32>
          %and3A_797 = arith.andi %eq3A_794, %eq3A_796 : vector<16xi1>
          tpu.vector_store_idx %arg14[%add3A_792], %broadcast_in_dim3A_31 masked %and3A_797 {add = true} : memref<6160xi32, #tpu.memory_space<vmem>>[vector<16xi32>], vector<16xi32>, vector<16xi1>
          %add3A_798 = arith.constant 4096 : i32
          %add3A_799 = vector.broadcast %add3A_798 : i32 to vector<16xi32>
          %add3A_800 = arith.addi %add3A_799, %and3A_765 : vector<16xi32>
          %eq3A_801 = vector.broadcast %reduce_max3A_190 : i32 to vector<16xi32>
          %eq3A_802 = arith.cmpi eq, %shift_right_logical3A_756, %eq3A_801 : vector<16xi32>
          %eq3A_803 = vector.broadcast %reduce_max3A_306 : i32 to vector<16xi32>
          %eq3A_804 = arith.cmpi eq, %and3A_762, %eq3A_803 : vector<16xi32>
          %and3A_805 = arith.andi %eq3A_802, %eq3A_804 : vector<16xi1>
          tpu.vector_store_idx %arg14[%add3A_800], %broadcast_in_dim3A_31 masked %and3A_805 {add = true} : memref<6160xi32, #tpu.memory_space<vmem>>[vector<16xi32>], vector<16xi32>, vector<16xi1>
          %add3A_806 = arith.constant 5120 : i32
          %add3A_807 = vector.broadcast %add3A_806 : i32 to vector<16xi32>
          %add3A_808 = arith.addi %add3A_807, %and3A_765 : vector<16xi32>
          %eq3A_809 = vector.broadcast %reduce_max3A_204 : i32 to vector<16xi32>
          %eq3A_810 = arith.cmpi eq, %shift_right_logical3A_756, %eq3A_809 : vector<16xi32>
          %eq3A_811 = vector.broadcast %reduce_max3A_320 : i32 to vector<16xi32>
          %eq3A_812 = arith.cmpi eq, %and3A_762, %eq3A_811 : vector<16xi32>
          %and3A_813 = arith.andi %eq3A_810, %eq3A_812 : vector<16xi1>
          tpu.vector_store_idx %arg14[%add3A_808], %broadcast_in_dim3A_31 masked %and3A_813 {add = true} : memref<6160xi32, #tpu.memory_space<vmem>>[vector<16xi32>], vector<16xi32>, vector<16xi1>
        }
        %while3A_656 = arith.constant 1 : i32
        scf.for %while3A_663 = %while3A_654 to %while3A_650 step %while3A_656  : i32 {
          %mul3A_664 = arith.constant 2 : i32
          %mul3A_665 = arith.muli %while3A_663, %mul3A_664 : i32
          %add3A_666 = arith.addi %squeeze3A_68, %mul3A_665 : i32
          %mul3A_667 = arith.constant 16 : i32
          %mul3A_668 = arith.muli %add3A_666, %mul3A_667 : i32
          %get3A_669 = arith.index_cast %mul3A_668 : i32 to index
          %get3A_670 = tpu.vector_load %arg9[%get3A_669] {strides = array<i32>} : memref<17408xi32, #tpu.memory_space<vmem>>, vector<16xi32>,
          %add3A_671 = vector.broadcast %mul3A_646 : i32 to vector<16xi32>
          %add3A_672 = arith.addi %get3A_670, %add3A_671 : vector<16xi32>
          %add3A_673 = arith.constant 16 : i32
          %add3A_674 = arith.addi %mul3A_668, %add3A_673 : i32
          %get3A_675 = arith.index_cast %add3A_674 : i32 to index
          %get3A_676 = tpu.vector_load %arg9[%get3A_675] {strides = array<i32>} : memref<17408xi32, #tpu.memory_space<vmem>>, vector<16xi32>,
          %add3A_677 = vector.broadcast %mul3A_646 : i32 to vector<16xi32>
          %add3A_678 = arith.addi %get3A_676, %add3A_677 : vector<16xi32>
          %gather3A = tpu.vector_load_idx %arg8[%add3A_672] : memref<25600xf32, #tpu.memory_space<vmem>>[vector<16xi32>], vector<16xf32>,
          %bitcast3A_679 = vector.bitcast %gather3A : vector<16xf32> to vector<16xi32>
          %shift_right_arithmetic3A = arith.constant 31 : i32
          %shift_right_arithmetic3A_680 = vector.broadcast %shift_right_arithmetic3A : i32 to vector<16xi32>
          %shift_right_arithmetic3A_681 = arith.shrsi %bitcast3A_679, %shift_right_arithmetic3A_680 : vector<16xi32>
          %or3A_682 = arith.constant -2147483648 : i32
          %or3A_683 = vector.broadcast %or3A_682 : i32 to vector<16xi32>
          %or3A_684 = arith.ori %shift_right_arithmetic3A_681, %or3A_683 : vector<16xi32>
          %xor3A = arith.xori %bitcast3A_679, %or3A_684 : vector<16xi32>
          %shift_right_logical3A_685 = arith.constant 21 : i32
          %shift_right_logical3A_686 = vector.broadcast %shift_right_logical3A_685 : i32 to vector<16xi32>
          %shift_right_logical3A_687 = arith.shrui %xor3A, %shift_right_logical3A_686 : vector<16xi32>
          %shift_right_logical3A_688 = arith.constant 10 : i32
          %shift_right_logical3A_689 = vector.broadcast %shift_right_logical3A_688 : i32 to vector<16xi32>
          %shift_right_logical3A_690 = arith.shrui %xor3A, %shift_right_logical3A_689 : vector<16xi32>
          %and3A_691 = arith.constant 2047 : i32
          %and3A_692 = vector.broadcast %and3A_691 : i32 to vector<16xi32>
          %and3A_693 = arith.andi %shift_right_logical3A_690, %and3A_692 : vector<16xi32>
          %and3A_694 = arith.constant 1023 : i32
          %and3A_695 = vector.broadcast %and3A_694 : i32 to vector<16xi32>
          %and3A_696 = arith.andi %xor3A, %and3A_695 : vector<16xi32>
          %add3A_697 = arith.constant 0 : i32
          %add3A_698 = vector.broadcast %add3A_697 : i32 to vector<16xi32>
          %add3A_699 = arith.addi %add3A_698, %and3A_696 : vector<16xi32>
          %eq3A_700 = vector.broadcast %reduce_max3A_134 : i32 to vector<16xi32>
          %eq3A_701 = arith.cmpi eq, %shift_right_logical3A_687, %eq3A_700 : vector<16xi32>
          %eq3A_702 = vector.broadcast %reduce_max3A_250 : i32 to vector<16xi32>
          %eq3A_703 = arith.cmpi eq, %and3A_693, %eq3A_702 : vector<16xi32>
          %and3A_704 = arith.andi %eq3A_701, %eq3A_703 : vector<16xi1>
          tpu.vector_store_idx %arg14[%add3A_699], %broadcast_in_dim3A_31 masked %and3A_704 {add = true} : memref<6160xi32, #tpu.memory_space<vmem>>[vector<16xi32>], vector<16xi32>, vector<16xi1>
          %add3A_705 = arith.constant 1024 : i32
          %add3A_706 = vector.broadcast %add3A_705 : i32 to vector<16xi32>
          %add3A_707 = arith.addi %add3A_706, %and3A_696 : vector<16xi32>
          %eq3A_708 = vector.broadcast %reduce_max3A_148 : i32 to vector<16xi32>
          %eq3A_709 = arith.cmpi eq, %shift_right_logical3A_687, %eq3A_708 : vector<16xi32>
          %eq3A_710 = vector.broadcast %reduce_max3A_264 : i32 to vector<16xi32>
          %eq3A_711 = arith.cmpi eq, %and3A_693, %eq3A_710 : vector<16xi32>
          %and3A_712 = arith.andi %eq3A_709, %eq3A_711 : vector<16xi1>
          tpu.vector_store_idx %arg14[%add3A_707], %broadcast_in_dim3A_31 masked %and3A_712 {add = true} : memref<6160xi32, #tpu.memory_space<vmem>>[vector<16xi32>], vector<16xi32>, vector<16xi1>
          %add3A_713 = arith.constant 2048 : i32
          %add3A_714 = vector.broadcast %add3A_713 : i32 to vector<16xi32>
          %add3A_715 = arith.addi %add3A_714, %and3A_696 : vector<16xi32>
          %eq3A_716 = vector.broadcast %reduce_max3A_162 : i32 to vector<16xi32>
          %eq3A_717 = arith.cmpi eq, %shift_right_logical3A_687, %eq3A_716 : vector<16xi32>
          %eq3A_718 = vector.broadcast %reduce_max3A_278 : i32 to vector<16xi32>
          %eq3A_719 = arith.cmpi eq, %and3A_693, %eq3A_718 : vector<16xi32>
          %and3A_720 = arith.andi %eq3A_717, %eq3A_719 : vector<16xi1>
          tpu.vector_store_idx %arg14[%add3A_715], %broadcast_in_dim3A_31 masked %and3A_720 {add = true} : memref<6160xi32, #tpu.memory_space<vmem>>[vector<16xi32>], vector<16xi32>, vector<16xi1>
          %add3A_721 = arith.constant 3072 : i32
          %add3A_722 = vector.broadcast %add3A_721 : i32 to vector<16xi32>
          %add3A_723 = arith.addi %add3A_722, %and3A_696 : vector<16xi32>
          %eq3A_724 = vector.broadcast %reduce_max3A_176 : i32 to vector<16xi32>
          %eq3A_725 = arith.cmpi eq, %shift_right_logical3A_687, %eq3A_724 : vector<16xi32>
          %eq3A_726 = vector.broadcast %reduce_max3A_292 : i32 to vector<16xi32>
          %eq3A_727 = arith.cmpi eq, %and3A_693, %eq3A_726 : vector<16xi32>
          %and3A_728 = arith.andi %eq3A_725, %eq3A_727 : vector<16xi1>
          tpu.vector_store_idx %arg14[%add3A_723], %broadcast_in_dim3A_31 masked %and3A_728 {add = true} : memref<6160xi32, #tpu.memory_space<vmem>>[vector<16xi32>], vector<16xi32>, vector<16xi1>
          %add3A_729 = arith.constant 4096 : i32
          %add3A_730 = vector.broadcast %add3A_729 : i32 to vector<16xi32>
          %add3A_731 = arith.addi %add3A_730, %and3A_696 : vector<16xi32>
          %eq3A_732 = vector.broadcast %reduce_max3A_190 : i32 to vector<16xi32>
          %eq3A_733 = arith.cmpi eq, %shift_right_logical3A_687, %eq3A_732 : vector<16xi32>
          %eq3A_734 = vector.broadcast %reduce_max3A_306 : i32 to vector<16xi32>
          %eq3A_735 = arith.cmpi eq, %and3A_693, %eq3A_734 : vector<16xi32>
          %and3A_736 = arith.andi %eq3A_733, %eq3A_735 : vector<16xi1>
          tpu.vector_store_idx %arg14[%add3A_731], %broadcast_in_dim3A_31 masked %and3A_736 {add = true} : memref<6160xi32, #tpu.memory_space<vmem>>[vector<16xi32>], vector<16xi32>, vector<16xi1>
          %add3A_737 = arith.constant 5120 : i32
          %add3A_738 = vector.broadcast %add3A_737 : i32 to vector<16xi32>
          %add3A_739 = arith.addi %add3A_738, %and3A_696 : vector<16xi32>
          %eq3A_740 = vector.broadcast %reduce_max3A_204 : i32 to vector<16xi32>
          %eq3A_741 = arith.cmpi eq, %shift_right_logical3A_687, %eq3A_740 : vector<16xi32>
          %eq3A_742 = vector.broadcast %reduce_max3A_320 : i32 to vector<16xi32>
          %eq3A_743 = arith.cmpi eq, %and3A_693, %eq3A_742 : vector<16xi32>
          %and3A_744 = arith.andi %eq3A_741, %eq3A_743 : vector<16xi1>
          tpu.vector_store_idx %arg14[%add3A_739], %broadcast_in_dim3A_31 masked %and3A_744 {add = true} : memref<6160xi32, #tpu.memory_space<vmem>>[vector<16xi32>], vector<16xi32>, vector<16xi1>
          %gather3A_745 = tpu.vector_load_idx %arg8[%add3A_678] : memref<25600xf32, #tpu.memory_space<vmem>>[vector<16xi32>], vector<16xf32>,
          %bitcast3A_746 = vector.bitcast %gather3A_745 : vector<16xf32> to vector<16xi32>
          %shift_right_arithmetic3A_747 = arith.constant 31 : i32
          %shift_right_arithmetic3A_748 = vector.broadcast %shift_right_arithmetic3A_747 : i32 to vector<16xi32>
          %shift_right_arithmetic3A_749 = arith.shrsi %bitcast3A_746, %shift_right_arithmetic3A_748 : vector<16xi32>
          %or3A_750 = arith.constant -2147483648 : i32
          %or3A_751 = vector.broadcast %or3A_750 : i32 to vector<16xi32>
          %or3A_752 = arith.ori %shift_right_arithmetic3A_749, %or3A_751 : vector<16xi32>
          %xor3A_753 = arith.xori %bitcast3A_746, %or3A_752 : vector<16xi32>
          %shift_right_logical3A_754 = arith.constant 21 : i32
          %shift_right_logical3A_755 = vector.broadcast %shift_right_logical3A_754 : i32 to vector<16xi32>
          %shift_right_logical3A_756 = arith.shrui %xor3A_753, %shift_right_logical3A_755 : vector<16xi32>
          %shift_right_logical3A_757 = arith.constant 10 : i32
          %shift_right_logical3A_758 = vector.broadcast %shift_right_logical3A_757 : i32 to vector<16xi32>
          %shift_right_logical3A_759 = arith.shrui %xor3A_753, %shift_right_logical3A_758 : vector<16xi32>
          %and3A_760 = arith.constant 2047 : i32
          %and3A_761 = vector.broadcast %and3A_760 : i32 to vector<16xi32>
          %and3A_762 = arith.andi %shift_right_logical3A_759, %and3A_761 : vector<16xi32>
          %and3A_763 = arith.constant 1023 : i32
          %and3A_764 = vector.broadcast %and3A_763 : i32 to vector<16xi32>
          %and3A_765 = arith.andi %xor3A_753, %and3A_764 : vector<16xi32>
          %add3A_766 = arith.constant 0 : i32
          %add3A_767 = vector.broadcast %add3A_766 : i32 to vector<16xi32>
          %add3A_768 = arith.addi %add3A_767, %and3A_765 : vector<16xi32>
          %eq3A_769 = vector.broadcast %reduce_max3A_134 : i32 to vector<16xi32>
          %eq3A_770 = arith.cmpi eq, %shift_right_logical3A_756, %eq3A_769 : vector<16xi32>
          %eq3A_771 = vector.broadcast %reduce_max3A_250 : i32 to vector<16xi32>
          %eq3A_772 = arith.cmpi eq, %and3A_762, %eq3A_771 : vector<16xi32>
          %and3A_773 = arith.andi %eq3A_770, %eq3A_772 : vector<16xi1>
          tpu.vector_store_idx %arg14[%add3A_768], %broadcast_in_dim3A_31 masked %and3A_773 {add = true} : memref<6160xi32, #tpu.memory_space<vmem>>[vector<16xi32>], vector<16xi32>, vector<16xi1>
          %add3A_774 = arith.constant 1024 : i32
          %add3A_775 = vector.broadcast %add3A_774 : i32 to vector<16xi32>
          %add3A_776 = arith.addi %add3A_775, %and3A_765 : vector<16xi32>
          %eq3A_777 = vector.broadcast %reduce_max3A_148 : i32 to vector<16xi32>
          %eq3A_778 = arith.cmpi eq, %shift_right_logical3A_756, %eq3A_777 : vector<16xi32>
          %eq3A_779 = vector.broadcast %reduce_max3A_264 : i32 to vector<16xi32>
          %eq3A_780 = arith.cmpi eq, %and3A_762, %eq3A_779 : vector<16xi32>
          %and3A_781 = arith.andi %eq3A_778, %eq3A_780 : vector<16xi1>
          tpu.vector_store_idx %arg14[%add3A_776], %broadcast_in_dim3A_31 masked %and3A_781 {add = true} : memref<6160xi32, #tpu.memory_space<vmem>>[vector<16xi32>], vector<16xi32>, vector<16xi1>
          %add3A_782 = arith.constant 2048 : i32
          %add3A_783 = vector.broadcast %add3A_782 : i32 to vector<16xi32>
          %add3A_784 = arith.addi %add3A_783, %and3A_765 : vector<16xi32>
          %eq3A_785 = vector.broadcast %reduce_max3A_162 : i32 to vector<16xi32>
          %eq3A_786 = arith.cmpi eq, %shift_right_logical3A_756, %eq3A_785 : vector<16xi32>
          %eq3A_787 = vector.broadcast %reduce_max3A_278 : i32 to vector<16xi32>
          %eq3A_788 = arith.cmpi eq, %and3A_762, %eq3A_787 : vector<16xi32>
          %and3A_789 = arith.andi %eq3A_786, %eq3A_788 : vector<16xi1>
          tpu.vector_store_idx %arg14[%add3A_784], %broadcast_in_dim3A_31 masked %and3A_789 {add = true} : memref<6160xi32, #tpu.memory_space<vmem>>[vector<16xi32>], vector<16xi32>, vector<16xi1>
          %add3A_790 = arith.constant 3072 : i32
          %add3A_791 = vector.broadcast %add3A_790 : i32 to vector<16xi32>
          %add3A_792 = arith.addi %add3A_791, %and3A_765 : vector<16xi32>
          %eq3A_793 = vector.broadcast %reduce_max3A_176 : i32 to vector<16xi32>
          %eq3A_794 = arith.cmpi eq, %shift_right_logical3A_756, %eq3A_793 : vector<16xi32>
          %eq3A_795 = vector.broadcast %reduce_max3A_292 : i32 to vector<16xi32>
          %eq3A_796 = arith.cmpi eq, %and3A_762, %eq3A_795 : vector<16xi32>
          %and3A_797 = arith.andi %eq3A_794, %eq3A_796 : vector<16xi1>
          tpu.vector_store_idx %arg14[%add3A_792], %broadcast_in_dim3A_31 masked %and3A_797 {add = true} : memref<6160xi32, #tpu.memory_space<vmem>>[vector<16xi32>], vector<16xi32>, vector<16xi1>
          %add3A_798 = arith.constant 4096 : i32
          %add3A_799 = vector.broadcast %add3A_798 : i32 to vector<16xi32>
          %add3A_800 = arith.addi %add3A_799, %and3A_765 : vector<16xi32>
          %eq3A_801 = vector.broadcast %reduce_max3A_190 : i32 to vector<16xi32>
          %eq3A_802 = arith.cmpi eq, %shift_right_logical3A_756, %eq3A_801 : vector<16xi32>
          %eq3A_803 = vector.broadcast %reduce_max3A_306 : i32 to vector<16xi32>
          %eq3A_804 = arith.cmpi eq, %and3A_762, %eq3A_803 : vector<16xi32>
          %and3A_805 = arith.andi %eq3A_802, %eq3A_804 : vector<16xi1>
          tpu.vector_store_idx %arg14[%add3A_800], %broadcast_in_dim3A_31 masked %and3A_805 {add = true} : memref<6160xi32, #tpu.memory_space<vmem>>[vector<16xi32>], vector<16xi32>, vector<16xi1>
          %add3A_806 = arith.constant 5120 : i32
          %add3A_807 = vector.broadcast %add3A_806 : i32 to vector<16xi32>
          %add3A_808 = arith.addi %add3A_807, %and3A_765 : vector<16xi32>
          %eq3A_809 = vector.broadcast %reduce_max3A_204 : i32 to vector<16xi32>
          %eq3A_810 = arith.cmpi eq, %shift_right_logical3A_756, %eq3A_809 : vector<16xi32>
          %eq3A_811 = vector.broadcast %reduce_max3A_320 : i32 to vector<16xi32>
          %eq3A_812 = arith.cmpi eq, %and3A_762, %eq3A_811 : vector<16xi32>
          %and3A_813 = arith.andi %eq3A_810, %eq3A_812 : vector<16xi1>
          tpu.vector_store_idx %arg14[%add3A_808], %broadcast_in_dim3A_31 masked %and3A_813 {add = true} : memref<6160xi32, #tpu.memory_space<vmem>>[vector<16xi32>], vector<16xi32>, vector<16xi1>
        }
        %add3A_657 = arith.constant 1 : i32
        %add3A_658 = arith.addi %while3A_636, %add3A_657 : i32
        %lt3A_659 = arith.cmpi slt, %add3A_658, %squeeze3A_64 : i32
        %convert_element_type3A_660 = arith.extui %lt3A_659 : i1 to i32
        %cond3A_661 = arith.constant 0 : i32
        %cond3A_662 = arith.cmpi ne, %convert_element_type3A_660, %cond3A_661 : i32
        scf.if %cond3A_662 {
          %add3A_663 = arith.constant 1 : i32
          %add3A_664 = arith.addi %while3A_636, %add3A_663 : i32
          %mul3A_665 = arith.constant 1600 : i32
          %mul3A_666 = arith.muli %add3A_664, %mul3A_665 : i32
          %add3A_667 = arith.addi %add3A_82, %mul3A_666 : i32
          %mul3A_668 = arith.constant 8 : i32
          %mul3A_669 = arith.muli %add3A_667, %mul3A_668 : i32
          %add3A_670 = arith.constant 1 : i32
          %add3A_671 = arith.addi %while3A_636, %add3A_670 : i32
          %and3A_672 = arith.constant 1 : i32
          %and3A_673 = arith.andi %add3A_671, %and3A_672 : i32
          %mul3A_674 = arith.constant 12800 : i32
          %mul3A_675 = arith.muli %and3A_673, %mul3A_674 : i32
          %dma_wait3A = tpu.memref_slice %arg8[%mul3A_675] : memref<25600xf32, #tpu.memory_space<vmem>> -> memref<12800xf32, #tpu.memory_space<vmem>>
          %dma_wait3A_676 = tpu.memref_slice %arg3[%mul3A_669] : memref<52582400xf32, #tpu.memory_space<hbm>> -> memref<12800xf32, #tpu.memory_space<hbm>>
          %dma_wait3A_677 = tpu.memref_slice %arg8[%mul3A_675] : memref<25600xf32, #tpu.memory_space<vmem>> -> memref<12800xf32, #tpu.memory_space<vmem>>
          %dma_wait3A_678 = tpu.memref_slice %arg3[%mul3A_669] : memref<52582400xf32, #tpu.memory_space<hbm>> -> memref<12800xf32, #tpu.memory_space<hbm>>
          tpu.wait_dma2 semaphore(%arg16 : memref<!tpu.dma_semaphore, #tpu.memory_space<semaphore_mem>>) src(%dma_wait3A_678 : memref<12800xf32, #tpu.memory_space<hbm>>) dst(%dma_wait3A_677 : memref<12800xf32, #tpu.memory_space<vmem>>)
        } else {
        }
      }
      %while3A_346 = arith.constant 1 : i32
      scf.for %while3A_636 = %while3A_344 to %while3A_340 step %while3A_346  : i32 {
        %add3A_637 = arith.constant 1 : i32
        %add3A_638 = arith.addi %while3A_636, %add3A_637 : i32
        %lt3A_639 = arith.cmpi slt, %add3A_638, %squeeze3A_64 : i32
        %convert_element_type3A_640 = arith.extui %lt3A_639 : i1 to i32
        %cond3A_641 = arith.constant 0 : i32
        %cond3A_642 = arith.cmpi ne, %convert_element_type3A_640, %cond3A_641 : i32
        scf.if %cond3A_642 {
          %add3A_663 = arith.constant 1 : i32
          %add3A_664 = arith.addi %while3A_636, %add3A_663 : i32
          %mul3A_665 = arith.constant 1600 : i32
          %mul3A_666 = arith.muli %add3A_664, %mul3A_665 : i32
          %add3A_667 = arith.addi %add3A_82, %mul3A_666 : i32
          %mul3A_668 = arith.constant 8 : i32
          %mul3A_669 = arith.muli %add3A_667, %mul3A_668 : i32
          %add3A_670 = arith.constant 1 : i32
          %add3A_671 = arith.addi %while3A_636, %add3A_670 : i32
          %and3A_672 = arith.constant 1 : i32
          %and3A_673 = arith.andi %add3A_671, %and3A_672 : i32
          %mul3A_674 = arith.constant 12800 : i32
          %mul3A_675 = arith.muli %and3A_673, %mul3A_674 : i32
          %dma_start3A = tpu.memref_slice %arg8[%mul3A_675] : memref<25600xf32, #tpu.memory_space<vmem>> -> memref<12800xf32, #tpu.memory_space<vmem>>
          %dma_start3A_676 = tpu.memref_slice %arg3[%mul3A_669] : memref<52582400xf32, #tpu.memory_space<hbm>> -> memref<12800xf32, #tpu.memory_space<hbm>>
          %dma_start3A_677 = tpu.memref_slice %arg8[%mul3A_675] : memref<25600xf32, #tpu.memory_space<vmem>> -> memref<12800xf32, #tpu.memory_space<vmem>>
          %dma_start3A_678 = tpu.memref_slice %arg3[%mul3A_669] : memref<52582400xf32, #tpu.memory_space<hbm>> -> memref<12800xf32, #tpu.memory_space<hbm>>
          tpu.enqueue_dma source(%dma_start3A_678 : memref<12800xf32, #tpu.memory_space<hbm>>) target(%dma_start3A_677 : memref<12800xf32, #tpu.memory_space<vmem>>) target_semaphore(%arg16 : memref<!tpu.dma_semaphore, #tpu.memory_space<semaphore_mem>>)
        } else {
        }
        %and3A_643 = arith.constant 1 : i32
        %and3A_644 = arith.andi %while3A_636, %and3A_643 : i32
        %mul3A_645 = arith.constant 12800 : i32
        %mul3A_646 = arith.muli %and3A_644, %mul3A_645 : i32
        %shift_right_logical3A = arith.constant 1 : i32
        %shift_right_logical3A_647 = arith.shrui %squeeze3A_66, %shift_right_logical3A : i32
        %while3A_648 = arith.constant 0 : i32
        %while3A_649 = arith.subi %shift_right_logical3A_647, %while3A_648 : i32
        %while3A_650 = arith.addi %while3A_648, %while3A_649 : i32
        %while3A_651 = arith.constant 1 : i32
        %while3A_652 = arith.divsi %while3A_649, %while3A_651 : i32
        %while3A_653 = arith.muli %while3A_652, %while3A_651 : i32
        %while3A_654 = arith.addi %while3A_648, %while3A_653 : i32
        %while3A_655 = arith.constant 1 : i32
        scf.for %while3A_663 = %while3A_648 to %while3A_654 step %while3A_655  : i32 {
          %mul3A_664 = arith.constant 2 : i32
          %mul3A_665 = arith.muli %while3A_663, %mul3A_664 : i32
          %add3A_666 = arith.addi %squeeze3A_68, %mul3A_665 : i32
          %mul3A_667 = arith.constant 16 : i32
          %mul3A_668 = arith.muli %add3A_666, %mul3A_667 : i32
          %get3A_669 = arith.index_cast %mul3A_668 : i32 to index
          %get3A_670 = tpu.vector_load %arg9[%get3A_669] {strides = array<i32>} : memref<17408xi32, #tpu.memory_space<vmem>>, vector<16xi32>,
          %add3A_671 = vector.broadcast %mul3A_646 : i32 to vector<16xi32>
          %add3A_672 = arith.addi %get3A_670, %add3A_671 : vector<16xi32>
          %add3A_673 = arith.constant 16 : i32
          %add3A_674 = arith.addi %mul3A_668, %add3A_673 : i32
          %get3A_675 = arith.index_cast %add3A_674 : i32 to index
          %get3A_676 = tpu.vector_load %arg9[%get3A_675] {strides = array<i32>} : memref<17408xi32, #tpu.memory_space<vmem>>, vector<16xi32>,
          %add3A_677 = vector.broadcast %mul3A_646 : i32 to vector<16xi32>
          %add3A_678 = arith.addi %get3A_676, %add3A_677 : vector<16xi32>
          %gather3A = tpu.vector_load_idx %arg8[%add3A_672] : memref<25600xf32, #tpu.memory_space<vmem>>[vector<16xi32>], vector<16xf32>,
          %bitcast3A_679 = vector.bitcast %gather3A : vector<16xf32> to vector<16xi32>
          %shift_right_arithmetic3A = arith.constant 31 : i32
          %shift_right_arithmetic3A_680 = vector.broadcast %shift_right_arithmetic3A : i32 to vector<16xi32>
          %shift_right_arithmetic3A_681 = arith.shrsi %bitcast3A_679, %shift_right_arithmetic3A_680 : vector<16xi32>
          %or3A_682 = arith.constant -2147483648 : i32
          %or3A_683 = vector.broadcast %or3A_682 : i32 to vector<16xi32>
          %or3A_684 = arith.ori %shift_right_arithmetic3A_681, %or3A_683 : vector<16xi32>
          %xor3A = arith.xori %bitcast3A_679, %or3A_684 : vector<16xi32>
          %shift_right_logical3A_685 = arith.constant 21 : i32
          %shift_right_logical3A_686 = vector.broadcast %shift_right_logical3A_685 : i32 to vector<16xi32>
          %shift_right_logical3A_687 = arith.shrui %xor3A, %shift_right_logical3A_686 : vector<16xi32>
          %shift_right_logical3A_688 = arith.constant 10 : i32
          %shift_right_logical3A_689 = vector.broadcast %shift_right_logical3A_688 : i32 to vector<16xi32>
          %shift_right_logical3A_690 = arith.shrui %xor3A, %shift_right_logical3A_689 : vector<16xi32>
          %and3A_691 = arith.constant 2047 : i32
          %and3A_692 = vector.broadcast %and3A_691 : i32 to vector<16xi32>
          %and3A_693 = arith.andi %shift_right_logical3A_690, %and3A_692 : vector<16xi32>
          %and3A_694 = arith.constant 1023 : i32
          %and3A_695 = vector.broadcast %and3A_694 : i32 to vector<16xi32>
          %and3A_696 = arith.andi %xor3A, %and3A_695 : vector<16xi32>
          %add3A_697 = arith.constant 0 : i32
          %add3A_698 = vector.broadcast %add3A_697 : i32 to vector<16xi32>
          %add3A_699 = arith.addi %add3A_698, %and3A_696 : vector<16xi32>
          %eq3A_700 = vector.broadcast %reduce_max3A_134 : i32 to vector<16xi32>
          %eq3A_701 = arith.cmpi eq, %shift_right_logical3A_687, %eq3A_700 : vector<16xi32>
          %eq3A_702 = vector.broadcast %reduce_max3A_250 : i32 to vector<16xi32>
          %eq3A_703 = arith.cmpi eq, %and3A_693, %eq3A_702 : vector<16xi32>
          %and3A_704 = arith.andi %eq3A_701, %eq3A_703 : vector<16xi1>
          tpu.vector_store_idx %arg14[%add3A_699], %broadcast_in_dim3A_31 masked %and3A_704 {add = true} : memref<6160xi32, #tpu.memory_space<vmem>>[vector<16xi32>], vector<16xi32>, vector<16xi1>
          %add3A_705 = arith.constant 1024 : i32
          %add3A_706 = vector.broadcast %add3A_705 : i32 to vector<16xi32>
          %add3A_707 = arith.addi %add3A_706, %and3A_696 : vector<16xi32>
          %eq3A_708 = vector.broadcast %reduce_max3A_148 : i32 to vector<16xi32>
          %eq3A_709 = arith.cmpi eq, %shift_right_logical3A_687, %eq3A_708 : vector<16xi32>
          %eq3A_710 = vector.broadcast %reduce_max3A_264 : i32 to vector<16xi32>
          %eq3A_711 = arith.cmpi eq, %and3A_693, %eq3A_710 : vector<16xi32>
          %and3A_712 = arith.andi %eq3A_709, %eq3A_711 : vector<16xi1>
          tpu.vector_store_idx %arg14[%add3A_707], %broadcast_in_dim3A_31 masked %and3A_712 {add = true} : memref<6160xi32, #tpu.memory_space<vmem>>[vector<16xi32>], vector<16xi32>, vector<16xi1>
          %add3A_713 = arith.constant 2048 : i32
          %add3A_714 = vector.broadcast %add3A_713 : i32 to vector<16xi32>
          %add3A_715 = arith.addi %add3A_714, %and3A_696 : vector<16xi32>
          %eq3A_716 = vector.broadcast %reduce_max3A_162 : i32 to vector<16xi32>
          %eq3A_717 = arith.cmpi eq, %shift_right_logical3A_687, %eq3A_716 : vector<16xi32>
          %eq3A_718 = vector.broadcast %reduce_max3A_278 : i32 to vector<16xi32>
          %eq3A_719 = arith.cmpi eq, %and3A_693, %eq3A_718 : vector<16xi32>
          %and3A_720 = arith.andi %eq3A_717, %eq3A_719 : vector<16xi1>
          tpu.vector_store_idx %arg14[%add3A_715], %broadcast_in_dim3A_31 masked %and3A_720 {add = true} : memref<6160xi32, #tpu.memory_space<vmem>>[vector<16xi32>], vector<16xi32>, vector<16xi1>
          %add3A_721 = arith.constant 3072 : i32
          %add3A_722 = vector.broadcast %add3A_721 : i32 to vector<16xi32>
          %add3A_723 = arith.addi %add3A_722, %and3A_696 : vector<16xi32>
          %eq3A_724 = vector.broadcast %reduce_max3A_176 : i32 to vector<16xi32>
          %eq3A_725 = arith.cmpi eq, %shift_right_logical3A_687, %eq3A_724 : vector<16xi32>
          %eq3A_726 = vector.broadcast %reduce_max3A_292 : i32 to vector<16xi32>
          %eq3A_727 = arith.cmpi eq, %and3A_693, %eq3A_726 : vector<16xi32>
          %and3A_728 = arith.andi %eq3A_725, %eq3A_727 : vector<16xi1>
          tpu.vector_store_idx %arg14[%add3A_723], %broadcast_in_dim3A_31 masked %and3A_728 {add = true} : memref<6160xi32, #tpu.memory_space<vmem>>[vector<16xi32>], vector<16xi32>, vector<16xi1>
          %add3A_729 = arith.constant 4096 : i32
          %add3A_730 = vector.broadcast %add3A_729 : i32 to vector<16xi32>
          %add3A_731 = arith.addi %add3A_730, %and3A_696 : vector<16xi32>
          %eq3A_732 = vector.broadcast %reduce_max3A_190 : i32 to vector<16xi32>
          %eq3A_733 = arith.cmpi eq, %shift_right_logical3A_687, %eq3A_732 : vector<16xi32>
          %eq3A_734 = vector.broadcast %reduce_max3A_306 : i32 to vector<16xi32>
          %eq3A_735 = arith.cmpi eq, %and3A_693, %eq3A_734 : vector<16xi32>
          %and3A_736 = arith.andi %eq3A_733, %eq3A_735 : vector<16xi1>
          tpu.vector_store_idx %arg14[%add3A_731], %broadcast_in_dim3A_31 masked %and3A_736 {add = true} : memref<6160xi32, #tpu.memory_space<vmem>>[vector<16xi32>], vector<16xi32>, vector<16xi1>
          %add3A_737 = arith.constant 5120 : i32
          %add3A_738 = vector.broadcast %add3A_737 : i32 to vector<16xi32>
          %add3A_739 = arith.addi %add3A_738, %and3A_696 : vector<16xi32>
          %eq3A_740 = vector.broadcast %reduce_max3A_204 : i32 to vector<16xi32>
          %eq3A_741 = arith.cmpi eq, %shift_right_logical3A_687, %eq3A_740 : vector<16xi32>
          %eq3A_742 = vector.broadcast %reduce_max3A_320 : i32 to vector<16xi32>
          %eq3A_743 = arith.cmpi eq, %and3A_693, %eq3A_742 : vector<16xi32>
          %and3A_744 = arith.andi %eq3A_741, %eq3A_743 : vector<16xi1>
          tpu.vector_store_idx %arg14[%add3A_739], %broadcast_in_dim3A_31 masked %and3A_744 {add = true} : memref<6160xi32, #tpu.memory_space<vmem>>[vector<16xi32>], vector<16xi32>, vector<16xi1>
          %gather3A_745 = tpu.vector_load_idx %arg8[%add3A_678] : memref<25600xf32, #tpu.memory_space<vmem>>[vector<16xi32>], vector<16xf32>,
          %bitcast3A_746 = vector.bitcast %gather3A_745 : vector<16xf32> to vector<16xi32>
          %shift_right_arithmetic3A_747 = arith.constant 31 : i32
          %shift_right_arithmetic3A_748 = vector.broadcast %shift_right_arithmetic3A_747 : i32 to vector<16xi32>
          %shift_right_arithmetic3A_749 = arith.shrsi %bitcast3A_746, %shift_right_arithmetic3A_748 : vector<16xi32>
          %or3A_750 = arith.constant -2147483648 : i32
          %or3A_751 = vector.broadcast %or3A_750 : i32 to vector<16xi32>
          %or3A_752 = arith.ori %shift_right_arithmetic3A_749, %or3A_751 : vector<16xi32>
          %xor3A_753 = arith.xori %bitcast3A_746, %or3A_752 : vector<16xi32>
          %shift_right_logical3A_754 = arith.constant 21 : i32
          %shift_right_logical3A_755 = vector.broadcast %shift_right_logical3A_754 : i32 to vector<16xi32>
          %shift_right_logical3A_756 = arith.shrui %xor3A_753, %shift_right_logical3A_755 : vector<16xi32>
          %shift_right_logical3A_757 = arith.constant 10 : i32
          %shift_right_logical3A_758 = vector.broadcast %shift_right_logical3A_757 : i32 to vector<16xi32>
          %shift_right_logical3A_759 = arith.shrui %xor3A_753, %shift_right_logical3A_758 : vector<16xi32>
          %and3A_760 = arith.constant 2047 : i32
          %and3A_761 = vector.broadcast %and3A_760 : i32 to vector<16xi32>
          %and3A_762 = arith.andi %shift_right_logical3A_759, %and3A_761 : vector<16xi32>
          %and3A_763 = arith.constant 1023 : i32
          %and3A_764 = vector.broadcast %and3A_763 : i32 to vector<16xi32>
          %and3A_765 = arith.andi %xor3A_753, %and3A_764 : vector<16xi32>
          %add3A_766 = arith.constant 0 : i32
          %add3A_767 = vector.broadcast %add3A_766 : i32 to vector<16xi32>
          %add3A_768 = arith.addi %add3A_767, %and3A_765 : vector<16xi32>
          %eq3A_769 = vector.broadcast %reduce_max3A_134 : i32 to vector<16xi32>
          %eq3A_770 = arith.cmpi eq, %shift_right_logical3A_756, %eq3A_769 : vector<16xi32>
          %eq3A_771 = vector.broadcast %reduce_max3A_250 : i32 to vector<16xi32>
          %eq3A_772 = arith.cmpi eq, %and3A_762, %eq3A_771 : vector<16xi32>
          %and3A_773 = arith.andi %eq3A_770, %eq3A_772 : vector<16xi1>
          tpu.vector_store_idx %arg14[%add3A_768], %broadcast_in_dim3A_31 masked %and3A_773 {add = true} : memref<6160xi32, #tpu.memory_space<vmem>>[vector<16xi32>], vector<16xi32>, vector<16xi1>
          %add3A_774 = arith.constant 1024 : i32
          %add3A_775 = vector.broadcast %add3A_774 : i32 to vector<16xi32>
          %add3A_776 = arith.addi %add3A_775, %and3A_765 : vector<16xi32>
          %eq3A_777 = vector.broadcast %reduce_max3A_148 : i32 to vector<16xi32>
          %eq3A_778 = arith.cmpi eq, %shift_right_logical3A_756, %eq3A_777 : vector<16xi32>
          %eq3A_779 = vector.broadcast %reduce_max3A_264 : i32 to vector<16xi32>
          %eq3A_780 = arith.cmpi eq, %and3A_762, %eq3A_779 : vector<16xi32>
          %and3A_781 = arith.andi %eq3A_778, %eq3A_780 : vector<16xi1>
          tpu.vector_store_idx %arg14[%add3A_776], %broadcast_in_dim3A_31 masked %and3A_781 {add = true} : memref<6160xi32, #tpu.memory_space<vmem>>[vector<16xi32>], vector<16xi32>, vector<16xi1>
          %add3A_782 = arith.constant 2048 : i32
          %add3A_783 = vector.broadcast %add3A_782 : i32 to vector<16xi32>
          %add3A_784 = arith.addi %add3A_783, %and3A_765 : vector<16xi32>
          %eq3A_785 = vector.broadcast %reduce_max3A_162 : i32 to vector<16xi32>
          %eq3A_786 = arith.cmpi eq, %shift_right_logical3A_756, %eq3A_785 : vector<16xi32>
          %eq3A_787 = vector.broadcast %reduce_max3A_278 : i32 to vector<16xi32>
          %eq3A_788 = arith.cmpi eq, %and3A_762, %eq3A_787 : vector<16xi32>
          %and3A_789 = arith.andi %eq3A_786, %eq3A_788 : vector<16xi1>
          tpu.vector_store_idx %arg14[%add3A_784], %broadcast_in_dim3A_31 masked %and3A_789 {add = true} : memref<6160xi32, #tpu.memory_space<vmem>>[vector<16xi32>], vector<16xi32>, vector<16xi1>
          %add3A_790 = arith.constant 3072 : i32
          %add3A_791 = vector.broadcast %add3A_790 : i32 to vector<16xi32>
          %add3A_792 = arith.addi %add3A_791, %and3A_765 : vector<16xi32>
          %eq3A_793 = vector.broadcast %reduce_max3A_176 : i32 to vector<16xi32>
          %eq3A_794 = arith.cmpi eq, %shift_right_logical3A_756, %eq3A_793 : vector<16xi32>
          %eq3A_795 = vector.broadcast %reduce_max3A_292 : i32 to vector<16xi32>
          %eq3A_796 = arith.cmpi eq, %and3A_762, %eq3A_795 : vector<16xi32>
          %and3A_797 = arith.andi %eq3A_794, %eq3A_796 : vector<16xi1>
          tpu.vector_store_idx %arg14[%add3A_792], %broadcast_in_dim3A_31 masked %and3A_797 {add = true} : memref<6160xi32, #tpu.memory_space<vmem>>[vector<16xi32>], vector<16xi32>, vector<16xi1>
          %add3A_798 = arith.constant 4096 : i32
          %add3A_799 = vector.broadcast %add3A_798 : i32 to vector<16xi32>
          %add3A_800 = arith.addi %add3A_799, %and3A_765 : vector<16xi32>
          %eq3A_801 = vector.broadcast %reduce_max3A_190 : i32 to vector<16xi32>
          %eq3A_802 = arith.cmpi eq, %shift_right_logical3A_756, %eq3A_801 : vector<16xi32>
          %eq3A_803 = vector.broadcast %reduce_max3A_306 : i32 to vector<16xi32>
          %eq3A_804 = arith.cmpi eq, %and3A_762, %eq3A_803 : vector<16xi32>
          %and3A_805 = arith.andi %eq3A_802, %eq3A_804 : vector<16xi1>
          tpu.vector_store_idx %arg14[%add3A_800], %broadcast_in_dim3A_31 masked %and3A_805 {add = true} : memref<6160xi32, #tpu.memory_space<vmem>>[vector<16xi32>], vector<16xi32>, vector<16xi1>
          %add3A_806 = arith.constant 5120 : i32
          %add3A_807 = vector.broadcast %add3A_806 : i32 to vector<16xi32>
          %add3A_808 = arith.addi %add3A_807, %and3A_765 : vector<16xi32>
          %eq3A_809 = vector.broadcast %reduce_max3A_204 : i32 to vector<16xi32>
          %eq3A_810 = arith.cmpi eq, %shift_right_logical3A_756, %eq3A_809 : vector<16xi32>
          %eq3A_811 = vector.broadcast %reduce_max3A_320 : i32 to vector<16xi32>
          %eq3A_812 = arith.cmpi eq, %and3A_762, %eq3A_811 : vector<16xi32>
          %and3A_813 = arith.andi %eq3A_810, %eq3A_812 : vector<16xi1>
          tpu.vector_store_idx %arg14[%add3A_808], %broadcast_in_dim3A_31 masked %and3A_813 {add = true} : memref<6160xi32, #tpu.memory_space<vmem>>[vector<16xi32>], vector<16xi32>, vector<16xi1>
        }
        %while3A_656 = arith.constant 1 : i32
        scf.for %while3A_663 = %while3A_654 to %while3A_650 step %while3A_656  : i32 {
          %mul3A_664 = arith.constant 2 : i32
          %mul3A_665 = arith.muli %while3A_663, %mul3A_664 : i32
          %add3A_666 = arith.addi %squeeze3A_68, %mul3A_665 : i32
          %mul3A_667 = arith.constant 16 : i32
          %mul3A_668 = arith.muli %add3A_666, %mul3A_667 : i32
          %get3A_669 = arith.index_cast %mul3A_668 : i32 to index
          %get3A_670 = tpu.vector_load %arg9[%get3A_669] {strides = array<i32>} : memref<17408xi32, #tpu.memory_space<vmem>>, vector<16xi32>,
          %add3A_671 = vector.broadcast %mul3A_646 : i32 to vector<16xi32>
          %add3A_672 = arith.addi %get3A_670, %add3A_671 : vector<16xi32>
          %add3A_673 = arith.constant 16 : i32
          %add3A_674 = arith.addi %mul3A_668, %add3A_673 : i32
          %get3A_675 = arith.index_cast %add3A_674 : i32 to index
          %get3A_676 = tpu.vector_load %arg9[%get3A_675] {strides = array<i32>} : memref<17408xi32, #tpu.memory_space<vmem>>, vector<16xi32>,
          %add3A_677 = vector.broadcast %mul3A_646 : i32 to vector<16xi32>
          %add3A_678 = arith.addi %get3A_676, %add3A_677 : vector<16xi32>
          %gather3A = tpu.vector_load_idx %arg8[%add3A_672] : memref<25600xf32, #tpu.memory_space<vmem>>[vector<16xi32>], vector<16xf32>,
          %bitcast3A_679 = vector.bitcast %gather3A : vector<16xf32> to vector<16xi32>
          %shift_right_arithmetic3A = arith.constant 31 : i32
          %shift_right_arithmetic3A_680 = vector.broadcast %shift_right_arithmetic3A : i32 to vector<16xi32>
          %shift_right_arithmetic3A_681 = arith.shrsi %bitcast3A_679, %shift_right_arithmetic3A_680 : vector<16xi32>
          %or3A_682 = arith.constant -2147483648 : i32
          %or3A_683 = vector.broadcast %or3A_682 : i32 to vector<16xi32>
          %or3A_684 = arith.ori %shift_right_arithmetic3A_681, %or3A_683 : vector<16xi32>
          %xor3A = arith.xori %bitcast3A_679, %or3A_684 : vector<16xi32>
          %shift_right_logical3A_685 = arith.constant 21 : i32
          %shift_right_logical3A_686 = vector.broadcast %shift_right_logical3A_685 : i32 to vector<16xi32>
          %shift_right_logical3A_687 = arith.shrui %xor3A, %shift_right_logical3A_686 : vector<16xi32>
          %shift_right_logical3A_688 = arith.constant 10 : i32
          %shift_right_logical3A_689 = vector.broadcast %shift_right_logical3A_688 : i32 to vector<16xi32>
          %shift_right_logical3A_690 = arith.shrui %xor3A, %shift_right_logical3A_689 : vector<16xi32>
          %and3A_691 = arith.constant 2047 : i32
          %and3A_692 = vector.broadcast %and3A_691 : i32 to vector<16xi32>
          %and3A_693 = arith.andi %shift_right_logical3A_690, %and3A_692 : vector<16xi32>
          %and3A_694 = arith.constant 1023 : i32
          %and3A_695 = vector.broadcast %and3A_694 : i32 to vector<16xi32>
          %and3A_696 = arith.andi %xor3A, %and3A_695 : vector<16xi32>
          %add3A_697 = arith.constant 0 : i32
          %add3A_698 = vector.broadcast %add3A_697 : i32 to vector<16xi32>
          %add3A_699 = arith.addi %add3A_698, %and3A_696 : vector<16xi32>
          %eq3A_700 = vector.broadcast %reduce_max3A_134 : i32 to vector<16xi32>
          %eq3A_701 = arith.cmpi eq, %shift_right_logical3A_687, %eq3A_700 : vector<16xi32>
          %eq3A_702 = vector.broadcast %reduce_max3A_250 : i32 to vector<16xi32>
          %eq3A_703 = arith.cmpi eq, %and3A_693, %eq3A_702 : vector<16xi32>
          %and3A_704 = arith.andi %eq3A_701, %eq3A_703 : vector<16xi1>
          tpu.vector_store_idx %arg14[%add3A_699], %broadcast_in_dim3A_31 masked %and3A_704 {add = true} : memref<6160xi32, #tpu.memory_space<vmem>>[vector<16xi32>], vector<16xi32>, vector<16xi1>
          %add3A_705 = arith.constant 1024 : i32
          %add3A_706 = vector.broadcast %add3A_705 : i32 to vector<16xi32>
          %add3A_707 = arith.addi %add3A_706, %and3A_696 : vector<16xi32>
          %eq3A_708 = vector.broadcast %reduce_max3A_148 : i32 to vector<16xi32>
          %eq3A_709 = arith.cmpi eq, %shift_right_logical3A_687, %eq3A_708 : vector<16xi32>
          %eq3A_710 = vector.broadcast %reduce_max3A_264 : i32 to vector<16xi32>
          %eq3A_711 = arith.cmpi eq, %and3A_693, %eq3A_710 : vector<16xi32>
          %and3A_712 = arith.andi %eq3A_709, %eq3A_711 : vector<16xi1>
          tpu.vector_store_idx %arg14[%add3A_707], %broadcast_in_dim3A_31 masked %and3A_712 {add = true} : memref<6160xi32, #tpu.memory_space<vmem>>[vector<16xi32>], vector<16xi32>, vector<16xi1>
          %add3A_713 = arith.constant 2048 : i32
          %add3A_714 = vector.broadcast %add3A_713 : i32 to vector<16xi32>
          %add3A_715 = arith.addi %add3A_714, %and3A_696 : vector<16xi32>
          %eq3A_716 = vector.broadcast %reduce_max3A_162 : i32 to vector<16xi32>
          %eq3A_717 = arith.cmpi eq, %shift_right_logical3A_687, %eq3A_716 : vector<16xi32>
          %eq3A_718 = vector.broadcast %reduce_max3A_278 : i32 to vector<16xi32>
          %eq3A_719 = arith.cmpi eq, %and3A_693, %eq3A_718 : vector<16xi32>
          %and3A_720 = arith.andi %eq3A_717, %eq3A_719 : vector<16xi1>
          tpu.vector_store_idx %arg14[%add3A_715], %broadcast_in_dim3A_31 masked %and3A_720 {add = true} : memref<6160xi32, #tpu.memory_space<vmem>>[vector<16xi32>], vector<16xi32>, vector<16xi1>
          %add3A_721 = arith.constant 3072 : i32
          %add3A_722 = vector.broadcast %add3A_721 : i32 to vector<16xi32>
          %add3A_723 = arith.addi %add3A_722, %and3A_696 : vector<16xi32>
          %eq3A_724 = vector.broadcast %reduce_max3A_176 : i32 to vector<16xi32>
          %eq3A_725 = arith.cmpi eq, %shift_right_logical3A_687, %eq3A_724 : vector<16xi32>
          %eq3A_726 = vector.broadcast %reduce_max3A_292 : i32 to vector<16xi32>
          %eq3A_727 = arith.cmpi eq, %and3A_693, %eq3A_726 : vector<16xi32>
          %and3A_728 = arith.andi %eq3A_725, %eq3A_727 : vector<16xi1>
          tpu.vector_store_idx %arg14[%add3A_723], %broadcast_in_dim3A_31 masked %and3A_728 {add = true} : memref<6160xi32, #tpu.memory_space<vmem>>[vector<16xi32>], vector<16xi32>, vector<16xi1>
          %add3A_729 = arith.constant 4096 : i32
          %add3A_730 = vector.broadcast %add3A_729 : i32 to vector<16xi32>
          %add3A_731 = arith.addi %add3A_730, %and3A_696 : vector<16xi32>
          %eq3A_732 = vector.broadcast %reduce_max3A_190 : i32 to vector<16xi32>
          %eq3A_733 = arith.cmpi eq, %shift_right_logical3A_687, %eq3A_732 : vector<16xi32>
          %eq3A_734 = vector.broadcast %reduce_max3A_306 : i32 to vector<16xi32>
          %eq3A_735 = arith.cmpi eq, %and3A_693, %eq3A_734 : vector<16xi32>
          %and3A_736 = arith.andi %eq3A_733, %eq3A_735 : vector<16xi1>
          tpu.vector_store_idx %arg14[%add3A_731], %broadcast_in_dim3A_31 masked %and3A_736 {add = true} : memref<6160xi32, #tpu.memory_space<vmem>>[vector<16xi32>], vector<16xi32>, vector<16xi1>
          %add3A_737 = arith.constant 5120 : i32
          %add3A_738 = vector.broadcast %add3A_737 : i32 to vector<16xi32>
          %add3A_739 = arith.addi %add3A_738, %and3A_696 : vector<16xi32>
          %eq3A_740 = vector.broadcast %reduce_max3A_204 : i32 to vector<16xi32>
          %eq3A_741 = arith.cmpi eq, %shift_right_logical3A_687, %eq3A_740 : vector<16xi32>
          %eq3A_742 = vector.broadcast %reduce_max3A_320 : i32 to vector<16xi32>
          %eq3A_743 = arith.cmpi eq, %and3A_693, %eq3A_742 : vector<16xi32>
          %and3A_744 = arith.andi %eq3A_741, %eq3A_743 : vector<16xi1>
          tpu.vector_store_idx %arg14[%add3A_739], %broadcast_in_dim3A_31 masked %and3A_744 {add = true} : memref<6160xi32, #tpu.memory_space<vmem>>[vector<16xi32>], vector<16xi32>, vector<16xi1>
          %gather3A_745 = tpu.vector_load_idx %arg8[%add3A_678] : memref<25600xf32, #tpu.memory_space<vmem>>[vector<16xi32>], vector<16xf32>,
          %bitcast3A_746 = vector.bitcast %gather3A_745 : vector<16xf32> to vector<16xi32>
          %shift_right_arithmetic3A_747 = arith.constant 31 : i32
          %shift_right_arithmetic3A_748 = vector.broadcast %shift_right_arithmetic3A_747 : i32 to vector<16xi32>
          %shift_right_arithmetic3A_749 = arith.shrsi %bitcast3A_746, %shift_right_arithmetic3A_748 : vector<16xi32>
          %or3A_750 = arith.constant -2147483648 : i32
          %or3A_751 = vector.broadcast %or3A_750 : i32 to vector<16xi32>
          %or3A_752 = arith.ori %shift_right_arithmetic3A_749, %or3A_751 : vector<16xi32>
          %xor3A_753 = arith.xori %bitcast3A_746, %or3A_752 : vector<16xi32>
          %shift_right_logical3A_754 = arith.constant 21 : i32
          %shift_right_logical3A_755 = vector.broadcast %shift_right_logical3A_754 : i32 to vector<16xi32>
          %shift_right_logical3A_756 = arith.shrui %xor3A_753, %shift_right_logical3A_755 : vector<16xi32>
          %shift_right_logical3A_757 = arith.constant 10 : i32
          %shift_right_logical3A_758 = vector.broadcast %shift_right_logical3A_757 : i32 to vector<16xi32>
          %shift_right_logical3A_759 = arith.shrui %xor3A_753, %shift_right_logical3A_758 : vector<16xi32>
          %and3A_760 = arith.constant 2047 : i32
          %and3A_761 = vector.broadcast %and3A_760 : i32 to vector<16xi32>
          %and3A_762 = arith.andi %shift_right_logical3A_759, %and3A_761 : vector<16xi32>
          %and3A_763 = arith.constant 1023 : i32
          %and3A_764 = vector.broadcast %and3A_763 : i32 to vector<16xi32>
          %and3A_765 = arith.andi %xor3A_753, %and3A_764 : vector<16xi32>
          %add3A_766 = arith.constant 0 : i32
          %add3A_767 = vector.broadcast %add3A_766 : i32 to vector<16xi32>
          %add3A_768 = arith.addi %add3A_767, %and3A_765 : vector<16xi32>
          %eq3A_769 = vector.broadcast %reduce_max3A_134 : i32 to vector<16xi32>
          %eq3A_770 = arith.cmpi eq, %shift_right_logical3A_756, %eq3A_769 : vector<16xi32>
          %eq3A_771 = vector.broadcast %reduce_max3A_250 : i32 to vector<16xi32>
          %eq3A_772 = arith.cmpi eq, %and3A_762, %eq3A_771 : vector<16xi32>
          %and3A_773 = arith.andi %eq3A_770, %eq3A_772 : vector<16xi1>
          tpu.vector_store_idx %arg14[%add3A_768], %broadcast_in_dim3A_31 masked %and3A_773 {add = true} : memref<6160xi32, #tpu.memory_space<vmem>>[vector<16xi32>], vector<16xi32>, vector<16xi1>
          %add3A_774 = arith.constant 1024 : i32
          %add3A_775 = vector.broadcast %add3A_774 : i32 to vector<16xi32>
          %add3A_776 = arith.addi %add3A_775, %and3A_765 : vector<16xi32>
          %eq3A_777 = vector.broadcast %reduce_max3A_148 : i32 to vector<16xi32>
          %eq3A_778 = arith.cmpi eq, %shift_right_logical3A_756, %eq3A_777 : vector<16xi32>
          %eq3A_779 = vector.broadcast %reduce_max3A_264 : i32 to vector<16xi32>
          %eq3A_780 = arith.cmpi eq, %and3A_762, %eq3A_779 : vector<16xi32>
          %and3A_781 = arith.andi %eq3A_778, %eq3A_780 : vector<16xi1>
          tpu.vector_store_idx %arg14[%add3A_776], %broadcast_in_dim3A_31 masked %and3A_781 {add = true} : memref<6160xi32, #tpu.memory_space<vmem>>[vector<16xi32>], vector<16xi32>, vector<16xi1>
          %add3A_782 = arith.constant 2048 : i32
          %add3A_783 = vector.broadcast %add3A_782 : i32 to vector<16xi32>
          %add3A_784 = arith.addi %add3A_783, %and3A_765 : vector<16xi32>
          %eq3A_785 = vector.broadcast %reduce_max3A_162 : i32 to vector<16xi32>
          %eq3A_786 = arith.cmpi eq, %shift_right_logical3A_756, %eq3A_785 : vector<16xi32>
          %eq3A_787 = vector.broadcast %reduce_max3A_278 : i32 to vector<16xi32>
          %eq3A_788 = arith.cmpi eq, %and3A_762, %eq3A_787 : vector<16xi32>
          %and3A_789 = arith.andi %eq3A_786, %eq3A_788 : vector<16xi1>
          tpu.vector_store_idx %arg14[%add3A_784], %broadcast_in_dim3A_31 masked %and3A_789 {add = true} : memref<6160xi32, #tpu.memory_space<vmem>>[vector<16xi32>], vector<16xi32>, vector<16xi1>
          %add3A_790 = arith.constant 3072 : i32
          %add3A_791 = vector.broadcast %add3A_790 : i32 to vector<16xi32>
          %add3A_792 = arith.addi %add3A_791, %and3A_765 : vector<16xi32>
          %eq3A_793 = vector.broadcast %reduce_max3A_176 : i32 to vector<16xi32>
          %eq3A_794 = arith.cmpi eq, %shift_right_logical3A_756, %eq3A_793 : vector<16xi32>
          %eq3A_795 = vector.broadcast %reduce_max3A_292 : i32 to vector<16xi32>
          %eq3A_796 = arith.cmpi eq, %and3A_762, %eq3A_795 : vector<16xi32>
          %and3A_797 = arith.andi %eq3A_794, %eq3A_796 : vector<16xi1>
          tpu.vector_store_idx %arg14[%add3A_792], %broadcast_in_dim3A_31 masked %and3A_797 {add = true} : memref<6160xi32, #tpu.memory_space<vmem>>[vector<16xi32>], vector<16xi32>, vector<16xi1>
          %add3A_798 = arith.constant 4096 : i32
          %add3A_799 = vector.broadcast %add3A_798 : i32 to vector<16xi32>
          %add3A_800 = arith.addi %add3A_799, %and3A_765 : vector<16xi32>
          %eq3A_801 = vector.broadcast %reduce_max3A_190 : i32 to vector<16xi32>
          %eq3A_802 = arith.cmpi eq, %shift_right_logical3A_756, %eq3A_801 : vector<16xi32>
          %eq3A_803 = vector.broadcast %reduce_max3A_306 : i32 to vector<16xi32>
          %eq3A_804 = arith.cmpi eq, %and3A_762, %eq3A_803 : vector<16xi32>
          %and3A_805 = arith.andi %eq3A_802, %eq3A_804 : vector<16xi1>
          tpu.vector_store_idx %arg14[%add3A_800], %broadcast_in_dim3A_31 masked %and3A_805 {add = true} : memref<6160xi32, #tpu.memory_space<vmem>>[vector<16xi32>], vector<16xi32>, vector<16xi1>
          %add3A_806 = arith.constant 5120 : i32
          %add3A_807 = vector.broadcast %add3A_806 : i32 to vector<16xi32>
          %add3A_808 = arith.addi %add3A_807, %and3A_765 : vector<16xi32>
          %eq3A_809 = vector.broadcast %reduce_max3A_204 : i32 to vector<16xi32>
          %eq3A_810 = arith.cmpi eq, %shift_right_logical3A_756, %eq3A_809 : vector<16xi32>
          %eq3A_811 = vector.broadcast %reduce_max3A_320 : i32 to vector<16xi32>
          %eq3A_812 = arith.cmpi eq, %and3A_762, %eq3A_811 : vector<16xi32>
          %and3A_813 = arith.andi %eq3A_810, %eq3A_812 : vector<16xi1>
          tpu.vector_store_idx %arg14[%add3A_808], %broadcast_in_dim3A_31 masked %and3A_813 {add = true} : memref<6160xi32, #tpu.memory_space<vmem>>[vector<16xi32>], vector<16xi32>, vector<16xi1>
        }
        %add3A_657 = arith.constant 1 : i32
        %add3A_658 = arith.addi %while3A_636, %add3A_657 : i32
        %lt3A_659 = arith.cmpi slt, %add3A_658, %squeeze3A_64 : i32
        %convert_element_type3A_660 = arith.extui %lt3A_659 : i1 to i32
        %cond3A_661 = arith.constant 0 : i32
        %cond3A_662 = arith.cmpi ne, %convert_element_type3A_660, %cond3A_661 : i32
        scf.if %cond3A_662 {
          %add3A_663 = arith.constant 1 : i32
          %add3A_664 = arith.addi %while3A_636, %add3A_663 : i32
          %mul3A_665 = arith.constant 1600 : i32
          %mul3A_666 = arith.muli %add3A_664, %mul3A_665 : i32
          %add3A_667 = arith.addi %add3A_82, %mul3A_666 : i32
          %mul3A_668 = arith.constant 8 : i32
          %mul3A_669 = arith.muli %add3A_667, %mul3A_668 : i32
          %add3A_670 = arith.constant 1 : i32
          %add3A_671 = arith.addi %while3A_636, %add3A_670 : i32
          %and3A_672 = arith.constant 1 : i32
          %and3A_673 = arith.andi %add3A_671, %and3A_672 : i32
          %mul3A_674 = arith.constant 12800 : i32
          %mul3A_675 = arith.muli %and3A_673, %mul3A_674 : i32
          %dma_wait3A = tpu.memref_slice %arg8[%mul3A_675] : memref<25600xf32, #tpu.memory_space<vmem>> -> memref<12800xf32, #tpu.memory_space<vmem>>
          %dma_wait3A_676 = tpu.memref_slice %arg3[%mul3A_669] : memref<52582400xf32, #tpu.memory_space<hbm>> -> memref<12800xf32, #tpu.memory_space<hbm>>
          %dma_wait3A_677 = tpu.memref_slice %arg8[%mul3A_675] : memref<25600xf32, #tpu.memory_space<vmem>> -> memref<12800xf32, #tpu.memory_space<vmem>>
          %dma_wait3A_678 = tpu.memref_slice %arg3[%mul3A_669] : memref<52582400xf32, #tpu.memory_space<hbm>> -> memref<12800xf32, #tpu.memory_space<hbm>>
          tpu.wait_dma2 semaphore(%arg16 : memref<!tpu.dma_semaphore, #tpu.memory_space<semaphore_mem>>) src(%dma_wait3A_678 : memref<12800xf32, #tpu.memory_space<hbm>>) dst(%dma_wait3A_677 : memref<12800xf32, #tpu.memory_space<vmem>>)
        } else {
        }
      }
      %scan3A_347 = arith.constant 0 : i32
      %scan3A_348 = arith.constant 6 : i32
      %scan3A_349 = arith.addi %scan3A_347, %scan3A_348 : i32
      %scan3A_350 = arith.constant 1 : i32
      %scan3A_351:2 = scf.for %scan3A_636 = %scan3A_347 to %scan3A_349 step %scan3A_350 iter_args(%scan3A_637 = %broadcast_in_dim3A_33, %scan3A_638 = %broadcast_in_dim3A_33) -> (vector<16xi32>, vector<16xi32>)  : i32 {
        %eq3A_639 = vector.broadcast %scan3A_636 : i32 to vector<16xi32>
        %eq3A_640 = arith.cmpi eq, %iota3A, %eq3A_639 : vector<16xi32>
        %jit3A_641 = arith.constant -2147483648 : i32
        %broadcast_in_dim3A_642 = vector.broadcast %jit3A_641 : i32 to vector<16xi32>
        %select_n3A_643 = arith.select %eq3A_640, %iota3A, %broadcast_in_dim3A_642 : vector<16xi1>, vector<16xi32>
        %reduce_max3A_644 = arith.constant true
        %reduce_max3A_645 = vector.broadcast %reduce_max3A_644 : i1 to vector<16xi1>
        %reduce_max3A_646 = arith.constant -2147483648 : i32
        %reduce_max3A_647 = vector.broadcast %reduce_max3A_646 : i32 to vector<16xi32>
        %reduce_max3A_648 = arith.xori %select_n3A_643, %reduce_max3A_647 : vector<16xi32>
        %reduce_max3A_649 = tpu.scan <max>, %reduce_max3A_648 masked %reduce_max3A_645 : vector<16xi32>, vector<16xi1> -> vector<16xi32>
        %reduce_max3A_650 = arith.xori %reduce_max3A_649, %reduce_max3A_647 : vector<16xi32>
        %reduce_max3A_651 = vector.extract %reduce_max3A_650[15] : i32 from vector<16xi32>
        %mul3A_652 = arith.constant 1024 : i32
        %mul3A_653 = arith.muli %reduce_max3A_651, %mul3A_652 : i32
        %eq3A_654 = vector.broadcast %scan3A_636 : i32 to vector<16xi32>
        %eq3A_655 = arith.cmpi eq, %iota3A, %eq3A_654 : vector<16xi32>
        %jit3A_656 = arith.constant -2147483648 : i32
        %broadcast_in_dim3A_657 = vector.broadcast %jit3A_656 : i32 to vector<16xi32>
        %select_n3A_658 = arith.select %eq3A_655, %scan3A_235#1, %broadcast_in_dim3A_657 : vector<16xi1>, vector<16xi32>
        %reduce_max3A_659 = arith.constant true
        %reduce_max3A_660 = vector.broadcast %reduce_max3A_659 : i1 to vector<16xi1>
        %reduce_max3A_661 = arith.constant -2147483648 : i32
        %reduce_max3A_662 = vector.broadcast %reduce_max3A_661 : i32 to vector<16xi32>
        %reduce_max3A_663 = arith.xori %select_n3A_658, %reduce_max3A_662 : vector<16xi32>
        %reduce_max3A_664 = tpu.scan <max>, %reduce_max3A_663 masked %reduce_max3A_660 : vector<16xi32>, vector<16xi1> -> vector<16xi32>
        %reduce_max3A_665 = arith.xori %reduce_max3A_664, %reduce_max3A_662 : vector<16xi32>
        %reduce_max3A_666 = vector.extract %reduce_max3A_665[15] : i32 from vector<16xi32>
        %scan3A_667 = arith.constant 0 : i32
        %scan3A_668 = arith.constant -1 : i32
        %scan3A_669 = arith.constant 0 : i32
        %scan3A_670 = arith.constant 0 : i32
        %scan3A_671 = arith.constant 64 : i32
        %scan3A_672 = arith.addi %scan3A_670, %scan3A_671 : i32
        %scan3A_673 = arith.constant 1 : i32
        %scan3A_674:3 = scf.for %scan3A_684 = %scan3A_670 to %scan3A_672 step %scan3A_673 iter_args(%scan3A_685 = %scan3A_667, %scan3A_686 = %scan3A_668, %scan3A_687 = %scan3A_669) -> (i32, i32, i32)  : i32 {
          %mul3A_688 = arith.constant 16 : i32
          %mul3A_689 = arith.muli %scan3A_684, %mul3A_688 : i32
          %add3A_690 = arith.addi %mul3A_653, %mul3A_689 : i32
          %get3A_691 = arith.index_cast %add3A_690 : i32 to index
          %get3A_692 = tpu.vector_load %arg14[%get3A_691] {strides = array<i32>} : memref<6160xi32, #tpu.memory_space<vmem>>, vector<16xi32>,
          %broadcast_in_dim3A_693 = arith.constant true
          %broadcast_in_dim3A_694 = vector.broadcast %broadcast_in_dim3A_693 : i1 to vector<16xi1>
          %masked_cumsum3A = tpu.scan <sum>, %get3A_692 masked %broadcast_in_dim3A_694 : vector<16xi32>, vector<16xi1> -> vector<16xi32>
          %reduce_max3A_695 = arith.constant true
          %reduce_max3A_696 = vector.broadcast %reduce_max3A_695 : i1 to vector<16xi1>
          %reduce_max3A_697 = arith.constant -2147483648 : i32
          %reduce_max3A_698 = vector.broadcast %reduce_max3A_697 : i32 to vector<16xi32>
          %reduce_max3A_699 = arith.xori %masked_cumsum3A, %reduce_max3A_698 : vector<16xi32>
          %reduce_max3A_700 = tpu.scan <max>, %reduce_max3A_699 masked %reduce_max3A_696 : vector<16xi32>, vector<16xi1> -> vector<16xi32>
          %reduce_max3A_701 = arith.xori %reduce_max3A_700, %reduce_max3A_698 : vector<16xi32>
          %reduce_max3A_702 = vector.extract %reduce_max3A_701[15] : i32 from vector<16xi32>
          %add3A_703 = vector.broadcast %scan3A_685 : i32 to vector<16xi32>
          %add3A_704 = arith.addi %add3A_703, %masked_cumsum3A : vector<16xi32>
          %gt3A = vector.broadcast %reduce_max3A_666 : i32 to vector<16xi32>
          %gt3A_705 = arith.cmpi sgt, %add3A_704, %gt3A : vector<16xi32>
          %jit3A_706 = arith.constant 0 : i32
          %jit3A_707 = arith.constant 1 : i32
          %broadcast_in_dim3A_708 = vector.broadcast %jit3A_706 : i32 to vector<16xi32>
          %broadcast_in_dim3A_709 = vector.broadcast %jit3A_707 : i32 to vector<16xi32>
          %select_n3A_710 = arith.select %gt3A_705, %broadcast_in_dim3A_708, %broadcast_in_dim3A_709 : vector<16xi1>, vector<16xi32>
          %reduce_sum3A_711 = arith.constant true
          %reduce_sum3A_712 = vector.broadcast %reduce_sum3A_711 : i1 to vector<16xi1>
          %reduce_sum3A_713 = tpu.scan <sum>, %select_n3A_710 masked %reduce_sum3A_712 : vector<16xi32>, vector<16xi1> -> vector<16xi32>
          %reduce_sum3A_714 = vector.extract %reduce_sum3A_713[15] : i32 from vector<16xi32>
          %jit3A_715 = arith.constant 0 : i32
          %broadcast_in_dim3A_716 = vector.broadcast %jit3A_715 : i32 to vector<16xi32>
          %select_n3A_717 = arith.select %gt3A_705, %broadcast_in_dim3A_716, %masked_cumsum3A : vector<16xi1>, vector<16xi32>
          %reduce_max3A_718 = arith.constant true
          %reduce_max3A_719 = vector.broadcast %reduce_max3A_718 : i1 to vector<16xi1>
          %reduce_max3A_720 = arith.constant -2147483648 : i32
          %reduce_max3A_721 = vector.broadcast %reduce_max3A_720 : i32 to vector<16xi32>
          %reduce_max3A_722 = arith.xori %select_n3A_717, %reduce_max3A_721 : vector<16xi32>
          %reduce_max3A_723 = tpu.scan <max>, %reduce_max3A_722 masked %reduce_max3A_719 : vector<16xi32>, vector<16xi1> -> vector<16xi32>
          %reduce_max3A_724 = arith.xori %reduce_max3A_723, %reduce_max3A_721 : vector<16xi32>
          %reduce_max3A_725 = vector.extract %reduce_max3A_724[15] : i32 from vector<16xi32>
          %add3A_726 = arith.addi %scan3A_685, %reduce_max3A_725 : i32
          %lt3A_727 = arith.constant 16 : i32
          %lt3A_728 = arith.cmpi slt, %reduce_sum3A_714, %lt3A_727 : i32
          %lt3A_729 = arith.constant 0 : i32
          %lt3A_730 = arith.cmpi slt, %scan3A_686, %lt3A_729 : i32
          %and3A_731 = arith.andi %lt3A_728, %lt3A_730 : i1
          %mul3A_732 = arith.constant 16 : i32
          %mul3A_733 = arith.muli %scan3A_684, %mul3A_732 : i32
          %add3A_734 = arith.addi %mul3A_733, %reduce_sum3A_714 : i32
          %select_n3A_735 = arith.select %and3A_731, %add3A_734, %scan3A_686 : i32
          %sub3A_736 = arith.subi %reduce_max3A_666, %add3A_726 : i32
          %select_n3A_737 = arith.select %and3A_731, %sub3A_736, %scan3A_687 : i32
          %add3A_738 = arith.addi %scan3A_685, %reduce_max3A_702 : i32
          scf.yield %add3A_738, %select_n3A_735, %select_n3A_737 : i32, i32, i32
        }
        %scan3A_675 = arith.constant 64 : i32
        %eq3A_676 = vector.broadcast %scan3A_636 : i32 to vector<16xi32>
        %eq3A_677 = arith.cmpi eq, %iota3A, %eq3A_676 : vector<16xi32>
        %broadcast_in_dim3A_678 = vector.broadcast %scan3A_674#1 : i32 to vector<16xi32>
        %select_n3A_679 = arith.select %eq3A_677, %broadcast_in_dim3A_678, %scan3A_637 : vector<16xi1>, vector<16xi32>
        %eq3A_680 = vector.broadcast %scan3A_636 : i32 to vector<16xi32>
        %eq3A_681 = arith.cmpi eq, %iota3A, %eq3A_680 : vector<16xi32>
        %broadcast_in_dim3A_682 = vector.broadcast %scan3A_674#2 : i32 to vector<16xi32>
        %select_n3A_683 = arith.select %eq3A_681, %broadcast_in_dim3A_682, %scan3A_638 : vector<16xi1>, vector<16xi32>
        scf.yield %select_n3A_679, %select_n3A_683 : vector<16xi32>, vector<16xi32>
      }
      %scan3A_352 = arith.constant 6 : i32
      %shift_left3A = arith.constant 21 : i32
      %shift_left3A_353 = arith.shli %reduce_max3A_134, %shift_left3A : i32
      %shift_left3A_354 = arith.constant 10 : i32
      %shift_left3A_355 = arith.shli %reduce_max3A_250, %shift_left3A_354 : i32
      %or3A = arith.ori %shift_left3A_353, %shift_left3A_355 : i32
      %eq3A_356 = arith.constant 0 : i32
      %eq3A_357 = vector.broadcast %eq3A_356 : i32 to vector<16xi32>
      %eq3A_358 = arith.cmpi eq, %iota3A, %eq3A_357 : vector<16xi32>
      %jit3A_359 = arith.constant -2147483648 : i32
      %broadcast_in_dim3A_360 = vector.broadcast %jit3A_359 : i32 to vector<16xi32>
      %select_n3A_361 = arith.select %eq3A_358, %scan3A_351#0, %broadcast_in_dim3A_360 : vector<16xi1>, vector<16xi32>
      %reduce_max3A_362 = arith.constant true
      %reduce_max3A_363 = vector.broadcast %reduce_max3A_362 : i1 to vector<16xi1>
      %reduce_max3A_364 = arith.constant -2147483648 : i32
      %reduce_max3A_365 = vector.broadcast %reduce_max3A_364 : i32 to vector<16xi32>
      %reduce_max3A_366 = arith.xori %select_n3A_361, %reduce_max3A_365 : vector<16xi32>
      %reduce_max3A_367 = tpu.scan <max>, %reduce_max3A_366 masked %reduce_max3A_363 : vector<16xi32>, vector<16xi1> -> vector<16xi32>
      %reduce_max3A_368 = arith.xori %reduce_max3A_367, %reduce_max3A_365 : vector<16xi32>
      %reduce_max3A_369 = vector.extract %reduce_max3A_368[15] : i32 from vector<16xi32>
      %or3A_370 = arith.ori %or3A, %reduce_max3A_369 : i32
      %broadcast_in_dim3A_371 = vector.broadcast %or3A_370 : i32 to vector<16xi32>
      %lt3A_372 = arith.constant 0 : i32
      %lt3A_373 = vector.broadcast %lt3A_372 : i32 to vector<16xi32>
      %lt3A_374 = arith.cmpi slt, %broadcast_in_dim3A_371, %lt3A_373 : vector<16xi32>
      %and3A_375 = arith.constant 2147483647 : i32
      %and3A_376 = vector.broadcast %and3A_375 : i32 to vector<16xi32>
      %and3A_377 = arith.andi %broadcast_in_dim3A_371, %and3A_376 : vector<16xi32>
      %not3A = arith.constant dense<-1> : vector<16xi32>
      %not3A_378 = arith.xori %broadcast_in_dim3A_371, %not3A : vector<16xi32>
      %select_n3A_379 = arith.select %lt3A_374, %and3A_377, %not3A_378 : vector<16xi1>, vector<16xi32>
      %bitcast3A = vector.bitcast %select_n3A_379 : vector<16xi32> to vector<16xf32>
      %reduce_max3A_380 = arith.constant true
      %reduce_max3A_381 = vector.broadcast %reduce_max3A_380 : i1 to vector<16xi1>
      %reduce_max3A_382 = tpu.scan <max>, %bitcast3A masked %reduce_max3A_381 : vector<16xf32>, vector<16xi1> -> vector<16xf32>
      %reduce_max3A_383 = vector.extract %reduce_max3A_382[15] : f32 from vector<16xf32>
      %shift_left3A_384 = arith.constant 21 : i32
      %shift_left3A_385 = arith.shli %reduce_max3A_148, %shift_left3A_384 : i32
      %shift_left3A_386 = arith.constant 10 : i32
      %shift_left3A_387 = arith.shli %reduce_max3A_264, %shift_left3A_386 : i32
      %or3A_388 = arith.ori %shift_left3A_385, %shift_left3A_387 : i32
      %eq3A_389 = arith.constant 1 : i32
      %eq3A_390 = vector.broadcast %eq3A_389 : i32 to vector<16xi32>
      %eq3A_391 = arith.cmpi eq, %iota3A, %eq3A_390 : vector<16xi32>
      %jit3A_392 = arith.constant -2147483648 : i32
      %broadcast_in_dim3A_393 = vector.broadcast %jit3A_392 : i32 to vector<16xi32>
      %select_n3A_394 = arith.select %eq3A_391, %scan3A_351#0, %broadcast_in_dim3A_393 : vector<16xi1>, vector<16xi32>
      %reduce_max3A_395 = arith.constant true
      %reduce_max3A_396 = vector.broadcast %reduce_max3A_395 : i1 to vector<16xi1>
      %reduce_max3A_397 = arith.constant -2147483648 : i32
      %reduce_max3A_398 = vector.broadcast %reduce_max3A_397 : i32 to vector<16xi32>
      %reduce_max3A_399 = arith.xori %select_n3A_394, %reduce_max3A_398 : vector<16xi32>
      %reduce_max3A_400 = tpu.scan <max>, %reduce_max3A_399 masked %reduce_max3A_396 : vector<16xi32>, vector<16xi1> -> vector<16xi32>
      %reduce_max3A_401 = arith.xori %reduce_max3A_400, %reduce_max3A_398 : vector<16xi32>
      %reduce_max3A_402 = vector.extract %reduce_max3A_401[15] : i32 from vector<16xi32>
      %or3A_403 = arith.ori %or3A_388, %reduce_max3A_402 : i32
      %broadcast_in_dim3A_404 = vector.broadcast %or3A_403 : i32 to vector<16xi32>
      %lt3A_405 = arith.constant 0 : i32
      %lt3A_406 = vector.broadcast %lt3A_405 : i32 to vector<16xi32>
      %lt3A_407 = arith.cmpi slt, %broadcast_in_dim3A_404, %lt3A_406 : vector<16xi32>
      %and3A_408 = arith.constant 2147483647 : i32
      %and3A_409 = vector.broadcast %and3A_408 : i32 to vector<16xi32>
      %and3A_410 = arith.andi %broadcast_in_dim3A_404, %and3A_409 : vector<16xi32>
      %not3A_411 = arith.constant dense<-1> : vector<16xi32>
      %not3A_412 = arith.xori %broadcast_in_dim3A_404, %not3A_411 : vector<16xi32>
      %select_n3A_413 = arith.select %lt3A_407, %and3A_410, %not3A_412 : vector<16xi1>, vector<16xi32>
      %bitcast3A_414 = vector.bitcast %select_n3A_413 : vector<16xi32> to vector<16xf32>
      %reduce_max3A_415 = arith.constant true
      %reduce_max3A_416 = vector.broadcast %reduce_max3A_415 : i1 to vector<16xi1>
      %reduce_max3A_417 = tpu.scan <max>, %bitcast3A_414 masked %reduce_max3A_416 : vector<16xf32>, vector<16xi1> -> vector<16xf32>
      %reduce_max3A_418 = vector.extract %reduce_max3A_417[15] : f32 from vector<16xf32>
      %shift_left3A_419 = arith.constant 21 : i32
      %shift_left3A_420 = arith.shli %reduce_max3A_162, %shift_left3A_419 : i32
      %shift_left3A_421 = arith.constant 10 : i32
      %shift_left3A_422 = arith.shli %reduce_max3A_278, %shift_left3A_421 : i32
      %or3A_423 = arith.ori %shift_left3A_420, %shift_left3A_422 : i32
      %eq3A_424 = arith.constant 2 : i32
      %eq3A_425 = vector.broadcast %eq3A_424 : i32 to vector<16xi32>
      %eq3A_426 = arith.cmpi eq, %iota3A, %eq3A_425 : vector<16xi32>
      %jit3A_427 = arith.constant -2147483648 : i32
      %broadcast_in_dim3A_428 = vector.broadcast %jit3A_427 : i32 to vector<16xi32>
      %select_n3A_429 = arith.select %eq3A_426, %scan3A_351#0, %broadcast_in_dim3A_428 : vector<16xi1>, vector<16xi32>
      %reduce_max3A_430 = arith.constant true
      %reduce_max3A_431 = vector.broadcast %reduce_max3A_430 : i1 to vector<16xi1>
      %reduce_max3A_432 = arith.constant -2147483648 : i32
      %reduce_max3A_433 = vector.broadcast %reduce_max3A_432 : i32 to vector<16xi32>
      %reduce_max3A_434 = arith.xori %select_n3A_429, %reduce_max3A_433 : vector<16xi32>
      %reduce_max3A_435 = tpu.scan <max>, %reduce_max3A_434 masked %reduce_max3A_431 : vector<16xi32>, vector<16xi1> -> vector<16xi32>
      %reduce_max3A_436 = arith.xori %reduce_max3A_435, %reduce_max3A_433 : vector<16xi32>
      %reduce_max3A_437 = vector.extract %reduce_max3A_436[15] : i32 from vector<16xi32>
      %or3A_438 = arith.ori %or3A_423, %reduce_max3A_437 : i32
      %broadcast_in_dim3A_439 = vector.broadcast %or3A_438 : i32 to vector<16xi32>
      %lt3A_440 = arith.constant 0 : i32
      %lt3A_441 = vector.broadcast %lt3A_440 : i32 to vector<16xi32>
      %lt3A_442 = arith.cmpi slt, %broadcast_in_dim3A_439, %lt3A_441 : vector<16xi32>
      %and3A_443 = arith.constant 2147483647 : i32
      %and3A_444 = vector.broadcast %and3A_443 : i32 to vector<16xi32>
      %and3A_445 = arith.andi %broadcast_in_dim3A_439, %and3A_444 : vector<16xi32>
      %not3A_446 = arith.constant dense<-1> : vector<16xi32>
      %not3A_447 = arith.xori %broadcast_in_dim3A_439, %not3A_446 : vector<16xi32>
      %select_n3A_448 = arith.select %lt3A_442, %and3A_445, %not3A_447 : vector<16xi1>, vector<16xi32>
      %bitcast3A_449 = vector.bitcast %select_n3A_448 : vector<16xi32> to vector<16xf32>
      %reduce_max3A_450 = arith.constant true
      %reduce_max3A_451 = vector.broadcast %reduce_max3A_450 : i1 to vector<16xi1>
      %reduce_max3A_452 = tpu.scan <max>, %bitcast3A_449 masked %reduce_max3A_451 : vector<16xf32>, vector<16xi1> -> vector<16xf32>
      %reduce_max3A_453 = vector.extract %reduce_max3A_452[15] : f32 from vector<16xf32>
      %shift_left3A_454 = arith.constant 21 : i32
      %shift_left3A_455 = arith.shli %reduce_max3A_176, %shift_left3A_454 : i32
      %shift_left3A_456 = arith.constant 10 : i32
      %shift_left3A_457 = arith.shli %reduce_max3A_292, %shift_left3A_456 : i32
      %or3A_458 = arith.ori %shift_left3A_455, %shift_left3A_457 : i32
      %eq3A_459 = arith.constant 3 : i32
      %eq3A_460 = vector.broadcast %eq3A_459 : i32 to vector<16xi32>
      %eq3A_461 = arith.cmpi eq, %iota3A, %eq3A_460 : vector<16xi32>
      %jit3A_462 = arith.constant -2147483648 : i32
      %broadcast_in_dim3A_463 = vector.broadcast %jit3A_462 : i32 to vector<16xi32>
      %select_n3A_464 = arith.select %eq3A_461, %scan3A_351#0, %broadcast_in_dim3A_463 : vector<16xi1>, vector<16xi32>
      %reduce_max3A_465 = arith.constant true
      %reduce_max3A_466 = vector.broadcast %reduce_max3A_465 : i1 to vector<16xi1>
      %reduce_max3A_467 = arith.constant -2147483648 : i32
      %reduce_max3A_468 = vector.broadcast %reduce_max3A_467 : i32 to vector<16xi32>
      %reduce_max3A_469 = arith.xori %select_n3A_464, %reduce_max3A_468 : vector<16xi32>
      %reduce_max3A_470 = tpu.scan <max>, %reduce_max3A_469 masked %reduce_max3A_466 : vector<16xi32>, vector<16xi1> -> vector<16xi32>
      %reduce_max3A_471 = arith.xori %reduce_max3A_470, %reduce_max3A_468 : vector<16xi32>
      %reduce_max3A_472 = vector.extract %reduce_max3A_471[15] : i32 from vector<16xi32>
      %or3A_473 = arith.ori %or3A_458, %reduce_max3A_472 : i32
      %broadcast_in_dim3A_474 = vector.broadcast %or3A_473 : i32 to vector<16xi32>
      %lt3A_475 = arith.constant 0 : i32
      %lt3A_476 = vector.broadcast %lt3A_475 : i32 to vector<16xi32>
      %lt3A_477 = arith.cmpi slt, %broadcast_in_dim3A_474, %lt3A_476 : vector<16xi32>
      %and3A_478 = arith.constant 2147483647 : i32
      %and3A_479 = vector.broadcast %and3A_478 : i32 to vector<16xi32>
      %and3A_480 = arith.andi %broadcast_in_dim3A_474, %and3A_479 : vector<16xi32>
      %not3A_481 = arith.constant dense<-1> : vector<16xi32>
      %not3A_482 = arith.xori %broadcast_in_dim3A_474, %not3A_481 : vector<16xi32>
      %select_n3A_483 = arith.select %lt3A_477, %and3A_480, %not3A_482 : vector<16xi1>, vector<16xi32>
      %bitcast3A_484 = vector.bitcast %select_n3A_483 : vector<16xi32> to vector<16xf32>
      %reduce_max3A_485 = arith.constant true
      %reduce_max3A_486 = vector.broadcast %reduce_max3A_485 : i1 to vector<16xi1>
      %reduce_max3A_487 = tpu.scan <max>, %bitcast3A_484 masked %reduce_max3A_486 : vector<16xf32>, vector<16xi1> -> vector<16xf32>
      %reduce_max3A_488 = vector.extract %reduce_max3A_487[15] : f32 from vector<16xf32>
      %shift_left3A_489 = arith.constant 21 : i32
      %shift_left3A_490 = arith.shli %reduce_max3A_190, %shift_left3A_489 : i32
      %shift_left3A_491 = arith.constant 10 : i32
      %shift_left3A_492 = arith.shli %reduce_max3A_306, %shift_left3A_491 : i32
      %or3A_493 = arith.ori %shift_left3A_490, %shift_left3A_492 : i32
      %eq3A_494 = arith.constant 4 : i32
      %eq3A_495 = vector.broadcast %eq3A_494 : i32 to vector<16xi32>
      %eq3A_496 = arith.cmpi eq, %iota3A, %eq3A_495 : vector<16xi32>
      %jit3A_497 = arith.constant -2147483648 : i32
      %broadcast_in_dim3A_498 = vector.broadcast %jit3A_497 : i32 to vector<16xi32>
      %select_n3A_499 = arith.select %eq3A_496, %scan3A_351#0, %broadcast_in_dim3A_498 : vector<16xi1>, vector<16xi32>
      %reduce_max3A_500 = arith.constant true
      %reduce_max3A_501 = vector.broadcast %reduce_max3A_500 : i1 to vector<16xi1>
      %reduce_max3A_502 = arith.constant -2147483648 : i32
      %reduce_max3A_503 = vector.broadcast %reduce_max3A_502 : i32 to vector<16xi32>
      %reduce_max3A_504 = arith.xori %select_n3A_499, %reduce_max3A_503 : vector<16xi32>
      %reduce_max3A_505 = tpu.scan <max>, %reduce_max3A_504 masked %reduce_max3A_501 : vector<16xi32>, vector<16xi1> -> vector<16xi32>
      %reduce_max3A_506 = arith.xori %reduce_max3A_505, %reduce_max3A_503 : vector<16xi32>
      %reduce_max3A_507 = vector.extract %reduce_max3A_506[15] : i32 from vector<16xi32>
      %or3A_508 = arith.ori %or3A_493, %reduce_max3A_507 : i32
      %broadcast_in_dim3A_509 = vector.broadcast %or3A_508 : i32 to vector<16xi32>
      %lt3A_510 = arith.constant 0 : i32
      %lt3A_511 = vector.broadcast %lt3A_510 : i32 to vector<16xi32>
      %lt3A_512 = arith.cmpi slt, %broadcast_in_dim3A_509, %lt3A_511 : vector<16xi32>
      %and3A_513 = arith.constant 2147483647 : i32
      %and3A_514 = vector.broadcast %and3A_513 : i32 to vector<16xi32>
      %and3A_515 = arith.andi %broadcast_in_dim3A_509, %and3A_514 : vector<16xi32>
      %not3A_516 = arith.constant dense<-1> : vector<16xi32>
      %not3A_517 = arith.xori %broadcast_in_dim3A_509, %not3A_516 : vector<16xi32>
      %select_n3A_518 = arith.select %lt3A_512, %and3A_515, %not3A_517 : vector<16xi1>, vector<16xi32>
      %bitcast3A_519 = vector.bitcast %select_n3A_518 : vector<16xi32> to vector<16xf32>
      %reduce_max3A_520 = arith.constant true
      %reduce_max3A_521 = vector.broadcast %reduce_max3A_520 : i1 to vector<16xi1>
      %reduce_max3A_522 = tpu.scan <max>, %bitcast3A_519 masked %reduce_max3A_521 : vector<16xf32>, vector<16xi1> -> vector<16xf32>
      %reduce_max3A_523 = vector.extract %reduce_max3A_522[15] : f32 from vector<16xf32>
      %shift_left3A_524 = arith.constant 21 : i32
      %shift_left3A_525 = arith.shli %reduce_max3A_204, %shift_left3A_524 : i32
      %shift_left3A_526 = arith.constant 10 : i32
      %shift_left3A_527 = arith.shli %reduce_max3A_320, %shift_left3A_526 : i32
      %or3A_528 = arith.ori %shift_left3A_525, %shift_left3A_527 : i32
      %eq3A_529 = arith.constant 5 : i32
      %eq3A_530 = vector.broadcast %eq3A_529 : i32 to vector<16xi32>
      %eq3A_531 = arith.cmpi eq, %iota3A, %eq3A_530 : vector<16xi32>
      %jit3A_532 = arith.constant -2147483648 : i32
      %broadcast_in_dim3A_533 = vector.broadcast %jit3A_532 : i32 to vector<16xi32>
      %select_n3A_534 = arith.select %eq3A_531, %scan3A_351#0, %broadcast_in_dim3A_533 : vector<16xi1>, vector<16xi32>
      %reduce_max3A_535 = arith.constant true
      %reduce_max3A_536 = vector.broadcast %reduce_max3A_535 : i1 to vector<16xi1>
      %reduce_max3A_537 = arith.constant -2147483648 : i32
      %reduce_max3A_538 = vector.broadcast %reduce_max3A_537 : i32 to vector<16xi32>
      %reduce_max3A_539 = arith.xori %select_n3A_534, %reduce_max3A_538 : vector<16xi32>
      %reduce_max3A_540 = tpu.scan <max>, %reduce_max3A_539 masked %reduce_max3A_536 : vector<16xi32>, vector<16xi1> -> vector<16xi32>
      %reduce_max3A_541 = arith.xori %reduce_max3A_540, %reduce_max3A_538 : vector<16xi32>
      %reduce_max3A_542 = vector.extract %reduce_max3A_541[15] : i32 from vector<16xi32>
      %or3A_543 = arith.ori %or3A_528, %reduce_max3A_542 : i32
      %broadcast_in_dim3A_544 = vector.broadcast %or3A_543 : i32 to vector<16xi32>
      %lt3A_545 = arith.constant 0 : i32
      %lt3A_546 = vector.broadcast %lt3A_545 : i32 to vector<16xi32>
      %lt3A_547 = arith.cmpi slt, %broadcast_in_dim3A_544, %lt3A_546 : vector<16xi32>
      %and3A_548 = arith.constant 2147483647 : i32
      %and3A_549 = vector.broadcast %and3A_548 : i32 to vector<16xi32>
      %and3A_550 = arith.andi %broadcast_in_dim3A_544, %and3A_549 : vector<16xi32>
      %not3A_551 = arith.constant dense<-1> : vector<16xi32>
      %not3A_552 = arith.xori %broadcast_in_dim3A_544, %not3A_551 : vector<16xi32>
      %select_n3A_553 = arith.select %lt3A_547, %and3A_550, %not3A_552 : vector<16xi1>, vector<16xi32>
      %bitcast3A_554 = vector.bitcast %select_n3A_553 : vector<16xi32> to vector<16xf32>
      %reduce_max3A_555 = arith.constant true
      %reduce_max3A_556 = vector.broadcast %reduce_max3A_555 : i1 to vector<16xi1>
      %reduce_max3A_557 = tpu.scan <max>, %bitcast3A_554 masked %reduce_max3A_556 : vector<16xf32>, vector<16xi1> -> vector<16xf32>
      %reduce_max3A_558 = vector.extract %reduce_max3A_557[15] : f32 from vector<16xf32>
      %reduce_sum3A = arith.constant true
      %reduce_sum3A_559 = vector.broadcast %reduce_sum3A : i1 to vector<16xi1>
      %reduce_sum3A_560 = tpu.scan <sum>, %while3A_115#0 masked %reduce_sum3A_559 : vector<16xf32>, vector<16xi1> -> vector<16xf32>
      %reduce_sum3A_561 = vector.extract %reduce_sum3A_560[15] : f32 from vector<16xf32>
      %mul3A_562 = arith.mulf %reduce_sum3A_561, %squeeze3A_72 : f32
      %reduce_sum3A_563 = arith.constant true
      %reduce_sum3A_564 = vector.broadcast %reduce_sum3A_563 : i1 to vector<16xi1>
      %reduce_sum3A_565 = tpu.scan <sum>, %while3A_115#1 masked %reduce_sum3A_564 : vector<16xf32>, vector<16xi1> -> vector<16xf32>
      %reduce_sum3A_566 = vector.extract %reduce_sum3A_565[15] : f32 from vector<16xf32>
      %mul3A_567 = arith.mulf %reduce_sum3A_561, %reduce_sum3A_561 : f32
      %mul3A_568 = arith.mulf %mul3A_567, %squeeze3A_72 : f32
      %sub3A_569 = arith.subf %reduce_sum3A_566, %mul3A_568 : f32
      %mul3A_570 = arith.mulf %sub3A_569, %squeeze3A_74 : f32
      %mul3A_571 = arith.constant 2.500000e-01 : f32
      %mul3A_572 = arith.mulf %reduce_max3A_383, %mul3A_571 : f32
      %mul3A_573 = arith.constant 7.500000e-01 : f32
      %mul3A_574 = arith.mulf %reduce_max3A_418, %mul3A_573 : f32
      %add3A_575 = arith.addf %mul3A_572, %mul3A_574 : f32
      %mul3A_576 = arith.constant 5.000000e-01 : f32
      %mul3A_577 = arith.mulf %reduce_max3A_453, %mul3A_576 : f32
      %mul3A_578 = arith.constant 5.000000e-01 : f32
      %mul3A_579 = arith.mulf %reduce_max3A_488, %mul3A_578 : f32
      %add3A_580 = arith.addf %mul3A_577, %mul3A_579 : f32
      %mul3A_581 = arith.constant 7.500000e-01 : f32
      %mul3A_582 = arith.mulf %reduce_max3A_523, %mul3A_581 : f32
      %mul3A_583 = arith.constant 2.500000e-01 : f32
      %mul3A_584 = arith.mulf %reduce_max3A_558, %mul3A_583 : f32
      %add3A_585 = arith.addf %mul3A_582, %mul3A_584 : f32
      %broadcast_in_dim3A_586 = arith.constant 0.000000e+00 : f32
      %broadcast_in_dim3A_587 = vector.broadcast %broadcast_in_dim3A_586 : f32 to vector<16xf32>
      %reduce_min3A = arith.constant true
      %reduce_min3A_588 = vector.broadcast %reduce_min3A : i1 to vector<16xi1>
      %reduce_min3A_589 = tpu.scan <min>, %while3A_115#2 masked %reduce_min3A_588 : vector<16xf32>, vector<16xi1> -> vector<16xf32>
      %reduce_min3A_590 = vector.extract %reduce_min3A_589[15] : f32 from vector<16xf32>
      %reduce_max3A_591 = arith.constant true
      %reduce_max3A_592 = vector.broadcast %reduce_max3A_591 : i1 to vector<16xi1>
      %reduce_max3A_593 = tpu.scan <max>, %while3A_115#3 masked %reduce_max3A_592 : vector<16xf32>, vector<16xi1> -> vector<16xf32>
      %reduce_max3A_594 = vector.extract %reduce_max3A_593[15] : f32 from vector<16xf32>
      %eq3A_595 = arith.constant 0 : i32
      %eq3A_596 = vector.broadcast %eq3A_595 : i32 to vector<16xi32>
      %eq3A_597 = arith.cmpi eq, %iota3A, %eq3A_596 : vector<16xi32>
      %broadcast_in_dim3A_598 = vector.broadcast %mul3A_562 : f32 to vector<16xf32>
      %select_n3A_599 = arith.select %eq3A_597, %broadcast_in_dim3A_598, %broadcast_in_dim3A_587 : vector<16xi1>, vector<16xf32>
      %eq3A_600 = arith.constant 1 : i32
      %eq3A_601 = vector.broadcast %eq3A_600 : i32 to vector<16xi32>
      %eq3A_602 = arith.cmpi eq, %iota3A, %eq3A_601 : vector<16xi32>
      %broadcast_in_dim3A_603 = vector.broadcast %mul3A_570 : f32 to vector<16xf32>
      %select_n3A_604 = arith.select %eq3A_602, %broadcast_in_dim3A_603, %select_n3A_599 : vector<16xi1>, vector<16xf32>
      %eq3A_605 = arith.constant 2 : i32
      %eq3A_606 = vector.broadcast %eq3A_605 : i32 to vector<16xi32>
      %eq3A_607 = arith.cmpi eq, %iota3A, %eq3A_606 : vector<16xi32>
      %broadcast_in_dim3A_608 = vector.broadcast %reduce_min3A_590 : f32 to vector<16xf32>
      %select_n3A_609 = arith.select %eq3A_607, %broadcast_in_dim3A_608, %select_n3A_604 : vector<16xi1>, vector<16xf32>
      %eq3A_610 = arith.constant 3 : i32
      %eq3A_611 = vector.broadcast %eq3A_610 : i32 to vector<16xi32>
      %eq3A_612 = arith.cmpi eq, %iota3A, %eq3A_611 : vector<16xi32>
      %broadcast_in_dim3A_613 = vector.broadcast %add3A_575 : f32 to vector<16xf32>
      %select_n3A_614 = arith.select %eq3A_612, %broadcast_in_dim3A_613, %select_n3A_609 : vector<16xi1>, vector<16xf32>
      %eq3A_615 = arith.constant 4 : i32
      %eq3A_616 = vector.broadcast %eq3A_615 : i32 to vector<16xi32>
      %eq3A_617 = arith.cmpi eq, %iota3A, %eq3A_616 : vector<16xi32>
      %broadcast_in_dim3A_618 = vector.broadcast %add3A_580 : f32 to vector<16xf32>
      %select_n3A_619 = arith.select %eq3A_617, %broadcast_in_dim3A_618, %select_n3A_614 : vector<16xi1>, vector<16xf32>
      %eq3A_620 = arith.constant 5 : i32
      %eq3A_621 = vector.broadcast %eq3A_620 : i32 to vector<16xi32>
      %eq3A_622 = arith.cmpi eq, %iota3A, %eq3A_621 : vector<16xi32>
      %broadcast_in_dim3A_623 = vector.broadcast %add3A_585 : f32 to vector<16xf32>
      %select_n3A_624 = arith.select %eq3A_622, %broadcast_in_dim3A_623, %select_n3A_619 : vector<16xi1>, vector<16xf32>
      %eq3A_625 = arith.constant 6 : i32
      %eq3A_626 = vector.broadcast %eq3A_625 : i32 to vector<16xi32>
      %eq3A_627 = arith.cmpi eq, %iota3A, %eq3A_626 : vector<16xi32>
      %broadcast_in_dim3A_628 = vector.broadcast %reduce_max3A_594 : f32 to vector<16xf32>
      %select_n3A_629 = arith.select %eq3A_627, %broadcast_in_dim3A_628, %select_n3A_624 : vector<16xi1>, vector<16xf32>
      %swap3A = arith.constant 0 : index
      %swap3A_630 = tpu.vector_load %arg15[%swap3A] {strides = array<i32>} : memref<16xf32, #tpu.memory_space<vmem>>, vector<16xf32>,
      tpu.vector_store %arg15[%swap3A], %select_n3A_629 {strides = array<i32>} : memref<16xf32, #tpu.memory_space<vmem>>, vector<16xf32>,
      %mul3A_631 = arith.constant 8 : i32
      %mul3A_632 = arith.muli %select_n3A_9, %mul3A_631 : i32
      %add3A_633 = arith.addi %mul3A_632, %squeeze3A_70 : i32
      %mul3A_634 = arith.constant 16 : i32
      %mul3A_635 = arith.muli %add3A_633, %mul3A_634 : i32
      "tpu.region"() ({
        %run_scoped3A = tpu.sem_alloc : memref<!tpu.dma_semaphore, #tpu.memory_space<semaphore_mem>>
        %dma_start3A = tpu.memref_slice %arg7[%mul3A_635] : memref<2048xf32, #tpu.memory_space<hbm>> -> memref<16xf32, #tpu.memory_space<hbm>>
        %dma_start3A_636 = tpu.memref_slice %arg7[%mul3A_635] : memref<2048xf32, #tpu.memory_space<hbm>> -> memref<16xf32, #tpu.memory_space<hbm>>
        tpu.enqueue_dma source(%arg15 : memref<16xf32, #tpu.memory_space<vmem>>) target(%dma_start3A_636 : memref<16xf32, #tpu.memory_space<hbm>>) target_semaphore(%run_scoped3A : memref<!tpu.dma_semaphore, #tpu.memory_space<semaphore_mem>>)
        %dma_wait3A = tpu.memref_slice %arg7[%mul3A_635] : memref<2048xf32, #tpu.memory_space<hbm>> -> memref<16xf32, #tpu.memory_space<hbm>>
        %dma_wait3A_637 = tpu.memref_slice %arg7[%mul3A_635] : memref<2048xf32, #tpu.memory_space<hbm>> -> memref<16xf32, #tpu.memory_space<hbm>>
        tpu.wait_dma2 semaphore(%run_scoped3A : memref<!tpu.dma_semaphore, #tpu.memory_space<semaphore_mem>>) src(%arg15 : memref<16xf32, #tpu.memory_space<vmem>>) dst(%dma_wait3A_637 : memref<16xf32, #tpu.memory_space<hbm>>)
        tpu.yield
      }) : () -> ()
    }
    %while3A_47 = arith.constant 1 : i32
    scf.for %while3A_48 = %while3A_45 to %while3A_41 step %while3A_47  : i32 {
      %eq3A_49 = arith.constant 0 : i32
      %eq3A_50 = arith.cmpi eq, %select_n3A_30, %eq3A_49 : i32
      %add3A_51 = arith.constant 6 : i32
      %add3A_52 = arith.addi %add3A_51, %while3A_48 : i32
      %select_n3A_53 = arith.select %eq3A_50, %while3A_48, %add3A_52 : i32
      %mul3A_54 = arith.constant 16 : i32
      %mul3A_55 = arith.muli %select_n3A_53, %mul3A_54 : i32
      %get3A = arith.index_cast %mul3A_55 : i32 to index
      %get3A_56 = tpu.vector_load %arg10[%get3A] {strides = array<i32>} : memref<128xi32, #tpu.memory_space<vmem>>, vector<16xi32>,
      %mul3A_57 = arith.constant 16 : i32
      %mul3A_58 = arith.muli %select_n3A_53, %mul3A_57 : i32
      %get3A_59 = arith.index_cast %mul3A_58 : i32 to index
      %get3A_60 = tpu.vector_load %arg11[%get3A_59] {strides = array<i32>} : memref<128xf32, #tpu.memory_space<vmem>>, vector<16xf32>,
      %slice3A = vector.extract_strided_slice %get3A_56 {offsets = [0], sizes = [1], strides = [1]} : vector<16xi32> to vector<1xi32>
      %squeeze3A = vector.extract %slice3A[0] : i32 from vector<1xi32>
      %slice3A_61 = vector.extract_strided_slice %get3A_56 {offsets = [1], sizes = [1], strides = [1]} : vector<16xi32> to vector<1xi32>
      %squeeze3A_62 = vector.extract %slice3A_61[0] : i32 from vector<1xi32>
      %slice3A_63 = vector.extract_strided_slice %get3A_56 {offsets = [2], sizes = [1], strides = [1]} : vector<16xi32> to vector<1xi32>
      %squeeze3A_64 = vector.extract %slice3A_63[0] : i32 from vector<1xi32>
      %slice3A_65 = vector.extract_strided_slice %get3A_56 {offsets = [3], sizes = [1], strides = [1]} : vector<16xi32> to vector<1xi32>
      %squeeze3A_66 = vector.extract %slice3A_65[0] : i32 from vector<1xi32>
      %slice3A_67 = vector.extract_strided_slice %get3A_56 {offsets = [4], sizes = [1], strides = [1]} : vector<16xi32> to vector<1xi32>
      %squeeze3A_68 = vector.extract %slice3A_67[0] : i32 from vector<1xi32>
      %slice3A_69 = vector.extract_strided_slice %get3A_56 {offsets = [8], sizes = [1], strides = [1]} : vector<16xi32> to vector<1xi32>
      %squeeze3A_70 = vector.extract %slice3A_69[0] : i32 from vector<1xi32>
      %slice3A_71 = vector.extract_strided_slice %get3A_60 {offsets = [0], sizes = [1], strides = [1]} : vector<16xf32> to vector<1xf32>
      %squeeze3A_72 = vector.extract %slice3A_71[0] : f32 from vector<1xf32>
      %slice3A_73 = vector.extract_strided_slice %get3A_60 {offsets = [1], sizes = [1], strides = [1]} : vector<16xf32> to vector<1xf32>
      %squeeze3A_74 = vector.extract %slice3A_73[0] : f32 from vector<1xf32>
      %eq3A_75 = arith.constant 0 : i32
      %eq3A_76 = arith.cmpi eq, %squeeze3A, %eq3A_75 : i32
      %mul3A_77 = arith.constant 410800 : i32
      %mul3A_78 = arith.muli %select_n3A_9, %mul3A_77 : i32
      %mul3A_79 = arith.constant 128 : i32
      %mul3A_80 = arith.muli %select_n3A_9, %mul3A_79 : i32
      %select_n3A_81 = arith.select %eq3A_76, %mul3A_78, %mul3A_80 : i32
      %add3A_82 = arith.addi %select_n3A_81, %squeeze3A_62 : i32
      %scan3A = arith.constant 0 : i32
      %scan3A_83 = arith.constant 0 : i32
      %scan3A_84 = arith.constant 128 : i32
      %scan3A_85 = arith.addi %scan3A_83, %scan3A_84 : i32
      %scan3A_86 = arith.constant 1 : i32
      scf.for %scan3A_636 = %scan3A_83 to %scan3A_85 step %scan3A_86  : i32 {
        %mul3A_637 = arith.constant 16 : i32
        %mul3A_638 = arith.muli %scan3A_636, %mul3A_637 : i32
        %swap3A_639 = arith.index_cast %mul3A_638 : i32 to index
        %swap3A_640 = tpu.vector_load %arg12[%swap3A_639] {strides = array<i32>} : memref<2048xi32, #tpu.memory_space<vmem>>, vector<16xi32>,
        tpu.vector_store %arg12[%swap3A_639], %broadcast_in_dim3A_33 {strides = array<i32>} : memref<2048xi32, #tpu.memory_space<vmem>>, vector<16xi32>,
      }
      %scan3A_87 = arith.constant 128 : i32
      %broadcast_in_dim3A_88 = arith.constant 0.000000e+00 : f32
      %broadcast_in_dim3A_89 = vector.broadcast %broadcast_in_dim3A_88 : f32 to vector<16xf32>
      %broadcast_in_dim3A_90 = arith.constant 0.000000e+00 : f32
      %broadcast_in_dim3A_91 = vector.broadcast %broadcast_in_dim3A_90 : f32 to vector<16xf32>
      %broadcast_in_dim3A_92 = arith.constant 3.400000e+38 : f32
      %broadcast_in_dim3A_93 = vector.broadcast %broadcast_in_dim3A_92 : f32 to vector<16xf32>
      %neg3A = arith.constant 0.000000e+00 : f32
      %neg3A_94 = arith.constant 3.400000e+38 : f32
      %neg3A_95 = arith.subf %neg3A, %neg3A_94 : f32
      %broadcast_in_dim3A_96 = vector.broadcast %neg3A_95 : f32 to vector<16xf32>
      %eq3A_97 = arith.constant 0 : i32
      %eq3A_98 = arith.cmpi eq, %squeeze3A, %eq3A_97 : i32
      %convert_element_type3A = arith.extui %eq3A_98 : i1 to i32
      %cond3A = arith.constant 0 : i32
      %cond3A_99 = arith.cmpi ne, %convert_element_type3A, %cond3A : i32
      scf.if %cond3A_99 {
        %mul3A_636 = arith.constant 8 : i32
        %mul3A_637 = arith.muli %add3A_82, %mul3A_636 : i32
        "tpu.region"() ({
          %run_scoped3A = tpu.sem_alloc : memref<!tpu.dma_semaphore, #tpu.memory_space<semaphore_mem>>
          %dma_start3A = arith.constant 0 : i32
          %dma_start3A_638 = tpu.memref_slice %arg8[%dma_start3A] : memref<25600xf32, #tpu.memory_space<vmem>> -> memref<12800xf32, #tpu.memory_space<vmem>>
          %dma_start3A_639 = tpu.memref_slice %arg3[%mul3A_637] : memref<52582400xf32, #tpu.memory_space<hbm>> -> memref<12800xf32, #tpu.memory_space<hbm>>
          %dma_start3A_640 = arith.constant 0 : i32
          %dma_start3A_641 = tpu.memref_slice %arg8[%dma_start3A_640] : memref<25600xf32, #tpu.memory_space<vmem>> -> memref<12800xf32, #tpu.memory_space<vmem>>
          %dma_start3A_642 = tpu.memref_slice %arg3[%mul3A_637] : memref<52582400xf32, #tpu.memory_space<hbm>> -> memref<12800xf32, #tpu.memory_space<hbm>>
          tpu.enqueue_dma source(%dma_start3A_642 : memref<12800xf32, #tpu.memory_space<hbm>>) target(%dma_start3A_641 : memref<12800xf32, #tpu.memory_space<vmem>>) target_semaphore(%run_scoped3A : memref<!tpu.dma_semaphore, #tpu.memory_space<semaphore_mem>>)
          %dma_wait3A = arith.constant 0 : i32
          %dma_wait3A_643 = tpu.memref_slice %arg8[%dma_wait3A] : memref<25600xf32, #tpu.memory_space<vmem>> -> memref<12800xf32, #tpu.memory_space<vmem>>
          %dma_wait3A_644 = tpu.memref_slice %arg3[%mul3A_637] : memref<52582400xf32, #tpu.memory_space<hbm>> -> memref<12800xf32, #tpu.memory_space<hbm>>
          %dma_wait3A_645 = arith.constant 0 : i32
          %dma_wait3A_646 = tpu.memref_slice %arg8[%dma_wait3A_645] : memref<25600xf32, #tpu.memory_space<vmem>> -> memref<12800xf32, #tpu.memory_space<vmem>>
          %dma_wait3A_647 = tpu.memref_slice %arg3[%mul3A_637] : memref<52582400xf32, #tpu.memory_space<hbm>> -> memref<12800xf32, #tpu.memory_space<hbm>>
          tpu.wait_dma2 semaphore(%run_scoped3A : memref<!tpu.dma_semaphore, #tpu.memory_space<semaphore_mem>>) src(%dma_wait3A_647 : memref<12800xf32, #tpu.memory_space<hbm>>) dst(%dma_wait3A_646 : memref<12800xf32, #tpu.memory_space<vmem>>)
          tpu.yield
        }) : () -> ()
      } else {
      }
      %ne3A_100 = arith.constant 0 : i32
      %ne3A_101 = arith.cmpi ne, %squeeze3A, %ne3A_100 : i32
      %convert_element_type3A_102 = arith.extui %ne3A_101 : i1 to i32
      %cond3A_103 = arith.constant 0 : i32
      %cond3A_104 = arith.cmpi ne, %convert_element_type3A_102, %cond3A_103 : i32
      scf.if %cond3A_104 {
        %mul3A_636 = arith.constant 8 : i32
        %mul3A_637 = arith.muli %add3A_82, %mul3A_636 : i32
        "tpu.region"() ({
          %run_scoped3A = tpu.sem_alloc : memref<!tpu.dma_semaphore, #tpu.memory_space<semaphore_mem>>
          %dma_start3A = arith.constant 0 : i32
          %dma_start3A_638 = tpu.memref_slice %arg8[%dma_start3A] : memref<25600xf32, #tpu.memory_space<vmem>> -> memref<1024xf32, #tpu.memory_space<vmem>>
          %dma_start3A_639 = tpu.memref_slice %arg2[%mul3A_637] : memref<17408xf32, #tpu.memory_space<hbm>> -> memref<1024xf32, #tpu.memory_space<hbm>>
          %dma_start3A_640 = arith.constant 0 : i32
          %dma_start3A_641 = tpu.memref_slice %arg8[%dma_start3A_640] : memref<25600xf32, #tpu.memory_space<vmem>> -> memref<1024xf32, #tpu.memory_space<vmem>>
          %dma_start3A_642 = tpu.memref_slice %arg2[%mul3A_637] : memref<17408xf32, #tpu.memory_space<hbm>> -> memref<1024xf32, #tpu.memory_space<hbm>>
          tpu.enqueue_dma source(%dma_start3A_642 : memref<1024xf32, #tpu.memory_space<hbm>>) target(%dma_start3A_641 : memref<1024xf32, #tpu.memory_space<vmem>>) target_semaphore(%run_scoped3A : memref<!tpu.dma_semaphore, #tpu.memory_space<semaphore_mem>>)
          %dma_wait3A = arith.constant 0 : i32
          %dma_wait3A_643 = tpu.memref_slice %arg8[%dma_wait3A] : memref<25600xf32, #tpu.memory_space<vmem>> -> memref<1024xf32, #tpu.memory_space<vmem>>
          %dma_wait3A_644 = tpu.memref_slice %arg2[%mul3A_637] : memref<17408xf32, #tpu.memory_space<hbm>> -> memref<1024xf32, #tpu.memory_space<hbm>>
          %dma_wait3A_645 = arith.constant 0 : i32
          %dma_wait3A_646 = tpu.memref_slice %arg8[%dma_wait3A_645] : memref<25600xf32, #tpu.memory_space<vmem>> -> memref<1024xf32, #tpu.memory_space<vmem>>
          %dma_wait3A_647 = tpu.memref_slice %arg2[%mul3A_637] : memref<17408xf32, #tpu.memory_space<hbm>> -> memref<1024xf32, #tpu.memory_space<hbm>>
          tpu.wait_dma2 semaphore(%run_scoped3A : memref<!tpu.dma_semaphore, #tpu.memory_space<semaphore_mem>>) src(%dma_wait3A_647 : memref<1024xf32, #tpu.memory_space<hbm>>) dst(%dma_wait3A_646 : memref<1024xf32, #tpu.memory_space<vmem>>)
          tpu.yield
        }) : () -> ()
      } else {
      }
      %while3A_105 = arith.constant 0 : i32
      %while3A_106 = arith.subi %squeeze3A_64, %while3A_105 : i32
      %while3A_107 = arith.addi %while3A_105, %while3A_106 : i32
      %while3A_108 = arith.constant 1 : i32
      %while3A_109 = arith.divsi %while3A_106, %while3A_108 : i32
      %while3A_110 = arith.muli %while3A_109, %while3A_108 : i32
      %while3A_111 = arith.addi %while3A_105, %while3A_110 : i32
      %while3A_112 = arith.constant 1 : i32
      %while3A_113:4 = scf.for %while3A_636 = %while3A_105 to %while3A_111 step %while3A_112 iter_args(%while3A_637 = %broadcast_in_dim3A_89, %while3A_638 = %broadcast_in_dim3A_91, %while3A_639 = %broadcast_in_dim3A_93, %while3A_640 = %broadcast_in_dim3A_96) -> (vector<16xf32>, vector<16xf32>, vector<16xf32>, vector<16xf32>)  : i32 {
        %add3A_641 = arith.constant 1 : i32
        %add3A_642 = arith.addi %while3A_636, %add3A_641 : i32
        %lt3A_643 = arith.cmpi slt, %add3A_642, %squeeze3A_64 : i32
        %convert_element_type3A_644 = arith.extui %lt3A_643 : i1 to i32
        %cond3A_645 = arith.constant 0 : i32
        %cond3A_646 = arith.cmpi ne, %convert_element_type3A_644, %cond3A_645 : i32
        scf.if %cond3A_646 {
          %add3A_669 = arith.constant 1 : i32
          %add3A_670 = arith.addi %while3A_636, %add3A_669 : i32
          %mul3A_671 = arith.constant 1600 : i32
          %mul3A_672 = arith.muli %add3A_670, %mul3A_671 : i32
          %add3A_673 = arith.addi %add3A_82, %mul3A_672 : i32
          %mul3A_674 = arith.constant 8 : i32
          %mul3A_675 = arith.muli %add3A_673, %mul3A_674 : i32
          %add3A_676 = arith.constant 1 : i32
          %add3A_677 = arith.addi %while3A_636, %add3A_676 : i32
          %and3A_678 = arith.constant 1 : i32
          %and3A_679 = arith.andi %add3A_677, %and3A_678 : i32
          %mul3A_680 = arith.constant 12800 : i32
          %mul3A_681 = arith.muli %and3A_679, %mul3A_680 : i32
          %dma_start3A = tpu.memref_slice %arg8[%mul3A_681] : memref<25600xf32, #tpu.memory_space<vmem>> -> memref<12800xf32, #tpu.memory_space<vmem>>
          %dma_start3A_682 = tpu.memref_slice %arg3[%mul3A_675] : memref<52582400xf32, #tpu.memory_space<hbm>> -> memref<12800xf32, #tpu.memory_space<hbm>>
          %dma_start3A_683 = tpu.memref_slice %arg8[%mul3A_681] : memref<25600xf32, #tpu.memory_space<vmem>> -> memref<12800xf32, #tpu.memory_space<vmem>>
          %dma_start3A_684 = tpu.memref_slice %arg3[%mul3A_675] : memref<52582400xf32, #tpu.memory_space<hbm>> -> memref<12800xf32, #tpu.memory_space<hbm>>
          tpu.enqueue_dma source(%dma_start3A_684 : memref<12800xf32, #tpu.memory_space<hbm>>) target(%dma_start3A_683 : memref<12800xf32, #tpu.memory_space<vmem>>) target_semaphore(%arg16 : memref<!tpu.dma_semaphore, #tpu.memory_space<semaphore_mem>>)
        } else {
        }
        %and3A_647 = arith.constant 1 : i32
        %and3A_648 = arith.andi %while3A_636, %and3A_647 : i32
        %mul3A_649 = arith.constant 12800 : i32
        %mul3A_650 = arith.muli %and3A_648, %mul3A_649 : i32
        %shift_right_logical3A = arith.constant 1 : i32
        %shift_right_logical3A_651 = arith.shrui %squeeze3A_66, %shift_right_logical3A : i32
        %while3A_652 = arith.constant 0 : i32
        %while3A_653 = arith.subi %shift_right_logical3A_651, %while3A_652 : i32
        %while3A_654 = arith.addi %while3A_652, %while3A_653 : i32
        %while3A_655 = arith.constant 1 : i32
        %while3A_656 = arith.divsi %while3A_653, %while3A_655 : i32
        %while3A_657 = arith.muli %while3A_656, %while3A_655 : i32
        %while3A_658 = arith.addi %while3A_652, %while3A_657 : i32
        %while3A_659 = arith.constant 1 : i32
        %while3A_660:4 = scf.for %while3A_669 = %while3A_652 to %while3A_658 step %while3A_659 iter_args(%while3A_670 = %while3A_637, %while3A_671 = %while3A_638, %while3A_672 = %while3A_639, %while3A_673 = %while3A_640) -> (vector<16xf32>, vector<16xf32>, vector<16xf32>, vector<16xf32>)  : i32 {
          %mul3A_674 = arith.constant 2 : i32
          %mul3A_675 = arith.muli %while3A_669, %mul3A_674 : i32
          %add3A_676 = arith.addi %squeeze3A_68, %mul3A_675 : i32
          %mul3A_677 = arith.constant 16 : i32
          %mul3A_678 = arith.muli %add3A_676, %mul3A_677 : i32
          %get3A_679 = arith.index_cast %mul3A_678 : i32 to index
          %get3A_680 = tpu.vector_load %arg9[%get3A_679] {strides = array<i32>} : memref<17408xi32, #tpu.memory_space<vmem>>, vector<16xi32>,
          %add3A_681 = vector.broadcast %mul3A_650 : i32 to vector<16xi32>
          %add3A_682 = arith.addi %get3A_680, %add3A_681 : vector<16xi32>
          %add3A_683 = arith.constant 16 : i32
          %add3A_684 = arith.addi %mul3A_678, %add3A_683 : i32
          %get3A_685 = arith.index_cast %add3A_684 : i32 to index
          %get3A_686 = tpu.vector_load %arg9[%get3A_685] {strides = array<i32>} : memref<17408xi32, #tpu.memory_space<vmem>>, vector<16xi32>,
          %add3A_687 = vector.broadcast %mul3A_650 : i32 to vector<16xi32>
          %add3A_688 = arith.addi %get3A_686, %add3A_687 : vector<16xi32>
          %gather3A = tpu.vector_load_idx %arg8[%add3A_682] : memref<25600xf32, #tpu.memory_space<vmem>>[vector<16xi32>], vector<16xf32>,
          %bitcast3A_689 = vector.bitcast %gather3A : vector<16xf32> to vector<16xi32>
          %shift_right_arithmetic3A = arith.constant 31 : i32
          %shift_right_arithmetic3A_690 = vector.broadcast %shift_right_arithmetic3A : i32 to vector<16xi32>
          %shift_right_arithmetic3A_691 = arith.shrsi %bitcast3A_689, %shift_right_arithmetic3A_690 : vector<16xi32>
          %or3A_692 = arith.constant -2147483648 : i32
          %or3A_693 = vector.broadcast %or3A_692 : i32 to vector<16xi32>
          %or3A_694 = arith.ori %shift_right_arithmetic3A_691, %or3A_693 : vector<16xi32>
          %xor3A = arith.xori %bitcast3A_689, %or3A_694 : vector<16xi32>
          %shift_right_logical3A_695 = arith.constant 21 : i32
          %shift_right_logical3A_696 = vector.broadcast %shift_right_logical3A_695 : i32 to vector<16xi32>
          %shift_right_logical3A_697 = arith.shrui %xor3A, %shift_right_logical3A_696 : vector<16xi32>
          tpu.vector_store_idx %arg12[%shift_right_logical3A_697], %broadcast_in_dim3A_31 {add = true} : memref<2048xi32, #tpu.memory_space<vmem>>[vector<16xi32>], vector<16xi32>,
          %add3A_698 = arith.addf %while3A_670, %gather3A : vector<16xf32>
          %mul3A_699 = arith.mulf %gather3A, %gather3A : vector<16xf32>
          %add3A_700 = arith.addf %while3A_671, %mul3A_699 : vector<16xf32>
          %min3A = arith.minimumf %while3A_672, %gather3A : vector<16xf32>
          %max3A = arith.maximumf %while3A_673, %gather3A : vector<16xf32>
          %gather3A_701 = tpu.vector_load_idx %arg8[%add3A_688] : memref<25600xf32, #tpu.memory_space<vmem>>[vector<16xi32>], vector<16xf32>,
          %bitcast3A_702 = vector.bitcast %gather3A_701 : vector<16xf32> to vector<16xi32>
          %shift_right_arithmetic3A_703 = arith.constant 31 : i32
          %shift_right_arithmetic3A_704 = vector.broadcast %shift_right_arithmetic3A_703 : i32 to vector<16xi32>
          %shift_right_arithmetic3A_705 = arith.shrsi %bitcast3A_702, %shift_right_arithmetic3A_704 : vector<16xi32>
          %or3A_706 = arith.constant -2147483648 : i32
          %or3A_707 = vector.broadcast %or3A_706 : i32 to vector<16xi32>
          %or3A_708 = arith.ori %shift_right_arithmetic3A_705, %or3A_707 : vector<16xi32>
          %xor3A_709 = arith.xori %bitcast3A_702, %or3A_708 : vector<16xi32>
          %shift_right_logical3A_710 = arith.constant 21 : i32
          %shift_right_logical3A_711 = vector.broadcast %shift_right_logical3A_710 : i32 to vector<16xi32>
          %shift_right_logical3A_712 = arith.shrui %xor3A_709, %shift_right_logical3A_711 : vector<16xi32>
          tpu.vector_store_idx %arg12[%shift_right_logical3A_712], %broadcast_in_dim3A_31 {add = true} : memref<2048xi32, #tpu.memory_space<vmem>>[vector<16xi32>], vector<16xi32>,
          %add3A_713 = arith.addf %add3A_698, %gather3A_701 : vector<16xf32>
          %mul3A_714 = arith.mulf %gather3A_701, %gather3A_701 : vector<16xf32>
          %add3A_715 = arith.addf %add3A_700, %mul3A_714 : vector<16xf32>
          %min3A_716 = arith.minimumf %min3A, %gather3A_701 : vector<16xf32>
          %max3A_717 = arith.maximumf %max3A, %gather3A_701 : vector<16xf32>
          scf.yield %add3A_713, %add3A_715, %min3A_716, %max3A_717 : vector<16xf32>, vector<16xf32>, vector<16xf32>, vector<16xf32>
        }
        %while3A_661 = arith.constant 1 : i32
        %while3A_662:4 = scf.for %while3A_669 = %while3A_658 to %while3A_654 step %while3A_661 iter_args(%while3A_670 = %while3A_660#0, %while3A_671 = %while3A_660#1, %while3A_672 = %while3A_660#2, %while3A_673 = %while3A_660#3) -> (vector<16xf32>, vector<16xf32>, vector<16xf32>, vector<16xf32>)  : i32 {
          %mul3A_674 = arith.constant 2 : i32
          %mul3A_675 = arith.muli %while3A_669, %mul3A_674 : i32
          %add3A_676 = arith.addi %squeeze3A_68, %mul3A_675 : i32
          %mul3A_677 = arith.constant 16 : i32
          %mul3A_678 = arith.muli %add3A_676, %mul3A_677 : i32
          %get3A_679 = arith.index_cast %mul3A_678 : i32 to index
          %get3A_680 = tpu.vector_load %arg9[%get3A_679] {strides = array<i32>} : memref<17408xi32, #tpu.memory_space<vmem>>, vector<16xi32>,
          %add3A_681 = vector.broadcast %mul3A_650 : i32 to vector<16xi32>
          %add3A_682 = arith.addi %get3A_680, %add3A_681 : vector<16xi32>
          %add3A_683 = arith.constant 16 : i32
          %add3A_684 = arith.addi %mul3A_678, %add3A_683 : i32
          %get3A_685 = arith.index_cast %add3A_684 : i32 to index
          %get3A_686 = tpu.vector_load %arg9[%get3A_685] {strides = array<i32>} : memref<17408xi32, #tpu.memory_space<vmem>>, vector<16xi32>,
          %add3A_687 = vector.broadcast %mul3A_650 : i32 to vector<16xi32>
          %add3A_688 = arith.addi %get3A_686, %add3A_687 : vector<16xi32>
          %gather3A = tpu.vector_load_idx %arg8[%add3A_682] : memref<25600xf32, #tpu.memory_space<vmem>>[vector<16xi32>], vector<16xf32>,
          %bitcast3A_689 = vector.bitcast %gather3A : vector<16xf32> to vector<16xi32>
          %shift_right_arithmetic3A = arith.constant 31 : i32
          %shift_right_arithmetic3A_690 = vector.broadcast %shift_right_arithmetic3A : i32 to vector<16xi32>
          %shift_right_arithmetic3A_691 = arith.shrsi %bitcast3A_689, %shift_right_arithmetic3A_690 : vector<16xi32>
          %or3A_692 = arith.constant -2147483648 : i32
          %or3A_693 = vector.broadcast %or3A_692 : i32 to vector<16xi32>
          %or3A_694 = arith.ori %shift_right_arithmetic3A_691, %or3A_693 : vector<16xi32>
          %xor3A = arith.xori %bitcast3A_689, %or3A_694 : vector<16xi32>
          %shift_right_logical3A_695 = arith.constant 21 : i32
          %shift_right_logical3A_696 = vector.broadcast %shift_right_logical3A_695 : i32 to vector<16xi32>
          %shift_right_logical3A_697 = arith.shrui %xor3A, %shift_right_logical3A_696 : vector<16xi32>
          tpu.vector_store_idx %arg12[%shift_right_logical3A_697], %broadcast_in_dim3A_31 {add = true} : memref<2048xi32, #tpu.memory_space<vmem>>[vector<16xi32>], vector<16xi32>,
          %add3A_698 = arith.addf %while3A_670, %gather3A : vector<16xf32>
          %mul3A_699 = arith.mulf %gather3A, %gather3A : vector<16xf32>
          %add3A_700 = arith.addf %while3A_671, %mul3A_699 : vector<16xf32>
          %min3A = arith.minimumf %while3A_672, %gather3A : vector<16xf32>
          %max3A = arith.maximumf %while3A_673, %gather3A : vector<16xf32>
          %gather3A_701 = tpu.vector_load_idx %arg8[%add3A_688] : memref<25600xf32, #tpu.memory_space<vmem>>[vector<16xi32>], vector<16xf32>,
          %bitcast3A_702 = vector.bitcast %gather3A_701 : vector<16xf32> to vector<16xi32>
          %shift_right_arithmetic3A_703 = arith.constant 31 : i32
          %shift_right_arithmetic3A_704 = vector.broadcast %shift_right_arithmetic3A_703 : i32 to vector<16xi32>
          %shift_right_arithmetic3A_705 = arith.shrsi %bitcast3A_702, %shift_right_arithmetic3A_704 : vector<16xi32>
          %or3A_706 = arith.constant -2147483648 : i32
          %or3A_707 = vector.broadcast %or3A_706 : i32 to vector<16xi32>
          %or3A_708 = arith.ori %shift_right_arithmetic3A_705, %or3A_707 : vector<16xi32>
          %xor3A_709 = arith.xori %bitcast3A_702, %or3A_708 : vector<16xi32>
          %shift_right_logical3A_710 = arith.constant 21 : i32
          %shift_right_logical3A_711 = vector.broadcast %shift_right_logical3A_710 : i32 to vector<16xi32>
          %shift_right_logical3A_712 = arith.shrui %xor3A_709, %shift_right_logical3A_711 : vector<16xi32>
          tpu.vector_store_idx %arg12[%shift_right_logical3A_712], %broadcast_in_dim3A_31 {add = true} : memref<2048xi32, #tpu.memory_space<vmem>>[vector<16xi32>], vector<16xi32>,
          %add3A_713 = arith.addf %add3A_698, %gather3A_701 : vector<16xf32>
          %mul3A_714 = arith.mulf %gather3A_701, %gather3A_701 : vector<16xf32>
          %add3A_715 = arith.addf %add3A_700, %mul3A_714 : vector<16xf32>
          %min3A_716 = arith.minimumf %min3A, %gather3A_701 : vector<16xf32>
          %max3A_717 = arith.maximumf %max3A, %gather3A_701 : vector<16xf32>
          scf.yield %add3A_713, %add3A_715, %min3A_716, %max3A_717 : vector<16xf32>, vector<16xf32>, vector<16xf32>, vector<16xf32>
        }
        %add3A_663 = arith.constant 1 : i32
        %add3A_664 = arith.addi %while3A_636, %add3A_663 : i32
        %lt3A_665 = arith.cmpi slt, %add3A_664, %squeeze3A_64 : i32
        %convert_element_type3A_666 = arith.extui %lt3A_665 : i1 to i32
        %cond3A_667 = arith.constant 0 : i32
        %cond3A_668 = arith.cmpi ne, %convert_element_type3A_666, %cond3A_667 : i32
        scf.if %cond3A_668 {
          %add3A_669 = arith.constant 1 : i32
          %add3A_670 = arith.addi %while3A_636, %add3A_669 : i32
          %mul3A_671 = arith.constant 1600 : i32
          %mul3A_672 = arith.muli %add3A_670, %mul3A_671 : i32
          %add3A_673 = arith.addi %add3A_82, %mul3A_672 : i32
          %mul3A_674 = arith.constant 8 : i32
          %mul3A_675 = arith.muli %add3A_673, %mul3A_674 : i32
          %add3A_676 = arith.constant 1 : i32
          %add3A_677 = arith.addi %while3A_636, %add3A_676 : i32
          %and3A_678 = arith.constant 1 : i32
          %and3A_679 = arith.andi %add3A_677, %and3A_678 : i32
          %mul3A_680 = arith.constant 12800 : i32
          %mul3A_681 = arith.muli %and3A_679, %mul3A_680 : i32
          %dma_wait3A = tpu.memref_slice %arg8[%mul3A_681] : memref<25600xf32, #tpu.memory_space<vmem>> -> memref<12800xf32, #tpu.memory_space<vmem>>
          %dma_wait3A_682 = tpu.memref_slice %arg3[%mul3A_675] : memref<52582400xf32, #tpu.memory_space<hbm>> -> memref<12800xf32, #tpu.memory_space<hbm>>
          %dma_wait3A_683 = tpu.memref_slice %arg8[%mul3A_681] : memref<25600xf32, #tpu.memory_space<vmem>> -> memref<12800xf32, #tpu.memory_space<vmem>>
          %dma_wait3A_684 = tpu.memref_slice %arg3[%mul3A_675] : memref<52582400xf32, #tpu.memory_space<hbm>> -> memref<12800xf32, #tpu.memory_space<hbm>>
          tpu.wait_dma2 semaphore(%arg16 : memref<!tpu.dma_semaphore, #tpu.memory_space<semaphore_mem>>) src(%dma_wait3A_684 : memref<12800xf32, #tpu.memory_space<hbm>>) dst(%dma_wait3A_683 : memref<12800xf32, #tpu.memory_space<vmem>>)
        } else {
        }
        scf.yield %while3A_662#0, %while3A_662#1, %while3A_662#2, %while3A_662#3 : vector<16xf32>, vector<16xf32>, vector<16xf32>, vector<16xf32>
      }
      %while3A_114 = arith.constant 1 : i32
      %while3A_115:4 = scf.for %while3A_636 = %while3A_111 to %while3A_107 step %while3A_114 iter_args(%while3A_637 = %while3A_113#0, %while3A_638 = %while3A_113#1, %while3A_639 = %while3A_113#2, %while3A_640 = %while3A_113#3) -> (vector<16xf32>, vector<16xf32>, vector<16xf32>, vector<16xf32>)  : i32 {
        %add3A_641 = arith.constant 1 : i32
        %add3A_642 = arith.addi %while3A_636, %add3A_641 : i32
        %lt3A_643 = arith.cmpi slt, %add3A_642, %squeeze3A_64 : i32
        %convert_element_type3A_644 = arith.extui %lt3A_643 : i1 to i32
        %cond3A_645 = arith.constant 0 : i32
        %cond3A_646 = arith.cmpi ne, %convert_element_type3A_644, %cond3A_645 : i32
        scf.if %cond3A_646 {
          %add3A_669 = arith.constant 1 : i32
          %add3A_670 = arith.addi %while3A_636, %add3A_669 : i32
          %mul3A_671 = arith.constant 1600 : i32
          %mul3A_672 = arith.muli %add3A_670, %mul3A_671 : i32
          %add3A_673 = arith.addi %add3A_82, %mul3A_672 : i32
          %mul3A_674 = arith.constant 8 : i32
          %mul3A_675 = arith.muli %add3A_673, %mul3A_674 : i32
          %add3A_676 = arith.constant 1 : i32
          %add3A_677 = arith.addi %while3A_636, %add3A_676 : i32
          %and3A_678 = arith.constant 1 : i32
          %and3A_679 = arith.andi %add3A_677, %and3A_678 : i32
          %mul3A_680 = arith.constant 12800 : i32
          %mul3A_681 = arith.muli %and3A_679, %mul3A_680 : i32
          %dma_start3A = tpu.memref_slice %arg8[%mul3A_681] : memref<25600xf32, #tpu.memory_space<vmem>> -> memref<12800xf32, #tpu.memory_space<vmem>>
          %dma_start3A_682 = tpu.memref_slice %arg3[%mul3A_675] : memref<52582400xf32, #tpu.memory_space<hbm>> -> memref<12800xf32, #tpu.memory_space<hbm>>
          %dma_start3A_683 = tpu.memref_slice %arg8[%mul3A_681] : memref<25600xf32, #tpu.memory_space<vmem>> -> memref<12800xf32, #tpu.memory_space<vmem>>
          %dma_start3A_684 = tpu.memref_slice %arg3[%mul3A_675] : memref<52582400xf32, #tpu.memory_space<hbm>> -> memref<12800xf32, #tpu.memory_space<hbm>>
          tpu.enqueue_dma source(%dma_start3A_684 : memref<12800xf32, #tpu.memory_space<hbm>>) target(%dma_start3A_683 : memref<12800xf32, #tpu.memory_space<vmem>>) target_semaphore(%arg16 : memref<!tpu.dma_semaphore, #tpu.memory_space<semaphore_mem>>)
        } else {
        }
        %and3A_647 = arith.constant 1 : i32
        %and3A_648 = arith.andi %while3A_636, %and3A_647 : i32
        %mul3A_649 = arith.constant 12800 : i32
        %mul3A_650 = arith.muli %and3A_648, %mul3A_649 : i32
        %shift_right_logical3A = arith.constant 1 : i32
        %shift_right_logical3A_651 = arith.shrui %squeeze3A_66, %shift_right_logical3A : i32
        %while3A_652 = arith.constant 0 : i32
        %while3A_653 = arith.subi %shift_right_logical3A_651, %while3A_652 : i32
        %while3A_654 = arith.addi %while3A_652, %while3A_653 : i32
        %while3A_655 = arith.constant 1 : i32
        %while3A_656 = arith.divsi %while3A_653, %while3A_655 : i32
        %while3A_657 = arith.muli %while3A_656, %while3A_655 : i32
        %while3A_658 = arith.addi %while3A_652, %while3A_657 : i32
        %while3A_659 = arith.constant 1 : i32
        %while3A_660:4 = scf.for %while3A_669 = %while3A_652 to %while3A_658 step %while3A_659 iter_args(%while3A_670 = %while3A_637, %while3A_671 = %while3A_638, %while3A_672 = %while3A_639, %while3A_673 = %while3A_640) -> (vector<16xf32>, vector<16xf32>, vector<16xf32>, vector<16xf32>)  : i32 {
          %mul3A_674 = arith.constant 2 : i32
          %mul3A_675 = arith.muli %while3A_669, %mul3A_674 : i32
          %add3A_676 = arith.addi %squeeze3A_68, %mul3A_675 : i32
          %mul3A_677 = arith.constant 16 : i32
          %mul3A_678 = arith.muli %add3A_676, %mul3A_677 : i32
          %get3A_679 = arith.index_cast %mul3A_678 : i32 to index
          %get3A_680 = tpu.vector_load %arg9[%get3A_679] {strides = array<i32>} : memref<17408xi32, #tpu.memory_space<vmem>>, vector<16xi32>,
          %add3A_681 = vector.broadcast %mul3A_650 : i32 to vector<16xi32>
          %add3A_682 = arith.addi %get3A_680, %add3A_681 : vector<16xi32>
          %add3A_683 = arith.constant 16 : i32
          %add3A_684 = arith.addi %mul3A_678, %add3A_683 : i32
          %get3A_685 = arith.index_cast %add3A_684 : i32 to index
          %get3A_686 = tpu.vector_load %arg9[%get3A_685] {strides = array<i32>} : memref<17408xi32, #tpu.memory_space<vmem>>, vector<16xi32>,
          %add3A_687 = vector.broadcast %mul3A_650 : i32 to vector<16xi32>
          %add3A_688 = arith.addi %get3A_686, %add3A_687 : vector<16xi32>
          %gather3A = tpu.vector_load_idx %arg8[%add3A_682] : memref<25600xf32, #tpu.memory_space<vmem>>[vector<16xi32>], vector<16xf32>,
          %bitcast3A_689 = vector.bitcast %gather3A : vector<16xf32> to vector<16xi32>
          %shift_right_arithmetic3A = arith.constant 31 : i32
          %shift_right_arithmetic3A_690 = vector.broadcast %shift_right_arithmetic3A : i32 to vector<16xi32>
          %shift_right_arithmetic3A_691 = arith.shrsi %bitcast3A_689, %shift_right_arithmetic3A_690 : vector<16xi32>
          %or3A_692 = arith.constant -2147483648 : i32
          %or3A_693 = vector.broadcast %or3A_692 : i32 to vector<16xi32>
          %or3A_694 = arith.ori %shift_right_arithmetic3A_691, %or3A_693 : vector<16xi32>
          %xor3A = arith.xori %bitcast3A_689, %or3A_694 : vector<16xi32>
          %shift_right_logical3A_695 = arith.constant 21 : i32
          %shift_right_logical3A_696 = vector.broadcast %shift_right_logical3A_695 : i32 to vector<16xi32>
          %shift_right_logical3A_697 = arith.shrui %xor3A, %shift_right_logical3A_696 : vector<16xi32>
          tpu.vector_store_idx %arg12[%shift_right_logical3A_697], %broadcast_in_dim3A_31 {add = true} : memref<2048xi32, #tpu.memory_space<vmem>>[vector<16xi32>], vector<16xi32>,
          %add3A_698 = arith.addf %while3A_670, %gather3A : vector<16xf32>
          %mul3A_699 = arith.mulf %gather3A, %gather3A : vector<16xf32>
          %add3A_700 = arith.addf %while3A_671, %mul3A_699 : vector<16xf32>
          %min3A = arith.minimumf %while3A_672, %gather3A : vector<16xf32>
          %max3A = arith.maximumf %while3A_673, %gather3A : vector<16xf32>
          %gather3A_701 = tpu.vector_load_idx %arg8[%add3A_688] : memref<25600xf32, #tpu.memory_space<vmem>>[vector<16xi32>], vector<16xf32>,
          %bitcast3A_702 = vector.bitcast %gather3A_701 : vector<16xf32> to vector<16xi32>
          %shift_right_arithmetic3A_703 = arith.constant 31 : i32
          %shift_right_arithmetic3A_704 = vector.broadcast %shift_right_arithmetic3A_703 : i32 to vector<16xi32>
          %shift_right_arithmetic3A_705 = arith.shrsi %bitcast3A_702, %shift_right_arithmetic3A_704 : vector<16xi32>
          %or3A_706 = arith.constant -2147483648 : i32
          %or3A_707 = vector.broadcast %or3A_706 : i32 to vector<16xi32>
          %or3A_708 = arith.ori %shift_right_arithmetic3A_705, %or3A_707 : vector<16xi32>
          %xor3A_709 = arith.xori %bitcast3A_702, %or3A_708 : vector<16xi32>
          %shift_right_logical3A_710 = arith.constant 21 : i32
          %shift_right_logical3A_711 = vector.broadcast %shift_right_logical3A_710 : i32 to vector<16xi32>
          %shift_right_logical3A_712 = arith.shrui %xor3A_709, %shift_right_logical3A_711 : vector<16xi32>
          tpu.vector_store_idx %arg12[%shift_right_logical3A_712], %broadcast_in_dim3A_31 {add = true} : memref<2048xi32, #tpu.memory_space<vmem>>[vector<16xi32>], vector<16xi32>,
          %add3A_713 = arith.addf %add3A_698, %gather3A_701 : vector<16xf32>
          %mul3A_714 = arith.mulf %gather3A_701, %gather3A_701 : vector<16xf32>
          %add3A_715 = arith.addf %add3A_700, %mul3A_714 : vector<16xf32>
          %min3A_716 = arith.minimumf %min3A, %gather3A_701 : vector<16xf32>
          %max3A_717 = arith.maximumf %max3A, %gather3A_701 : vector<16xf32>
          scf.yield %add3A_713, %add3A_715, %min3A_716, %max3A_717 : vector<16xf32>, vector<16xf32>, vector<16xf32>, vector<16xf32>
        }
        %while3A_661 = arith.constant 1 : i32
        %while3A_662:4 = scf.for %while3A_669 = %while3A_658 to %while3A_654 step %while3A_661 iter_args(%while3A_670 = %while3A_660#0, %while3A_671 = %while3A_660#1, %while3A_672 = %while3A_660#2, %while3A_673 = %while3A_660#3) -> (vector<16xf32>, vector<16xf32>, vector<16xf32>, vector<16xf32>)  : i32 {
          %mul3A_674 = arith.constant 2 : i32
          %mul3A_675 = arith.muli %while3A_669, %mul3A_674 : i32
          %add3A_676 = arith.addi %squeeze3A_68, %mul3A_675 : i32
          %mul3A_677 = arith.constant 16 : i32
          %mul3A_678 = arith.muli %add3A_676, %mul3A_677 : i32
          %get3A_679 = arith.index_cast %mul3A_678 : i32 to index
          %get3A_680 = tpu.vector_load %arg9[%get3A_679] {strides = array<i32>} : memref<17408xi32, #tpu.memory_space<vmem>>, vector<16xi32>,
          %add3A_681 = vector.broadcast %mul3A_650 : i32 to vector<16xi32>
          %add3A_682 = arith.addi %get3A_680, %add3A_681 : vector<16xi32>
          %add3A_683 = arith.constant 16 : i32
          %add3A_684 = arith.addi %mul3A_678, %add3A_683 : i32
          %get3A_685 = arith.index_cast %add3A_684 : i32 to index
          %get3A_686 = tpu.vector_load %arg9[%get3A_685] {strides = array<i32>} : memref<17408xi32, #tpu.memory_space<vmem>>, vector<16xi32>,
          %add3A_687 = vector.broadcast %mul3A_650 : i32 to vector<16xi32>
          %add3A_688 = arith.addi %get3A_686, %add3A_687 : vector<16xi32>
          %gather3A = tpu.vector_load_idx %arg8[%add3A_682] : memref<25600xf32, #tpu.memory_space<vmem>>[vector<16xi32>], vector<16xf32>,
          %bitcast3A_689 = vector.bitcast %gather3A : vector<16xf32> to vector<16xi32>
          %shift_right_arithmetic3A = arith.constant 31 : i32
          %shift_right_arithmetic3A_690 = vector.broadcast %shift_right_arithmetic3A : i32 to vector<16xi32>
          %shift_right_arithmetic3A_691 = arith.shrsi %bitcast3A_689, %shift_right_arithmetic3A_690 : vector<16xi32>
          %or3A_692 = arith.constant -2147483648 : i32
          %or3A_693 = vector.broadcast %or3A_692 : i32 to vector<16xi32>
          %or3A_694 = arith.ori %shift_right_arithmetic3A_691, %or3A_693 : vector<16xi32>
          %xor3A = arith.xori %bitcast3A_689, %or3A_694 : vector<16xi32>
          %shift_right_logical3A_695 = arith.constant 21 : i32
          %shift_right_logical3A_696 = vector.broadcast %shift_right_logical3A_695 : i32 to vector<16xi32>
          %shift_right_logical3A_697 = arith.shrui %xor3A, %shift_right_logical3A_696 : vector<16xi32>
          tpu.vector_store_idx %arg12[%shift_right_logical3A_697], %broadcast_in_dim3A_31 {add = true} : memref<2048xi32, #tpu.memory_space<vmem>>[vector<16xi32>], vector<16xi32>,
          %add3A_698 = arith.addf %while3A_670, %gather3A : vector<16xf32>
          %mul3A_699 = arith.mulf %gather3A, %gather3A : vector<16xf32>
          %add3A_700 = arith.addf %while3A_671, %mul3A_699 : vector<16xf32>
          %min3A = arith.minimumf %while3A_672, %gather3A : vector<16xf32>
          %max3A = arith.maximumf %while3A_673, %gather3A : vector<16xf32>
          %gather3A_701 = tpu.vector_load_idx %arg8[%add3A_688] : memref<25600xf32, #tpu.memory_space<vmem>>[vector<16xi32>], vector<16xf32>,
          %bitcast3A_702 = vector.bitcast %gather3A_701 : vector<16xf32> to vector<16xi32>
          %shift_right_arithmetic3A_703 = arith.constant 31 : i32
          %shift_right_arithmetic3A_704 = vector.broadcast %shift_right_arithmetic3A_703 : i32 to vector<16xi32>
          %shift_right_arithmetic3A_705 = arith.shrsi %bitcast3A_702, %shift_right_arithmetic3A_704 : vector<16xi32>
          %or3A_706 = arith.constant -2147483648 : i32
          %or3A_707 = vector.broadcast %or3A_706 : i32 to vector<16xi32>
          %or3A_708 = arith.ori %shift_right_arithmetic3A_705, %or3A_707 : vector<16xi32>
          %xor3A_709 = arith.xori %bitcast3A_702, %or3A_708 : vector<16xi32>
          %shift_right_logical3A_710 = arith.constant 21 : i32
          %shift_right_logical3A_711 = vector.broadcast %shift_right_logical3A_710 : i32 to vector<16xi32>
          %shift_right_logical3A_712 = arith.shrui %xor3A_709, %shift_right_logical3A_711 : vector<16xi32>
          tpu.vector_store_idx %arg12[%shift_right_logical3A_712], %broadcast_in_dim3A_31 {add = true} : memref<2048xi32, #tpu.memory_space<vmem>>[vector<16xi32>], vector<16xi32>,
          %add3A_713 = arith.addf %add3A_698, %gather3A_701 : vector<16xf32>
          %mul3A_714 = arith.mulf %gather3A_701, %gather3A_701 : vector<16xf32>
          %add3A_715 = arith.addf %add3A_700, %mul3A_714 : vector<16xf32>
          %min3A_716 = arith.minimumf %min3A, %gather3A_701 : vector<16xf32>
          %max3A_717 = arith.maximumf %max3A, %gather3A_701 : vector<16xf32>
          scf.yield %add3A_713, %add3A_715, %min3A_716, %max3A_717 : vector<16xf32>, vector<16xf32>, vector<16xf32>, vector<16xf32>
        }
        %add3A_663 = arith.constant 1 : i32
        %add3A_664 = arith.addi %while3A_636, %add3A_663 : i32
        %lt3A_665 = arith.cmpi slt, %add3A_664, %squeeze3A_64 : i32
        %convert_element_type3A_666 = arith.extui %lt3A_665 : i1 to i32
        %cond3A_667 = arith.constant 0 : i32
        %cond3A_668 = arith.cmpi ne, %convert_element_type3A_666, %cond3A_667 : i32
        scf.if %cond3A_668 {
          %add3A_669 = arith.constant 1 : i32
          %add3A_670 = arith.addi %while3A_636, %add3A_669 : i32
          %mul3A_671 = arith.constant 1600 : i32
          %mul3A_672 = arith.muli %add3A_670, %mul3A_671 : i32
          %add3A_673 = arith.addi %add3A_82, %mul3A_672 : i32
          %mul3A_674 = arith.constant 8 : i32
          %mul3A_675 = arith.muli %add3A_673, %mul3A_674 : i32
          %add3A_676 = arith.constant 1 : i32
          %add3A_677 = arith.addi %while3A_636, %add3A_676 : i32
          %and3A_678 = arith.constant 1 : i32
          %and3A_679 = arith.andi %add3A_677, %and3A_678 : i32
          %mul3A_680 = arith.constant 12800 : i32
          %mul3A_681 = arith.muli %and3A_679, %mul3A_680 : i32
          %dma_wait3A = tpu.memref_slice %arg8[%mul3A_681] : memref<25600xf32, #tpu.memory_space<vmem>> -> memref<12800xf32, #tpu.memory_space<vmem>>
          %dma_wait3A_682 = tpu.memref_slice %arg3[%mul3A_675] : memref<52582400xf32, #tpu.memory_space<hbm>> -> memref<12800xf32, #tpu.memory_space<hbm>>
          %dma_wait3A_683 = tpu.memref_slice %arg8[%mul3A_681] : memref<25600xf32, #tpu.memory_space<vmem>> -> memref<12800xf32, #tpu.memory_space<vmem>>
          %dma_wait3A_684 = tpu.memref_slice %arg3[%mul3A_675] : memref<52582400xf32, #tpu.memory_space<hbm>> -> memref<12800xf32, #tpu.memory_space<hbm>>
          tpu.wait_dma2 semaphore(%arg16 : memref<!tpu.dma_semaphore, #tpu.memory_space<semaphore_mem>>) src(%dma_wait3A_684 : memref<12800xf32, #tpu.memory_space<hbm>>) dst(%dma_wait3A_683 : memref<12800xf32, #tpu.memory_space<vmem>>)
        } else {
        }
        scf.yield %while3A_662#0, %while3A_662#1, %while3A_662#2, %while3A_662#3 : vector<16xf32>, vector<16xf32>, vector<16xf32>, vector<16xf32>
      }
      %scan3A_116 = arith.constant 0 : i32
      %scan3A_117 = arith.constant 6 : i32
      %scan3A_118 = arith.addi %scan3A_116, %scan3A_117 : i32
      %scan3A_119 = arith.constant 1 : i32
      %scan3A_120:2 = scf.for %scan3A_636 = %scan3A_116 to %scan3A_118 step %scan3A_119 iter_args(%scan3A_637 = %broadcast_in_dim3A_33, %scan3A_638 = %broadcast_in_dim3A_33) -> (vector<16xi32>, vector<16xi32>)  : i32 {
        %shift_right_logical3A = arith.constant 1 : i32
        %shift_right_logical3A_639 = arith.shrui %scan3A_636, %shift_right_logical3A : i32
        %add3A_640 = arith.constant 5 : i32
        %add3A_641 = arith.addi %add3A_640, %shift_right_logical3A_639 : i32
        %eq3A_642 = vector.broadcast %add3A_641 : i32 to vector<16xi32>
        %eq3A_643 = arith.cmpi eq, %iota3A, %eq3A_642 : vector<16xi32>
        %jit3A_644 = arith.constant -2147483648 : i32
        %broadcast_in_dim3A_645 = vector.broadcast %jit3A_644 : i32 to vector<16xi32>
        %select_n3A_646 = arith.select %eq3A_643, %get3A_56, %broadcast_in_dim3A_645 : vector<16xi1>, vector<16xi32>
        %reduce_max3A_647 = arith.constant true
        %reduce_max3A_648 = vector.broadcast %reduce_max3A_647 : i1 to vector<16xi1>
        %reduce_max3A_649 = arith.constant -2147483648 : i32
        %reduce_max3A_650 = vector.broadcast %reduce_max3A_649 : i32 to vector<16xi32>
        %reduce_max3A_651 = arith.xori %select_n3A_646, %reduce_max3A_650 : vector<16xi32>
        %reduce_max3A_652 = tpu.scan <max>, %reduce_max3A_651 masked %reduce_max3A_648 : vector<16xi32>, vector<16xi1> -> vector<16xi32>
        %reduce_max3A_653 = arith.xori %reduce_max3A_652, %reduce_max3A_650 : vector<16xi32>
        %reduce_max3A_654 = vector.extract %reduce_max3A_653[15] : i32 from vector<16xi32>
        %and3A_655 = arith.constant 1 : i32
        %and3A_656 = arith.andi %scan3A_636, %and3A_655 : i32
        %add3A_657 = arith.addi %reduce_max3A_654, %and3A_656 : i32
        %scan3A_658 = arith.constant 0 : i32
        %scan3A_659 = arith.constant -1 : i32
        %scan3A_660 = arith.constant 0 : i32
        %scan3A_661 = arith.constant 0 : i32
        %scan3A_662 = arith.constant 128 : i32
        %scan3A_663 = arith.addi %scan3A_661, %scan3A_662 : i32
        %scan3A_664 = arith.constant 1 : i32
        %scan3A_665:3 = scf.for %scan3A_675 = %scan3A_661 to %scan3A_663 step %scan3A_664 iter_args(%scan3A_676 = %scan3A_658, %scan3A_677 = %scan3A_659, %scan3A_678 = %scan3A_660) -> (i32, i32, i32)  : i32 {
          %mul3A_679 = arith.constant 16 : i32
          %mul3A_680 = arith.muli %scan3A_675, %mul3A_679 : i32
          %add3A_681 = arith.constant 0 : i32
          %add3A_682 = arith.addi %add3A_681, %mul3A_680 : i32
          %get3A_683 = arith.index_cast %add3A_682 : i32 to index
          %get3A_684 = tpu.vector_load %arg12[%get3A_683] {strides = array<i32>} : memref<2048xi32, #tpu.memory_space<vmem>>, vector<16xi32>,
          %broadcast_in_dim3A_685 = arith.constant true
          %broadcast_in_dim3A_686 = vector.broadcast %broadcast_in_dim3A_685 : i1 to vector<16xi1>
          %masked_cumsum3A = tpu.scan <sum>, %get3A_684 masked %broadcast_in_dim3A_686 : vector<16xi32>, vector<16xi1> -> vector<16xi32>
          %reduce_max3A_687 = arith.constant true
          %reduce_max3A_688 = vector.broadcast %reduce_max3A_687 : i1 to vector<16xi1>
          %reduce_max3A_689 = arith.constant -2147483648 : i32
          %reduce_max3A_690 = vector.broadcast %reduce_max3A_689 : i32 to vector<16xi32>
          %reduce_max3A_691 = arith.xori %masked_cumsum3A, %reduce_max3A_690 : vector<16xi32>
          %reduce_max3A_692 = tpu.scan <max>, %reduce_max3A_691 masked %reduce_max3A_688 : vector<16xi32>, vector<16xi1> -> vector<16xi32>
          %reduce_max3A_693 = arith.xori %reduce_max3A_692, %reduce_max3A_690 : vector<16xi32>
          %reduce_max3A_694 = vector.extract %reduce_max3A_693[15] : i32 from vector<16xi32>
          %add3A_695 = vector.broadcast %scan3A_676 : i32 to vector<16xi32>
          %add3A_696 = arith.addi %add3A_695, %masked_cumsum3A : vector<16xi32>
          %gt3A = vector.broadcast %add3A_657 : i32 to vector<16xi32>
          %gt3A_697 = arith.cmpi sgt, %add3A_696, %gt3A : vector<16xi32>
          %jit3A_698 = arith.constant 0 : i32
          %jit3A_699 = arith.constant 1 : i32
          %broadcast_in_dim3A_700 = vector.broadcast %jit3A_698 : i32 to vector<16xi32>
          %broadcast_in_dim3A_701 = vector.broadcast %jit3A_699 : i32 to vector<16xi32>
          %select_n3A_702 = arith.select %gt3A_697, %broadcast_in_dim3A_700, %broadcast_in_dim3A_701 : vector<16xi1>, vector<16xi32>
          %reduce_sum3A_703 = arith.constant true
          %reduce_sum3A_704 = vector.broadcast %reduce_sum3A_703 : i1 to vector<16xi1>
          %reduce_sum3A_705 = tpu.scan <sum>, %select_n3A_702 masked %reduce_sum3A_704 : vector<16xi32>, vector<16xi1> -> vector<16xi32>
          %reduce_sum3A_706 = vector.extract %reduce_sum3A_705[15] : i32 from vector<16xi32>
          %jit3A_707 = arith.constant 0 : i32
          %broadcast_in_dim3A_708 = vector.broadcast %jit3A_707 : i32 to vector<16xi32>
          %select_n3A_709 = arith.select %gt3A_697, %broadcast_in_dim3A_708, %masked_cumsum3A : vector<16xi1>, vector<16xi32>
          %reduce_max3A_710 = arith.constant true
          %reduce_max3A_711 = vector.broadcast %reduce_max3A_710 : i1 to vector<16xi1>
          %reduce_max3A_712 = arith.constant -2147483648 : i32
          %reduce_max3A_713 = vector.broadcast %reduce_max3A_712 : i32 to vector<16xi32>
          %reduce_max3A_714 = arith.xori %select_n3A_709, %reduce_max3A_713 : vector<16xi32>
          %reduce_max3A_715 = tpu.scan <max>, %reduce_max3A_714 masked %reduce_max3A_711 : vector<16xi32>, vector<16xi1> -> vector<16xi32>
          %reduce_max3A_716 = arith.xori %reduce_max3A_715, %reduce_max3A_713 : vector<16xi32>
          %reduce_max3A_717 = vector.extract %reduce_max3A_716[15] : i32 from vector<16xi32>
          %add3A_718 = arith.addi %scan3A_676, %reduce_max3A_717 : i32
          %lt3A_719 = arith.constant 16 : i32
          %lt3A_720 = arith.cmpi slt, %reduce_sum3A_706, %lt3A_719 : i32
          %lt3A_721 = arith.constant 0 : i32
          %lt3A_722 = arith.cmpi slt, %scan3A_677, %lt3A_721 : i32
          %and3A_723 = arith.andi %lt3A_720, %lt3A_722 : i1
          %mul3A_724 = arith.constant 16 : i32
          %mul3A_725 = arith.muli %scan3A_675, %mul3A_724 : i32
          %add3A_726 = arith.addi %mul3A_725, %reduce_sum3A_706 : i32
          %select_n3A_727 = arith.select %and3A_723, %add3A_726, %scan3A_677 : i32
          %sub3A_728 = arith.subi %add3A_657, %add3A_718 : i32
          %select_n3A_729 = arith.select %and3A_723, %sub3A_728, %scan3A_678 : i32
          %add3A_730 = arith.addi %scan3A_676, %reduce_max3A_694 : i32
          scf.yield %add3A_730, %select_n3A_727, %select_n3A_729 : i32, i32, i32
        }
        %scan3A_666 = arith.constant 128 : i32
        %eq3A_667 = vector.broadcast %scan3A_636 : i32 to vector<16xi32>
        %eq3A_668 = arith.cmpi eq, %iota3A, %eq3A_667 : vector<16xi32>
        %broadcast_in_dim3A_669 = vector.broadcast %scan3A_665#1 : i32 to vector<16xi32>
        %select_n3A_670 = arith.select %eq3A_668, %broadcast_in_dim3A_669, %scan3A_637 : vector<16xi1>, vector<16xi32>
        %eq3A_671 = vector.broadcast %scan3A_636 : i32 to vector<16xi32>
        %eq3A_672 = arith.cmpi eq, %iota3A, %eq3A_671 : vector<16xi32>
        %broadcast_in_dim3A_673 = vector.broadcast %scan3A_665#2 : i32 to vector<16xi32>
        %select_n3A_674 = arith.select %eq3A_672, %broadcast_in_dim3A_673, %scan3A_638 : vector<16xi1>, vector<16xi32>
        scf.yield %select_n3A_670, %select_n3A_674 : vector<16xi32>, vector<16xi32>
      }
      %scan3A_121 = arith.constant 6 : i32
      %eq3A_122 = arith.constant 0 : i32
      %eq3A_123 = vector.broadcast %eq3A_122 : i32 to vector<16xi32>
      %eq3A_124 = arith.cmpi eq, %iota3A, %eq3A_123 : vector<16xi32>
      %jit3A_125 = arith.constant -2147483648 : i32
      %broadcast_in_dim3A_126 = vector.broadcast %jit3A_125 : i32 to vector<16xi32>
      %select_n3A_127 = arith.select %eq3A_124, %scan3A_120#0, %broadcast_in_dim3A_126 : vector<16xi1>, vector<16xi32>
      %reduce_max3A = arith.constant true
      %reduce_max3A_128 = vector.broadcast %reduce_max3A : i1 to vector<16xi1>
      %reduce_max3A_129 = arith.constant -2147483648 : i32
      %reduce_max3A_130 = vector.broadcast %reduce_max3A_129 : i32 to vector<16xi32>
      %reduce_max3A_131 = arith.xori %select_n3A_127, %reduce_max3A_130 : vector<16xi32>
      %reduce_max3A_132 = tpu.scan <max>, %reduce_max3A_131 masked %reduce_max3A_128 : vector<16xi32>, vector<16xi1> -> vector<16xi32>
      %reduce_max3A_133 = arith.xori %reduce_max3A_132, %reduce_max3A_130 : vector<16xi32>
      %reduce_max3A_134 = vector.extract %reduce_max3A_133[15] : i32 from vector<16xi32>
      %eq3A_135 = arith.constant 1 : i32
      %eq3A_136 = vector.broadcast %eq3A_135 : i32 to vector<16xi32>
      %eq3A_137 = arith.cmpi eq, %iota3A, %eq3A_136 : vector<16xi32>
      %jit3A_138 = arith.constant -2147483648 : i32
      %broadcast_in_dim3A_139 = vector.broadcast %jit3A_138 : i32 to vector<16xi32>
      %select_n3A_140 = arith.select %eq3A_137, %scan3A_120#0, %broadcast_in_dim3A_139 : vector<16xi1>, vector<16xi32>
      %reduce_max3A_141 = arith.constant true
      %reduce_max3A_142 = vector.broadcast %reduce_max3A_141 : i1 to vector<16xi1>
      %reduce_max3A_143 = arith.constant -2147483648 : i32
      %reduce_max3A_144 = vector.broadcast %reduce_max3A_143 : i32 to vector<16xi32>
      %reduce_max3A_145 = arith.xori %select_n3A_140, %reduce_max3A_144 : vector<16xi32>
      %reduce_max3A_146 = tpu.scan <max>, %reduce_max3A_145 masked %reduce_max3A_142 : vector<16xi32>, vector<16xi1> -> vector<16xi32>
      %reduce_max3A_147 = arith.xori %reduce_max3A_146, %reduce_max3A_144 : vector<16xi32>
      %reduce_max3A_148 = vector.extract %reduce_max3A_147[15] : i32 from vector<16xi32>
      %eq3A_149 = arith.constant 2 : i32
      %eq3A_150 = vector.broadcast %eq3A_149 : i32 to vector<16xi32>
      %eq3A_151 = arith.cmpi eq, %iota3A, %eq3A_150 : vector<16xi32>
      %jit3A_152 = arith.constant -2147483648 : i32
      %broadcast_in_dim3A_153 = vector.broadcast %jit3A_152 : i32 to vector<16xi32>
      %select_n3A_154 = arith.select %eq3A_151, %scan3A_120#0, %broadcast_in_dim3A_153 : vector<16xi1>, vector<16xi32>
      %reduce_max3A_155 = arith.constant true
      %reduce_max3A_156 = vector.broadcast %reduce_max3A_155 : i1 to vector<16xi1>
      %reduce_max3A_157 = arith.constant -2147483648 : i32
      %reduce_max3A_158 = vector.broadcast %reduce_max3A_157 : i32 to vector<16xi32>
      %reduce_max3A_159 = arith.xori %select_n3A_154, %reduce_max3A_158 : vector<16xi32>
      %reduce_max3A_160 = tpu.scan <max>, %reduce_max3A_159 masked %reduce_max3A_156 : vector<16xi32>, vector<16xi1> -> vector<16xi32>
      %reduce_max3A_161 = arith.xori %reduce_max3A_160, %reduce_max3A_158 : vector<16xi32>
      %reduce_max3A_162 = vector.extract %reduce_max3A_161[15] : i32 from vector<16xi32>
      %eq3A_163 = arith.constant 3 : i32
      %eq3A_164 = vector.broadcast %eq3A_163 : i32 to vector<16xi32>
      %eq3A_165 = arith.cmpi eq, %iota3A, %eq3A_164 : vector<16xi32>
      %jit3A_166 = arith.constant -2147483648 : i32
      %broadcast_in_dim3A_167 = vector.broadcast %jit3A_166 : i32 to vector<16xi32>
      %select_n3A_168 = arith.select %eq3A_165, %scan3A_120#0, %broadcast_in_dim3A_167 : vector<16xi1>, vector<16xi32>
      %reduce_max3A_169 = arith.constant true
      %reduce_max3A_170 = vector.broadcast %reduce_max3A_169 : i1 to vector<16xi1>
      %reduce_max3A_171 = arith.constant -2147483648 : i32
      %reduce_max3A_172 = vector.broadcast %reduce_max3A_171 : i32 to vector<16xi32>
      %reduce_max3A_173 = arith.xori %select_n3A_168, %reduce_max3A_172 : vector<16xi32>
      %reduce_max3A_174 = tpu.scan <max>, %reduce_max3A_173 masked %reduce_max3A_170 : vector<16xi32>, vector<16xi1> -> vector<16xi32>
      %reduce_max3A_175 = arith.xori %reduce_max3A_174, %reduce_max3A_172 : vector<16xi32>
      %reduce_max3A_176 = vector.extract %reduce_max3A_175[15] : i32 from vector<16xi32>
      %eq3A_177 = arith.constant 4 : i32
      %eq3A_178 = vector.broadcast %eq3A_177 : i32 to vector<16xi32>
      %eq3A_179 = arith.cmpi eq, %iota3A, %eq3A_178 : vector<16xi32>
      %jit3A_180 = arith.constant -2147483648 : i32
      %broadcast_in_dim3A_181 = vector.broadcast %jit3A_180 : i32 to vector<16xi32>
      %select_n3A_182 = arith.select %eq3A_179, %scan3A_120#0, %broadcast_in_dim3A_181 : vector<16xi1>, vector<16xi32>
      %reduce_max3A_183 = arith.constant true
      %reduce_max3A_184 = vector.broadcast %reduce_max3A_183 : i1 to vector<16xi1>
      %reduce_max3A_185 = arith.constant -2147483648 : i32
      %reduce_max3A_186 = vector.broadcast %reduce_max3A_185 : i32 to vector<16xi32>
      %reduce_max3A_187 = arith.xori %select_n3A_182, %reduce_max3A_186 : vector<16xi32>
      %reduce_max3A_188 = tpu.scan <max>, %reduce_max3A_187 masked %reduce_max3A_184 : vector<16xi32>, vector<16xi1> -> vector<16xi32>
      %reduce_max3A_189 = arith.xori %reduce_max3A_188, %reduce_max3A_186 : vector<16xi32>
      %reduce_max3A_190 = vector.extract %reduce_max3A_189[15] : i32 from vector<16xi32>
      %eq3A_191 = arith.constant 5 : i32
      %eq3A_192 = vector.broadcast %eq3A_191 : i32 to vector<16xi32>
      %eq3A_193 = arith.cmpi eq, %iota3A, %eq3A_192 : vector<16xi32>
      %jit3A_194 = arith.constant -2147483648 : i32
      %broadcast_in_dim3A_195 = vector.broadcast %jit3A_194 : i32 to vector<16xi32>
      %select_n3A_196 = arith.select %eq3A_193, %scan3A_120#0, %broadcast_in_dim3A_195 : vector<16xi1>, vector<16xi32>
      %reduce_max3A_197 = arith.constant true
      %reduce_max3A_198 = vector.broadcast %reduce_max3A_197 : i1 to vector<16xi1>
      %reduce_max3A_199 = arith.constant -2147483648 : i32
      %reduce_max3A_200 = vector.broadcast %reduce_max3A_199 : i32 to vector<16xi32>
      %reduce_max3A_201 = arith.xori %select_n3A_196, %reduce_max3A_200 : vector<16xi32>
      %reduce_max3A_202 = tpu.scan <max>, %reduce_max3A_201 masked %reduce_max3A_198 : vector<16xi32>, vector<16xi1> -> vector<16xi32>
      %reduce_max3A_203 = arith.xori %reduce_max3A_202, %reduce_max3A_200 : vector<16xi32>
      %reduce_max3A_204 = vector.extract %reduce_max3A_203[15] : i32 from vector<16xi32>
      %scan3A_205 = arith.constant 0 : i32
      %scan3A_206 = arith.constant 0 : i32
      %scan3A_207 = arith.constant 768 : i32
      %scan3A_208 = arith.addi %scan3A_206, %scan3A_207 : i32
      %scan3A_209 = arith.constant 1 : i32
      scf.for %scan3A_636 = %scan3A_206 to %scan3A_208 step %scan3A_209  : i32 {
        %mul3A_637 = arith.constant 16 : i32
        %mul3A_638 = arith.muli %scan3A_636, %mul3A_637 : i32
        %swap3A_639 = arith.index_cast %mul3A_638 : i32 to index
        %swap3A_640 = tpu.vector_load %arg13[%swap3A_639] {strides = array<i32>} : memref<12304xi32, #tpu.memory_space<vmem>>, vector<16xi32>,
        tpu.vector_store %arg13[%swap3A_639], %broadcast_in_dim3A_33 {strides = array<i32>} : memref<12304xi32, #tpu.memory_space<vmem>>, vector<16xi32>,
      }
      %scan3A_210 = arith.constant 768 : i32
      %eq3A_211 = arith.constant 0 : i32
      %eq3A_212 = arith.cmpi eq, %squeeze3A, %eq3A_211 : i32
      %convert_element_type3A_213 = arith.extui %eq3A_212 : i1 to i32
      %cond3A_214 = arith.constant 0 : i32
      %cond3A_215 = arith.cmpi ne, %convert_element_type3A_213, %cond3A_214 : i32
      scf.if %cond3A_215 {
        %mul3A_636 = arith.constant 8 : i32
        %mul3A_637 = arith.muli %add3A_82, %mul3A_636 : i32
        "tpu.region"() ({
          %run_scoped3A = tpu.sem_alloc : memref<!tpu.dma_semaphore, #tpu.memory_space<semaphore_mem>>
          %dma_start3A = arith.constant 0 : i32
          %dma_start3A_638 = tpu.memref_slice %arg8[%dma_start3A] : memref<25600xf32, #tpu.memory_space<vmem>> -> memref<12800xf32, #tpu.memory_space<vmem>>
          %dma_start3A_639 = tpu.memref_slice %arg3[%mul3A_637] : memref<52582400xf32, #tpu.memory_space<hbm>> -> memref<12800xf32, #tpu.memory_space<hbm>>
          %dma_start3A_640 = arith.constant 0 : i32
          %dma_start3A_641 = tpu.memref_slice %arg8[%dma_start3A_640] : memref<25600xf32, #tpu.memory_space<vmem>> -> memref<12800xf32, #tpu.memory_space<vmem>>
          %dma_start3A_642 = tpu.memref_slice %arg3[%mul3A_637] : memref<52582400xf32, #tpu.memory_space<hbm>> -> memref<12800xf32, #tpu.memory_space<hbm>>
          tpu.enqueue_dma source(%dma_start3A_642 : memref<12800xf32, #tpu.memory_space<hbm>>) target(%dma_start3A_641 : memref<12800xf32, #tpu.memory_space<vmem>>) target_semaphore(%run_scoped3A : memref<!tpu.dma_semaphore, #tpu.memory_space<semaphore_mem>>)
          %dma_wait3A = arith.constant 0 : i32
          %dma_wait3A_643 = tpu.memref_slice %arg8[%dma_wait3A] : memref<25600xf32, #tpu.memory_space<vmem>> -> memref<12800xf32, #tpu.memory_space<vmem>>
          %dma_wait3A_644 = tpu.memref_slice %arg3[%mul3A_637] : memref<52582400xf32, #tpu.memory_space<hbm>> -> memref<12800xf32, #tpu.memory_space<hbm>>
          %dma_wait3A_645 = arith.constant 0 : i32
          %dma_wait3A_646 = tpu.memref_slice %arg8[%dma_wait3A_645] : memref<25600xf32, #tpu.memory_space<vmem>> -> memref<12800xf32, #tpu.memory_space<vmem>>
          %dma_wait3A_647 = tpu.memref_slice %arg3[%mul3A_637] : memref<52582400xf32, #tpu.memory_space<hbm>> -> memref<12800xf32, #tpu.memory_space<hbm>>
          tpu.wait_dma2 semaphore(%run_scoped3A : memref<!tpu.dma_semaphore, #tpu.memory_space<semaphore_mem>>) src(%dma_wait3A_647 : memref<12800xf32, #tpu.memory_space<hbm>>) dst(%dma_wait3A_646 : memref<12800xf32, #tpu.memory_space<vmem>>)
          tpu.yield
        }) : () -> ()
      } else {
      }
      %ne3A_216 = arith.constant 0 : i32
      %ne3A_217 = arith.cmpi ne, %squeeze3A, %ne3A_216 : i32
      %convert_element_type3A_218 = arith.extui %ne3A_217 : i1 to i32
      %cond3A_219 = arith.constant 0 : i32
      %cond3A_220 = arith.cmpi ne, %convert_element_type3A_218, %cond3A_219 : i32
      scf.if %cond3A_220 {
        %mul3A_636 = arith.constant 8 : i32
        %mul3A_637 = arith.muli %add3A_82, %mul3A_636 : i32
        "tpu.region"() ({
          %run_scoped3A = tpu.sem_alloc : memref<!tpu.dma_semaphore, #tpu.memory_space<semaphore_mem>>
          %dma_start3A = arith.constant 0 : i32
          %dma_start3A_638 = tpu.memref_slice %arg8[%dma_start3A] : memref<25600xf32, #tpu.memory_space<vmem>> -> memref<1024xf32, #tpu.memory_space<vmem>>
          %dma_start3A_639 = tpu.memref_slice %arg2[%mul3A_637] : memref<17408xf32, #tpu.memory_space<hbm>> -> memref<1024xf32, #tpu.memory_space<hbm>>
          %dma_start3A_640 = arith.constant 0 : i32
          %dma_start3A_641 = tpu.memref_slice %arg8[%dma_start3A_640] : memref<25600xf32, #tpu.memory_space<vmem>> -> memref<1024xf32, #tpu.memory_space<vmem>>
          %dma_start3A_642 = tpu.memref_slice %arg2[%mul3A_637] : memref<17408xf32, #tpu.memory_space<hbm>> -> memref<1024xf32, #tpu.memory_space<hbm>>
          tpu.enqueue_dma source(%dma_start3A_642 : memref<1024xf32, #tpu.memory_space<hbm>>) target(%dma_start3A_641 : memref<1024xf32, #tpu.memory_space<vmem>>) target_semaphore(%run_scoped3A : memref<!tpu.dma_semaphore, #tpu.memory_space<semaphore_mem>>)
          %dma_wait3A = arith.constant 0 : i32
          %dma_wait3A_643 = tpu.memref_slice %arg8[%dma_wait3A] : memref<25600xf32, #tpu.memory_space<vmem>> -> memref<1024xf32, #tpu.memory_space<vmem>>
          %dma_wait3A_644 = tpu.memref_slice %arg2[%mul3A_637] : memref<17408xf32, #tpu.memory_space<hbm>> -> memref<1024xf32, #tpu.memory_space<hbm>>
          %dma_wait3A_645 = arith.constant 0 : i32
          %dma_wait3A_646 = tpu.memref_slice %arg8[%dma_wait3A_645] : memref<25600xf32, #tpu.memory_space<vmem>> -> memref<1024xf32, #tpu.memory_space<vmem>>
          %dma_wait3A_647 = tpu.memref_slice %arg2[%mul3A_637] : memref<17408xf32, #tpu.memory_space<hbm>> -> memref<1024xf32, #tpu.memory_space<hbm>>
          tpu.wait_dma2 semaphore(%run_scoped3A : memref<!tpu.dma_semaphore, #tpu.memory_space<semaphore_mem>>) src(%dma_wait3A_647 : memref<1024xf32, #tpu.memory_space<hbm>>) dst(%dma_wait3A_646 : memref<1024xf32, #tpu.memory_space<vmem>>)
          tpu.yield
        }) : () -> ()
      } else {
      }
      %while3A_221 = arith.constant 0 : i32
      %while3A_222 = arith.constant 0 : i32
      %while3A_223 = arith.subi %squeeze3A_64, %while3A_222 : i32
      %while3A_224 = arith.addi %while3A_222, %while3A_223 : i32
      %while3A_225 = arith.constant 1 : i32
      %while3A_226 = arith.divsi %while3A_223, %while3A_225 : i32
      %while3A_227 = arith.muli %while3A_226, %while3A_225 : i32
      %while3A_228 = arith.addi %while3A_222, %while3A_227 : i32
      %while3A_229 = arith.constant 1 : i32
      scf.for %while3A_636 = %while3A_222 to %while3A_228 step %while3A_229  : i32 {
        %add3A_637 = arith.constant 1 : i32
        %add3A_638 = arith.addi %while3A_636, %add3A_637 : i32
        %lt3A_639 = arith.cmpi slt, %add3A_638, %squeeze3A_64 : i32
        %convert_element_type3A_640 = arith.extui %lt3A_639 : i1 to i32
        %cond3A_641 = arith.constant 0 : i32
        %cond3A_642 = arith.cmpi ne, %convert_element_type3A_640, %cond3A_641 : i32
        scf.if %cond3A_642 {
          %add3A_663 = arith.constant 1 : i32
          %add3A_664 = arith.addi %while3A_636, %add3A_663 : i32
          %mul3A_665 = arith.constant 1600 : i32
          %mul3A_666 = arith.muli %add3A_664, %mul3A_665 : i32
          %add3A_667 = arith.addi %add3A_82, %mul3A_666 : i32
          %mul3A_668 = arith.constant 8 : i32
          %mul3A_669 = arith.muli %add3A_667, %mul3A_668 : i32
          %add3A_670 = arith.constant 1 : i32
          %add3A_671 = arith.addi %while3A_636, %add3A_670 : i32
          %and3A_672 = arith.constant 1 : i32
          %and3A_673 = arith.andi %add3A_671, %and3A_672 : i32
          %mul3A_674 = arith.constant 12800 : i32
          %mul3A_675 = arith.muli %and3A_673, %mul3A_674 : i32
          %dma_start3A = tpu.memref_slice %arg8[%mul3A_675] : memref<25600xf32, #tpu.memory_space<vmem>> -> memref<12800xf32, #tpu.memory_space<vmem>>
          %dma_start3A_676 = tpu.memref_slice %arg3[%mul3A_669] : memref<52582400xf32, #tpu.memory_space<hbm>> -> memref<12800xf32, #tpu.memory_space<hbm>>
          %dma_start3A_677 = tpu.memref_slice %arg8[%mul3A_675] : memref<25600xf32, #tpu.memory_space<vmem>> -> memref<12800xf32, #tpu.memory_space<vmem>>
          %dma_start3A_678 = tpu.memref_slice %arg3[%mul3A_669] : memref<52582400xf32, #tpu.memory_space<hbm>> -> memref<12800xf32, #tpu.memory_space<hbm>>
          tpu.enqueue_dma source(%dma_start3A_678 : memref<12800xf32, #tpu.memory_space<hbm>>) target(%dma_start3A_677 : memref<12800xf32, #tpu.memory_space<vmem>>) target_semaphore(%arg16 : memref<!tpu.dma_semaphore, #tpu.memory_space<semaphore_mem>>)
        } else {
        }
        %and3A_643 = arith.constant 1 : i32
        %and3A_644 = arith.andi %while3A_636, %and3A_643 : i32
        %mul3A_645 = arith.constant 12800 : i32
        %mul3A_646 = arith.muli %and3A_644, %mul3A_645 : i32
        %shift_right_logical3A = arith.constant 1 : i32
        %shift_right_logical3A_647 = arith.shrui %squeeze3A_66, %shift_right_logical3A : i32
        %while3A_648 = arith.constant 0 : i32
        %while3A_649 = arith.subi %shift_right_logical3A_647, %while3A_648 : i32
        %while3A_650 = arith.addi %while3A_648, %while3A_649 : i32
        %while3A_651 = arith.constant 1 : i32
        %while3A_652 = arith.divsi %while3A_649, %while3A_651 : i32
        %while3A_653 = arith.muli %while3A_652, %while3A_651 : i32
        %while3A_654 = arith.addi %while3A_648, %while3A_653 : i32
        %while3A_655 = arith.constant 1 : i32
        scf.for %while3A_663 = %while3A_648 to %while3A_654 step %while3A_655  : i32 {
          %mul3A_664 = arith.constant 2 : i32
          %mul3A_665 = arith.muli %while3A_663, %mul3A_664 : i32
          %add3A_666 = arith.addi %squeeze3A_68, %mul3A_665 : i32
          %mul3A_667 = arith.constant 16 : i32
          %mul3A_668 = arith.muli %add3A_666, %mul3A_667 : i32
          %get3A_669 = arith.index_cast %mul3A_668 : i32 to index
          %get3A_670 = tpu.vector_load %arg9[%get3A_669] {strides = array<i32>} : memref<17408xi32, #tpu.memory_space<vmem>>, vector<16xi32>,
          %add3A_671 = vector.broadcast %mul3A_646 : i32 to vector<16xi32>
          %add3A_672 = arith.addi %get3A_670, %add3A_671 : vector<16xi32>
          %add3A_673 = arith.constant 16 : i32
          %add3A_674 = arith.addi %mul3A_668, %add3A_673 : i32
          %get3A_675 = arith.index_cast %add3A_674 : i32 to index
          %get3A_676 = tpu.vector_load %arg9[%get3A_675] {strides = array<i32>} : memref<17408xi32, #tpu.memory_space<vmem>>, vector<16xi32>,
          %add3A_677 = vector.broadcast %mul3A_646 : i32 to vector<16xi32>
          %add3A_678 = arith.addi %get3A_676, %add3A_677 : vector<16xi32>
          %gather3A = tpu.vector_load_idx %arg8[%add3A_672] : memref<25600xf32, #tpu.memory_space<vmem>>[vector<16xi32>], vector<16xf32>,
          %bitcast3A_679 = vector.bitcast %gather3A : vector<16xf32> to vector<16xi32>
          %shift_right_arithmetic3A = arith.constant 31 : i32
          %shift_right_arithmetic3A_680 = vector.broadcast %shift_right_arithmetic3A : i32 to vector<16xi32>
          %shift_right_arithmetic3A_681 = arith.shrsi %bitcast3A_679, %shift_right_arithmetic3A_680 : vector<16xi32>
          %or3A_682 = arith.constant -2147483648 : i32
          %or3A_683 = vector.broadcast %or3A_682 : i32 to vector<16xi32>
          %or3A_684 = arith.ori %shift_right_arithmetic3A_681, %or3A_683 : vector<16xi32>
          %xor3A = arith.xori %bitcast3A_679, %or3A_684 : vector<16xi32>
          %shift_right_logical3A_685 = arith.constant 21 : i32
          %shift_right_logical3A_686 = vector.broadcast %shift_right_logical3A_685 : i32 to vector<16xi32>
          %shift_right_logical3A_687 = arith.shrui %xor3A, %shift_right_logical3A_686 : vector<16xi32>
          %shift_right_logical3A_688 = arith.constant 10 : i32
          %shift_right_logical3A_689 = vector.broadcast %shift_right_logical3A_688 : i32 to vector<16xi32>
          %shift_right_logical3A_690 = arith.shrui %xor3A, %shift_right_logical3A_689 : vector<16xi32>
          %and3A_691 = arith.constant 2047 : i32
          %and3A_692 = vector.broadcast %and3A_691 : i32 to vector<16xi32>
          %and3A_693 = arith.andi %shift_right_logical3A_690, %and3A_692 : vector<16xi32>
          %add3A_694 = arith.constant 0 : i32
          %add3A_695 = vector.broadcast %add3A_694 : i32 to vector<16xi32>
          %add3A_696 = arith.addi %add3A_695, %and3A_693 : vector<16xi32>
          %eq3A_697 = vector.broadcast %reduce_max3A_134 : i32 to vector<16xi32>
          %eq3A_698 = arith.cmpi eq, %shift_right_logical3A_687, %eq3A_697 : vector<16xi32>
          tpu.vector_store_idx %arg13[%add3A_696], %broadcast_in_dim3A_31 masked %eq3A_698 {add = true} : memref<12304xi32, #tpu.memory_space<vmem>>[vector<16xi32>], vector<16xi32>, vector<16xi1>
          %add3A_699 = arith.constant 2048 : i32
          %add3A_700 = vector.broadcast %add3A_699 : i32 to vector<16xi32>
          %add3A_701 = arith.addi %add3A_700, %and3A_693 : vector<16xi32>
          %eq3A_702 = vector.broadcast %reduce_max3A_148 : i32 to vector<16xi32>
          %eq3A_703 = arith.cmpi eq, %shift_right_logical3A_687, %eq3A_702 : vector<16xi32>
          tpu.vector_store_idx %arg13[%add3A_701], %broadcast_in_dim3A_31 masked %eq3A_703 {add = true} : memref<12304xi32, #tpu.memory_space<vmem>>[vector<16xi32>], vector<16xi32>, vector<16xi1>
          %add3A_704 = arith.constant 4096 : i32
          %add3A_705 = vector.broadcast %add3A_704 : i32 to vector<16xi32>
          %add3A_706 = arith.addi %add3A_705, %and3A_693 : vector<16xi32>
          %eq3A_707 = vector.broadcast %reduce_max3A_162 : i32 to vector<16xi32>
          %eq3A_708 = arith.cmpi eq, %shift_right_logical3A_687, %eq3A_707 : vector<16xi32>
          tpu.vector_store_idx %arg13[%add3A_706], %broadcast_in_dim3A_31 masked %eq3A_708 {add = true} : memref<12304xi32, #tpu.memory_space<vmem>>[vector<16xi32>], vector<16xi32>, vector<16xi1>
          %add3A_709 = arith.constant 6144 : i32
          %add3A_710 = vector.broadcast %add3A_709 : i32 to vector<16xi32>
          %add3A_711 = arith.addi %add3A_710, %and3A_693 : vector<16xi32>
          %eq3A_712 = vector.broadcast %reduce_max3A_176 : i32 to vector<16xi32>
          %eq3A_713 = arith.cmpi eq, %shift_right_logical3A_687, %eq3A_712 : vector<16xi32>
          tpu.vector_store_idx %arg13[%add3A_711], %broadcast_in_dim3A_31 masked %eq3A_713 {add = true} : memref<12304xi32, #tpu.memory_space<vmem>>[vector<16xi32>], vector<16xi32>, vector<16xi1>
          %add3A_714 = arith.constant 8192 : i32
          %add3A_715 = vector.broadcast %add3A_714 : i32 to vector<16xi32>
          %add3A_716 = arith.addi %add3A_715, %and3A_693 : vector<16xi32>
          %eq3A_717 = vector.broadcast %reduce_max3A_190 : i32 to vector<16xi32>
          %eq3A_718 = arith.cmpi eq, %shift_right_logical3A_687, %eq3A_717 : vector<16xi32>
          tpu.vector_store_idx %arg13[%add3A_716], %broadcast_in_dim3A_31 masked %eq3A_718 {add = true} : memref<12304xi32, #tpu.memory_space<vmem>>[vector<16xi32>], vector<16xi32>, vector<16xi1>
          %add3A_719 = arith.constant 10240 : i32
          %add3A_720 = vector.broadcast %add3A_719 : i32 to vector<16xi32>
          %add3A_721 = arith.addi %add3A_720, %and3A_693 : vector<16xi32>
          %eq3A_722 = vector.broadcast %reduce_max3A_204 : i32 to vector<16xi32>
          %eq3A_723 = arith.cmpi eq, %shift_right_logical3A_687, %eq3A_722 : vector<16xi32>
          tpu.vector_store_idx %arg13[%add3A_721], %broadcast_in_dim3A_31 masked %eq3A_723 {add = true} : memref<12304xi32, #tpu.memory_space<vmem>>[vector<16xi32>], vector<16xi32>, vector<16xi1>
          %gather3A_724 = tpu.vector_load_idx %arg8[%add3A_678] : memref<25600xf32, #tpu.memory_space<vmem>>[vector<16xi32>], vector<16xf32>,
          %bitcast3A_725 = vector.bitcast %gather3A_724 : vector<16xf32> to vector<16xi32>
          %shift_right_arithmetic3A_726 = arith.constant 31 : i32
          %shift_right_arithmetic3A_727 = vector.broadcast %shift_right_arithmetic3A_726 : i32 to vector<16xi32>
          %shift_right_arithmetic3A_728 = arith.shrsi %bitcast3A_725, %shift_right_arithmetic3A_727 : vector<16xi32>
          %or3A_729 = arith.constant -2147483648 : i32
          %or3A_730 = vector.broadcast %or3A_729 : i32 to vector<16xi32>
          %or3A_731 = arith.ori %shift_right_arithmetic3A_728, %or3A_730 : vector<16xi32>
          %xor3A_732 = arith.xori %bitcast3A_725, %or3A_731 : vector<16xi32>
          %shift_right_logical3A_733 = arith.constant 21 : i32
          %shift_right_logical3A_734 = vector.broadcast %shift_right_logical3A_733 : i32 to vector<16xi32>
          %shift_right_logical3A_735 = arith.shrui %xor3A_732, %shift_right_logical3A_734 : vector<16xi32>
          %shift_right_logical3A_736 = arith.constant 10 : i32
          %shift_right_logical3A_737 = vector.broadcast %shift_right_logical3A_736 : i32 to vector<16xi32>
          %shift_right_logical3A_738 = arith.shrui %xor3A_732, %shift_right_logical3A_737 : vector<16xi32>
          %and3A_739 = arith.constant 2047 : i32
          %and3A_740 = vector.broadcast %and3A_739 : i32 to vector<16xi32>
          %and3A_741 = arith.andi %shift_right_logical3A_738, %and3A_740 : vector<16xi32>
          %add3A_742 = arith.constant 0 : i32
          %add3A_743 = vector.broadcast %add3A_742 : i32 to vector<16xi32>
          %add3A_744 = arith.addi %add3A_743, %and3A_741 : vector<16xi32>
          %eq3A_745 = vector.broadcast %reduce_max3A_134 : i32 to vector<16xi32>
          %eq3A_746 = arith.cmpi eq, %shift_right_logical3A_735, %eq3A_745 : vector<16xi32>
          tpu.vector_store_idx %arg13[%add3A_744], %broadcast_in_dim3A_31 masked %eq3A_746 {add = true} : memref<12304xi32, #tpu.memory_space<vmem>>[vector<16xi32>], vector<16xi32>, vector<16xi1>
          %add3A_747 = arith.constant 2048 : i32
          %add3A_748 = vector.broadcast %add3A_747 : i32 to vector<16xi32>
          %add3A_749 = arith.addi %add3A_748, %and3A_741 : vector<16xi32>
          %eq3A_750 = vector.broadcast %reduce_max3A_148 : i32 to vector<16xi32>
          %eq3A_751 = arith.cmpi eq, %shift_right_logical3A_735, %eq3A_750 : vector<16xi32>
          tpu.vector_store_idx %arg13[%add3A_749], %broadcast_in_dim3A_31 masked %eq3A_751 {add = true} : memref<12304xi32, #tpu.memory_space<vmem>>[vector<16xi32>], vector<16xi32>, vector<16xi1>
          %add3A_752 = arith.constant 4096 : i32
          %add3A_753 = vector.broadcast %add3A_752 : i32 to vector<16xi32>
          %add3A_754 = arith.addi %add3A_753, %and3A_741 : vector<16xi32>
          %eq3A_755 = vector.broadcast %reduce_max3A_162 : i32 to vector<16xi32>
          %eq3A_756 = arith.cmpi eq, %shift_right_logical3A_735, %eq3A_755 : vector<16xi32>
          tpu.vector_store_idx %arg13[%add3A_754], %broadcast_in_dim3A_31 masked %eq3A_756 {add = true} : memref<12304xi32, #tpu.memory_space<vmem>>[vector<16xi32>], vector<16xi32>, vector<16xi1>
          %add3A_757 = arith.constant 6144 : i32
          %add3A_758 = vector.broadcast %add3A_757 : i32 to vector<16xi32>
          %add3A_759 = arith.addi %add3A_758, %and3A_741 : vector<16xi32>
          %eq3A_760 = vector.broadcast %reduce_max3A_176 : i32 to vector<16xi32>
          %eq3A_761 = arith.cmpi eq, %shift_right_logical3A_735, %eq3A_760 : vector<16xi32>
          tpu.vector_store_idx %arg13[%add3A_759], %broadcast_in_dim3A_31 masked %eq3A_761 {add = true} : memref<12304xi32, #tpu.memory_space<vmem>>[vector<16xi32>], vector<16xi32>, vector<16xi1>
          %add3A_762 = arith.constant 8192 : i32
          %add3A_763 = vector.broadcast %add3A_762 : i32 to vector<16xi32>
          %add3A_764 = arith.addi %add3A_763, %and3A_741 : vector<16xi32>
          %eq3A_765 = vector.broadcast %reduce_max3A_190 : i32 to vector<16xi32>
          %eq3A_766 = arith.cmpi eq, %shift_right_logical3A_735, %eq3A_765 : vector<16xi32>
          tpu.vector_store_idx %arg13[%add3A_764], %broadcast_in_dim3A_31 masked %eq3A_766 {add = true} : memref<12304xi32, #tpu.memory_space<vmem>>[vector<16xi32>], vector<16xi32>, vector<16xi1>
          %add3A_767 = arith.constant 10240 : i32
          %add3A_768 = vector.broadcast %add3A_767 : i32 to vector<16xi32>
          %add3A_769 = arith.addi %add3A_768, %and3A_741 : vector<16xi32>
          %eq3A_770 = vector.broadcast %reduce_max3A_204 : i32 to vector<16xi32>
          %eq3A_771 = arith.cmpi eq, %shift_right_logical3A_735, %eq3A_770 : vector<16xi32>
          tpu.vector_store_idx %arg13[%add3A_769], %broadcast_in_dim3A_31 masked %eq3A_771 {add = true} : memref<12304xi32, #tpu.memory_space<vmem>>[vector<16xi32>], vector<16xi32>, vector<16xi1>
        }
        %while3A_656 = arith.constant 1 : i32
        scf.for %while3A_663 = %while3A_654 to %while3A_650 step %while3A_656  : i32 {
          %mul3A_664 = arith.constant 2 : i32
          %mul3A_665 = arith.muli %while3A_663, %mul3A_664 : i32
          %add3A_666 = arith.addi %squeeze3A_68, %mul3A_665 : i32
          %mul3A_667 = arith.constant 16 : i32
          %mul3A_668 = arith.muli %add3A_666, %mul3A_667 : i32
          %get3A_669 = arith.index_cast %mul3A_668 : i32 to index
          %get3A_670 = tpu.vector_load %arg9[%get3A_669] {strides = array<i32>} : memref<17408xi32, #tpu.memory_space<vmem>>, vector<16xi32>,
          %add3A_671 = vector.broadcast %mul3A_646 : i32 to vector<16xi32>
          %add3A_672 = arith.addi %get3A_670, %add3A_671 : vector<16xi32>
          %add3A_673 = arith.constant 16 : i32
          %add3A_674 = arith.addi %mul3A_668, %add3A_673 : i32
          %get3A_675 = arith.index_cast %add3A_674 : i32 to index
          %get3A_676 = tpu.vector_load %arg9[%get3A_675] {strides = array<i32>} : memref<17408xi32, #tpu.memory_space<vmem>>, vector<16xi32>,
          %add3A_677 = vector.broadcast %mul3A_646 : i32 to vector<16xi32>
          %add3A_678 = arith.addi %get3A_676, %add3A_677 : vector<16xi32>
          %gather3A = tpu.vector_load_idx %arg8[%add3A_672] : memref<25600xf32, #tpu.memory_space<vmem>>[vector<16xi32>], vector<16xf32>,
          %bitcast3A_679 = vector.bitcast %gather3A : vector<16xf32> to vector<16xi32>
          %shift_right_arithmetic3A = arith.constant 31 : i32
          %shift_right_arithmetic3A_680 = vector.broadcast %shift_right_arithmetic3A : i32 to vector<16xi32>
          %shift_right_arithmetic3A_681 = arith.shrsi %bitcast3A_679, %shift_right_arithmetic3A_680 : vector<16xi32>
          %or3A_682 = arith.constant -2147483648 : i32
          %or3A_683 = vector.broadcast %or3A_682 : i32 to vector<16xi32>
          %or3A_684 = arith.ori %shift_right_arithmetic3A_681, %or3A_683 : vector<16xi32>
          %xor3A = arith.xori %bitcast3A_679, %or3A_684 : vector<16xi32>
          %shift_right_logical3A_685 = arith.constant 21 : i32
          %shift_right_logical3A_686 = vector.broadcast %shift_right_logical3A_685 : i32 to vector<16xi32>
          %shift_right_logical3A_687 = arith.shrui %xor3A, %shift_right_logical3A_686 : vector<16xi32>
          %shift_right_logical3A_688 = arith.constant 10 : i32
          %shift_right_logical3A_689 = vector.broadcast %shift_right_logical3A_688 : i32 to vector<16xi32>
          %shift_right_logical3A_690 = arith.shrui %xor3A, %shift_right_logical3A_689 : vector<16xi32>
          %and3A_691 = arith.constant 2047 : i32
          %and3A_692 = vector.broadcast %and3A_691 : i32 to vector<16xi32>
          %and3A_693 = arith.andi %shift_right_logical3A_690, %and3A_692 : vector<16xi32>
          %add3A_694 = arith.constant 0 : i32
          %add3A_695 = vector.broadcast %add3A_694 : i32 to vector<16xi32>
          %add3A_696 = arith.addi %add3A_695, %and3A_693 : vector<16xi32>
          %eq3A_697 = vector.broadcast %reduce_max3A_134 : i32 to vector<16xi32>
          %eq3A_698 = arith.cmpi eq, %shift_right_logical3A_687, %eq3A_697 : vector<16xi32>
          tpu.vector_store_idx %arg13[%add3A_696], %broadcast_in_dim3A_31 masked %eq3A_698 {add = true} : memref<12304xi32, #tpu.memory_space<vmem>>[vector<16xi32>], vector<16xi32>, vector<16xi1>
          %add3A_699 = arith.constant 2048 : i32
          %add3A_700 = vector.broadcast %add3A_699 : i32 to vector<16xi32>
          %add3A_701 = arith.addi %add3A_700, %and3A_693 : vector<16xi32>
          %eq3A_702 = vector.broadcast %reduce_max3A_148 : i32 to vector<16xi32>
          %eq3A_703 = arith.cmpi eq, %shift_right_logical3A_687, %eq3A_702 : vector<16xi32>
          tpu.vector_store_idx %arg13[%add3A_701], %broadcast_in_dim3A_31 masked %eq3A_703 {add = true} : memref<12304xi32, #tpu.memory_space<vmem>>[vector<16xi32>], vector<16xi32>, vector<16xi1>
          %add3A_704 = arith.constant 4096 : i32
          %add3A_705 = vector.broadcast %add3A_704 : i32 to vector<16xi32>
          %add3A_706 = arith.addi %add3A_705, %and3A_693 : vector<16xi32>
          %eq3A_707 = vector.broadcast %reduce_max3A_162 : i32 to vector<16xi32>
          %eq3A_708 = arith.cmpi eq, %shift_right_logical3A_687, %eq3A_707 : vector<16xi32>
          tpu.vector_store_idx %arg13[%add3A_706], %broadcast_in_dim3A_31 masked %eq3A_708 {add = true} : memref<12304xi32, #tpu.memory_space<vmem>>[vector<16xi32>], vector<16xi32>, vector<16xi1>
          %add3A_709 = arith.constant 6144 : i32
          %add3A_710 = vector.broadcast %add3A_709 : i32 to vector<16xi32>
          %add3A_711 = arith.addi %add3A_710, %and3A_693 : vector<16xi32>
          %eq3A_712 = vector.broadcast %reduce_max3A_176 : i32 to vector<16xi32>
          %eq3A_713 = arith.cmpi eq, %shift_right_logical3A_687, %eq3A_712 : vector<16xi32>
          tpu.vector_store_idx %arg13[%add3A_711], %broadcast_in_dim3A_31 masked %eq3A_713 {add = true} : memref<12304xi32, #tpu.memory_space<vmem>>[vector<16xi32>], vector<16xi32>, vector<16xi1>
          %add3A_714 = arith.constant 8192 : i32
          %add3A_715 = vector.broadcast %add3A_714 : i32 to vector<16xi32>
          %add3A_716 = arith.addi %add3A_715, %and3A_693 : vector<16xi32>
          %eq3A_717 = vector.broadcast %reduce_max3A_190 : i32 to vector<16xi32>
          %eq3A_718 = arith.cmpi eq, %shift_right_logical3A_687, %eq3A_717 : vector<16xi32>
          tpu.vector_store_idx %arg13[%add3A_716], %broadcast_in_dim3A_31 masked %eq3A_718 {add = true} : memref<12304xi32, #tpu.memory_space<vmem>>[vector<16xi32>], vector<16xi32>, vector<16xi1>
          %add3A_719 = arith.constant 10240 : i32
          %add3A_720 = vector.broadcast %add3A_719 : i32 to vector<16xi32>
          %add3A_721 = arith.addi %add3A_720, %and3A_693 : vector<16xi32>
          %eq3A_722 = vector.broadcast %reduce_max3A_204 : i32 to vector<16xi32>
          %eq3A_723 = arith.cmpi eq, %shift_right_logical3A_687, %eq3A_722 : vector<16xi32>
          tpu.vector_store_idx %arg13[%add3A_721], %broadcast_in_dim3A_31 masked %eq3A_723 {add = true} : memref<12304xi32, #tpu.memory_space<vmem>>[vector<16xi32>], vector<16xi32>, vector<16xi1>
          %gather3A_724 = tpu.vector_load_idx %arg8[%add3A_678] : memref<25600xf32, #tpu.memory_space<vmem>>[vector<16xi32>], vector<16xf32>,
          %bitcast3A_725 = vector.bitcast %gather3A_724 : vector<16xf32> to vector<16xi32>
          %shift_right_arithmetic3A_726 = arith.constant 31 : i32
          %shift_right_arithmetic3A_727 = vector.broadcast %shift_right_arithmetic3A_726 : i32 to vector<16xi32>
          %shift_right_arithmetic3A_728 = arith.shrsi %bitcast3A_725, %shift_right_arithmetic3A_727 : vector<16xi32>
          %or3A_729 = arith.constant -2147483648 : i32
          %or3A_730 = vector.broadcast %or3A_729 : i32 to vector<16xi32>
          %or3A_731 = arith.ori %shift_right_arithmetic3A_728, %or3A_730 : vector<16xi32>
          %xor3A_732 = arith.xori %bitcast3A_725, %or3A_731 : vector<16xi32>
          %shift_right_logical3A_733 = arith.constant 21 : i32
          %shift_right_logical3A_734 = vector.broadcast %shift_right_logical3A_733 : i32 to vector<16xi32>
          %shift_right_logical3A_735 = arith.shrui %xor3A_732, %shift_right_logical3A_734 : vector<16xi32>
          %shift_right_logical3A_736 = arith.constant 10 : i32
          %shift_right_logical3A_737 = vector.broadcast %shift_right_logical3A_736 : i32 to vector<16xi32>
          %shift_right_logical3A_738 = arith.shrui %xor3A_732, %shift_right_logical3A_737 : vector<16xi32>
          %and3A_739 = arith.constant 2047 : i32
          %and3A_740 = vector.broadcast %and3A_739 : i32 to vector<16xi32>
          %and3A_741 = arith.andi %shift_right_logical3A_738, %and3A_740 : vector<16xi32>
          %add3A_742 = arith.constant 0 : i32
          %add3A_743 = vector.broadcast %add3A_742 : i32 to vector<16xi32>
          %add3A_744 = arith.addi %add3A_743, %and3A_741 : vector<16xi32>
          %eq3A_745 = vector.broadcast %reduce_max3A_134 : i32 to vector<16xi32>
          %eq3A_746 = arith.cmpi eq, %shift_right_logical3A_735, %eq3A_745 : vector<16xi32>
          tpu.vector_store_idx %arg13[%add3A_744], %broadcast_in_dim3A_31 masked %eq3A_746 {add = true} : memref<12304xi32, #tpu.memory_space<vmem>>[vector<16xi32>], vector<16xi32>, vector<16xi1>
          %add3A_747 = arith.constant 2048 : i32
          %add3A_748 = vector.broadcast %add3A_747 : i32 to vector<16xi32>
          %add3A_749 = arith.addi %add3A_748, %and3A_741 : vector<16xi32>
          %eq3A_750 = vector.broadcast %reduce_max3A_148 : i32 to vector<16xi32>
          %eq3A_751 = arith.cmpi eq, %shift_right_logical3A_735, %eq3A_750 : vector<16xi32>
          tpu.vector_store_idx %arg13[%add3A_749], %broadcast_in_dim3A_31 masked %eq3A_751 {add = true} : memref<12304xi32, #tpu.memory_space<vmem>>[vector<16xi32>], vector<16xi32>, vector<16xi1>
          %add3A_752 = arith.constant 4096 : i32
          %add3A_753 = vector.broadcast %add3A_752 : i32 to vector<16xi32>
          %add3A_754 = arith.addi %add3A_753, %and3A_741 : vector<16xi32>
          %eq3A_755 = vector.broadcast %reduce_max3A_162 : i32 to vector<16xi32>
          %eq3A_756 = arith.cmpi eq, %shift_right_logical3A_735, %eq3A_755 : vector<16xi32>
          tpu.vector_store_idx %arg13[%add3A_754], %broadcast_in_dim3A_31 masked %eq3A_756 {add = true} : memref<12304xi32, #tpu.memory_space<vmem>>[vector<16xi32>], vector<16xi32>, vector<16xi1>
          %add3A_757 = arith.constant 6144 : i32
          %add3A_758 = vector.broadcast %add3A_757 : i32 to vector<16xi32>
          %add3A_759 = arith.addi %add3A_758, %and3A_741 : vector<16xi32>
          %eq3A_760 = vector.broadcast %reduce_max3A_176 : i32 to vector<16xi32>
          %eq3A_761 = arith.cmpi eq, %shift_right_logical3A_735, %eq3A_760 : vector<16xi32>
          tpu.vector_store_idx %arg13[%add3A_759], %broadcast_in_dim3A_31 masked %eq3A_761 {add = true} : memref<12304xi32, #tpu.memory_space<vmem>>[vector<16xi32>], vector<16xi32>, vector<16xi1>
          %add3A_762 = arith.constant 8192 : i32
          %add3A_763 = vector.broadcast %add3A_762 : i32 to vector<16xi32>
          %add3A_764 = arith.addi %add3A_763, %and3A_741 : vector<16xi32>
          %eq3A_765 = vector.broadcast %reduce_max3A_190 : i32 to vector<16xi32>
          %eq3A_766 = arith.cmpi eq, %shift_right_logical3A_735, %eq3A_765 : vector<16xi32>
          tpu.vector_store_idx %arg13[%add3A_764], %broadcast_in_dim3A_31 masked %eq3A_766 {add = true} : memref<12304xi32, #tpu.memory_space<vmem>>[vector<16xi32>], vector<16xi32>, vector<16xi1>
          %add3A_767 = arith.constant 10240 : i32
          %add3A_768 = vector.broadcast %add3A_767 : i32 to vector<16xi32>
          %add3A_769 = arith.addi %add3A_768, %and3A_741 : vector<16xi32>
          %eq3A_770 = vector.broadcast %reduce_max3A_204 : i32 to vector<16xi32>
          %eq3A_771 = arith.cmpi eq, %shift_right_logical3A_735, %eq3A_770 : vector<16xi32>
          tpu.vector_store_idx %arg13[%add3A_769], %broadcast_in_dim3A_31 masked %eq3A_771 {add = true} : memref<12304xi32, #tpu.memory_space<vmem>>[vector<16xi32>], vector<16xi32>, vector<16xi1>
        }
        %add3A_657 = arith.constant 1 : i32
        %add3A_658 = arith.addi %while3A_636, %add3A_657 : i32
        %lt3A_659 = arith.cmpi slt, %add3A_658, %squeeze3A_64 : i32
        %convert_element_type3A_660 = arith.extui %lt3A_659 : i1 to i32
        %cond3A_661 = arith.constant 0 : i32
        %cond3A_662 = arith.cmpi ne, %convert_element_type3A_660, %cond3A_661 : i32
        scf.if %cond3A_662 {
          %add3A_663 = arith.constant 1 : i32
          %add3A_664 = arith.addi %while3A_636, %add3A_663 : i32
          %mul3A_665 = arith.constant 1600 : i32
          %mul3A_666 = arith.muli %add3A_664, %mul3A_665 : i32
          %add3A_667 = arith.addi %add3A_82, %mul3A_666 : i32
          %mul3A_668 = arith.constant 8 : i32
          %mul3A_669 = arith.muli %add3A_667, %mul3A_668 : i32
          %add3A_670 = arith.constant 1 : i32
          %add3A_671 = arith.addi %while3A_636, %add3A_670 : i32
          %and3A_672 = arith.constant 1 : i32
          %and3A_673 = arith.andi %add3A_671, %and3A_672 : i32
          %mul3A_674 = arith.constant 12800 : i32
          %mul3A_675 = arith.muli %and3A_673, %mul3A_674 : i32
          %dma_wait3A = tpu.memref_slice %arg8[%mul3A_675] : memref<25600xf32, #tpu.memory_space<vmem>> -> memref<12800xf32, #tpu.memory_space<vmem>>
          %dma_wait3A_676 = tpu.memref_slice %arg3[%mul3A_669] : memref<52582400xf32, #tpu.memory_space<hbm>> -> memref<12800xf32, #tpu.memory_space<hbm>>
          %dma_wait3A_677 = tpu.memref_slice %arg8[%mul3A_675] : memref<25600xf32, #tpu.memory_space<vmem>> -> memref<12800xf32, #tpu.memory_space<vmem>>
          %dma_wait3A_678 = tpu.memref_slice %arg3[%mul3A_669] : memref<52582400xf32, #tpu.memory_space<hbm>> -> memref<12800xf32, #tpu.memory_space<hbm>>
          tpu.wait_dma2 semaphore(%arg16 : memref<!tpu.dma_semaphore, #tpu.memory_space<semaphore_mem>>) src(%dma_wait3A_678 : memref<12800xf32, #tpu.memory_space<hbm>>) dst(%dma_wait3A_677 : memref<12800xf32, #tpu.memory_space<vmem>>)
        } else {
        }
      }
      %while3A_230 = arith.constant 1 : i32
      scf.for %while3A_636 = %while3A_228 to %while3A_224 step %while3A_230  : i32 {
        %add3A_637 = arith.constant 1 : i32
        %add3A_638 = arith.addi %while3A_636, %add3A_637 : i32
        %lt3A_639 = arith.cmpi slt, %add3A_638, %squeeze3A_64 : i32
        %convert_element_type3A_640 = arith.extui %lt3A_639 : i1 to i32
        %cond3A_641 = arith.constant 0 : i32
        %cond3A_642 = arith.cmpi ne, %convert_element_type3A_640, %cond3A_641 : i32
        scf.if %cond3A_642 {
          %add3A_663 = arith.constant 1 : i32
          %add3A_664 = arith.addi %while3A_636, %add3A_663 : i32
          %mul3A_665 = arith.constant 1600 : i32
          %mul3A_666 = arith.muli %add3A_664, %mul3A_665 : i32
          %add3A_667 = arith.addi %add3A_82, %mul3A_666 : i32
          %mul3A_668 = arith.constant 8 : i32
          %mul3A_669 = arith.muli %add3A_667, %mul3A_668 : i32
          %add3A_670 = arith.constant 1 : i32
          %add3A_671 = arith.addi %while3A_636, %add3A_670 : i32
          %and3A_672 = arith.constant 1 : i32
          %and3A_673 = arith.andi %add3A_671, %and3A_672 : i32
          %mul3A_674 = arith.constant 12800 : i32
          %mul3A_675 = arith.muli %and3A_673, %mul3A_674 : i32
          %dma_start3A = tpu.memref_slice %arg8[%mul3A_675] : memref<25600xf32, #tpu.memory_space<vmem>> -> memref<12800xf32, #tpu.memory_space<vmem>>
          %dma_start3A_676 = tpu.memref_slice %arg3[%mul3A_669] : memref<52582400xf32, #tpu.memory_space<hbm>> -> memref<12800xf32, #tpu.memory_space<hbm>>
          %dma_start3A_677 = tpu.memref_slice %arg8[%mul3A_675] : memref<25600xf32, #tpu.memory_space<vmem>> -> memref<12800xf32, #tpu.memory_space<vmem>>
          %dma_start3A_678 = tpu.memref_slice %arg3[%mul3A_669] : memref<52582400xf32, #tpu.memory_space<hbm>> -> memref<12800xf32, #tpu.memory_space<hbm>>
          tpu.enqueue_dma source(%dma_start3A_678 : memref<12800xf32, #tpu.memory_space<hbm>>) target(%dma_start3A_677 : memref<12800xf32, #tpu.memory_space<vmem>>) target_semaphore(%arg16 : memref<!tpu.dma_semaphore, #tpu.memory_space<semaphore_mem>>)
        } else {
        }
        %and3A_643 = arith.constant 1 : i32
        %and3A_644 = arith.andi %while3A_636, %and3A_643 : i32
        %mul3A_645 = arith.constant 12800 : i32
        %mul3A_646 = arith.muli %and3A_644, %mul3A_645 : i32
        %shift_right_logical3A = arith.constant 1 : i32
        %shift_right_logical3A_647 = arith.shrui %squeeze3A_66, %shift_right_logical3A : i32
        %while3A_648 = arith.constant 0 : i32
        %while3A_649 = arith.subi %shift_right_logical3A_647, %while3A_648 : i32
        %while3A_650 = arith.addi %while3A_648, %while3A_649 : i32
        %while3A_651 = arith.constant 1 : i32
        %while3A_652 = arith.divsi %while3A_649, %while3A_651 : i32
        %while3A_653 = arith.muli %while3A_652, %while3A_651 : i32
        %while3A_654 = arith.addi %while3A_648, %while3A_653 : i32
        %while3A_655 = arith.constant 1 : i32
        scf.for %while3A_663 = %while3A_648 to %while3A_654 step %while3A_655  : i32 {
          %mul3A_664 = arith.constant 2 : i32
          %mul3A_665 = arith.muli %while3A_663, %mul3A_664 : i32
          %add3A_666 = arith.addi %squeeze3A_68, %mul3A_665 : i32
          %mul3A_667 = arith.constant 16 : i32
          %mul3A_668 = arith.muli %add3A_666, %mul3A_667 : i32
          %get3A_669 = arith.index_cast %mul3A_668 : i32 to index
          %get3A_670 = tpu.vector_load %arg9[%get3A_669] {strides = array<i32>} : memref<17408xi32, #tpu.memory_space<vmem>>, vector<16xi32>,
          %add3A_671 = vector.broadcast %mul3A_646 : i32 to vector<16xi32>
          %add3A_672 = arith.addi %get3A_670, %add3A_671 : vector<16xi32>
          %add3A_673 = arith.constant 16 : i32
          %add3A_674 = arith.addi %mul3A_668, %add3A_673 : i32
          %get3A_675 = arith.index_cast %add3A_674 : i32 to index
          %get3A_676 = tpu.vector_load %arg9[%get3A_675] {strides = array<i32>} : memref<17408xi32, #tpu.memory_space<vmem>>, vector<16xi32>,
          %add3A_677 = vector.broadcast %mul3A_646 : i32 to vector<16xi32>
          %add3A_678 = arith.addi %get3A_676, %add3A_677 : vector<16xi32>
          %gather3A = tpu.vector_load_idx %arg8[%add3A_672] : memref<25600xf32, #tpu.memory_space<vmem>>[vector<16xi32>], vector<16xf32>,
          %bitcast3A_679 = vector.bitcast %gather3A : vector<16xf32> to vector<16xi32>
          %shift_right_arithmetic3A = arith.constant 31 : i32
          %shift_right_arithmetic3A_680 = vector.broadcast %shift_right_arithmetic3A : i32 to vector<16xi32>
          %shift_right_arithmetic3A_681 = arith.shrsi %bitcast3A_679, %shift_right_arithmetic3A_680 : vector<16xi32>
          %or3A_682 = arith.constant -2147483648 : i32
          %or3A_683 = vector.broadcast %or3A_682 : i32 to vector<16xi32>
          %or3A_684 = arith.ori %shift_right_arithmetic3A_681, %or3A_683 : vector<16xi32>
          %xor3A = arith.xori %bitcast3A_679, %or3A_684 : vector<16xi32>
          %shift_right_logical3A_685 = arith.constant 21 : i32
          %shift_right_logical3A_686 = vector.broadcast %shift_right_logical3A_685 : i32 to vector<16xi32>
          %shift_right_logical3A_687 = arith.shrui %xor3A, %shift_right_logical3A_686 : vector<16xi32>
          %shift_right_logical3A_688 = arith.constant 10 : i32
          %shift_right_logical3A_689 = vector.broadcast %shift_right_logical3A_688 : i32 to vector<16xi32>
          %shift_right_logical3A_690 = arith.shrui %xor3A, %shift_right_logical3A_689 : vector<16xi32>
          %and3A_691 = arith.constant 2047 : i32
          %and3A_692 = vector.broadcast %and3A_691 : i32 to vector<16xi32>
          %and3A_693 = arith.andi %shift_right_logical3A_690, %and3A_692 : vector<16xi32>
          %add3A_694 = arith.constant 0 : i32
          %add3A_695 = vector.broadcast %add3A_694 : i32 to vector<16xi32>
          %add3A_696 = arith.addi %add3A_695, %and3A_693 : vector<16xi32>
          %eq3A_697 = vector.broadcast %reduce_max3A_134 : i32 to vector<16xi32>
          %eq3A_698 = arith.cmpi eq, %shift_right_logical3A_687, %eq3A_697 : vector<16xi32>
          tpu.vector_store_idx %arg13[%add3A_696], %broadcast_in_dim3A_31 masked %eq3A_698 {add = true} : memref<12304xi32, #tpu.memory_space<vmem>>[vector<16xi32>], vector<16xi32>, vector<16xi1>
          %add3A_699 = arith.constant 2048 : i32
          %add3A_700 = vector.broadcast %add3A_699 : i32 to vector<16xi32>
          %add3A_701 = arith.addi %add3A_700, %and3A_693 : vector<16xi32>
          %eq3A_702 = vector.broadcast %reduce_max3A_148 : i32 to vector<16xi32>
          %eq3A_703 = arith.cmpi eq, %shift_right_logical3A_687, %eq3A_702 : vector<16xi32>
          tpu.vector_store_idx %arg13[%add3A_701], %broadcast_in_dim3A_31 masked %eq3A_703 {add = true} : memref<12304xi32, #tpu.memory_space<vmem>>[vector<16xi32>], vector<16xi32>, vector<16xi1>
          %add3A_704 = arith.constant 4096 : i32
          %add3A_705 = vector.broadcast %add3A_704 : i32 to vector<16xi32>
          %add3A_706 = arith.addi %add3A_705, %and3A_693 : vector<16xi32>
          %eq3A_707 = vector.broadcast %reduce_max3A_162 : i32 to vector<16xi32>
          %eq3A_708 = arith.cmpi eq, %shift_right_logical3A_687, %eq3A_707 : vector<16xi32>
          tpu.vector_store_idx %arg13[%add3A_706], %broadcast_in_dim3A_31 masked %eq3A_708 {add = true} : memref<12304xi32, #tpu.memory_space<vmem>>[vector<16xi32>], vector<16xi32>, vector<16xi1>
          %add3A_709 = arith.constant 6144 : i32
          %add3A_710 = vector.broadcast %add3A_709 : i32 to vector<16xi32>
          %add3A_711 = arith.addi %add3A_710, %and3A_693 : vector<16xi32>
          %eq3A_712 = vector.broadcast %reduce_max3A_176 : i32 to vector<16xi32>
          %eq3A_713 = arith.cmpi eq, %shift_right_logical3A_687, %eq3A_712 : vector<16xi32>
          tpu.vector_store_idx %arg13[%add3A_711], %broadcast_in_dim3A_31 masked %eq3A_713 {add = true} : memref<12304xi32, #tpu.memory_space<vmem>>[vector<16xi32>], vector<16xi32>, vector<16xi1>
          %add3A_714 = arith.constant 8192 : i32
          %add3A_715 = vector.broadcast %add3A_714 : i32 to vector<16xi32>
          %add3A_716 = arith.addi %add3A_715, %and3A_693 : vector<16xi32>
          %eq3A_717 = vector.broadcast %reduce_max3A_190 : i32 to vector<16xi32>
          %eq3A_718 = arith.cmpi eq, %shift_right_logical3A_687, %eq3A_717 : vector<16xi32>
          tpu.vector_store_idx %arg13[%add3A_716], %broadcast_in_dim3A_31 masked %eq3A_718 {add = true} : memref<12304xi32, #tpu.memory_space<vmem>>[vector<16xi32>], vector<16xi32>, vector<16xi1>
          %add3A_719 = arith.constant 10240 : i32
          %add3A_720 = vector.broadcast %add3A_719 : i32 to vector<16xi32>
          %add3A_721 = arith.addi %add3A_720, %and3A_693 : vector<16xi32>
          %eq3A_722 = vector.broadcast %reduce_max3A_204 : i32 to vector<16xi32>
          %eq3A_723 = arith.cmpi eq, %shift_right_logical3A_687, %eq3A_722 : vector<16xi32>
          tpu.vector_store_idx %arg13[%add3A_721], %broadcast_in_dim3A_31 masked %eq3A_723 {add = true} : memref<12304xi32, #tpu.memory_space<vmem>>[vector<16xi32>], vector<16xi32>, vector<16xi1>
          %gather3A_724 = tpu.vector_load_idx %arg8[%add3A_678] : memref<25600xf32, #tpu.memory_space<vmem>>[vector<16xi32>], vector<16xf32>,
          %bitcast3A_725 = vector.bitcast %gather3A_724 : vector<16xf32> to vector<16xi32>
          %shift_right_arithmetic3A_726 = arith.constant 31 : i32
          %shift_right_arithmetic3A_727 = vector.broadcast %shift_right_arithmetic3A_726 : i32 to vector<16xi32>
          %shift_right_arithmetic3A_728 = arith.shrsi %bitcast3A_725, %shift_right_arithmetic3A_727 : vector<16xi32>
          %or3A_729 = arith.constant -2147483648 : i32
          %or3A_730 = vector.broadcast %or3A_729 : i32 to vector<16xi32>
          %or3A_731 = arith.ori %shift_right_arithmetic3A_728, %or3A_730 : vector<16xi32>
          %xor3A_732 = arith.xori %bitcast3A_725, %or3A_731 : vector<16xi32>
          %shift_right_logical3A_733 = arith.constant 21 : i32
          %shift_right_logical3A_734 = vector.broadcast %shift_right_logical3A_733 : i32 to vector<16xi32>
          %shift_right_logical3A_735 = arith.shrui %xor3A_732, %shift_right_logical3A_734 : vector<16xi32>
          %shift_right_logical3A_736 = arith.constant 10 : i32
          %shift_right_logical3A_737 = vector.broadcast %shift_right_logical3A_736 : i32 to vector<16xi32>
          %shift_right_logical3A_738 = arith.shrui %xor3A_732, %shift_right_logical3A_737 : vector<16xi32>
          %and3A_739 = arith.constant 2047 : i32
          %and3A_740 = vector.broadcast %and3A_739 : i32 to vector<16xi32>
          %and3A_741 = arith.andi %shift_right_logical3A_738, %and3A_740 : vector<16xi32>
          %add3A_742 = arith.constant 0 : i32
          %add3A_743 = vector.broadcast %add3A_742 : i32 to vector<16xi32>
          %add3A_744 = arith.addi %add3A_743, %and3A_741 : vector<16xi32>
          %eq3A_745 = vector.broadcast %reduce_max3A_134 : i32 to vector<16xi32>
          %eq3A_746 = arith.cmpi eq, %shift_right_logical3A_735, %eq3A_745 : vector<16xi32>
          tpu.vector_store_idx %arg13[%add3A_744], %broadcast_in_dim3A_31 masked %eq3A_746 {add = true} : memref<12304xi32, #tpu.memory_space<vmem>>[vector<16xi32>], vector<16xi32>, vector<16xi1>
          %add3A_747 = arith.constant 2048 : i32
          %add3A_748 = vector.broadcast %add3A_747 : i32 to vector<16xi32>
          %add3A_749 = arith.addi %add3A_748, %and3A_741 : vector<16xi32>
          %eq3A_750 = vector.broadcast %reduce_max3A_148 : i32 to vector<16xi32>
          %eq3A_751 = arith.cmpi eq, %shift_right_logical3A_735, %eq3A_750 : vector<16xi32>
          tpu.vector_store_idx %arg13[%add3A_749], %broadcast_in_dim3A_31 masked %eq3A_751 {add = true} : memref<12304xi32, #tpu.memory_space<vmem>>[vector<16xi32>], vector<16xi32>, vector<16xi1>
          %add3A_752 = arith.constant 4096 : i32
          %add3A_753 = vector.broadcast %add3A_752 : i32 to vector<16xi32>
          %add3A_754 = arith.addi %add3A_753, %and3A_741 : vector<16xi32>
          %eq3A_755 = vector.broadcast %reduce_max3A_162 : i32 to vector<16xi32>
          %eq3A_756 = arith.cmpi eq, %shift_right_logical3A_735, %eq3A_755 : vector<16xi32>
          tpu.vector_store_idx %arg13[%add3A_754], %broadcast_in_dim3A_31 masked %eq3A_756 {add = true} : memref<12304xi32, #tpu.memory_space<vmem>>[vector<16xi32>], vector<16xi32>, vector<16xi1>
          %add3A_757 = arith.constant 6144 : i32
          %add3A_758 = vector.broadcast %add3A_757 : i32 to vector<16xi32>
          %add3A_759 = arith.addi %add3A_758, %and3A_741 : vector<16xi32>
          %eq3A_760 = vector.broadcast %reduce_max3A_176 : i32 to vector<16xi32>
          %eq3A_761 = arith.cmpi eq, %shift_right_logical3A_735, %eq3A_760 : vector<16xi32>
          tpu.vector_store_idx %arg13[%add3A_759], %broadcast_in_dim3A_31 masked %eq3A_761 {add = true} : memref<12304xi32, #tpu.memory_space<vmem>>[vector<16xi32>], vector<16xi32>, vector<16xi1>
          %add3A_762 = arith.constant 8192 : i32
          %add3A_763 = vector.broadcast %add3A_762 : i32 to vector<16xi32>
          %add3A_764 = arith.addi %add3A_763, %and3A_741 : vector<16xi32>
          %eq3A_765 = vector.broadcast %reduce_max3A_190 : i32 to vector<16xi32>
          %eq3A_766 = arith.cmpi eq, %shift_right_logical3A_735, %eq3A_765 : vector<16xi32>
          tpu.vector_store_idx %arg13[%add3A_764], %broadcast_in_dim3A_31 masked %eq3A_766 {add = true} : memref<12304xi32, #tpu.memory_space<vmem>>[vector<16xi32>], vector<16xi32>, vector<16xi1>
          %add3A_767 = arith.constant 10240 : i32
          %add3A_768 = vector.broadcast %add3A_767 : i32 to vector<16xi32>
          %add3A_769 = arith.addi %add3A_768, %and3A_741 : vector<16xi32>
          %eq3A_770 = vector.broadcast %reduce_max3A_204 : i32 to vector<16xi32>
          %eq3A_771 = arith.cmpi eq, %shift_right_logical3A_735, %eq3A_770 : vector<16xi32>
          tpu.vector_store_idx %arg13[%add3A_769], %broadcast_in_dim3A_31 masked %eq3A_771 {add = true} : memref<12304xi32, #tpu.memory_space<vmem>>[vector<16xi32>], vector<16xi32>, vector<16xi1>
        }
        %while3A_656 = arith.constant 1 : i32
        scf.for %while3A_663 = %while3A_654 to %while3A_650 step %while3A_656  : i32 {
          %mul3A_664 = arith.constant 2 : i32
          %mul3A_665 = arith.muli %while3A_663, %mul3A_664 : i32
          %add3A_666 = arith.addi %squeeze3A_68, %mul3A_665 : i32
          %mul3A_667 = arith.constant 16 : i32
          %mul3A_668 = arith.muli %add3A_666, %mul3A_667 : i32
          %get3A_669 = arith.index_cast %mul3A_668 : i32 to index
          %get3A_670 = tpu.vector_load %arg9[%get3A_669] {strides = array<i32>} : memref<17408xi32, #tpu.memory_space<vmem>>, vector<16xi32>,
          %add3A_671 = vector.broadcast %mul3A_646 : i32 to vector<16xi32>
          %add3A_672 = arith.addi %get3A_670, %add3A_671 : vector<16xi32>
          %add3A_673 = arith.constant 16 : i32
          %add3A_674 = arith.addi %mul3A_668, %add3A_673 : i32
          %get3A_675 = arith.index_cast %add3A_674 : i32 to index
          %get3A_676 = tpu.vector_load %arg9[%get3A_675] {strides = array<i32>} : memref<17408xi32, #tpu.memory_space<vmem>>, vector<16xi32>,
          %add3A_677 = vector.broadcast %mul3A_646 : i32 to vector<16xi32>
          %add3A_678 = arith.addi %get3A_676, %add3A_677 : vector<16xi32>
          %gather3A = tpu.vector_load_idx %arg8[%add3A_672] : memref<25600xf32, #tpu.memory_space<vmem>>[vector<16xi32>], vector<16xf32>,
          %bitcast3A_679 = vector.bitcast %gather3A : vector<16xf32> to vector<16xi32>
          %shift_right_arithmetic3A = arith.constant 31 : i32
          %shift_right_arithmetic3A_680 = vector.broadcast %shift_right_arithmetic3A : i32 to vector<16xi32>
          %shift_right_arithmetic3A_681 = arith.shrsi %bitcast3A_679, %shift_right_arithmetic3A_680 : vector<16xi32>
          %or3A_682 = arith.constant -2147483648 : i32
          %or3A_683 = vector.broadcast %or3A_682 : i32 to vector<16xi32>
          %or3A_684 = arith.ori %shift_right_arithmetic3A_681, %or3A_683 : vector<16xi32>
          %xor3A = arith.xori %bitcast3A_679, %or3A_684 : vector<16xi32>
          %shift_right_logical3A_685 = arith.constant 21 : i32
          %shift_right_logical3A_686 = vector.broadcast %shift_right_logical3A_685 : i32 to vector<16xi32>
          %shift_right_logical3A_687 = arith.shrui %xor3A, %shift_right_logical3A_686 : vector<16xi32>
          %shift_right_logical3A_688 = arith.constant 10 : i32
          %shift_right_logical3A_689 = vector.broadcast %shift_right_logical3A_688 : i32 to vector<16xi32>
          %shift_right_logical3A_690 = arith.shrui %xor3A, %shift_right_logical3A_689 : vector<16xi32>
          %and3A_691 = arith.constant 2047 : i32
          %and3A_692 = vector.broadcast %and3A_691 : i32 to vector<16xi32>
          %and3A_693 = arith.andi %shift_right_logical3A_690, %and3A_692 : vector<16xi32>
          %add3A_694 = arith.constant 0 : i32
          %add3A_695 = vector.broadcast %add3A_694 : i32 to vector<16xi32>
          %add3A_696 = arith.addi %add3A_695, %and3A_693 : vector<16xi32>
          %eq3A_697 = vector.broadcast %reduce_max3A_134 : i32 to vector<16xi32>
          %eq3A_698 = arith.cmpi eq, %shift_right_logical3A_687, %eq3A_697 : vector<16xi32>
          tpu.vector_store_idx %arg13[%add3A_696], %broadcast_in_dim3A_31 masked %eq3A_698 {add = true} : memref<12304xi32, #tpu.memory_space<vmem>>[vector<16xi32>], vector<16xi32>, vector<16xi1>
          %add3A_699 = arith.constant 2048 : i32
          %add3A_700 = vector.broadcast %add3A_699 : i32 to vector<16xi32>
          %add3A_701 = arith.addi %add3A_700, %and3A_693 : vector<16xi32>
          %eq3A_702 = vector.broadcast %reduce_max3A_148 : i32 to vector<16xi32>
          %eq3A_703 = arith.cmpi eq, %shift_right_logical3A_687, %eq3A_702 : vector<16xi32>
          tpu.vector_store_idx %arg13[%add3A_701], %broadcast_in_dim3A_31 masked %eq3A_703 {add = true} : memref<12304xi32, #tpu.memory_space<vmem>>[vector<16xi32>], vector<16xi32>, vector<16xi1>
          %add3A_704 = arith.constant 4096 : i32
          %add3A_705 = vector.broadcast %add3A_704 : i32 to vector<16xi32>
          %add3A_706 = arith.addi %add3A_705, %and3A_693 : vector<16xi32>
          %eq3A_707 = vector.broadcast %reduce_max3A_162 : i32 to vector<16xi32>
          %eq3A_708 = arith.cmpi eq, %shift_right_logical3A_687, %eq3A_707 : vector<16xi32>
          tpu.vector_store_idx %arg13[%add3A_706], %broadcast_in_dim3A_31 masked %eq3A_708 {add = true} : memref<12304xi32, #tpu.memory_space<vmem>>[vector<16xi32>], vector<16xi32>, vector<16xi1>
          %add3A_709 = arith.constant 6144 : i32
          %add3A_710 = vector.broadcast %add3A_709 : i32 to vector<16xi32>
          %add3A_711 = arith.addi %add3A_710, %and3A_693 : vector<16xi32>
          %eq3A_712 = vector.broadcast %reduce_max3A_176 : i32 to vector<16xi32>
          %eq3A_713 = arith.cmpi eq, %shift_right_logical3A_687, %eq3A_712 : vector<16xi32>
          tpu.vector_store_idx %arg13[%add3A_711], %broadcast_in_dim3A_31 masked %eq3A_713 {add = true} : memref<12304xi32, #tpu.memory_space<vmem>>[vector<16xi32>], vector<16xi32>, vector<16xi1>
          %add3A_714 = arith.constant 8192 : i32
          %add3A_715 = vector.broadcast %add3A_714 : i32 to vector<16xi32>
          %add3A_716 = arith.addi %add3A_715, %and3A_693 : vector<16xi32>
          %eq3A_717 = vector.broadcast %reduce_max3A_190 : i32 to vector<16xi32>
          %eq3A_718 = arith.cmpi eq, %shift_right_logical3A_687, %eq3A_717 : vector<16xi32>
          tpu.vector_store_idx %arg13[%add3A_716], %broadcast_in_dim3A_31 masked %eq3A_718 {add = true} : memref<12304xi32, #tpu.memory_space<vmem>>[vector<16xi32>], vector<16xi32>, vector<16xi1>
          %add3A_719 = arith.constant 10240 : i32
          %add3A_720 = vector.broadcast %add3A_719 : i32 to vector<16xi32>
          %add3A_721 = arith.addi %add3A_720, %and3A_693 : vector<16xi32>
          %eq3A_722 = vector.broadcast %reduce_max3A_204 : i32 to vector<16xi32>
          %eq3A_723 = arith.cmpi eq, %shift_right_logical3A_687, %eq3A_722 : vector<16xi32>
          tpu.vector_store_idx %arg13[%add3A_721], %broadcast_in_dim3A_31 masked %eq3A_723 {add = true} : memref<12304xi32, #tpu.memory_space<vmem>>[vector<16xi32>], vector<16xi32>, vector<16xi1>
          %gather3A_724 = tpu.vector_load_idx %arg8[%add3A_678] : memref<25600xf32, #tpu.memory_space<vmem>>[vector<16xi32>], vector<16xf32>,
          %bitcast3A_725 = vector.bitcast %gather3A_724 : vector<16xf32> to vector<16xi32>
          %shift_right_arithmetic3A_726 = arith.constant 31 : i32
          %shift_right_arithmetic3A_727 = vector.broadcast %shift_right_arithmetic3A_726 : i32 to vector<16xi32>
          %shift_right_arithmetic3A_728 = arith.shrsi %bitcast3A_725, %shift_right_arithmetic3A_727 : vector<16xi32>
          %or3A_729 = arith.constant -2147483648 : i32
          %or3A_730 = vector.broadcast %or3A_729 : i32 to vector<16xi32>
          %or3A_731 = arith.ori %shift_right_arithmetic3A_728, %or3A_730 : vector<16xi32>
          %xor3A_732 = arith.xori %bitcast3A_725, %or3A_731 : vector<16xi32>
          %shift_right_logical3A_733 = arith.constant 21 : i32
          %shift_right_logical3A_734 = vector.broadcast %shift_right_logical3A_733 : i32 to vector<16xi32>
          %shift_right_logical3A_735 = arith.shrui %xor3A_732, %shift_right_logical3A_734 : vector<16xi32>
          %shift_right_logical3A_736 = arith.constant 10 : i32
          %shift_right_logical3A_737 = vector.broadcast %shift_right_logical3A_736 : i32 to vector<16xi32>
          %shift_right_logical3A_738 = arith.shrui %xor3A_732, %shift_right_logical3A_737 : vector<16xi32>
          %and3A_739 = arith.constant 2047 : i32
          %and3A_740 = vector.broadcast %and3A_739 : i32 to vector<16xi32>
          %and3A_741 = arith.andi %shift_right_logical3A_738, %and3A_740 : vector<16xi32>
          %add3A_742 = arith.constant 0 : i32
          %add3A_743 = vector.broadcast %add3A_742 : i32 to vector<16xi32>
          %add3A_744 = arith.addi %add3A_743, %and3A_741 : vector<16xi32>
          %eq3A_745 = vector.broadcast %reduce_max3A_134 : i32 to vector<16xi32>
          %eq3A_746 = arith.cmpi eq, %shift_right_logical3A_735, %eq3A_745 : vector<16xi32>
          tpu.vector_store_idx %arg13[%add3A_744], %broadcast_in_dim3A_31 masked %eq3A_746 {add = true} : memref<12304xi32, #tpu.memory_space<vmem>>[vector<16xi32>], vector<16xi32>, vector<16xi1>
          %add3A_747 = arith.constant 2048 : i32
          %add3A_748 = vector.broadcast %add3A_747 : i32 to vector<16xi32>
          %add3A_749 = arith.addi %add3A_748, %and3A_741 : vector<16xi32>
          %eq3A_750 = vector.broadcast %reduce_max3A_148 : i32 to vector<16xi32>
          %eq3A_751 = arith.cmpi eq, %shift_right_logical3A_735, %eq3A_750 : vector<16xi32>
          tpu.vector_store_idx %arg13[%add3A_749], %broadcast_in_dim3A_31 masked %eq3A_751 {add = true} : memref<12304xi32, #tpu.memory_space<vmem>>[vector<16xi32>], vector<16xi32>, vector<16xi1>
          %add3A_752 = arith.constant 4096 : i32
          %add3A_753 = vector.broadcast %add3A_752 : i32 to vector<16xi32>
          %add3A_754 = arith.addi %add3A_753, %and3A_741 : vector<16xi32>
          %eq3A_755 = vector.broadcast %reduce_max3A_162 : i32 to vector<16xi32>
          %eq3A_756 = arith.cmpi eq, %shift_right_logical3A_735, %eq3A_755 : vector<16xi32>
          tpu.vector_store_idx %arg13[%add3A_754], %broadcast_in_dim3A_31 masked %eq3A_756 {add = true} : memref<12304xi32, #tpu.memory_space<vmem>>[vector<16xi32>], vector<16xi32>, vector<16xi1>
          %add3A_757 = arith.constant 6144 : i32
          %add3A_758 = vector.broadcast %add3A_757 : i32 to vector<16xi32>
          %add3A_759 = arith.addi %add3A_758, %and3A_741 : vector<16xi32>
          %eq3A_760 = vector.broadcast %reduce_max3A_176 : i32 to vector<16xi32>
          %eq3A_761 = arith.cmpi eq, %shift_right_logical3A_735, %eq3A_760 : vector<16xi32>
          tpu.vector_store_idx %arg13[%add3A_759], %broadcast_in_dim3A_31 masked %eq3A_761 {add = true} : memref<12304xi32, #tpu.memory_space<vmem>>[vector<16xi32>], vector<16xi32>, vector<16xi1>
          %add3A_762 = arith.constant 8192 : i32
          %add3A_763 = vector.broadcast %add3A_762 : i32 to vector<16xi32>
          %add3A_764 = arith.addi %add3A_763, %and3A_741 : vector<16xi32>
          %eq3A_765 = vector.broadcast %reduce_max3A_190 : i32 to vector<16xi32>
          %eq3A_766 = arith.cmpi eq, %shift_right_logical3A_735, %eq3A_765 : vector<16xi32>
          tpu.vector_store_idx %arg13[%add3A_764], %broadcast_in_dim3A_31 masked %eq3A_766 {add = true} : memref<12304xi32, #tpu.memory_space<vmem>>[vector<16xi32>], vector<16xi32>, vector<16xi1>
          %add3A_767 = arith.constant 10240 : i32
          %add3A_768 = vector.broadcast %add3A_767 : i32 to vector<16xi32>
          %add3A_769 = arith.addi %add3A_768, %and3A_741 : vector<16xi32>
          %eq3A_770 = vector.broadcast %reduce_max3A_204 : i32 to vector<16xi32>
          %eq3A_771 = arith.cmpi eq, %shift_right_logical3A_735, %eq3A_770 : vector<16xi32>
          tpu.vector_store_idx %arg13[%add3A_769], %broadcast_in_dim3A_31 masked %eq3A_771 {add = true} : memref<12304xi32, #tpu.memory_space<vmem>>[vector<16xi32>], vector<16xi32>, vector<16xi1>
        }
        %add3A_657 = arith.constant 1 : i32
        %add3A_658 = arith.addi %while3A_636, %add3A_657 : i32
        %lt3A_659 = arith.cmpi slt, %add3A_658, %squeeze3A_64 : i32
        %convert_element_type3A_660 = arith.extui %lt3A_659 : i1 to i32
        %cond3A_661 = arith.constant 0 : i32
        %cond3A_662 = arith.cmpi ne, %convert_element_type3A_660, %cond3A_661 : i32
        scf.if %cond3A_662 {
          %add3A_663 = arith.constant 1 : i32
          %add3A_664 = arith.addi %while3A_636, %add3A_663 : i32
          %mul3A_665 = arith.constant 1600 : i32
          %mul3A_666 = arith.muli %add3A_664, %mul3A_665 : i32
          %add3A_667 = arith.addi %add3A_82, %mul3A_666 : i32
          %mul3A_668 = arith.constant 8 : i32
          %mul3A_669 = arith.muli %add3A_667, %mul3A_668 : i32
          %add3A_670 = arith.constant 1 : i32
          %add3A_671 = arith.addi %while3A_636, %add3A_670 : i32
          %and3A_672 = arith.constant 1 : i32
          %and3A_673 = arith.andi %add3A_671, %and3A_672 : i32
          %mul3A_674 = arith.constant 12800 : i32
          %mul3A_675 = arith.muli %and3A_673, %mul3A_674 : i32
          %dma_wait3A = tpu.memref_slice %arg8[%mul3A_675] : memref<25600xf32, #tpu.memory_space<vmem>> -> memref<12800xf32, #tpu.memory_space<vmem>>
          %dma_wait3A_676 = tpu.memref_slice %arg3[%mul3A_669] : memref<52582400xf32, #tpu.memory_space<hbm>> -> memref<12800xf32, #tpu.memory_space<hbm>>
          %dma_wait3A_677 = tpu.memref_slice %arg8[%mul3A_675] : memref<25600xf32, #tpu.memory_space<vmem>> -> memref<12800xf32, #tpu.memory_space<vmem>>
          %dma_wait3A_678 = tpu.memref_slice %arg3[%mul3A_669] : memref<52582400xf32, #tpu.memory_space<hbm>> -> memref<12800xf32, #tpu.memory_space<hbm>>
          tpu.wait_dma2 semaphore(%arg16 : memref<!tpu.dma_semaphore, #tpu.memory_space<semaphore_mem>>) src(%dma_wait3A_678 : memref<12800xf32, #tpu.memory_space<hbm>>) dst(%dma_wait3A_677 : memref<12800xf32, #tpu.memory_space<vmem>>)
        } else {
        }
      }
      %scan3A_231 = arith.constant 0 : i32
      %scan3A_232 = arith.constant 6 : i32
      %scan3A_233 = arith.addi %scan3A_231, %scan3A_232 : i32
      %scan3A_234 = arith.constant 1 : i32
      %scan3A_235:2 = scf.for %scan3A_636 = %scan3A_231 to %scan3A_233 step %scan3A_234 iter_args(%scan3A_637 = %broadcast_in_dim3A_33, %scan3A_638 = %broadcast_in_dim3A_33) -> (vector<16xi32>, vector<16xi32>)  : i32 {
        %eq3A_639 = vector.broadcast %scan3A_636 : i32 to vector<16xi32>
        %eq3A_640 = arith.cmpi eq, %iota3A, %eq3A_639 : vector<16xi32>
        %jit3A_641 = arith.constant -2147483648 : i32
        %broadcast_in_dim3A_642 = vector.broadcast %jit3A_641 : i32 to vector<16xi32>
        %select_n3A_643 = arith.select %eq3A_640, %iota3A, %broadcast_in_dim3A_642 : vector<16xi1>, vector<16xi32>
        %reduce_max3A_644 = arith.constant true
        %reduce_max3A_645 = vector.broadcast %reduce_max3A_644 : i1 to vector<16xi1>
        %reduce_max3A_646 = arith.constant -2147483648 : i32
        %reduce_max3A_647 = vector.broadcast %reduce_max3A_646 : i32 to vector<16xi32>
        %reduce_max3A_648 = arith.xori %select_n3A_643, %reduce_max3A_647 : vector<16xi32>
        %reduce_max3A_649 = tpu.scan <max>, %reduce_max3A_648 masked %reduce_max3A_645 : vector<16xi32>, vector<16xi1> -> vector<16xi32>
        %reduce_max3A_650 = arith.xori %reduce_max3A_649, %reduce_max3A_647 : vector<16xi32>
        %reduce_max3A_651 = vector.extract %reduce_max3A_650[15] : i32 from vector<16xi32>
        %mul3A_652 = arith.constant 2048 : i32
        %mul3A_653 = arith.muli %reduce_max3A_651, %mul3A_652 : i32
        %eq3A_654 = vector.broadcast %scan3A_636 : i32 to vector<16xi32>
        %eq3A_655 = arith.cmpi eq, %iota3A, %eq3A_654 : vector<16xi32>
        %jit3A_656 = arith.constant -2147483648 : i32
        %broadcast_in_dim3A_657 = vector.broadcast %jit3A_656 : i32 to vector<16xi32>
        %select_n3A_658 = arith.select %eq3A_655, %scan3A_120#1, %broadcast_in_dim3A_657 : vector<16xi1>, vector<16xi32>
        %reduce_max3A_659 = arith.constant true
        %reduce_max3A_660 = vector.broadcast %reduce_max3A_659 : i1 to vector<16xi1>
        %reduce_max3A_661 = arith.constant -2147483648 : i32
        %reduce_max3A_662 = vector.broadcast %reduce_max3A_661 : i32 to vector<16xi32>
        %reduce_max3A_663 = arith.xori %select_n3A_658, %reduce_max3A_662 : vector<16xi32>
        %reduce_max3A_664 = tpu.scan <max>, %reduce_max3A_663 masked %reduce_max3A_660 : vector<16xi32>, vector<16xi1> -> vector<16xi32>
        %reduce_max3A_665 = arith.xori %reduce_max3A_664, %reduce_max3A_662 : vector<16xi32>
        %reduce_max3A_666 = vector.extract %reduce_max3A_665[15] : i32 from vector<16xi32>
        %scan3A_667 = arith.constant 0 : i32
        %scan3A_668 = arith.constant -1 : i32
        %scan3A_669 = arith.constant 0 : i32
        %scan3A_670 = arith.constant 0 : i32
        %scan3A_671 = arith.constant 128 : i32
        %scan3A_672 = arith.addi %scan3A_670, %scan3A_671 : i32
        %scan3A_673 = arith.constant 1 : i32
        %scan3A_674:3 = scf.for %scan3A_684 = %scan3A_670 to %scan3A_672 step %scan3A_673 iter_args(%scan3A_685 = %scan3A_667, %scan3A_686 = %scan3A_668, %scan3A_687 = %scan3A_669) -> (i32, i32, i32)  : i32 {
          %mul3A_688 = arith.constant 16 : i32
          %mul3A_689 = arith.muli %scan3A_684, %mul3A_688 : i32
          %add3A_690 = arith.addi %mul3A_653, %mul3A_689 : i32
          %get3A_691 = arith.index_cast %add3A_690 : i32 to index
          %get3A_692 = tpu.vector_load %arg13[%get3A_691] {strides = array<i32>} : memref<12304xi32, #tpu.memory_space<vmem>>, vector<16xi32>,
          %broadcast_in_dim3A_693 = arith.constant true
          %broadcast_in_dim3A_694 = vector.broadcast %broadcast_in_dim3A_693 : i1 to vector<16xi1>
          %masked_cumsum3A = tpu.scan <sum>, %get3A_692 masked %broadcast_in_dim3A_694 : vector<16xi32>, vector<16xi1> -> vector<16xi32>
          %reduce_max3A_695 = arith.constant true
          %reduce_max3A_696 = vector.broadcast %reduce_max3A_695 : i1 to vector<16xi1>
          %reduce_max3A_697 = arith.constant -2147483648 : i32
          %reduce_max3A_698 = vector.broadcast %reduce_max3A_697 : i32 to vector<16xi32>
          %reduce_max3A_699 = arith.xori %masked_cumsum3A, %reduce_max3A_698 : vector<16xi32>
          %reduce_max3A_700 = tpu.scan <max>, %reduce_max3A_699 masked %reduce_max3A_696 : vector<16xi32>, vector<16xi1> -> vector<16xi32>
          %reduce_max3A_701 = arith.xori %reduce_max3A_700, %reduce_max3A_698 : vector<16xi32>
          %reduce_max3A_702 = vector.extract %reduce_max3A_701[15] : i32 from vector<16xi32>
          %add3A_703 = vector.broadcast %scan3A_685 : i32 to vector<16xi32>
          %add3A_704 = arith.addi %add3A_703, %masked_cumsum3A : vector<16xi32>
          %gt3A = vector.broadcast %reduce_max3A_666 : i32 to vector<16xi32>
          %gt3A_705 = arith.cmpi sgt, %add3A_704, %gt3A : vector<16xi32>
          %jit3A_706 = arith.constant 0 : i32
          %jit3A_707 = arith.constant 1 : i32
          %broadcast_in_dim3A_708 = vector.broadcast %jit3A_706 : i32 to vector<16xi32>
          %broadcast_in_dim3A_709 = vector.broadcast %jit3A_707 : i32 to vector<16xi32>
          %select_n3A_710 = arith.select %gt3A_705, %broadcast_in_dim3A_708, %broadcast_in_dim3A_709 : vector<16xi1>, vector<16xi32>
          %reduce_sum3A_711 = arith.constant true
          %reduce_sum3A_712 = vector.broadcast %reduce_sum3A_711 : i1 to vector<16xi1>
          %reduce_sum3A_713 = tpu.scan <sum>, %select_n3A_710 masked %reduce_sum3A_712 : vector<16xi32>, vector<16xi1> -> vector<16xi32>
          %reduce_sum3A_714 = vector.extract %reduce_sum3A_713[15] : i32 from vector<16xi32>
          %jit3A_715 = arith.constant 0 : i32
          %broadcast_in_dim3A_716 = vector.broadcast %jit3A_715 : i32 to vector<16xi32>
          %select_n3A_717 = arith.select %gt3A_705, %broadcast_in_dim3A_716, %masked_cumsum3A : vector<16xi1>, vector<16xi32>
          %reduce_max3A_718 = arith.constant true
          %reduce_max3A_719 = vector.broadcast %reduce_max3A_718 : i1 to vector<16xi1>
          %reduce_max3A_720 = arith.constant -2147483648 : i32
          %reduce_max3A_721 = vector.broadcast %reduce_max3A_720 : i32 to vector<16xi32>
          %reduce_max3A_722 = arith.xori %select_n3A_717, %reduce_max3A_721 : vector<16xi32>
          %reduce_max3A_723 = tpu.scan <max>, %reduce_max3A_722 masked %reduce_max3A_719 : vector<16xi32>, vector<16xi1> -> vector<16xi32>
          %reduce_max3A_724 = arith.xori %reduce_max3A_723, %reduce_max3A_721 : vector<16xi32>
          %reduce_max3A_725 = vector.extract %reduce_max3A_724[15] : i32 from vector<16xi32>
          %add3A_726 = arith.addi %scan3A_685, %reduce_max3A_725 : i32
          %lt3A_727 = arith.constant 16 : i32
          %lt3A_728 = arith.cmpi slt, %reduce_sum3A_714, %lt3A_727 : i32
          %lt3A_729 = arith.constant 0 : i32
          %lt3A_730 = arith.cmpi slt, %scan3A_686, %lt3A_729 : i32
          %and3A_731 = arith.andi %lt3A_728, %lt3A_730 : i1
          %mul3A_732 = arith.constant 16 : i32
          %mul3A_733 = arith.muli %scan3A_684, %mul3A_732 : i32
          %add3A_734 = arith.addi %mul3A_733, %reduce_sum3A_714 : i32
          %select_n3A_735 = arith.select %and3A_731, %add3A_734, %scan3A_686 : i32
          %sub3A_736 = arith.subi %reduce_max3A_666, %add3A_726 : i32
          %select_n3A_737 = arith.select %and3A_731, %sub3A_736, %scan3A_687 : i32
          %add3A_738 = arith.addi %scan3A_685, %reduce_max3A_702 : i32
          scf.yield %add3A_738, %select_n3A_735, %select_n3A_737 : i32, i32, i32
        }
        %scan3A_675 = arith.constant 128 : i32
        %eq3A_676 = vector.broadcast %scan3A_636 : i32 to vector<16xi32>
        %eq3A_677 = arith.cmpi eq, %iota3A, %eq3A_676 : vector<16xi32>
        %broadcast_in_dim3A_678 = vector.broadcast %scan3A_674#1 : i32 to vector<16xi32>
        %select_n3A_679 = arith.select %eq3A_677, %broadcast_in_dim3A_678, %scan3A_637 : vector<16xi1>, vector<16xi32>
        %eq3A_680 = vector.broadcast %scan3A_636 : i32 to vector<16xi32>
        %eq3A_681 = arith.cmpi eq, %iota3A, %eq3A_680 : vector<16xi32>
        %broadcast_in_dim3A_682 = vector.broadcast %scan3A_674#2 : i32 to vector<16xi32>
        %select_n3A_683 = arith.select %eq3A_681, %broadcast_in_dim3A_682, %scan3A_638 : vector<16xi1>, vector<16xi32>
        scf.yield %select_n3A_679, %select_n3A_683 : vector<16xi32>, vector<16xi32>
      }
      %scan3A_236 = arith.constant 6 : i32
      %eq3A_237 = arith.constant 0 : i32
      %eq3A_238 = vector.broadcast %eq3A_237 : i32 to vector<16xi32>
      %eq3A_239 = arith.cmpi eq, %iota3A, %eq3A_238 : vector<16xi32>
      %jit3A_240 = arith.constant -2147483648 : i32
      %broadcast_in_dim3A_241 = vector.broadcast %jit3A_240 : i32 to vector<16xi32>
      %select_n3A_242 = arith.select %eq3A_239, %scan3A_235#0, %broadcast_in_dim3A_241 : vector<16xi1>, vector<16xi32>
      %reduce_max3A_243 = arith.constant true
      %reduce_max3A_244 = vector.broadcast %reduce_max3A_243 : i1 to vector<16xi1>
      %reduce_max3A_245 = arith.constant -2147483648 : i32
      %reduce_max3A_246 = vector.broadcast %reduce_max3A_245 : i32 to vector<16xi32>
      %reduce_max3A_247 = arith.xori %select_n3A_242, %reduce_max3A_246 : vector<16xi32>
      %reduce_max3A_248 = tpu.scan <max>, %reduce_max3A_247 masked %reduce_max3A_244 : vector<16xi32>, vector<16xi1> -> vector<16xi32>
      %reduce_max3A_249 = arith.xori %reduce_max3A_248, %reduce_max3A_246 : vector<16xi32>
      %reduce_max3A_250 = vector.extract %reduce_max3A_249[15] : i32 from vector<16xi32>
      %eq3A_251 = arith.constant 1 : i32
      %eq3A_252 = vector.broadcast %eq3A_251 : i32 to vector<16xi32>
      %eq3A_253 = arith.cmpi eq, %iota3A, %eq3A_252 : vector<16xi32>
      %jit3A_254 = arith.constant -2147483648 : i32
      %broadcast_in_dim3A_255 = vector.broadcast %jit3A_254 : i32 to vector<16xi32>
      %select_n3A_256 = arith.select %eq3A_253, %scan3A_235#0, %broadcast_in_dim3A_255 : vector<16xi1>, vector<16xi32>
      %reduce_max3A_257 = arith.constant true
      %reduce_max3A_258 = vector.broadcast %reduce_max3A_257 : i1 to vector<16xi1>
      %reduce_max3A_259 = arith.constant -2147483648 : i32
      %reduce_max3A_260 = vector.broadcast %reduce_max3A_259 : i32 to vector<16xi32>
      %reduce_max3A_261 = arith.xori %select_n3A_256, %reduce_max3A_260 : vector<16xi32>
      %reduce_max3A_262 = tpu.scan <max>, %reduce_max3A_261 masked %reduce_max3A_258 : vector<16xi32>, vector<16xi1> -> vector<16xi32>
      %reduce_max3A_263 = arith.xori %reduce_max3A_262, %reduce_max3A_260 : vector<16xi32>
      %reduce_max3A_264 = vector.extract %reduce_max3A_263[15] : i32 from vector<16xi32>
      %eq3A_265 = arith.constant 2 : i32
      %eq3A_266 = vector.broadcast %eq3A_265 : i32 to vector<16xi32>
      %eq3A_267 = arith.cmpi eq, %iota3A, %eq3A_266 : vector<16xi32>
      %jit3A_268 = arith.constant -2147483648 : i32
      %broadcast_in_dim3A_269 = vector.broadcast %jit3A_268 : i32 to vector<16xi32>
      %select_n3A_270 = arith.select %eq3A_267, %scan3A_235#0, %broadcast_in_dim3A_269 : vector<16xi1>, vector<16xi32>
      %reduce_max3A_271 = arith.constant true
      %reduce_max3A_272 = vector.broadcast %reduce_max3A_271 : i1 to vector<16xi1>
      %reduce_max3A_273 = arith.constant -2147483648 : i32
      %reduce_max3A_274 = vector.broadcast %reduce_max3A_273 : i32 to vector<16xi32>
      %reduce_max3A_275 = arith.xori %select_n3A_270, %reduce_max3A_274 : vector<16xi32>
      %reduce_max3A_276 = tpu.scan <max>, %reduce_max3A_275 masked %reduce_max3A_272 : vector<16xi32>, vector<16xi1> -> vector<16xi32>
      %reduce_max3A_277 = arith.xori %reduce_max3A_276, %reduce_max3A_274 : vector<16xi32>
      %reduce_max3A_278 = vector.extract %reduce_max3A_277[15] : i32 from vector<16xi32>
      %eq3A_279 = arith.constant 3 : i32
      %eq3A_280 = vector.broadcast %eq3A_279 : i32 to vector<16xi32>
      %eq3A_281 = arith.cmpi eq, %iota3A, %eq3A_280 : vector<16xi32>
      %jit3A_282 = arith.constant -2147483648 : i32
      %broadcast_in_dim3A_283 = vector.broadcast %jit3A_282 : i32 to vector<16xi32>
      %select_n3A_284 = arith.select %eq3A_281, %scan3A_235#0, %broadcast_in_dim3A_283 : vector<16xi1>, vector<16xi32>
      %reduce_max3A_285 = arith.constant true
      %reduce_max3A_286 = vector.broadcast %reduce_max3A_285 : i1 to vector<16xi1>
      %reduce_max3A_287 = arith.constant -2147483648 : i32
      %reduce_max3A_288 = vector.broadcast %reduce_max3A_287 : i32 to vector<16xi32>
      %reduce_max3A_289 = arith.xori %select_n3A_284, %reduce_max3A_288 : vector<16xi32>
      %reduce_max3A_290 = tpu.scan <max>, %reduce_max3A_289 masked %reduce_max3A_286 : vector<16xi32>, vector<16xi1> -> vector<16xi32>
      %reduce_max3A_291 = arith.xori %reduce_max3A_290, %reduce_max3A_288 : vector<16xi32>
      %reduce_max3A_292 = vector.extract %reduce_max3A_291[15] : i32 from vector<16xi32>
      %eq3A_293 = arith.constant 4 : i32
      %eq3A_294 = vector.broadcast %eq3A_293 : i32 to vector<16xi32>
      %eq3A_295 = arith.cmpi eq, %iota3A, %eq3A_294 : vector<16xi32>
      %jit3A_296 = arith.constant -2147483648 : i32
      %broadcast_in_dim3A_297 = vector.broadcast %jit3A_296 : i32 to vector<16xi32>
      %select_n3A_298 = arith.select %eq3A_295, %scan3A_235#0, %broadcast_in_dim3A_297 : vector<16xi1>, vector<16xi32>
      %reduce_max3A_299 = arith.constant true
      %reduce_max3A_300 = vector.broadcast %reduce_max3A_299 : i1 to vector<16xi1>
      %reduce_max3A_301 = arith.constant -2147483648 : i32
      %reduce_max3A_302 = vector.broadcast %reduce_max3A_301 : i32 to vector<16xi32>
      %reduce_max3A_303 = arith.xori %select_n3A_298, %reduce_max3A_302 : vector<16xi32>
      %reduce_max3A_304 = tpu.scan <max>, %reduce_max3A_303 masked %reduce_max3A_300 : vector<16xi32>, vector<16xi1> -> vector<16xi32>
      %reduce_max3A_305 = arith.xori %reduce_max3A_304, %reduce_max3A_302 : vector<16xi32>
      %reduce_max3A_306 = vector.extract %reduce_max3A_305[15] : i32 from vector<16xi32>
      %eq3A_307 = arith.constant 5 : i32
      %eq3A_308 = vector.broadcast %eq3A_307 : i32 to vector<16xi32>
      %eq3A_309 = arith.cmpi eq, %iota3A, %eq3A_308 : vector<16xi32>
      %jit3A_310 = arith.constant -2147483648 : i32
      %broadcast_in_dim3A_311 = vector.broadcast %jit3A_310 : i32 to vector<16xi32>
      %select_n3A_312 = arith.select %eq3A_309, %scan3A_235#0, %broadcast_in_dim3A_311 : vector<16xi1>, vector<16xi32>
      %reduce_max3A_313 = arith.constant true
      %reduce_max3A_314 = vector.broadcast %reduce_max3A_313 : i1 to vector<16xi1>
      %reduce_max3A_315 = arith.constant -2147483648 : i32
      %reduce_max3A_316 = vector.broadcast %reduce_max3A_315 : i32 to vector<16xi32>
      %reduce_max3A_317 = arith.xori %select_n3A_312, %reduce_max3A_316 : vector<16xi32>
      %reduce_max3A_318 = tpu.scan <max>, %reduce_max3A_317 masked %reduce_max3A_314 : vector<16xi32>, vector<16xi1> -> vector<16xi32>
      %reduce_max3A_319 = arith.xori %reduce_max3A_318, %reduce_max3A_316 : vector<16xi32>
      %reduce_max3A_320 = vector.extract %reduce_max3A_319[15] : i32 from vector<16xi32>
      %scan3A_321 = arith.constant 0 : i32
      %scan3A_322 = arith.constant 0 : i32
      %scan3A_323 = arith.constant 384 : i32
      %scan3A_324 = arith.addi %scan3A_322, %scan3A_323 : i32
      %scan3A_325 = arith.constant 1 : i32
      scf.for %scan3A_636 = %scan3A_322 to %scan3A_324 step %scan3A_325  : i32 {
        %mul3A_637 = arith.constant 16 : i32
        %mul3A_638 = arith.muli %scan3A_636, %mul3A_637 : i32
        %swap3A_639 = arith.index_cast %mul3A_638 : i32 to index
        %swap3A_640 = tpu.vector_load %arg14[%swap3A_639] {strides = array<i32>} : memref<6160xi32, #tpu.memory_space<vmem>>, vector<16xi32>,
        tpu.vector_store %arg14[%swap3A_639], %broadcast_in_dim3A_33 {strides = array<i32>} : memref<6160xi32, #tpu.memory_space<vmem>>, vector<16xi32>,
      }
      %scan3A_326 = arith.constant 384 : i32
      %eq3A_327 = arith.constant 0 : i32
      %eq3A_328 = arith.cmpi eq, %squeeze3A, %eq3A_327 : i32
      %convert_element_type3A_329 = arith.extui %eq3A_328 : i1 to i32
      %cond3A_330 = arith.constant 0 : i32
      %cond3A_331 = arith.cmpi ne, %convert_element_type3A_329, %cond3A_330 : i32
      scf.if %cond3A_331 {
        %mul3A_636 = arith.constant 8 : i32
        %mul3A_637 = arith.muli %add3A_82, %mul3A_636 : i32
        "tpu.region"() ({
          %run_scoped3A = tpu.sem_alloc : memref<!tpu.dma_semaphore, #tpu.memory_space<semaphore_mem>>
          %dma_start3A = arith.constant 0 : i32
          %dma_start3A_638 = tpu.memref_slice %arg8[%dma_start3A] : memref<25600xf32, #tpu.memory_space<vmem>> -> memref<12800xf32, #tpu.memory_space<vmem>>
          %dma_start3A_639 = tpu.memref_slice %arg3[%mul3A_637] : memref<52582400xf32, #tpu.memory_space<hbm>> -> memref<12800xf32, #tpu.memory_space<hbm>>
          %dma_start3A_640 = arith.constant 0 : i32
          %dma_start3A_641 = tpu.memref_slice %arg8[%dma_start3A_640] : memref<25600xf32, #tpu.memory_space<vmem>> -> memref<12800xf32, #tpu.memory_space<vmem>>
          %dma_start3A_642 = tpu.memref_slice %arg3[%mul3A_637] : memref<52582400xf32, #tpu.memory_space<hbm>> -> memref<12800xf32, #tpu.memory_space<hbm>>
          tpu.enqueue_dma source(%dma_start3A_642 : memref<12800xf32, #tpu.memory_space<hbm>>) target(%dma_start3A_641 : memref<12800xf32, #tpu.memory_space<vmem>>) target_semaphore(%run_scoped3A : memref<!tpu.dma_semaphore, #tpu.memory_space<semaphore_mem>>)
          %dma_wait3A = arith.constant 0 : i32
          %dma_wait3A_643 = tpu.memref_slice %arg8[%dma_wait3A] : memref<25600xf32, #tpu.memory_space<vmem>> -> memref<12800xf32, #tpu.memory_space<vmem>>
          %dma_wait3A_644 = tpu.memref_slice %arg3[%mul3A_637] : memref<52582400xf32, #tpu.memory_space<hbm>> -> memref<12800xf32, #tpu.memory_space<hbm>>
          %dma_wait3A_645 = arith.constant 0 : i32
          %dma_wait3A_646 = tpu.memref_slice %arg8[%dma_wait3A_645] : memref<25600xf32, #tpu.memory_space<vmem>> -> memref<12800xf32, #tpu.memory_space<vmem>>
          %dma_wait3A_647 = tpu.memref_slice %arg3[%mul3A_637] : memref<52582400xf32, #tpu.memory_space<hbm>> -> memref<12800xf32, #tpu.memory_space<hbm>>
          tpu.wait_dma2 semaphore(%run_scoped3A : memref<!tpu.dma_semaphore, #tpu.memory_space<semaphore_mem>>) src(%dma_wait3A_647 : memref<12800xf32, #tpu.memory_space<hbm>>) dst(%dma_wait3A_646 : memref<12800xf32, #tpu.memory_space<vmem>>)
          tpu.yield
        }) : () -> ()
      } else {
      }
      %ne3A_332 = arith.constant 0 : i32
      %ne3A_333 = arith.cmpi ne, %squeeze3A, %ne3A_332 : i32
      %convert_element_type3A_334 = arith.extui %ne3A_333 : i1 to i32
      %cond3A_335 = arith.constant 0 : i32
      %cond3A_336 = arith.cmpi ne, %convert_element_type3A_334, %cond3A_335 : i32
      scf.if %cond3A_336 {
        %mul3A_636 = arith.constant 8 : i32
        %mul3A_637 = arith.muli %add3A_82, %mul3A_636 : i32
        "tpu.region"() ({
          %run_scoped3A = tpu.sem_alloc : memref<!tpu.dma_semaphore, #tpu.memory_space<semaphore_mem>>
          %dma_start3A = arith.constant 0 : i32
          %dma_start3A_638 = tpu.memref_slice %arg8[%dma_start3A] : memref<25600xf32, #tpu.memory_space<vmem>> -> memref<1024xf32, #tpu.memory_space<vmem>>
          %dma_start3A_639 = tpu.memref_slice %arg2[%mul3A_637] : memref<17408xf32, #tpu.memory_space<hbm>> -> memref<1024xf32, #tpu.memory_space<hbm>>
          %dma_start3A_640 = arith.constant 0 : i32
          %dma_start3A_641 = tpu.memref_slice %arg8[%dma_start3A_640] : memref<25600xf32, #tpu.memory_space<vmem>> -> memref<1024xf32, #tpu.memory_space<vmem>>
          %dma_start3A_642 = tpu.memref_slice %arg2[%mul3A_637] : memref<17408xf32, #tpu.memory_space<hbm>> -> memref<1024xf32, #tpu.memory_space<hbm>>
          tpu.enqueue_dma source(%dma_start3A_642 : memref<1024xf32, #tpu.memory_space<hbm>>) target(%dma_start3A_641 : memref<1024xf32, #tpu.memory_space<vmem>>) target_semaphore(%run_scoped3A : memref<!tpu.dma_semaphore, #tpu.memory_space<semaphore_mem>>)
          %dma_wait3A = arith.constant 0 : i32
          %dma_wait3A_643 = tpu.memref_slice %arg8[%dma_wait3A] : memref<25600xf32, #tpu.memory_space<vmem>> -> memref<1024xf32, #tpu.memory_space<vmem>>
          %dma_wait3A_644 = tpu.memref_slice %arg2[%mul3A_637] : memref<17408xf32, #tpu.memory_space<hbm>> -> memref<1024xf32, #tpu.memory_space<hbm>>
          %dma_wait3A_645 = arith.constant 0 : i32
          %dma_wait3A_646 = tpu.memref_slice %arg8[%dma_wait3A_645] : memref<25600xf32, #tpu.memory_space<vmem>> -> memref<1024xf32, #tpu.memory_space<vmem>>
          %dma_wait3A_647 = tpu.memref_slice %arg2[%mul3A_637] : memref<17408xf32, #tpu.memory_space<hbm>> -> memref<1024xf32, #tpu.memory_space<hbm>>
          tpu.wait_dma2 semaphore(%run_scoped3A : memref<!tpu.dma_semaphore, #tpu.memory_space<semaphore_mem>>) src(%dma_wait3A_647 : memref<1024xf32, #tpu.memory_space<hbm>>) dst(%dma_wait3A_646 : memref<1024xf32, #tpu.memory_space<vmem>>)
          tpu.yield
        }) : () -> ()
      } else {
      }
      %while3A_337 = arith.constant 0 : i32
      %while3A_338 = arith.constant 0 : i32
      %while3A_339 = arith.subi %squeeze3A_64, %while3A_338 : i32
      %while3A_340 = arith.addi %while3A_338, %while3A_339 : i32
      %while3A_341 = arith.constant 1 : i32
      %while3A_342 = arith.divsi %while3A_339, %while3A_341 : i32
      %while3A_343 = arith.muli %while3A_342, %while3A_341 : i32
      %while3A_344 = arith.addi %while3A_338, %while3A_343 : i32
      %while3A_345 = arith.constant 1 : i32
      scf.for %while3A_636 = %while3A_338 to %while3A_344 step %while3A_345  : i32 {
        %add3A_637 = arith.constant 1 : i32
        %add3A_638 = arith.addi %while3A_636, %add3A_637 : i32
        %lt3A_639 = arith.cmpi slt, %add3A_638, %squeeze3A_64 : i32
        %convert_element_type3A_640 = arith.extui %lt3A_639 : i1 to i32
        %cond3A_641 = arith.constant 0 : i32
        %cond3A_642 = arith.cmpi ne, %convert_element_type3A_640, %cond3A_641 : i32
        scf.if %cond3A_642 {
          %add3A_663 = arith.constant 1 : i32
          %add3A_664 = arith.addi %while3A_636, %add3A_663 : i32
          %mul3A_665 = arith.constant 1600 : i32
          %mul3A_666 = arith.muli %add3A_664, %mul3A_665 : i32
          %add3A_667 = arith.addi %add3A_82, %mul3A_666 : i32
          %mul3A_668 = arith.constant 8 : i32
          %mul3A_669 = arith.muli %add3A_667, %mul3A_668 : i32
          %add3A_670 = arith.constant 1 : i32
          %add3A_671 = arith.addi %while3A_636, %add3A_670 : i32
          %and3A_672 = arith.constant 1 : i32
          %and3A_673 = arith.andi %add3A_671, %and3A_672 : i32
          %mul3A_674 = arith.constant 12800 : i32
          %mul3A_675 = arith.muli %and3A_673, %mul3A_674 : i32
          %dma_start3A = tpu.memref_slice %arg8[%mul3A_675] : memref<25600xf32, #tpu.memory_space<vmem>> -> memref<12800xf32, #tpu.memory_space<vmem>>
          %dma_start3A_676 = tpu.memref_slice %arg3[%mul3A_669] : memref<52582400xf32, #tpu.memory_space<hbm>> -> memref<12800xf32, #tpu.memory_space<hbm>>
          %dma_start3A_677 = tpu.memref_slice %arg8[%mul3A_675] : memref<25600xf32, #tpu.memory_space<vmem>> -> memref<12800xf32, #tpu.memory_space<vmem>>
          %dma_start3A_678 = tpu.memref_slice %arg3[%mul3A_669] : memref<52582400xf32, #tpu.memory_space<hbm>> -> memref<12800xf32, #tpu.memory_space<hbm>>
          tpu.enqueue_dma source(%dma_start3A_678 : memref<12800xf32, #tpu.memory_space<hbm>>) target(%dma_start3A_677 : memref<12800xf32, #tpu.memory_space<vmem>>) target_semaphore(%arg16 : memref<!tpu.dma_semaphore, #tpu.memory_space<semaphore_mem>>)
        } else {
        }
        %and3A_643 = arith.constant 1 : i32
        %and3A_644 = arith.andi %while3A_636, %and3A_643 : i32
        %mul3A_645 = arith.constant 12800 : i32
        %mul3A_646 = arith.muli %and3A_644, %mul3A_645 : i32
        %shift_right_logical3A = arith.constant 1 : i32
        %shift_right_logical3A_647 = arith.shrui %squeeze3A_66, %shift_right_logical3A : i32
        %while3A_648 = arith.constant 0 : i32
        %while3A_649 = arith.subi %shift_right_logical3A_647, %while3A_648 : i32
        %while3A_650 = arith.addi %while3A_648, %while3A_649 : i32
        %while3A_651 = arith.constant 1 : i32
        %while3A_652 = arith.divsi %while3A_649, %while3A_651 : i32
        %while3A_653 = arith.muli %while3A_652, %while3A_651 : i32
        %while3A_654 = arith.addi %while3A_648, %while3A_653 : i32
        %while3A_655 = arith.constant 1 : i32
        scf.for %while3A_663 = %while3A_648 to %while3A_654 step %while3A_655  : i32 {
          %mul3A_664 = arith.constant 2 : i32
          %mul3A_665 = arith.muli %while3A_663, %mul3A_664 : i32
          %add3A_666 = arith.addi %squeeze3A_68, %mul3A_665 : i32
          %mul3A_667 = arith.constant 16 : i32
          %mul3A_668 = arith.muli %add3A_666, %mul3A_667 : i32
          %get3A_669 = arith.index_cast %mul3A_668 : i32 to index
          %get3A_670 = tpu.vector_load %arg9[%get3A_669] {strides = array<i32>} : memref<17408xi32, #tpu.memory_space<vmem>>, vector<16xi32>,
          %add3A_671 = vector.broadcast %mul3A_646 : i32 to vector<16xi32>
          %add3A_672 = arith.addi %get3A_670, %add3A_671 : vector<16xi32>
          %add3A_673 = arith.constant 16 : i32
          %add3A_674 = arith.addi %mul3A_668, %add3A_673 : i32
          %get3A_675 = arith.index_cast %add3A_674 : i32 to index
          %get3A_676 = tpu.vector_load %arg9[%get3A_675] {strides = array<i32>} : memref<17408xi32, #tpu.memory_space<vmem>>, vector<16xi32>,
          %add3A_677 = vector.broadcast %mul3A_646 : i32 to vector<16xi32>
          %add3A_678 = arith.addi %get3A_676, %add3A_677 : vector<16xi32>
          %gather3A = tpu.vector_load_idx %arg8[%add3A_672] : memref<25600xf32, #tpu.memory_space<vmem>>[vector<16xi32>], vector<16xf32>,
          %bitcast3A_679 = vector.bitcast %gather3A : vector<16xf32> to vector<16xi32>
          %shift_right_arithmetic3A = arith.constant 31 : i32
          %shift_right_arithmetic3A_680 = vector.broadcast %shift_right_arithmetic3A : i32 to vector<16xi32>
          %shift_right_arithmetic3A_681 = arith.shrsi %bitcast3A_679, %shift_right_arithmetic3A_680 : vector<16xi32>
          %or3A_682 = arith.constant -2147483648 : i32
          %or3A_683 = vector.broadcast %or3A_682 : i32 to vector<16xi32>
          %or3A_684 = arith.ori %shift_right_arithmetic3A_681, %or3A_683 : vector<16xi32>
          %xor3A = arith.xori %bitcast3A_679, %or3A_684 : vector<16xi32>
          %shift_right_logical3A_685 = arith.constant 21 : i32
          %shift_right_logical3A_686 = vector.broadcast %shift_right_logical3A_685 : i32 to vector<16xi32>
          %shift_right_logical3A_687 = arith.shrui %xor3A, %shift_right_logical3A_686 : vector<16xi32>
          %shift_right_logical3A_688 = arith.constant 10 : i32
          %shift_right_logical3A_689 = vector.broadcast %shift_right_logical3A_688 : i32 to vector<16xi32>
          %shift_right_logical3A_690 = arith.shrui %xor3A, %shift_right_logical3A_689 : vector<16xi32>
          %and3A_691 = arith.constant 2047 : i32
          %and3A_692 = vector.broadcast %and3A_691 : i32 to vector<16xi32>
          %and3A_693 = arith.andi %shift_right_logical3A_690, %and3A_692 : vector<16xi32>
          %and3A_694 = arith.constant 1023 : i32
          %and3A_695 = vector.broadcast %and3A_694 : i32 to vector<16xi32>
          %and3A_696 = arith.andi %xor3A, %and3A_695 : vector<16xi32>
          %add3A_697 = arith.constant 0 : i32
          %add3A_698 = vector.broadcast %add3A_697 : i32 to vector<16xi32>
          %add3A_699 = arith.addi %add3A_698, %and3A_696 : vector<16xi32>
          %eq3A_700 = vector.broadcast %reduce_max3A_134 : i32 to vector<16xi32>
          %eq3A_701 = arith.cmpi eq, %shift_right_logical3A_687, %eq3A_700 : vector<16xi32>
          %eq3A_702 = vector.broadcast %reduce_max3A_250 : i32 to vector<16xi32>
          %eq3A_703 = arith.cmpi eq, %and3A_693, %eq3A_702 : vector<16xi32>
          %and3A_704 = arith.andi %eq3A_701, %eq3A_703 : vector<16xi1>
          tpu.vector_store_idx %arg14[%add3A_699], %broadcast_in_dim3A_31 masked %and3A_704 {add = true} : memref<6160xi32, #tpu.memory_space<vmem>>[vector<16xi32>], vector<16xi32>, vector<16xi1>
          %add3A_705 = arith.constant 1024 : i32
          %add3A_706 = vector.broadcast %add3A_705 : i32 to vector<16xi32>
          %add3A_707 = arith.addi %add3A_706, %and3A_696 : vector<16xi32>
          %eq3A_708 = vector.broadcast %reduce_max3A_148 : i32 to vector<16xi32>
          %eq3A_709 = arith.cmpi eq, %shift_right_logical3A_687, %eq3A_708 : vector<16xi32>
          %eq3A_710 = vector.broadcast %reduce_max3A_264 : i32 to vector<16xi32>
          %eq3A_711 = arith.cmpi eq, %and3A_693, %eq3A_710 : vector<16xi32>
          %and3A_712 = arith.andi %eq3A_709, %eq3A_711 : vector<16xi1>
          tpu.vector_store_idx %arg14[%add3A_707], %broadcast_in_dim3A_31 masked %and3A_712 {add = true} : memref<6160xi32, #tpu.memory_space<vmem>>[vector<16xi32>], vector<16xi32>, vector<16xi1>
          %add3A_713 = arith.constant 2048 : i32
          %add3A_714 = vector.broadcast %add3A_713 : i32 to vector<16xi32>
          %add3A_715 = arith.addi %add3A_714, %and3A_696 : vector<16xi32>
          %eq3A_716 = vector.broadcast %reduce_max3A_162 : i32 to vector<16xi32>
          %eq3A_717 = arith.cmpi eq, %shift_right_logical3A_687, %eq3A_716 : vector<16xi32>
          %eq3A_718 = vector.broadcast %reduce_max3A_278 : i32 to vector<16xi32>
          %eq3A_719 = arith.cmpi eq, %and3A_693, %eq3A_718 : vector<16xi32>
          %and3A_720 = arith.andi %eq3A_717, %eq3A_719 : vector<16xi1>
          tpu.vector_store_idx %arg14[%add3A_715], %broadcast_in_dim3A_31 masked %and3A_720 {add = true} : memref<6160xi32, #tpu.memory_space<vmem>>[vector<16xi32>], vector<16xi32>, vector<16xi1>
          %add3A_721 = arith.constant 3072 : i32
          %add3A_722 = vector.broadcast %add3A_721 : i32 to vector<16xi32>
          %add3A_723 = arith.addi %add3A_722, %and3A_696 : vector<16xi32>
          %eq3A_724 = vector.broadcast %reduce_max3A_176 : i32 to vector<16xi32>
          %eq3A_725 = arith.cmpi eq, %shift_right_logical3A_687, %eq3A_724 : vector<16xi32>
          %eq3A_726 = vector.broadcast %reduce_max3A_292 : i32 to vector<16xi32>
          %eq3A_727 = arith.cmpi eq, %and3A_693, %eq3A_726 : vector<16xi32>
          %and3A_728 = arith.andi %eq3A_725, %eq3A_727 : vector<16xi1>
          tpu.vector_store_idx %arg14[%add3A_723], %broadcast_in_dim3A_31 masked %and3A_728 {add = true} : memref<6160xi32, #tpu.memory_space<vmem>>[vector<16xi32>], vector<16xi32>, vector<16xi1>
          %add3A_729 = arith.constant 4096 : i32
          %add3A_730 = vector.broadcast %add3A_729 : i32 to vector<16xi32>
          %add3A_731 = arith.addi %add3A_730, %and3A_696 : vector<16xi32>
          %eq3A_732 = vector.broadcast %reduce_max3A_190 : i32 to vector<16xi32>
          %eq3A_733 = arith.cmpi eq, %shift_right_logical3A_687, %eq3A_732 : vector<16xi32>
          %eq3A_734 = vector.broadcast %reduce_max3A_306 : i32 to vector<16xi32>
          %eq3A_735 = arith.cmpi eq, %and3A_693, %eq3A_734 : vector<16xi32>
          %and3A_736 = arith.andi %eq3A_733, %eq3A_735 : vector<16xi1>
          tpu.vector_store_idx %arg14[%add3A_731], %broadcast_in_dim3A_31 masked %and3A_736 {add = true} : memref<6160xi32, #tpu.memory_space<vmem>>[vector<16xi32>], vector<16xi32>, vector<16xi1>
          %add3A_737 = arith.constant 5120 : i32
          %add3A_738 = vector.broadcast %add3A_737 : i32 to vector<16xi32>
          %add3A_739 = arith.addi %add3A_738, %and3A_696 : vector<16xi32>
          %eq3A_740 = vector.broadcast %reduce_max3A_204 : i32 to vector<16xi32>
          %eq3A_741 = arith.cmpi eq, %shift_right_logical3A_687, %eq3A_740 : vector<16xi32>
          %eq3A_742 = vector.broadcast %reduce_max3A_320 : i32 to vector<16xi32>
          %eq3A_743 = arith.cmpi eq, %and3A_693, %eq3A_742 : vector<16xi32>
          %and3A_744 = arith.andi %eq3A_741, %eq3A_743 : vector<16xi1>
          tpu.vector_store_idx %arg14[%add3A_739], %broadcast_in_dim3A_31 masked %and3A_744 {add = true} : memref<6160xi32, #tpu.memory_space<vmem>>[vector<16xi32>], vector<16xi32>, vector<16xi1>
          %gather3A_745 = tpu.vector_load_idx %arg8[%add3A_678] : memref<25600xf32, #tpu.memory_space<vmem>>[vector<16xi32>], vector<16xf32>,
          %bitcast3A_746 = vector.bitcast %gather3A_745 : vector<16xf32> to vector<16xi32>
          %shift_right_arithmetic3A_747 = arith.constant 31 : i32
          %shift_right_arithmetic3A_748 = vector.broadcast %shift_right_arithmetic3A_747 : i32 to vector<16xi32>
          %shift_right_arithmetic3A_749 = arith.shrsi %bitcast3A_746, %shift_right_arithmetic3A_748 : vector<16xi32>
          %or3A_750 = arith.constant -2147483648 : i32
          %or3A_751 = vector.broadcast %or3A_750 : i32 to vector<16xi32>
          %or3A_752 = arith.ori %shift_right_arithmetic3A_749, %or3A_751 : vector<16xi32>
          %xor3A_753 = arith.xori %bitcast3A_746, %or3A_752 : vector<16xi32>
          %shift_right_logical3A_754 = arith.constant 21 : i32
          %shift_right_logical3A_755 = vector.broadcast %shift_right_logical3A_754 : i32 to vector<16xi32>
          %shift_right_logical3A_756 = arith.shrui %xor3A_753, %shift_right_logical3A_755 : vector<16xi32>
          %shift_right_logical3A_757 = arith.constant 10 : i32
          %shift_right_logical3A_758 = vector.broadcast %shift_right_logical3A_757 : i32 to vector<16xi32>
          %shift_right_logical3A_759 = arith.shrui %xor3A_753, %shift_right_logical3A_758 : vector<16xi32>
          %and3A_760 = arith.constant 2047 : i32
          %and3A_761 = vector.broadcast %and3A_760 : i32 to vector<16xi32>
          %and3A_762 = arith.andi %shift_right_logical3A_759, %and3A_761 : vector<16xi32>
          %and3A_763 = arith.constant 1023 : i32
          %and3A_764 = vector.broadcast %and3A_763 : i32 to vector<16xi32>
          %and3A_765 = arith.andi %xor3A_753, %and3A_764 : vector<16xi32>
          %add3A_766 = arith.constant 0 : i32
          %add3A_767 = vector.broadcast %add3A_766 : i32 to vector<16xi32>
          %add3A_768 = arith.addi %add3A_767, %and3A_765 : vector<16xi32>
          %eq3A_769 = vector.broadcast %reduce_max3A_134 : i32 to vector<16xi32>
          %eq3A_770 = arith.cmpi eq, %shift_right_logical3A_756, %eq3A_769 : vector<16xi32>
          %eq3A_771 = vector.broadcast %reduce_max3A_250 : i32 to vector<16xi32>
          %eq3A_772 = arith.cmpi eq, %and3A_762, %eq3A_771 : vector<16xi32>
          %and3A_773 = arith.andi %eq3A_770, %eq3A_772 : vector<16xi1>
          tpu.vector_store_idx %arg14[%add3A_768], %broadcast_in_dim3A_31 masked %and3A_773 {add = true} : memref<6160xi32, #tpu.memory_space<vmem>>[vector<16xi32>], vector<16xi32>, vector<16xi1>
          %add3A_774 = arith.constant 1024 : i32
          %add3A_775 = vector.broadcast %add3A_774 : i32 to vector<16xi32>
          %add3A_776 = arith.addi %add3A_775, %and3A_765 : vector<16xi32>
          %eq3A_777 = vector.broadcast %reduce_max3A_148 : i32 to vector<16xi32>
          %eq3A_778 = arith.cmpi eq, %shift_right_logical3A_756, %eq3A_777 : vector<16xi32>
          %eq3A_779 = vector.broadcast %reduce_max3A_264 : i32 to vector<16xi32>
          %eq3A_780 = arith.cmpi eq, %and3A_762, %eq3A_779 : vector<16xi32>
          %and3A_781 = arith.andi %eq3A_778, %eq3A_780 : vector<16xi1>
          tpu.vector_store_idx %arg14[%add3A_776], %broadcast_in_dim3A_31 masked %and3A_781 {add = true} : memref<6160xi32, #tpu.memory_space<vmem>>[vector<16xi32>], vector<16xi32>, vector<16xi1>
          %add3A_782 = arith.constant 2048 : i32
          %add3A_783 = vector.broadcast %add3A_782 : i32 to vector<16xi32>
          %add3A_784 = arith.addi %add3A_783, %and3A_765 : vector<16xi32>
          %eq3A_785 = vector.broadcast %reduce_max3A_162 : i32 to vector<16xi32>
          %eq3A_786 = arith.cmpi eq, %shift_right_logical3A_756, %eq3A_785 : vector<16xi32>
          %eq3A_787 = vector.broadcast %reduce_max3A_278 : i32 to vector<16xi32>
          %eq3A_788 = arith.cmpi eq, %and3A_762, %eq3A_787 : vector<16xi32>
          %and3A_789 = arith.andi %eq3A_786, %eq3A_788 : vector<16xi1>
          tpu.vector_store_idx %arg14[%add3A_784], %broadcast_in_dim3A_31 masked %and3A_789 {add = true} : memref<6160xi32, #tpu.memory_space<vmem>>[vector<16xi32>], vector<16xi32>, vector<16xi1>
          %add3A_790 = arith.constant 3072 : i32
          %add3A_791 = vector.broadcast %add3A_790 : i32 to vector<16xi32>
          %add3A_792 = arith.addi %add3A_791, %and3A_765 : vector<16xi32>
          %eq3A_793 = vector.broadcast %reduce_max3A_176 : i32 to vector<16xi32>
          %eq3A_794 = arith.cmpi eq, %shift_right_logical3A_756, %eq3A_793 : vector<16xi32>
          %eq3A_795 = vector.broadcast %reduce_max3A_292 : i32 to vector<16xi32>
          %eq3A_796 = arith.cmpi eq, %and3A_762, %eq3A_795 : vector<16xi32>
          %and3A_797 = arith.andi %eq3A_794, %eq3A_796 : vector<16xi1>
          tpu.vector_store_idx %arg14[%add3A_792], %broadcast_in_dim3A_31 masked %and3A_797 {add = true} : memref<6160xi32, #tpu.memory_space<vmem>>[vector<16xi32>], vector<16xi32>, vector<16xi1>
          %add3A_798 = arith.constant 4096 : i32
          %add3A_799 = vector.broadcast %add3A_798 : i32 to vector<16xi32>
          %add3A_800 = arith.addi %add3A_799, %and3A_765 : vector<16xi32>
          %eq3A_801 = vector.broadcast %reduce_max3A_190 : i32 to vector<16xi32>
          %eq3A_802 = arith.cmpi eq, %shift_right_logical3A_756, %eq3A_801 : vector<16xi32>
          %eq3A_803 = vector.broadcast %reduce_max3A_306 : i32 to vector<16xi32>
          %eq3A_804 = arith.cmpi eq, %and3A_762, %eq3A_803 : vector<16xi32>
          %and3A_805 = arith.andi %eq3A_802, %eq3A_804 : vector<16xi1>
          tpu.vector_store_idx %arg14[%add3A_800], %broadcast_in_dim3A_31 masked %and3A_805 {add = true} : memref<6160xi32, #tpu.memory_space<vmem>>[vector<16xi32>], vector<16xi32>, vector<16xi1>
          %add3A_806 = arith.constant 5120 : i32
          %add3A_807 = vector.broadcast %add3A_806 : i32 to vector<16xi32>
          %add3A_808 = arith.addi %add3A_807, %and3A_765 : vector<16xi32>
          %eq3A_809 = vector.broadcast %reduce_max3A_204 : i32 to vector<16xi32>
          %eq3A_810 = arith.cmpi eq, %shift_right_logical3A_756, %eq3A_809 : vector<16xi32>
          %eq3A_811 = vector.broadcast %reduce_max3A_320 : i32 to vector<16xi32>
          %eq3A_812 = arith.cmpi eq, %and3A_762, %eq3A_811 : vector<16xi32>
          %and3A_813 = arith.andi %eq3A_810, %eq3A_812 : vector<16xi1>
          tpu.vector_store_idx %arg14[%add3A_808], %broadcast_in_dim3A_31 masked %and3A_813 {add = true} : memref<6160xi32, #tpu.memory_space<vmem>>[vector<16xi32>], vector<16xi32>, vector<16xi1>
        }
        %while3A_656 = arith.constant 1 : i32
        scf.for %while3A_663 = %while3A_654 to %while3A_650 step %while3A_656  : i32 {
          %mul3A_664 = arith.constant 2 : i32
          %mul3A_665 = arith.muli %while3A_663, %mul3A_664 : i32
          %add3A_666 = arith.addi %squeeze3A_68, %mul3A_665 : i32
          %mul3A_667 = arith.constant 16 : i32
          %mul3A_668 = arith.muli %add3A_666, %mul3A_667 : i32
          %get3A_669 = arith.index_cast %mul3A_668 : i32 to index
          %get3A_670 = tpu.vector_load %arg9[%get3A_669] {strides = array<i32>} : memref<17408xi32, #tpu.memory_space<vmem>>, vector<16xi32>,
          %add3A_671 = vector.broadcast %mul3A_646 : i32 to vector<16xi32>
          %add3A_672 = arith.addi %get3A_670, %add3A_671 : vector<16xi32>
          %add3A_673 = arith.constant 16 : i32
          %add3A_674 = arith.addi %mul3A_668, %add3A_673 : i32
          %get3A_675 = arith.index_cast %add3A_674 : i32 to index
          %get3A_676 = tpu.vector_load %arg9[%get3A_675] {strides = array<i32>} : memref<17408xi32, #tpu.memory_space<vmem>>, vector<16xi32>,
          %add3A_677 = vector.broadcast %mul3A_646 : i32 to vector<16xi32>
          %add3A_678 = arith.addi %get3A_676, %add3A_677 : vector<16xi32>
          %gather3A = tpu.vector_load_idx %arg8[%add3A_672] : memref<25600xf32, #tpu.memory_space<vmem>>[vector<16xi32>], vector<16xf32>,
          %bitcast3A_679 = vector.bitcast %gather3A : vector<16xf32> to vector<16xi32>
          %shift_right_arithmetic3A = arith.constant 31 : i32
          %shift_right_arithmetic3A_680 = vector.broadcast %shift_right_arithmetic3A : i32 to vector<16xi32>
          %shift_right_arithmetic3A_681 = arith.shrsi %bitcast3A_679, %shift_right_arithmetic3A_680 : vector<16xi32>
          %or3A_682 = arith.constant -2147483648 : i32
          %or3A_683 = vector.broadcast %or3A_682 : i32 to vector<16xi32>
          %or3A_684 = arith.ori %shift_right_arithmetic3A_681, %or3A_683 : vector<16xi32>
          %xor3A = arith.xori %bitcast3A_679, %or3A_684 : vector<16xi32>
          %shift_right_logical3A_685 = arith.constant 21 : i32
          %shift_right_logical3A_686 = vector.broadcast %shift_right_logical3A_685 : i32 to vector<16xi32>
          %shift_right_logical3A_687 = arith.shrui %xor3A, %shift_right_logical3A_686 : vector<16xi32>
          %shift_right_logical3A_688 = arith.constant 10 : i32
          %shift_right_logical3A_689 = vector.broadcast %shift_right_logical3A_688 : i32 to vector<16xi32>
          %shift_right_logical3A_690 = arith.shrui %xor3A, %shift_right_logical3A_689 : vector<16xi32>
          %and3A_691 = arith.constant 2047 : i32
          %and3A_692 = vector.broadcast %and3A_691 : i32 to vector<16xi32>
          %and3A_693 = arith.andi %shift_right_logical3A_690, %and3A_692 : vector<16xi32>
          %and3A_694 = arith.constant 1023 : i32
          %and3A_695 = vector.broadcast %and3A_694 : i32 to vector<16xi32>
          %and3A_696 = arith.andi %xor3A, %and3A_695 : vector<16xi32>
          %add3A_697 = arith.constant 0 : i32
          %add3A_698 = vector.broadcast %add3A_697 : i32 to vector<16xi32>
          %add3A_699 = arith.addi %add3A_698, %and3A_696 : vector<16xi32>
          %eq3A_700 = vector.broadcast %reduce_max3A_134 : i32 to vector<16xi32>
          %eq3A_701 = arith.cmpi eq, %shift_right_logical3A_687, %eq3A_700 : vector<16xi32>
          %eq3A_702 = vector.broadcast %reduce_max3A_250 : i32 to vector<16xi32>
          %eq3A_703 = arith.cmpi eq, %and3A_693, %eq3A_702 : vector<16xi32>
          %and3A_704 = arith.andi %eq3A_701, %eq3A_703 : vector<16xi1>
          tpu.vector_store_idx %arg14[%add3A_699], %broadcast_in_dim3A_31 masked %and3A_704 {add = true} : memref<6160xi32, #tpu.memory_space<vmem>>[vector<16xi32>], vector<16xi32>, vector<16xi1>
          %add3A_705 = arith.constant 1024 : i32
          %add3A_706 = vector.broadcast %add3A_705 : i32 to vector<16xi32>
          %add3A_707 = arith.addi %add3A_706, %and3A_696 : vector<16xi32>
          %eq3A_708 = vector.broadcast %reduce_max3A_148 : i32 to vector<16xi32>
          %eq3A_709 = arith.cmpi eq, %shift_right_logical3A_687, %eq3A_708 : vector<16xi32>
          %eq3A_710 = vector.broadcast %reduce_max3A_264 : i32 to vector<16xi32>
          %eq3A_711 = arith.cmpi eq, %and3A_693, %eq3A_710 : vector<16xi32>
          %and3A_712 = arith.andi %eq3A_709, %eq3A_711 : vector<16xi1>
          tpu.vector_store_idx %arg14[%add3A_707], %broadcast_in_dim3A_31 masked %and3A_712 {add = true} : memref<6160xi32, #tpu.memory_space<vmem>>[vector<16xi32>], vector<16xi32>, vector<16xi1>
          %add3A_713 = arith.constant 2048 : i32
          %add3A_714 = vector.broadcast %add3A_713 : i32 to vector<16xi32>
          %add3A_715 = arith.addi %add3A_714, %and3A_696 : vector<16xi32>
          %eq3A_716 = vector.broadcast %reduce_max3A_162 : i32 to vector<16xi32>
          %eq3A_717 = arith.cmpi eq, %shift_right_logical3A_687, %eq3A_716 : vector<16xi32>
          %eq3A_718 = vector.broadcast %reduce_max3A_278 : i32 to vector<16xi32>
          %eq3A_719 = arith.cmpi eq, %and3A_693, %eq3A_718 : vector<16xi32>
          %and3A_720 = arith.andi %eq3A_717, %eq3A_719 : vector<16xi1>
          tpu.vector_store_idx %arg14[%add3A_715], %broadcast_in_dim3A_31 masked %and3A_720 {add = true} : memref<6160xi32, #tpu.memory_space<vmem>>[vector<16xi32>], vector<16xi32>, vector<16xi1>
          %add3A_721 = arith.constant 3072 : i32
          %add3A_722 = vector.broadcast %add3A_721 : i32 to vector<16xi32>
          %add3A_723 = arith.addi %add3A_722, %and3A_696 : vector<16xi32>
          %eq3A_724 = vector.broadcast %reduce_max3A_176 : i32 to vector<16xi32>
          %eq3A_725 = arith.cmpi eq, %shift_right_logical3A_687, %eq3A_724 : vector<16xi32>
          %eq3A_726 = vector.broadcast %reduce_max3A_292 : i32 to vector<16xi32>
          %eq3A_727 = arith.cmpi eq, %and3A_693, %eq3A_726 : vector<16xi32>
          %and3A_728 = arith.andi %eq3A_725, %eq3A_727 : vector<16xi1>
          tpu.vector_store_idx %arg14[%add3A_723], %broadcast_in_dim3A_31 masked %and3A_728 {add = true} : memref<6160xi32, #tpu.memory_space<vmem>>[vector<16xi32>], vector<16xi32>, vector<16xi1>
          %add3A_729 = arith.constant 4096 : i32
          %add3A_730 = vector.broadcast %add3A_729 : i32 to vector<16xi32>
          %add3A_731 = arith.addi %add3A_730, %and3A_696 : vector<16xi32>
          %eq3A_732 = vector.broadcast %reduce_max3A_190 : i32 to vector<16xi32>
          %eq3A_733 = arith.cmpi eq, %shift_right_logical3A_687, %eq3A_732 : vector<16xi32>
          %eq3A_734 = vector.broadcast %reduce_max3A_306 : i32 to vector<16xi32>
          %eq3A_735 = arith.cmpi eq, %and3A_693, %eq3A_734 : vector<16xi32>
          %and3A_736 = arith.andi %eq3A_733, %eq3A_735 : vector<16xi1>
          tpu.vector_store_idx %arg14[%add3A_731], %broadcast_in_dim3A_31 masked %and3A_736 {add = true} : memref<6160xi32, #tpu.memory_space<vmem>>[vector<16xi32>], vector<16xi32>, vector<16xi1>
          %add3A_737 = arith.constant 5120 : i32
          %add3A_738 = vector.broadcast %add3A_737 : i32 to vector<16xi32>
          %add3A_739 = arith.addi %add3A_738, %and3A_696 : vector<16xi32>
          %eq3A_740 = vector.broadcast %reduce_max3A_204 : i32 to vector<16xi32>
          %eq3A_741 = arith.cmpi eq, %shift_right_logical3A_687, %eq3A_740 : vector<16xi32>
          %eq3A_742 = vector.broadcast %reduce_max3A_320 : i32 to vector<16xi32>
          %eq3A_743 = arith.cmpi eq, %and3A_693, %eq3A_742 : vector<16xi32>
          %and3A_744 = arith.andi %eq3A_741, %eq3A_743 : vector<16xi1>
          tpu.vector_store_idx %arg14[%add3A_739], %broadcast_in_dim3A_31 masked %and3A_744 {add = true} : memref<6160xi32, #tpu.memory_space<vmem>>[vector<16xi32>], vector<16xi32>, vector<16xi1>
          %gather3A_745 = tpu.vector_load_idx %arg8[%add3A_678] : memref<25600xf32, #tpu.memory_space<vmem>>[vector<16xi32>], vector<16xf32>,
          %bitcast3A_746 = vector.bitcast %gather3A_745 : vector<16xf32> to vector<16xi32>
          %shift_right_arithmetic3A_747 = arith.constant 31 : i32
          %shift_right_arithmetic3A_748 = vector.broadcast %shift_right_arithmetic3A_747 : i32 to vector<16xi32>
          %shift_right_arithmetic3A_749 = arith.shrsi %bitcast3A_746, %shift_right_arithmetic3A_748 : vector<16xi32>
          %or3A_750 = arith.constant -2147483648 : i32
          %or3A_751 = vector.broadcast %or3A_750 : i32 to vector<16xi32>
          %or3A_752 = arith.ori %shift_right_arithmetic3A_749, %or3A_751 : vector<16xi32>
          %xor3A_753 = arith.xori %bitcast3A_746, %or3A_752 : vector<16xi32>
          %shift_right_logical3A_754 = arith.constant 21 : i32
          %shift_right_logical3A_755 = vector.broadcast %shift_right_logical3A_754 : i32 to vector<16xi32>
          %shift_right_logical3A_756 = arith.shrui %xor3A_753, %shift_right_logical3A_755 : vector<16xi32>
          %shift_right_logical3A_757 = arith.constant 10 : i32
          %shift_right_logical3A_758 = vector.broadcast %shift_right_logical3A_757 : i32 to vector<16xi32>
          %shift_right_logical3A_759 = arith.shrui %xor3A_753, %shift_right_logical3A_758 : vector<16xi32>
          %and3A_760 = arith.constant 2047 : i32
          %and3A_761 = vector.broadcast %and3A_760 : i32 to vector<16xi32>
          %and3A_762 = arith.andi %shift_right_logical3A_759, %and3A_761 : vector<16xi32>
          %and3A_763 = arith.constant 1023 : i32
          %and3A_764 = vector.broadcast %and3A_763 : i32 to vector<16xi32>
          %and3A_765 = arith.andi %xor3A_753, %and3A_764 : vector<16xi32>
          %add3A_766 = arith.constant 0 : i32
          %add3A_767 = vector.broadcast %add3A_766 : i32 to vector<16xi32>
          %add3A_768 = arith.addi %add3A_767, %and3A_765 : vector<16xi32>
          %eq3A_769 = vector.broadcast %reduce_max3A_134 : i32 to vector<16xi32>
          %eq3A_770 = arith.cmpi eq, %shift_right_logical3A_756, %eq3A_769 : vector<16xi32>
          %eq3A_771 = vector.broadcast %reduce_max3A_250 : i32 to vector<16xi32>
          %eq3A_772 = arith.cmpi eq, %and3A_762, %eq3A_771 : vector<16xi32>
          %and3A_773 = arith.andi %eq3A_770, %eq3A_772 : vector<16xi1>
          tpu.vector_store_idx %arg14[%add3A_768], %broadcast_in_dim3A_31 masked %and3A_773 {add = true} : memref<6160xi32, #tpu.memory_space<vmem>>[vector<16xi32>], vector<16xi32>, vector<16xi1>
          %add3A_774 = arith.constant 1024 : i32
          %add3A_775 = vector.broadcast %add3A_774 : i32 to vector<16xi32>
          %add3A_776 = arith.addi %add3A_775, %and3A_765 : vector<16xi32>
          %eq3A_777 = vector.broadcast %reduce_max3A_148 : i32 to vector<16xi32>
          %eq3A_778 = arith.cmpi eq, %shift_right_logical3A_756, %eq3A_777 : vector<16xi32>
          %eq3A_779 = vector.broadcast %reduce_max3A_264 : i32 to vector<16xi32>
          %eq3A_780 = arith.cmpi eq, %and3A_762, %eq3A_779 : vector<16xi32>
          %and3A_781 = arith.andi %eq3A_778, %eq3A_780 : vector<16xi1>
          tpu.vector_store_idx %arg14[%add3A_776], %broadcast_in_dim3A_31 masked %and3A_781 {add = true} : memref<6160xi32, #tpu.memory_space<vmem>>[vector<16xi32>], vector<16xi32>, vector<16xi1>
          %add3A_782 = arith.constant 2048 : i32
          %add3A_783 = vector.broadcast %add3A_782 : i32 to vector<16xi32>
          %add3A_784 = arith.addi %add3A_783, %and3A_765 : vector<16xi32>
          %eq3A_785 = vector.broadcast %reduce_max3A_162 : i32 to vector<16xi32>
          %eq3A_786 = arith.cmpi eq, %shift_right_logical3A_756, %eq3A_785 : vector<16xi32>
          %eq3A_787 = vector.broadcast %reduce_max3A_278 : i32 to vector<16xi32>
          %eq3A_788 = arith.cmpi eq, %and3A_762, %eq3A_787 : vector<16xi32>
          %and3A_789 = arith.andi %eq3A_786, %eq3A_788 : vector<16xi1>
          tpu.vector_store_idx %arg14[%add3A_784], %broadcast_in_dim3A_31 masked %and3A_789 {add = true} : memref<6160xi32, #tpu.memory_space<vmem>>[vector<16xi32>], vector<16xi32>, vector<16xi1>
          %add3A_790 = arith.constant 3072 : i32
          %add3A_791 = vector.broadcast %add3A_790 : i32 to vector<16xi32>
          %add3A_792 = arith.addi %add3A_791, %and3A_765 : vector<16xi32>
          %eq3A_793 = vector.broadcast %reduce_max3A_176 : i32 to vector<16xi32>
          %eq3A_794 = arith.cmpi eq, %shift_right_logical3A_756, %eq3A_793 : vector<16xi32>
          %eq3A_795 = vector.broadcast %reduce_max3A_292 : i32 to vector<16xi32>
          %eq3A_796 = arith.cmpi eq, %and3A_762, %eq3A_795 : vector<16xi32>
          %and3A_797 = arith.andi %eq3A_794, %eq3A_796 : vector<16xi1>
          tpu.vector_store_idx %arg14[%add3A_792], %broadcast_in_dim3A_31 masked %and3A_797 {add = true} : memref<6160xi32, #tpu.memory_space<vmem>>[vector<16xi32>], vector<16xi32>, vector<16xi1>
          %add3A_798 = arith.constant 4096 : i32
          %add3A_799 = vector.broadcast %add3A_798 : i32 to vector<16xi32>
          %add3A_800 = arith.addi %add3A_799, %and3A_765 : vector<16xi32>
          %eq3A_801 = vector.broadcast %reduce_max3A_190 : i32 to vector<16xi32>
          %eq3A_802 = arith.cmpi eq, %shift_right_logical3A_756, %eq3A_801 : vector<16xi32>
          %eq3A_803 = vector.broadcast %reduce_max3A_306 : i32 to vector<16xi32>
          %eq3A_804 = arith.cmpi eq, %and3A_762, %eq3A_803 : vector<16xi32>
          %and3A_805 = arith.andi %eq3A_802, %eq3A_804 : vector<16xi1>
          tpu.vector_store_idx %arg14[%add3A_800], %broadcast_in_dim3A_31 masked %and3A_805 {add = true} : memref<6160xi32, #tpu.memory_space<vmem>>[vector<16xi32>], vector<16xi32>, vector<16xi1>
          %add3A_806 = arith.constant 5120 : i32
          %add3A_807 = vector.broadcast %add3A_806 : i32 to vector<16xi32>
          %add3A_808 = arith.addi %add3A_807, %and3A_765 : vector<16xi32>
          %eq3A_809 = vector.broadcast %reduce_max3A_204 : i32 to vector<16xi32>
          %eq3A_810 = arith.cmpi eq, %shift_right_logical3A_756, %eq3A_809 : vector<16xi32>
          %eq3A_811 = vector.broadcast %reduce_max3A_320 : i32 to vector<16xi32>
          %eq3A_812 = arith.cmpi eq, %and3A_762, %eq3A_811 : vector<16xi32>
          %and3A_813 = arith.andi %eq3A_810, %eq3A_812 : vector<16xi1>
          tpu.vector_store_idx %arg14[%add3A_808], %broadcast_in_dim3A_31 masked %and3A_813 {add = true} : memref<6160xi32, #tpu.memory_space<vmem>>[vector<16xi32>], vector<16xi32>, vector<16xi1>
        }
        %add3A_657 = arith.constant 1 : i32
        %add3A_658 = arith.addi %while3A_636, %add3A_657 : i32
        %lt3A_659 = arith.cmpi slt, %add3A_658, %squeeze3A_64 : i32
        %convert_element_type3A_660 = arith.extui %lt3A_659 : i1 to i32
        %cond3A_661 = arith.constant 0 : i32
        %cond3A_662 = arith.cmpi ne, %convert_element_type3A_660, %cond3A_661 : i32
        scf.if %cond3A_662 {
          %add3A_663 = arith.constant 1 : i32
          %add3A_664 = arith.addi %while3A_636, %add3A_663 : i32
          %mul3A_665 = arith.constant 1600 : i32
          %mul3A_666 = arith.muli %add3A_664, %mul3A_665 : i32
          %add3A_667 = arith.addi %add3A_82, %mul3A_666 : i32
          %mul3A_668 = arith.constant 8 : i32
          %mul3A_669 = arith.muli %add3A_667, %mul3A_668 : i32
          %add3A_670 = arith.constant 1 : i32
          %add3A_671 = arith.addi %while3A_636, %add3A_670 : i32
          %and3A_672 = arith.constant 1 : i32
          %and3A_673 = arith.andi %add3A_671, %and3A_672 : i32
          %mul3A_674 = arith.constant 12800 : i32
          %mul3A_675 = arith.muli %and3A_673, %mul3A_674 : i32
          %dma_wait3A = tpu.memref_slice %arg8[%mul3A_675] : memref<25600xf32, #tpu.memory_space<vmem>> -> memref<12800xf32, #tpu.memory_space<vmem>>
          %dma_wait3A_676 = tpu.memref_slice %arg3[%mul3A_669] : memref<52582400xf32, #tpu.memory_space<hbm>> -> memref<12800xf32, #tpu.memory_space<hbm>>
          %dma_wait3A_677 = tpu.memref_slice %arg8[%mul3A_675] : memref<25600xf32, #tpu.memory_space<vmem>> -> memref<12800xf32, #tpu.memory_space<vmem>>
          %dma_wait3A_678 = tpu.memref_slice %arg3[%mul3A_669] : memref<52582400xf32, #tpu.memory_space<hbm>> -> memref<12800xf32, #tpu.memory_space<hbm>>
          tpu.wait_dma2 semaphore(%arg16 : memref<!tpu.dma_semaphore, #tpu.memory_space<semaphore_mem>>) src(%dma_wait3A_678 : memref<12800xf32, #tpu.memory_space<hbm>>) dst(%dma_wait3A_677 : memref<12800xf32, #tpu.memory_space<vmem>>)
        } else {
        }
      }
      %while3A_346 = arith.constant 1 : i32
      scf.for %while3A_636 = %while3A_344 to %while3A_340 step %while3A_346  : i32 {
        %add3A_637 = arith.constant 1 : i32
        %add3A_638 = arith.addi %while3A_636, %add3A_637 : i32
        %lt3A_639 = arith.cmpi slt, %add3A_638, %squeeze3A_64 : i32
        %convert_element_type3A_640 = arith.extui %lt3A_639 : i1 to i32
        %cond3A_641 = arith.constant 0 : i32
        %cond3A_642 = arith.cmpi ne, %convert_element_type3A_640, %cond3A_641 : i32
        scf.if %cond3A_642 {
          %add3A_663 = arith.constant 1 : i32
          %add3A_664 = arith.addi %while3A_636, %add3A_663 : i32
          %mul3A_665 = arith.constant 1600 : i32
          %mul3A_666 = arith.muli %add3A_664, %mul3A_665 : i32
          %add3A_667 = arith.addi %add3A_82, %mul3A_666 : i32
          %mul3A_668 = arith.constant 8 : i32
          %mul3A_669 = arith.muli %add3A_667, %mul3A_668 : i32
          %add3A_670 = arith.constant 1 : i32
          %add3A_671 = arith.addi %while3A_636, %add3A_670 : i32
          %and3A_672 = arith.constant 1 : i32
          %and3A_673 = arith.andi %add3A_671, %and3A_672 : i32
          %mul3A_674 = arith.constant 12800 : i32
          %mul3A_675 = arith.muli %and3A_673, %mul3A_674 : i32
          %dma_start3A = tpu.memref_slice %arg8[%mul3A_675] : memref<25600xf32, #tpu.memory_space<vmem>> -> memref<12800xf32, #tpu.memory_space<vmem>>
          %dma_start3A_676 = tpu.memref_slice %arg3[%mul3A_669] : memref<52582400xf32, #tpu.memory_space<hbm>> -> memref<12800xf32, #tpu.memory_space<hbm>>
          %dma_start3A_677 = tpu.memref_slice %arg8[%mul3A_675] : memref<25600xf32, #tpu.memory_space<vmem>> -> memref<12800xf32, #tpu.memory_space<vmem>>
          %dma_start3A_678 = tpu.memref_slice %arg3[%mul3A_669] : memref<52582400xf32, #tpu.memory_space<hbm>> -> memref<12800xf32, #tpu.memory_space<hbm>>
          tpu.enqueue_dma source(%dma_start3A_678 : memref<12800xf32, #tpu.memory_space<hbm>>) target(%dma_start3A_677 : memref<12800xf32, #tpu.memory_space<vmem>>) target_semaphore(%arg16 : memref<!tpu.dma_semaphore, #tpu.memory_space<semaphore_mem>>)
        } else {
        }
        %and3A_643 = arith.constant 1 : i32
        %and3A_644 = arith.andi %while3A_636, %and3A_643 : i32
        %mul3A_645 = arith.constant 12800 : i32
        %mul3A_646 = arith.muli %and3A_644, %mul3A_645 : i32
        %shift_right_logical3A = arith.constant 1 : i32
        %shift_right_logical3A_647 = arith.shrui %squeeze3A_66, %shift_right_logical3A : i32
        %while3A_648 = arith.constant 0 : i32
        %while3A_649 = arith.subi %shift_right_logical3A_647, %while3A_648 : i32
        %while3A_650 = arith.addi %while3A_648, %while3A_649 : i32
        %while3A_651 = arith.constant 1 : i32
        %while3A_652 = arith.divsi %while3A_649, %while3A_651 : i32
        %while3A_653 = arith.muli %while3A_652, %while3A_651 : i32
        %while3A_654 = arith.addi %while3A_648, %while3A_653 : i32
        %while3A_655 = arith.constant 1 : i32
        scf.for %while3A_663 = %while3A_648 to %while3A_654 step %while3A_655  : i32 {
          %mul3A_664 = arith.constant 2 : i32
          %mul3A_665 = arith.muli %while3A_663, %mul3A_664 : i32
          %add3A_666 = arith.addi %squeeze3A_68, %mul3A_665 : i32
          %mul3A_667 = arith.constant 16 : i32
          %mul3A_668 = arith.muli %add3A_666, %mul3A_667 : i32
          %get3A_669 = arith.index_cast %mul3A_668 : i32 to index
          %get3A_670 = tpu.vector_load %arg9[%get3A_669] {strides = array<i32>} : memref<17408xi32, #tpu.memory_space<vmem>>, vector<16xi32>,
          %add3A_671 = vector.broadcast %mul3A_646 : i32 to vector<16xi32>
          %add3A_672 = arith.addi %get3A_670, %add3A_671 : vector<16xi32>
          %add3A_673 = arith.constant 16 : i32
          %add3A_674 = arith.addi %mul3A_668, %add3A_673 : i32
          %get3A_675 = arith.index_cast %add3A_674 : i32 to index
          %get3A_676 = tpu.vector_load %arg9[%get3A_675] {strides = array<i32>} : memref<17408xi32, #tpu.memory_space<vmem>>, vector<16xi32>,
          %add3A_677 = vector.broadcast %mul3A_646 : i32 to vector<16xi32>
          %add3A_678 = arith.addi %get3A_676, %add3A_677 : vector<16xi32>
          %gather3A = tpu.vector_load_idx %arg8[%add3A_672] : memref<25600xf32, #tpu.memory_space<vmem>>[vector<16xi32>], vector<16xf32>,
          %bitcast3A_679 = vector.bitcast %gather3A : vector<16xf32> to vector<16xi32>
          %shift_right_arithmetic3A = arith.constant 31 : i32
          %shift_right_arithmetic3A_680 = vector.broadcast %shift_right_arithmetic3A : i32 to vector<16xi32>
          %shift_right_arithmetic3A_681 = arith.shrsi %bitcast3A_679, %shift_right_arithmetic3A_680 : vector<16xi32>
          %or3A_682 = arith.constant -2147483648 : i32
          %or3A_683 = vector.broadcast %or3A_682 : i32 to vector<16xi32>
          %or3A_684 = arith.ori %shift_right_arithmetic3A_681, %or3A_683 : vector<16xi32>
          %xor3A = arith.xori %bitcast3A_679, %or3A_684 : vector<16xi32>
          %shift_right_logical3A_685 = arith.constant 21 : i32
          %shift_right_logical3A_686 = vector.broadcast %shift_right_logical3A_685 : i32 to vector<16xi32>
          %shift_right_logical3A_687 = arith.shrui %xor3A, %shift_right_logical3A_686 : vector<16xi32>
          %shift_right_logical3A_688 = arith.constant 10 : i32
          %shift_right_logical3A_689 = vector.broadcast %shift_right_logical3A_688 : i32 to vector<16xi32>
          %shift_right_logical3A_690 = arith.shrui %xor3A, %shift_right_logical3A_689 : vector<16xi32>
          %and3A_691 = arith.constant 2047 : i32
          %and3A_692 = vector.broadcast %and3A_691 : i32 to vector<16xi32>
          %and3A_693 = arith.andi %shift_right_logical3A_690, %and3A_692 : vector<16xi32>
          %and3A_694 = arith.constant 1023 : i32
          %and3A_695 = vector.broadcast %and3A_694 : i32 to vector<16xi32>
          %and3A_696 = arith.andi %xor3A, %and3A_695 : vector<16xi32>
          %add3A_697 = arith.constant 0 : i32
          %add3A_698 = vector.broadcast %add3A_697 : i32 to vector<16xi32>
          %add3A_699 = arith.addi %add3A_698, %and3A_696 : vector<16xi32>
          %eq3A_700 = vector.broadcast %reduce_max3A_134 : i32 to vector<16xi32>
          %eq3A_701 = arith.cmpi eq, %shift_right_logical3A_687, %eq3A_700 : vector<16xi32>
          %eq3A_702 = vector.broadcast %reduce_max3A_250 : i32 to vector<16xi32>
          %eq3A_703 = arith.cmpi eq, %and3A_693, %eq3A_702 : vector<16xi32>
          %and3A_704 = arith.andi %eq3A_701, %eq3A_703 : vector<16xi1>
          tpu.vector_store_idx %arg14[%add3A_699], %broadcast_in_dim3A_31 masked %and3A_704 {add = true} : memref<6160xi32, #tpu.memory_space<vmem>>[vector<16xi32>], vector<16xi32>, vector<16xi1>
          %add3A_705 = arith.constant 1024 : i32
          %add3A_706 = vector.broadcast %add3A_705 : i32 to vector<16xi32>
          %add3A_707 = arith.addi %add3A_706, %and3A_696 : vector<16xi32>
          %eq3A_708 = vector.broadcast %reduce_max3A_148 : i32 to vector<16xi32>
          %eq3A_709 = arith.cmpi eq, %shift_right_logical3A_687, %eq3A_708 : vector<16xi32>
          %eq3A_710 = vector.broadcast %reduce_max3A_264 : i32 to vector<16xi32>
          %eq3A_711 = arith.cmpi eq, %and3A_693, %eq3A_710 : vector<16xi32>
          %and3A_712 = arith.andi %eq3A_709, %eq3A_711 : vector<16xi1>
          tpu.vector_store_idx %arg14[%add3A_707], %broadcast_in_dim3A_31 masked %and3A_712 {add = true} : memref<6160xi32, #tpu.memory_space<vmem>>[vector<16xi32>], vector<16xi32>, vector<16xi1>
          %add3A_713 = arith.constant 2048 : i32
          %add3A_714 = vector.broadcast %add3A_713 : i32 to vector<16xi32>
          %add3A_715 = arith.addi %add3A_714, %and3A_696 : vector<16xi32>
          %eq3A_716 = vector.broadcast %reduce_max3A_162 : i32 to vector<16xi32>
          %eq3A_717 = arith.cmpi eq, %shift_right_logical3A_687, %eq3A_716 : vector<16xi32>
          %eq3A_718 = vector.broadcast %reduce_max3A_278 : i32 to vector<16xi32>
          %eq3A_719 = arith.cmpi eq, %and3A_693, %eq3A_718 : vector<16xi32>
          %and3A_720 = arith.andi %eq3A_717, %eq3A_719 : vector<16xi1>
          tpu.vector_store_idx %arg14[%add3A_715], %broadcast_in_dim3A_31 masked %and3A_720 {add = true} : memref<6160xi32, #tpu.memory_space<vmem>>[vector<16xi32>], vector<16xi32>, vector<16xi1>
          %add3A_721 = arith.constant 3072 : i32
          %add3A_722 = vector.broadcast %add3A_721 : i32 to vector<16xi32>
          %add3A_723 = arith.addi %add3A_722, %and3A_696 : vector<16xi32>
          %eq3A_724 = vector.broadcast %reduce_max3A_176 : i32 to vector<16xi32>
          %eq3A_725 = arith.cmpi eq, %shift_right_logical3A_687, %eq3A_724 : vector<16xi32>
          %eq3A_726 = vector.broadcast %reduce_max3A_292 : i32 to vector<16xi32>
          %eq3A_727 = arith.cmpi eq, %and3A_693, %eq3A_726 : vector<16xi32>
          %and3A_728 = arith.andi %eq3A_725, %eq3A_727 : vector<16xi1>
          tpu.vector_store_idx %arg14[%add3A_723], %broadcast_in_dim3A_31 masked %and3A_728 {add = true} : memref<6160xi32, #tpu.memory_space<vmem>>[vector<16xi32>], vector<16xi32>, vector<16xi1>
          %add3A_729 = arith.constant 4096 : i32
          %add3A_730 = vector.broadcast %add3A_729 : i32 to vector<16xi32>
          %add3A_731 = arith.addi %add3A_730, %and3A_696 : vector<16xi32>
          %eq3A_732 = vector.broadcast %reduce_max3A_190 : i32 to vector<16xi32>
          %eq3A_733 = arith.cmpi eq, %shift_right_logical3A_687, %eq3A_732 : vector<16xi32>
          %eq3A_734 = vector.broadcast %reduce_max3A_306 : i32 to vector<16xi32>
          %eq3A_735 = arith.cmpi eq, %and3A_693, %eq3A_734 : vector<16xi32>
          %and3A_736 = arith.andi %eq3A_733, %eq3A_735 : vector<16xi1>
          tpu.vector_store_idx %arg14[%add3A_731], %broadcast_in_dim3A_31 masked %and3A_736 {add = true} : memref<6160xi32, #tpu.memory_space<vmem>>[vector<16xi32>], vector<16xi32>, vector<16xi1>
          %add3A_737 = arith.constant 5120 : i32
          %add3A_738 = vector.broadcast %add3A_737 : i32 to vector<16xi32>
          %add3A_739 = arith.addi %add3A_738, %and3A_696 : vector<16xi32>
          %eq3A_740 = vector.broadcast %reduce_max3A_204 : i32 to vector<16xi32>
          %eq3A_741 = arith.cmpi eq, %shift_right_logical3A_687, %eq3A_740 : vector<16xi32>
          %eq3A_742 = vector.broadcast %reduce_max3A_320 : i32 to vector<16xi32>
          %eq3A_743 = arith.cmpi eq, %and3A_693, %eq3A_742 : vector<16xi32>
          %and3A_744 = arith.andi %eq3A_741, %eq3A_743 : vector<16xi1>
          tpu.vector_store_idx %arg14[%add3A_739], %broadcast_in_dim3A_31 masked %and3A_744 {add = true} : memref<6160xi32, #tpu.memory_space<vmem>>[vector<16xi32>], vector<16xi32>, vector<16xi1>
          %gather3A_745 = tpu.vector_load_idx %arg8[%add3A_678] : memref<25600xf32, #tpu.memory_space<vmem>>[vector<16xi32>], vector<16xf32>,
          %bitcast3A_746 = vector.bitcast %gather3A_745 : vector<16xf32> to vector<16xi32>
          %shift_right_arithmetic3A_747 = arith.constant 31 : i32
          %shift_right_arithmetic3A_748 = vector.broadcast %shift_right_arithmetic3A_747 : i32 to vector<16xi32>
          %shift_right_arithmetic3A_749 = arith.shrsi %bitcast3A_746, %shift_right_arithmetic3A_748 : vector<16xi32>
          %or3A_750 = arith.constant -2147483648 : i32
          %or3A_751 = vector.broadcast %or3A_750 : i32 to vector<16xi32>
          %or3A_752 = arith.ori %shift_right_arithmetic3A_749, %or3A_751 : vector<16xi32>
          %xor3A_753 = arith.xori %bitcast3A_746, %or3A_752 : vector<16xi32>
          %shift_right_logical3A_754 = arith.constant 21 : i32
          %shift_right_logical3A_755 = vector.broadcast %shift_right_logical3A_754 : i32 to vector<16xi32>
          %shift_right_logical3A_756 = arith.shrui %xor3A_753, %shift_right_logical3A_755 : vector<16xi32>
          %shift_right_logical3A_757 = arith.constant 10 : i32
          %shift_right_logical3A_758 = vector.broadcast %shift_right_logical3A_757 : i32 to vector<16xi32>
          %shift_right_logical3A_759 = arith.shrui %xor3A_753, %shift_right_logical3A_758 : vector<16xi32>
          %and3A_760 = arith.constant 2047 : i32
          %and3A_761 = vector.broadcast %and3A_760 : i32 to vector<16xi32>
          %and3A_762 = arith.andi %shift_right_logical3A_759, %and3A_761 : vector<16xi32>
          %and3A_763 = arith.constant 1023 : i32
          %and3A_764 = vector.broadcast %and3A_763 : i32 to vector<16xi32>
          %and3A_765 = arith.andi %xor3A_753, %and3A_764 : vector<16xi32>
          %add3A_766 = arith.constant 0 : i32
          %add3A_767 = vector.broadcast %add3A_766 : i32 to vector<16xi32>
          %add3A_768 = arith.addi %add3A_767, %and3A_765 : vector<16xi32>
          %eq3A_769 = vector.broadcast %reduce_max3A_134 : i32 to vector<16xi32>
          %eq3A_770 = arith.cmpi eq, %shift_right_logical3A_756, %eq3A_769 : vector<16xi32>
          %eq3A_771 = vector.broadcast %reduce_max3A_250 : i32 to vector<16xi32>
          %eq3A_772 = arith.cmpi eq, %and3A_762, %eq3A_771 : vector<16xi32>
          %and3A_773 = arith.andi %eq3A_770, %eq3A_772 : vector<16xi1>
          tpu.vector_store_idx %arg14[%add3A_768], %broadcast_in_dim3A_31 masked %and3A_773 {add = true} : memref<6160xi32, #tpu.memory_space<vmem>>[vector<16xi32>], vector<16xi32>, vector<16xi1>
          %add3A_774 = arith.constant 1024 : i32
          %add3A_775 = vector.broadcast %add3A_774 : i32 to vector<16xi32>
          %add3A_776 = arith.addi %add3A_775, %and3A_765 : vector<16xi32>
          %eq3A_777 = vector.broadcast %reduce_max3A_148 : i32 to vector<16xi32>
          %eq3A_778 = arith.cmpi eq, %shift_right_logical3A_756, %eq3A_777 : vector<16xi32>
          %eq3A_779 = vector.broadcast %reduce_max3A_264 : i32 to vector<16xi32>
          %eq3A_780 = arith.cmpi eq, %and3A_762, %eq3A_779 : vector<16xi32>
          %and3A_781 = arith.andi %eq3A_778, %eq3A_780 : vector<16xi1>
          tpu.vector_store_idx %arg14[%add3A_776], %broadcast_in_dim3A_31 masked %and3A_781 {add = true} : memref<6160xi32, #tpu.memory_space<vmem>>[vector<16xi32>], vector<16xi32>, vector<16xi1>
          %add3A_782 = arith.constant 2048 : i32
          %add3A_783 = vector.broadcast %add3A_782 : i32 to vector<16xi32>
          %add3A_784 = arith.addi %add3A_783, %and3A_765 : vector<16xi32>
          %eq3A_785 = vector.broadcast %reduce_max3A_162 : i32 to vector<16xi32>
          %eq3A_786 = arith.cmpi eq, %shift_right_logical3A_756, %eq3A_785 : vector<16xi32>
          %eq3A_787 = vector.broadcast %reduce_max3A_278 : i32 to vector<16xi32>
          %eq3A_788 = arith.cmpi eq, %and3A_762, %eq3A_787 : vector<16xi32>
          %and3A_789 = arith.andi %eq3A_786, %eq3A_788 : vector<16xi1>
          tpu.vector_store_idx %arg14[%add3A_784], %broadcast_in_dim3A_31 masked %and3A_789 {add = true} : memref<6160xi32, #tpu.memory_space<vmem>>[vector<16xi32>], vector<16xi32>, vector<16xi1>
          %add3A_790 = arith.constant 3072 : i32
          %add3A_791 = vector.broadcast %add3A_790 : i32 to vector<16xi32>
          %add3A_792 = arith.addi %add3A_791, %and3A_765 : vector<16xi32>
          %eq3A_793 = vector.broadcast %reduce_max3A_176 : i32 to vector<16xi32>
          %eq3A_794 = arith.cmpi eq, %shift_right_logical3A_756, %eq3A_793 : vector<16xi32>
          %eq3A_795 = vector.broadcast %reduce_max3A_292 : i32 to vector<16xi32>
          %eq3A_796 = arith.cmpi eq, %and3A_762, %eq3A_795 : vector<16xi32>
          %and3A_797 = arith.andi %eq3A_794, %eq3A_796 : vector<16xi1>
          tpu.vector_store_idx %arg14[%add3A_792], %broadcast_in_dim3A_31 masked %and3A_797 {add = true} : memref<6160xi32, #tpu.memory_space<vmem>>[vector<16xi32>], vector<16xi32>, vector<16xi1>
          %add3A_798 = arith.constant 4096 : i32
          %add3A_799 = vector.broadcast %add3A_798 : i32 to vector<16xi32>
          %add3A_800 = arith.addi %add3A_799, %and3A_765 : vector<16xi32>
          %eq3A_801 = vector.broadcast %reduce_max3A_190 : i32 to vector<16xi32>
          %eq3A_802 = arith.cmpi eq, %shift_right_logical3A_756, %eq3A_801 : vector<16xi32>
          %eq3A_803 = vector.broadcast %reduce_max3A_306 : i32 to vector<16xi32>
          %eq3A_804 = arith.cmpi eq, %and3A_762, %eq3A_803 : vector<16xi32>
          %and3A_805 = arith.andi %eq3A_802, %eq3A_804 : vector<16xi1>
          tpu.vector_store_idx %arg14[%add3A_800], %broadcast_in_dim3A_31 masked %and3A_805 {add = true} : memref<6160xi32, #tpu.memory_space<vmem>>[vector<16xi32>], vector<16xi32>, vector<16xi1>
          %add3A_806 = arith.constant 5120 : i32
          %add3A_807 = vector.broadcast %add3A_806 : i32 to vector<16xi32>
          %add3A_808 = arith.addi %add3A_807, %and3A_765 : vector<16xi32>
          %eq3A_809 = vector.broadcast %reduce_max3A_204 : i32 to vector<16xi32>
          %eq3A_810 = arith.cmpi eq, %shift_right_logical3A_756, %eq3A_809 : vector<16xi32>
          %eq3A_811 = vector.broadcast %reduce_max3A_320 : i32 to vector<16xi32>
          %eq3A_812 = arith.cmpi eq, %and3A_762, %eq3A_811 : vector<16xi32>
          %and3A_813 = arith.andi %eq3A_810, %eq3A_812 : vector<16xi1>
          tpu.vector_store_idx %arg14[%add3A_808], %broadcast_in_dim3A_31 masked %and3A_813 {add = true} : memref<6160xi32, #tpu.memory_space<vmem>>[vector<16xi32>], vector<16xi32>, vector<16xi1>
        }
        %while3A_656 = arith.constant 1 : i32
        scf.for %while3A_663 = %while3A_654 to %while3A_650 step %while3A_656  : i32 {
          %mul3A_664 = arith.constant 2 : i32
          %mul3A_665 = arith.muli %while3A_663, %mul3A_664 : i32
          %add3A_666 = arith.addi %squeeze3A_68, %mul3A_665 : i32
          %mul3A_667 = arith.constant 16 : i32
          %mul3A_668 = arith.muli %add3A_666, %mul3A_667 : i32
          %get3A_669 = arith.index_cast %mul3A_668 : i32 to index
          %get3A_670 = tpu.vector_load %arg9[%get3A_669] {strides = array<i32>} : memref<17408xi32, #tpu.memory_space<vmem>>, vector<16xi32>,
          %add3A_671 = vector.broadcast %mul3A_646 : i32 to vector<16xi32>
          %add3A_672 = arith.addi %get3A_670, %add3A_671 : vector<16xi32>
          %add3A_673 = arith.constant 16 : i32
          %add3A_674 = arith.addi %mul3A_668, %add3A_673 : i32
          %get3A_675 = arith.index_cast %add3A_674 : i32 to index
          %get3A_676 = tpu.vector_load %arg9[%get3A_675] {strides = array<i32>} : memref<17408xi32, #tpu.memory_space<vmem>>, vector<16xi32>,
          %add3A_677 = vector.broadcast %mul3A_646 : i32 to vector<16xi32>
          %add3A_678 = arith.addi %get3A_676, %add3A_677 : vector<16xi32>
          %gather3A = tpu.vector_load_idx %arg8[%add3A_672] : memref<25600xf32, #tpu.memory_space<vmem>>[vector<16xi32>], vector<16xf32>,
          %bitcast3A_679 = vector.bitcast %gather3A : vector<16xf32> to vector<16xi32>
          %shift_right_arithmetic3A = arith.constant 31 : i32
          %shift_right_arithmetic3A_680 = vector.broadcast %shift_right_arithmetic3A : i32 to vector<16xi32>
          %shift_right_arithmetic3A_681 = arith.shrsi %bitcast3A_679, %shift_right_arithmetic3A_680 : vector<16xi32>
          %or3A_682 = arith.constant -2147483648 : i32
          %or3A_683 = vector.broadcast %or3A_682 : i32 to vector<16xi32>
          %or3A_684 = arith.ori %shift_right_arithmetic3A_681, %or3A_683 : vector<16xi32>
          %xor3A = arith.xori %bitcast3A_679, %or3A_684 : vector<16xi32>
          %shift_right_logical3A_685 = arith.constant 21 : i32
          %shift_right_logical3A_686 = vector.broadcast %shift_right_logical3A_685 : i32 to vector<16xi32>
          %shift_right_logical3A_687 = arith.shrui %xor3A, %shift_right_logical3A_686 : vector<16xi32>
          %shift_right_logical3A_688 = arith.constant 10 : i32
          %shift_right_logical3A_689 = vector.broadcast %shift_right_logical3A_688 : i32 to vector<16xi32>
          %shift_right_logical3A_690 = arith.shrui %xor3A, %shift_right_logical3A_689 : vector<16xi32>
          %and3A_691 = arith.constant 2047 : i32
          %and3A_692 = vector.broadcast %and3A_691 : i32 to vector<16xi32>
          %and3A_693 = arith.andi %shift_right_logical3A_690, %and3A_692 : vector<16xi32>
          %and3A_694 = arith.constant 1023 : i32
          %and3A_695 = vector.broadcast %and3A_694 : i32 to vector<16xi32>
          %and3A_696 = arith.andi %xor3A, %and3A_695 : vector<16xi32>
          %add3A_697 = arith.constant 0 : i32
          %add3A_698 = vector.broadcast %add3A_697 : i32 to vector<16xi32>
          %add3A_699 = arith.addi %add3A_698, %and3A_696 : vector<16xi32>
          %eq3A_700 = vector.broadcast %reduce_max3A_134 : i32 to vector<16xi32>
          %eq3A_701 = arith.cmpi eq, %shift_right_logical3A_687, %eq3A_700 : vector<16xi32>
          %eq3A_702 = vector.broadcast %reduce_max3A_250 : i32 to vector<16xi32>
          %eq3A_703 = arith.cmpi eq, %and3A_693, %eq3A_702 : vector<16xi32>
          %and3A_704 = arith.andi %eq3A_701, %eq3A_703 : vector<16xi1>
          tpu.vector_store_idx %arg14[%add3A_699], %broadcast_in_dim3A_31 masked %and3A_704 {add = true} : memref<6160xi32, #tpu.memory_space<vmem>>[vector<16xi32>], vector<16xi32>, vector<16xi1>
          %add3A_705 = arith.constant 1024 : i32
          %add3A_706 = vector.broadcast %add3A_705 : i32 to vector<16xi32>
          %add3A_707 = arith.addi %add3A_706, %and3A_696 : vector<16xi32>
          %eq3A_708 = vector.broadcast %reduce_max3A_148 : i32 to vector<16xi32>
          %eq3A_709 = arith.cmpi eq, %shift_right_logical3A_687, %eq3A_708 : vector<16xi32>
          %eq3A_710 = vector.broadcast %reduce_max3A_264 : i32 to vector<16xi32>
          %eq3A_711 = arith.cmpi eq, %and3A_693, %eq3A_710 : vector<16xi32>
          %and3A_712 = arith.andi %eq3A_709, %eq3A_711 : vector<16xi1>
          tpu.vector_store_idx %arg14[%add3A_707], %broadcast_in_dim3A_31 masked %and3A_712 {add = true} : memref<6160xi32, #tpu.memory_space<vmem>>[vector<16xi32>], vector<16xi32>, vector<16xi1>
          %add3A_713 = arith.constant 2048 : i32
          %add3A_714 = vector.broadcast %add3A_713 : i32 to vector<16xi32>
          %add3A_715 = arith.addi %add3A_714, %and3A_696 : vector<16xi32>
          %eq3A_716 = vector.broadcast %reduce_max3A_162 : i32 to vector<16xi32>
          %eq3A_717 = arith.cmpi eq, %shift_right_logical3A_687, %eq3A_716 : vector<16xi32>
          %eq3A_718 = vector.broadcast %reduce_max3A_278 : i32 to vector<16xi32>
          %eq3A_719 = arith.cmpi eq, %and3A_693, %eq3A_718 : vector<16xi32>
          %and3A_720 = arith.andi %eq3A_717, %eq3A_719 : vector<16xi1>
          tpu.vector_store_idx %arg14[%add3A_715], %broadcast_in_dim3A_31 masked %and3A_720 {add = true} : memref<6160xi32, #tpu.memory_space<vmem>>[vector<16xi32>], vector<16xi32>, vector<16xi1>
          %add3A_721 = arith.constant 3072 : i32
          %add3A_722 = vector.broadcast %add3A_721 : i32 to vector<16xi32>
          %add3A_723 = arith.addi %add3A_722, %and3A_696 : vector<16xi32>
          %eq3A_724 = vector.broadcast %reduce_max3A_176 : i32 to vector<16xi32>
          %eq3A_725 = arith.cmpi eq, %shift_right_logical3A_687, %eq3A_724 : vector<16xi32>
          %eq3A_726 = vector.broadcast %reduce_max3A_292 : i32 to vector<16xi32>
          %eq3A_727 = arith.cmpi eq, %and3A_693, %eq3A_726 : vector<16xi32>
          %and3A_728 = arith.andi %eq3A_725, %eq3A_727 : vector<16xi1>
          tpu.vector_store_idx %arg14[%add3A_723], %broadcast_in_dim3A_31 masked %and3A_728 {add = true} : memref<6160xi32, #tpu.memory_space<vmem>>[vector<16xi32>], vector<16xi32>, vector<16xi1>
          %add3A_729 = arith.constant 4096 : i32
          %add3A_730 = vector.broadcast %add3A_729 : i32 to vector<16xi32>
          %add3A_731 = arith.addi %add3A_730, %and3A_696 : vector<16xi32>
          %eq3A_732 = vector.broadcast %reduce_max3A_190 : i32 to vector<16xi32>
          %eq3A_733 = arith.cmpi eq, %shift_right_logical3A_687, %eq3A_732 : vector<16xi32>
          %eq3A_734 = vector.broadcast %reduce_max3A_306 : i32 to vector<16xi32>
          %eq3A_735 = arith.cmpi eq, %and3A_693, %eq3A_734 : vector<16xi32>
          %and3A_736 = arith.andi %eq3A_733, %eq3A_735 : vector<16xi1>
          tpu.vector_store_idx %arg14[%add3A_731], %broadcast_in_dim3A_31 masked %and3A_736 {add = true} : memref<6160xi32, #tpu.memory_space<vmem>>[vector<16xi32>], vector<16xi32>, vector<16xi1>
          %add3A_737 = arith.constant 5120 : i32
          %add3A_738 = vector.broadcast %add3A_737 : i32 to vector<16xi32>
          %add3A_739 = arith.addi %add3A_738, %and3A_696 : vector<16xi32>
          %eq3A_740 = vector.broadcast %reduce_max3A_204 : i32 to vector<16xi32>
          %eq3A_741 = arith.cmpi eq, %shift_right_logical3A_687, %eq3A_740 : vector<16xi32>
          %eq3A_742 = vector.broadcast %reduce_max3A_320 : i32 to vector<16xi32>
          %eq3A_743 = arith.cmpi eq, %and3A_693, %eq3A_742 : vector<16xi32>
          %and3A_744 = arith.andi %eq3A_741, %eq3A_743 : vector<16xi1>
          tpu.vector_store_idx %arg14[%add3A_739], %broadcast_in_dim3A_31 masked %and3A_744 {add = true} : memref<6160xi32, #tpu.memory_space<vmem>>[vector<16xi32>], vector<16xi32>, vector<16xi1>
          %gather3A_745 = tpu.vector_load_idx %arg8[%add3A_678] : memref<25600xf32, #tpu.memory_space<vmem>>[vector<16xi32>], vector<16xf32>,
          %bitcast3A_746 = vector.bitcast %gather3A_745 : vector<16xf32> to vector<16xi32>
          %shift_right_arithmetic3A_747 = arith.constant 31 : i32
          %shift_right_arithmetic3A_748 = vector.broadcast %shift_right_arithmetic3A_747 : i32 to vector<16xi32>
          %shift_right_arithmetic3A_749 = arith.shrsi %bitcast3A_746, %shift_right_arithmetic3A_748 : vector<16xi32>
          %or3A_750 = arith.constant -2147483648 : i32
          %or3A_751 = vector.broadcast %or3A_750 : i32 to vector<16xi32>
          %or3A_752 = arith.ori %shift_right_arithmetic3A_749, %or3A_751 : vector<16xi32>
          %xor3A_753 = arith.xori %bitcast3A_746, %or3A_752 : vector<16xi32>
          %shift_right_logical3A_754 = arith.constant 21 : i32
          %shift_right_logical3A_755 = vector.broadcast %shift_right_logical3A_754 : i32 to vector<16xi32>
          %shift_right_logical3A_756 = arith.shrui %xor3A_753, %shift_right_logical3A_755 : vector<16xi32>
          %shift_right_logical3A_757 = arith.constant 10 : i32
          %shift_right_logical3A_758 = vector.broadcast %shift_right_logical3A_757 : i32 to vector<16xi32>
          %shift_right_logical3A_759 = arith.shrui %xor3A_753, %shift_right_logical3A_758 : vector<16xi32>
          %and3A_760 = arith.constant 2047 : i32
          %and3A_761 = vector.broadcast %and3A_760 : i32 to vector<16xi32>
          %and3A_762 = arith.andi %shift_right_logical3A_759, %and3A_761 : vector<16xi32>
          %and3A_763 = arith.constant 1023 : i32
          %and3A_764 = vector.broadcast %and3A_763 : i32 to vector<16xi32>
          %and3A_765 = arith.andi %xor3A_753, %and3A_764 : vector<16xi32>
          %add3A_766 = arith.constant 0 : i32
          %add3A_767 = vector.broadcast %add3A_766 : i32 to vector<16xi32>
          %add3A_768 = arith.addi %add3A_767, %and3A_765 : vector<16xi32>
          %eq3A_769 = vector.broadcast %reduce_max3A_134 : i32 to vector<16xi32>
          %eq3A_770 = arith.cmpi eq, %shift_right_logical3A_756, %eq3A_769 : vector<16xi32>
          %eq3A_771 = vector.broadcast %reduce_max3A_250 : i32 to vector<16xi32>
          %eq3A_772 = arith.cmpi eq, %and3A_762, %eq3A_771 : vector<16xi32>
          %and3A_773 = arith.andi %eq3A_770, %eq3A_772 : vector<16xi1>
          tpu.vector_store_idx %arg14[%add3A_768], %broadcast_in_dim3A_31 masked %and3A_773 {add = true} : memref<6160xi32, #tpu.memory_space<vmem>>[vector<16xi32>], vector<16xi32>, vector<16xi1>
          %add3A_774 = arith.constant 1024 : i32
          %add3A_775 = vector.broadcast %add3A_774 : i32 to vector<16xi32>
          %add3A_776 = arith.addi %add3A_775, %and3A_765 : vector<16xi32>
          %eq3A_777 = vector.broadcast %reduce_max3A_148 : i32 to vector<16xi32>
          %eq3A_778 = arith.cmpi eq, %shift_right_logical3A_756, %eq3A_777 : vector<16xi32>
          %eq3A_779 = vector.broadcast %reduce_max3A_264 : i32 to vector<16xi32>
          %eq3A_780 = arith.cmpi eq, %and3A_762, %eq3A_779 : vector<16xi32>
          %and3A_781 = arith.andi %eq3A_778, %eq3A_780 : vector<16xi1>
          tpu.vector_store_idx %arg14[%add3A_776], %broadcast_in_dim3A_31 masked %and3A_781 {add = true} : memref<6160xi32, #tpu.memory_space<vmem>>[vector<16xi32>], vector<16xi32>, vector<16xi1>
          %add3A_782 = arith.constant 2048 : i32
          %add3A_783 = vector.broadcast %add3A_782 : i32 to vector<16xi32>
          %add3A_784 = arith.addi %add3A_783, %and3A_765 : vector<16xi32>
          %eq3A_785 = vector.broadcast %reduce_max3A_162 : i32 to vector<16xi32>
          %eq3A_786 = arith.cmpi eq, %shift_right_logical3A_756, %eq3A_785 : vector<16xi32>
          %eq3A_787 = vector.broadcast %reduce_max3A_278 : i32 to vector<16xi32>
          %eq3A_788 = arith.cmpi eq, %and3A_762, %eq3A_787 : vector<16xi32>
          %and3A_789 = arith.andi %eq3A_786, %eq3A_788 : vector<16xi1>
          tpu.vector_store_idx %arg14[%add3A_784], %broadcast_in_dim3A_31 masked %and3A_789 {add = true} : memref<6160xi32, #tpu.memory_space<vmem>>[vector<16xi32>], vector<16xi32>, vector<16xi1>
          %add3A_790 = arith.constant 3072 : i32
          %add3A_791 = vector.broadcast %add3A_790 : i32 to vector<16xi32>
          %add3A_792 = arith.addi %add3A_791, %and3A_765 : vector<16xi32>
          %eq3A_793 = vector.broadcast %reduce_max3A_176 : i32 to vector<16xi32>
          %eq3A_794 = arith.cmpi eq, %shift_right_logical3A_756, %eq3A_793 : vector<16xi32>
          %eq3A_795 = vector.broadcast %reduce_max3A_292 : i32 to vector<16xi32>
          %eq3A_796 = arith.cmpi eq, %and3A_762, %eq3A_795 : vector<16xi32>
          %and3A_797 = arith.andi %eq3A_794, %eq3A_796 : vector<16xi1>
          tpu.vector_store_idx %arg14[%add3A_792], %broadcast_in_dim3A_31 masked %and3A_797 {add = true} : memref<6160xi32, #tpu.memory_space<vmem>>[vector<16xi32>], vector<16xi32>, vector<16xi1>
          %add3A_798 = arith.constant 4096 : i32
          %add3A_799 = vector.broadcast %add3A_798 : i32 to vector<16xi32>
          %add3A_800 = arith.addi %add3A_799, %and3A_765 : vector<16xi32>
          %eq3A_801 = vector.broadcast %reduce_max3A_190 : i32 to vector<16xi32>
          %eq3A_802 = arith.cmpi eq, %shift_right_logical3A_756, %eq3A_801 : vector<16xi32>
          %eq3A_803 = vector.broadcast %reduce_max3A_306 : i32 to vector<16xi32>
          %eq3A_804 = arith.cmpi eq, %and3A_762, %eq3A_803 : vector<16xi32>
          %and3A_805 = arith.andi %eq3A_802, %eq3A_804 : vector<16xi1>
          tpu.vector_store_idx %arg14[%add3A_800], %broadcast_in_dim3A_31 masked %and3A_805 {add = true} : memref<6160xi32, #tpu.memory_space<vmem>>[vector<16xi32>], vector<16xi32>, vector<16xi1>
          %add3A_806 = arith.constant 5120 : i32
          %add3A_807 = vector.broadcast %add3A_806 : i32 to vector<16xi32>
          %add3A_808 = arith.addi %add3A_807, %and3A_765 : vector<16xi32>
          %eq3A_809 = vector.broadcast %reduce_max3A_204 : i32 to vector<16xi32>
          %eq3A_810 = arith.cmpi eq, %shift_right_logical3A_756, %eq3A_809 : vector<16xi32>
          %eq3A_811 = vector.broadcast %reduce_max3A_320 : i32 to vector<16xi32>
          %eq3A_812 = arith.cmpi eq, %and3A_762, %eq3A_811 : vector<16xi32>
          %and3A_813 = arith.andi %eq3A_810, %eq3A_812 : vector<16xi1>
          tpu.vector_store_idx %arg14[%add3A_808], %broadcast_in_dim3A_31 masked %and3A_813 {add = true} : memref<6160xi32, #tpu.memory_space<vmem>>[vector<16xi32>], vector<16xi32>, vector<16xi1>
        }
        %add3A_657 = arith.constant 1 : i32
        %add3A_658 = arith.addi %while3A_636, %add3A_657 : i32
        %lt3A_659 = arith.cmpi slt, %add3A_658, %squeeze3A_64 : i32
        %convert_element_type3A_660 = arith.extui %lt3A_659 : i1 to i32
        %cond3A_661 = arith.constant 0 : i32
        %cond3A_662 = arith.cmpi ne, %convert_element_type3A_660, %cond3A_661 : i32
        scf.if %cond3A_662 {
          %add3A_663 = arith.constant 1 : i32
          %add3A_664 = arith.addi %while3A_636, %add3A_663 : i32
          %mul3A_665 = arith.constant 1600 : i32
          %mul3A_666 = arith.muli %add3A_664, %mul3A_665 : i32
          %add3A_667 = arith.addi %add3A_82, %mul3A_666 : i32
          %mul3A_668 = arith.constant 8 : i32
          %mul3A_669 = arith.muli %add3A_667, %mul3A_668 : i32
          %add3A_670 = arith.constant 1 : i32
          %add3A_671 = arith.addi %while3A_636, %add3A_670 : i32
          %and3A_672 = arith.constant 1 : i32
          %and3A_673 = arith.andi %add3A_671, %and3A_672 : i32
          %mul3A_674 = arith.constant 12800 : i32
          %mul3A_675 = arith.muli %and3A_673, %mul3A_674 : i32
          %dma_wait3A = tpu.memref_slice %arg8[%mul3A_675] : memref<25600xf32, #tpu.memory_space<vmem>> -> memref<12800xf32, #tpu.memory_space<vmem>>
          %dma_wait3A_676 = tpu.memref_slice %arg3[%mul3A_669] : memref<52582400xf32, #tpu.memory_space<hbm>> -> memref<12800xf32, #tpu.memory_space<hbm>>
          %dma_wait3A_677 = tpu.memref_slice %arg8[%mul3A_675] : memref<25600xf32, #tpu.memory_space<vmem>> -> memref<12800xf32, #tpu.memory_space<vmem>>
          %dma_wait3A_678 = tpu.memref_slice %arg3[%mul3A_669] : memref<52582400xf32, #tpu.memory_space<hbm>> -> memref<12800xf32, #tpu.memory_space<hbm>>
          tpu.wait_dma2 semaphore(%arg16 : memref<!tpu.dma_semaphore, #tpu.memory_space<semaphore_mem>>) src(%dma_wait3A_678 : memref<12800xf32, #tpu.memory_space<hbm>>) dst(%dma_wait3A_677 : memref<12800xf32, #tpu.memory_space<vmem>>)
        } else {
        }
      }
      %scan3A_347 = arith.constant 0 : i32
      %scan3A_348 = arith.constant 6 : i32
      %scan3A_349 = arith.addi %scan3A_347, %scan3A_348 : i32
      %scan3A_350 = arith.constant 1 : i32
      %scan3A_351:2 = scf.for %scan3A_636 = %scan3A_347 to %scan3A_349 step %scan3A_350 iter_args(%scan3A_637 = %broadcast_in_dim3A_33, %scan3A_638 = %broadcast_in_dim3A_33) -> (vector<16xi32>, vector<16xi32>)  : i32 {
        %eq3A_639 = vector.broadcast %scan3A_636 : i32 to vector<16xi32>
        %eq3A_640 = arith.cmpi eq, %iota3A, %eq3A_639 : vector<16xi32>
        %jit3A_641 = arith.constant -2147483648 : i32
        %broadcast_in_dim3A_642 = vector.broadcast %jit3A_641 : i32 to vector<16xi32>
        %select_n3A_643 = arith.select %eq3A_640, %iota3A, %broadcast_in_dim3A_642 : vector<16xi1>, vector<16xi32>
        %reduce_max3A_644 = arith.constant true
        %reduce_max3A_645 = vector.broadcast %reduce_max3A_644 : i1 to vector<16xi1>
        %reduce_max3A_646 = arith.constant -2147483648 : i32
        %reduce_max3A_647 = vector.broadcast %reduce_max3A_646 : i32 to vector<16xi32>
        %reduce_max3A_648 = arith.xori %select_n3A_643, %reduce_max3A_647 : vector<16xi32>
        %reduce_max3A_649 = tpu.scan <max>, %reduce_max3A_648 masked %reduce_max3A_645 : vector<16xi32>, vector<16xi1> -> vector<16xi32>
        %reduce_max3A_650 = arith.xori %reduce_max3A_649, %reduce_max3A_647 : vector<16xi32>
        %reduce_max3A_651 = vector.extract %reduce_max3A_650[15] : i32 from vector<16xi32>
        %mul3A_652 = arith.constant 1024 : i32
        %mul3A_653 = arith.muli %reduce_max3A_651, %mul3A_652 : i32
        %eq3A_654 = vector.broadcast %scan3A_636 : i32 to vector<16xi32>
        %eq3A_655 = arith.cmpi eq, %iota3A, %eq3A_654 : vector<16xi32>
        %jit3A_656 = arith.constant -2147483648 : i32
        %broadcast_in_dim3A_657 = vector.broadcast %jit3A_656 : i32 to vector<16xi32>
        %select_n3A_658 = arith.select %eq3A_655, %scan3A_235#1, %broadcast_in_dim3A_657 : vector<16xi1>, vector<16xi32>
        %reduce_max3A_659 = arith.constant true
        %reduce_max3A_660 = vector.broadcast %reduce_max3A_659 : i1 to vector<16xi1>
        %reduce_max3A_661 = arith.constant -2147483648 : i32
        %reduce_max3A_662 = vector.broadcast %reduce_max3A_661 : i32 to vector<16xi32>
        %reduce_max3A_663 = arith.xori %select_n3A_658, %reduce_max3A_662 : vector<16xi32>
        %reduce_max3A_664 = tpu.scan <max>, %reduce_max3A_663 masked %reduce_max3A_660 : vector<16xi32>, vector<16xi1> -> vector<16xi32>
        %reduce_max3A_665 = arith.xori %reduce_max3A_664, %reduce_max3A_662 : vector<16xi32>
        %reduce_max3A_666 = vector.extract %reduce_max3A_665[15] : i32 from vector<16xi32>
        %scan3A_667 = arith.constant 0 : i32
        %scan3A_668 = arith.constant -1 : i32
        %scan3A_669 = arith.constant 0 : i32
        %scan3A_670 = arith.constant 0 : i32
        %scan3A_671 = arith.constant 64 : i32
        %scan3A_672 = arith.addi %scan3A_670, %scan3A_671 : i32
        %scan3A_673 = arith.constant 1 : i32
        %scan3A_674:3 = scf.for %scan3A_684 = %scan3A_670 to %scan3A_672 step %scan3A_673 iter_args(%scan3A_685 = %scan3A_667, %scan3A_686 = %scan3A_668, %scan3A_687 = %scan3A_669) -> (i32, i32, i32)  : i32 {
          %mul3A_688 = arith.constant 16 : i32
          %mul3A_689 = arith.muli %scan3A_684, %mul3A_688 : i32
          %add3A_690 = arith.addi %mul3A_653, %mul3A_689 : i32
          %get3A_691 = arith.index_cast %add3A_690 : i32 to index
          %get3A_692 = tpu.vector_load %arg14[%get3A_691] {strides = array<i32>} : memref<6160xi32, #tpu.memory_space<vmem>>, vector<16xi32>,
          %broadcast_in_dim3A_693 = arith.constant true
          %broadcast_in_dim3A_694 = vector.broadcast %broadcast_in_dim3A_693 : i1 to vector<16xi1>
          %masked_cumsum3A = tpu.scan <sum>, %get3A_692 masked %broadcast_in_dim3A_694 : vector<16xi32>, vector<16xi1> -> vector<16xi32>
          %reduce_max3A_695 = arith.constant true
          %reduce_max3A_696 = vector.broadcast %reduce_max3A_695 : i1 to vector<16xi1>
          %reduce_max3A_697 = arith.constant -2147483648 : i32
          %reduce_max3A_698 = vector.broadcast %reduce_max3A_697 : i32 to vector<16xi32>
          %reduce_max3A_699 = arith.xori %masked_cumsum3A, %reduce_max3A_698 : vector<16xi32>
          %reduce_max3A_700 = tpu.scan <max>, %reduce_max3A_699 masked %reduce_max3A_696 : vector<16xi32>, vector<16xi1> -> vector<16xi32>
          %reduce_max3A_701 = arith.xori %reduce_max3A_700, %reduce_max3A_698 : vector<16xi32>
          %reduce_max3A_702 = vector.extract %reduce_max3A_701[15] : i32 from vector<16xi32>
          %add3A_703 = vector.broadcast %scan3A_685 : i32 to vector<16xi32>
          %add3A_704 = arith.addi %add3A_703, %masked_cumsum3A : vector<16xi32>
          %gt3A = vector.broadcast %reduce_max3A_666 : i32 to vector<16xi32>
          %gt3A_705 = arith.cmpi sgt, %add3A_704, %gt3A : vector<16xi32>
          %jit3A_706 = arith.constant 0 : i32
          %jit3A_707 = arith.constant 1 : i32
          %broadcast_in_dim3A_708 = vector.broadcast %jit3A_706 : i32 to vector<16xi32>
          %broadcast_in_dim3A_709 = vector.broadcast %jit3A_707 : i32 to vector<16xi32>
          %select_n3A_710 = arith.select %gt3A_705, %broadcast_in_dim3A_708, %broadcast_in_dim3A_709 : vector<16xi1>, vector<16xi32>
          %reduce_sum3A_711 = arith.constant true
          %reduce_sum3A_712 = vector.broadcast %reduce_sum3A_711 : i1 to vector<16xi1>
          %reduce_sum3A_713 = tpu.scan <sum>, %select_n3A_710 masked %reduce_sum3A_712 : vector<16xi32>, vector<16xi1> -> vector<16xi32>
          %reduce_sum3A_714 = vector.extract %reduce_sum3A_713[15] : i32 from vector<16xi32>
          %jit3A_715 = arith.constant 0 : i32
          %broadcast_in_dim3A_716 = vector.broadcast %jit3A_715 : i32 to vector<16xi32>
          %select_n3A_717 = arith.select %gt3A_705, %broadcast_in_dim3A_716, %masked_cumsum3A : vector<16xi1>, vector<16xi32>
          %reduce_max3A_718 = arith.constant true
          %reduce_max3A_719 = vector.broadcast %reduce_max3A_718 : i1 to vector<16xi1>
          %reduce_max3A_720 = arith.constant -2147483648 : i32
          %reduce_max3A_721 = vector.broadcast %reduce_max3A_720 : i32 to vector<16xi32>
          %reduce_max3A_722 = arith.xori %select_n3A_717, %reduce_max3A_721 : vector<16xi32>
          %reduce_max3A_723 = tpu.scan <max>, %reduce_max3A_722 masked %reduce_max3A_719 : vector<16xi32>, vector<16xi1> -> vector<16xi32>
          %reduce_max3A_724 = arith.xori %reduce_max3A_723, %reduce_max3A_721 : vector<16xi32>
          %reduce_max3A_725 = vector.extract %reduce_max3A_724[15] : i32 from vector<16xi32>
          %add3A_726 = arith.addi %scan3A_685, %reduce_max3A_725 : i32
          %lt3A_727 = arith.constant 16 : i32
          %lt3A_728 = arith.cmpi slt, %reduce_sum3A_714, %lt3A_727 : i32
          %lt3A_729 = arith.constant 0 : i32
          %lt3A_730 = arith.cmpi slt, %scan3A_686, %lt3A_729 : i32
          %and3A_731 = arith.andi %lt3A_728, %lt3A_730 : i1
          %mul3A_732 = arith.constant 16 : i32
          %mul3A_733 = arith.muli %scan3A_684, %mul3A_732 : i32
          %add3A_734 = arith.addi %mul3A_733, %reduce_sum3A_714 : i32
          %select_n3A_735 = arith.select %and3A_731, %add3A_734, %scan3A_686 : i32
          %sub3A_736 = arith.subi %reduce_max3A_666, %add3A_726 : i32
          %select_n3A_737 = arith.select %and3A_731, %sub3A_736, %scan3A_687 : i32
          %add3A_738 = arith.addi %scan3A_685, %reduce_max3A_702 : i32
          scf.yield %add3A_738, %select_n3A_735, %select_n3A_737 : i32, i32, i32
        }
        %scan3A_675 = arith.constant 64 : i32
        %eq3A_676 = vector.broadcast %scan3A_636 : i32 to vector<16xi32>
        %eq3A_677 = arith.cmpi eq, %iota3A, %eq3A_676 : vector<16xi32>
        %broadcast_in_dim3A_678 = vector.broadcast %scan3A_674#1 : i32 to vector<16xi32>
        %select_n3A_679 = arith.select %eq3A_677, %broadcast_in_dim3A_678, %scan3A_637 : vector<16xi1>, vector<16xi32>
        %eq3A_680 = vector.broadcast %scan3A_636 : i32 to vector<16xi32>
        %eq3A_681 = arith.cmpi eq, %iota3A, %eq3A_680 : vector<16xi32>
        %broadcast_in_dim3A_682 = vector.broadcast %scan3A_674#2 : i32 to vector<16xi32>
        %select_n3A_683 = arith.select %eq3A_681, %broadcast_in_dim3A_682, %scan3A_638 : vector<16xi1>, vector<16xi32>
        scf.yield %select_n3A_679, %select_n3A_683 : vector<16xi32>, vector<16xi32>
      }
      %scan3A_352 = arith.constant 6 : i32
      %shift_left3A = arith.constant 21 : i32
      %shift_left3A_353 = arith.shli %reduce_max3A_134, %shift_left3A : i32
      %shift_left3A_354 = arith.constant 10 : i32
      %shift_left3A_355 = arith.shli %reduce_max3A_250, %shift_left3A_354 : i32
      %or3A = arith.ori %shift_left3A_353, %shift_left3A_355 : i32
      %eq3A_356 = arith.constant 0 : i32
      %eq3A_357 = vector.broadcast %eq3A_356 : i32 to vector<16xi32>
      %eq3A_358 = arith.cmpi eq, %iota3A, %eq3A_357 : vector<16xi32>
      %jit3A_359 = arith.constant -2147483648 : i32
      %broadcast_in_dim3A_360 = vector.broadcast %jit3A_359 : i32 to vector<16xi32>
      %select_n3A_361 = arith.select %eq3A_358, %scan3A_351#0, %broadcast_in_dim3A_360 : vector<16xi1>, vector<16xi32>
      %reduce_max3A_362 = arith.constant true
      %reduce_max3A_363 = vector.broadcast %reduce_max3A_362 : i1 to vector<16xi1>
      %reduce_max3A_364 = arith.constant -2147483648 : i32
      %reduce_max3A_365 = vector.broadcast %reduce_max3A_364 : i32 to vector<16xi32>
      %reduce_max3A_366 = arith.xori %select_n3A_361, %reduce_max3A_365 : vector<16xi32>
      %reduce_max3A_367 = tpu.scan <max>, %reduce_max3A_366 masked %reduce_max3A_363 : vector<16xi32>, vector<16xi1> -> vector<16xi32>
      %reduce_max3A_368 = arith.xori %reduce_max3A_367, %reduce_max3A_365 : vector<16xi32>
      %reduce_max3A_369 = vector.extract %reduce_max3A_368[15] : i32 from vector<16xi32>
      %or3A_370 = arith.ori %or3A, %reduce_max3A_369 : i32
      %broadcast_in_dim3A_371 = vector.broadcast %or3A_370 : i32 to vector<16xi32>
      %lt3A_372 = arith.constant 0 : i32
      %lt3A_373 = vector.broadcast %lt3A_372 : i32 to vector<16xi32>
      %lt3A_374 = arith.cmpi slt, %broadcast_in_dim3A_371, %lt3A_373 : vector<16xi32>
      %and3A_375 = arith.constant 2147483647 : i32
      %and3A_376 = vector.broadcast %and3A_375 : i32 to vector<16xi32>
      %and3A_377 = arith.andi %broadcast_in_dim3A_371, %and3A_376 : vector<16xi32>
      %not3A = arith.constant dense<-1> : vector<16xi32>
      %not3A_378 = arith.xori %broadcast_in_dim3A_371, %not3A : vector<16xi32>
      %select_n3A_379 = arith.select %lt3A_374, %and3A_377, %not3A_378 : vector<16xi1>, vector<16xi32>
      %bitcast3A = vector.bitcast %select_n3A_379 : vector<16xi32> to vector<16xf32>
      %reduce_max3A_380 = arith.constant true
      %reduce_max3A_381 = vector.broadcast %reduce_max3A_380 : i1 to vector<16xi1>
      %reduce_max3A_382 = tpu.scan <max>, %bitcast3A masked %reduce_max3A_381 : vector<16xf32>, vector<16xi1> -> vector<16xf32>
      %reduce_max3A_383 = vector.extract %reduce_max3A_382[15] : f32 from vector<16xf32>
      %shift_left3A_384 = arith.constant 21 : i32
      %shift_left3A_385 = arith.shli %reduce_max3A_148, %shift_left3A_384 : i32
      %shift_left3A_386 = arith.constant 10 : i32
      %shift_left3A_387 = arith.shli %reduce_max3A_264, %shift_left3A_386 : i32
      %or3A_388 = arith.ori %shift_left3A_385, %shift_left3A_387 : i32
      %eq3A_389 = arith.constant 1 : i32
      %eq3A_390 = vector.broadcast %eq3A_389 : i32 to vector<16xi32>
      %eq3A_391 = arith.cmpi eq, %iota3A, %eq3A_390 : vector<16xi32>
      %jit3A_392 = arith.constant -2147483648 : i32
      %broadcast_in_dim3A_393 = vector.broadcast %jit3A_392 : i32 to vector<16xi32>
      %select_n3A_394 = arith.select %eq3A_391, %scan3A_351#0, %broadcast_in_dim3A_393 : vector<16xi1>, vector<16xi32>
      %reduce_max3A_395 = arith.constant true
      %reduce_max3A_396 = vector.broadcast %reduce_max3A_395 : i1 to vector<16xi1>
      %reduce_max3A_397 = arith.constant -2147483648 : i32
      %reduce_max3A_398 = vector.broadcast %reduce_max3A_397 : i32 to vector<16xi32>
      %reduce_max3A_399 = arith.xori %select_n3A_394, %reduce_max3A_398 : vector<16xi32>
      %reduce_max3A_400 = tpu.scan <max>, %reduce_max3A_399 masked %reduce_max3A_396 : vector<16xi32>, vector<16xi1> -> vector<16xi32>
      %reduce_max3A_401 = arith.xori %reduce_max3A_400, %reduce_max3A_398 : vector<16xi32>
      %reduce_max3A_402 = vector.extract %reduce_max3A_401[15] : i32 from vector<16xi32>
      %or3A_403 = arith.ori %or3A_388, %reduce_max3A_402 : i32
      %broadcast_in_dim3A_404 = vector.broadcast %or3A_403 : i32 to vector<16xi32>
      %lt3A_405 = arith.constant 0 : i32
      %lt3A_406 = vector.broadcast %lt3A_405 : i32 to vector<16xi32>
      %lt3A_407 = arith.cmpi slt, %broadcast_in_dim3A_404, %lt3A_406 : vector<16xi32>
      %and3A_408 = arith.constant 2147483647 : i32
      %and3A_409 = vector.broadcast %and3A_408 : i32 to vector<16xi32>
      %and3A_410 = arith.andi %broadcast_in_dim3A_404, %and3A_409 : vector<16xi32>
      %not3A_411 = arith.constant dense<-1> : vector<16xi32>
      %not3A_412 = arith.xori %broadcast_in_dim3A_404, %not3A_411 : vector<16xi32>
      %select_n3A_413 = arith.select %lt3A_407, %and3A_410, %not3A_412 : vector<16xi1>, vector<16xi32>
      %bitcast3A_414 = vector.bitcast %select_n3A_413 : vector<16xi32> to vector<16xf32>
      %reduce_max3A_415 = arith.constant true
      %reduce_max3A_416 = vector.broadcast %reduce_max3A_415 : i1 to vector<16xi1>
      %reduce_max3A_417 = tpu.scan <max>, %bitcast3A_414 masked %reduce_max3A_416 : vector<16xf32>, vector<16xi1> -> vector<16xf32>
      %reduce_max3A_418 = vector.extract %reduce_max3A_417[15] : f32 from vector<16xf32>
      %shift_left3A_419 = arith.constant 21 : i32
      %shift_left3A_420 = arith.shli %reduce_max3A_162, %shift_left3A_419 : i32
      %shift_left3A_421 = arith.constant 10 : i32
      %shift_left3A_422 = arith.shli %reduce_max3A_278, %shift_left3A_421 : i32
      %or3A_423 = arith.ori %shift_left3A_420, %shift_left3A_422 : i32
      %eq3A_424 = arith.constant 2 : i32
      %eq3A_425 = vector.broadcast %eq3A_424 : i32 to vector<16xi32>
      %eq3A_426 = arith.cmpi eq, %iota3A, %eq3A_425 : vector<16xi32>
      %jit3A_427 = arith.constant -2147483648 : i32
      %broadcast_in_dim3A_428 = vector.broadcast %jit3A_427 : i32 to vector<16xi32>
      %select_n3A_429 = arith.select %eq3A_426, %scan3A_351#0, %broadcast_in_dim3A_428 : vector<16xi1>, vector<16xi32>
      %reduce_max3A_430 = arith.constant true
      %reduce_max3A_431 = vector.broadcast %reduce_max3A_430 : i1 to vector<16xi1>
      %reduce_max3A_432 = arith.constant -2147483648 : i32
      %reduce_max3A_433 = vector.broadcast %reduce_max3A_432 : i32 to vector<16xi32>
      %reduce_max3A_434 = arith.xori %select_n3A_429, %reduce_max3A_433 : vector<16xi32>
      %reduce_max3A_435 = tpu.scan <max>, %reduce_max3A_434 masked %reduce_max3A_431 : vector<16xi32>, vector<16xi1> -> vector<16xi32>
      %reduce_max3A_436 = arith.xori %reduce_max3A_435, %reduce_max3A_433 : vector<16xi32>
      %reduce_max3A_437 = vector.extract %reduce_max3A_436[15] : i32 from vector<16xi32>
      %or3A_438 = arith.ori %or3A_423, %reduce_max3A_437 : i32
      %broadcast_in_dim3A_439 = vector.broadcast %or3A_438 : i32 to vector<16xi32>
      %lt3A_440 = arith.constant 0 : i32
      %lt3A_441 = vector.broadcast %lt3A_440 : i32 to vector<16xi32>
      %lt3A_442 = arith.cmpi slt, %broadcast_in_dim3A_439, %lt3A_441 : vector<16xi32>
      %and3A_443 = arith.constant 2147483647 : i32
      %and3A_444 = vector.broadcast %and3A_443 : i32 to vector<16xi32>
      %and3A_445 = arith.andi %broadcast_in_dim3A_439, %and3A_444 : vector<16xi32>
      %not3A_446 = arith.constant dense<-1> : vector<16xi32>
      %not3A_447 = arith.xori %broadcast_in_dim3A_439, %not3A_446 : vector<16xi32>
      %select_n3A_448 = arith.select %lt3A_442, %and3A_445, %not3A_447 : vector<16xi1>, vector<16xi32>
      %bitcast3A_449 = vector.bitcast %select_n3A_448 : vector<16xi32> to vector<16xf32>
      %reduce_max3A_450 = arith.constant true
      %reduce_max3A_451 = vector.broadcast %reduce_max3A_450 : i1 to vector<16xi1>
      %reduce_max3A_452 = tpu.scan <max>, %bitcast3A_449 masked %reduce_max3A_451 : vector<16xf32>, vector<16xi1> -> vector<16xf32>
      %reduce_max3A_453 = vector.extract %reduce_max3A_452[15] : f32 from vector<16xf32>
      %shift_left3A_454 = arith.constant 21 : i32
      %shift_left3A_455 = arith.shli %reduce_max3A_176, %shift_left3A_454 : i32
      %shift_left3A_456 = arith.constant 10 : i32
      %shift_left3A_457 = arith.shli %reduce_max3A_292, %shift_left3A_456 : i32
      %or3A_458 = arith.ori %shift_left3A_455, %shift_left3A_457 : i32
      %eq3A_459 = arith.constant 3 : i32
      %eq3A_460 = vector.broadcast %eq3A_459 : i32 to vector<16xi32>
      %eq3A_461 = arith.cmpi eq, %iota3A, %eq3A_460 : vector<16xi32>
      %jit3A_462 = arith.constant -2147483648 : i32
      %broadcast_in_dim3A_463 = vector.broadcast %jit3A_462 : i32 to vector<16xi32>
      %select_n3A_464 = arith.select %eq3A_461, %scan3A_351#0, %broadcast_in_dim3A_463 : vector<16xi1>, vector<16xi32>
      %reduce_max3A_465 = arith.constant true
      %reduce_max3A_466 = vector.broadcast %reduce_max3A_465 : i1 to vector<16xi1>
      %reduce_max3A_467 = arith.constant -2147483648 : i32
      %reduce_max3A_468 = vector.broadcast %reduce_max3A_467 : i32 to vector<16xi32>
      %reduce_max3A_469 = arith.xori %select_n3A_464, %reduce_max3A_468 : vector<16xi32>
      %reduce_max3A_470 = tpu.scan <max>, %reduce_max3A_469 masked %reduce_max3A_466 : vector<16xi32>, vector<16xi1> -> vector<16xi32>
      %reduce_max3A_471 = arith.xori %reduce_max3A_470, %reduce_max3A_468 : vector<16xi32>
      %reduce_max3A_472 = vector.extract %reduce_max3A_471[15] : i32 from vector<16xi32>
      %or3A_473 = arith.ori %or3A_458, %reduce_max3A_472 : i32
      %broadcast_in_dim3A_474 = vector.broadcast %or3A_473 : i32 to vector<16xi32>
      %lt3A_475 = arith.constant 0 : i32
      %lt3A_476 = vector.broadcast %lt3A_475 : i32 to vector<16xi32>
      %lt3A_477 = arith.cmpi slt, %broadcast_in_dim3A_474, %lt3A_476 : vector<16xi32>
      %and3A_478 = arith.constant 2147483647 : i32
      %and3A_479 = vector.broadcast %and3A_478 : i32 to vector<16xi32>
      %and3A_480 = arith.andi %broadcast_in_dim3A_474, %and3A_479 : vector<16xi32>
      %not3A_481 = arith.constant dense<-1> : vector<16xi32>
      %not3A_482 = arith.xori %broadcast_in_dim3A_474, %not3A_481 : vector<16xi32>
      %select_n3A_483 = arith.select %lt3A_477, %and3A_480, %not3A_482 : vector<16xi1>, vector<16xi32>
      %bitcast3A_484 = vector.bitcast %select_n3A_483 : vector<16xi32> to vector<16xf32>
      %reduce_max3A_485 = arith.constant true
      %reduce_max3A_486 = vector.broadcast %reduce_max3A_485 : i1 to vector<16xi1>
      %reduce_max3A_487 = tpu.scan <max>, %bitcast3A_484 masked %reduce_max3A_486 : vector<16xf32>, vector<16xi1> -> vector<16xf32>
      %reduce_max3A_488 = vector.extract %reduce_max3A_487[15] : f32 from vector<16xf32>
      %shift_left3A_489 = arith.constant 21 : i32
      %shift_left3A_490 = arith.shli %reduce_max3A_190, %shift_left3A_489 : i32
      %shift_left3A_491 = arith.constant 10 : i32
      %shift_left3A_492 = arith.shli %reduce_max3A_306, %shift_left3A_491 : i32
      %or3A_493 = arith.ori %shift_left3A_490, %shift_left3A_492 : i32
      %eq3A_494 = arith.constant 4 : i32
      %eq3A_495 = vector.broadcast %eq3A_494 : i32 to vector<16xi32>
      %eq3A_496 = arith.cmpi eq, %iota3A, %eq3A_495 : vector<16xi32>
      %jit3A_497 = arith.constant -2147483648 : i32
      %broadcast_in_dim3A_498 = vector.broadcast %jit3A_497 : i32 to vector<16xi32>
      %select_n3A_499 = arith.select %eq3A_496, %scan3A_351#0, %broadcast_in_dim3A_498 : vector<16xi1>, vector<16xi32>
      %reduce_max3A_500 = arith.constant true
      %reduce_max3A_501 = vector.broadcast %reduce_max3A_500 : i1 to vector<16xi1>
      %reduce_max3A_502 = arith.constant -2147483648 : i32
      %reduce_max3A_503 = vector.broadcast %reduce_max3A_502 : i32 to vector<16xi32>
      %reduce_max3A_504 = arith.xori %select_n3A_499, %reduce_max3A_503 : vector<16xi32>
      %reduce_max3A_505 = tpu.scan <max>, %reduce_max3A_504 masked %reduce_max3A_501 : vector<16xi32>, vector<16xi1> -> vector<16xi32>
      %reduce_max3A_506 = arith.xori %reduce_max3A_505, %reduce_max3A_503 : vector<16xi32>
      %reduce_max3A_507 = vector.extract %reduce_max3A_506[15] : i32 from vector<16xi32>
      %or3A_508 = arith.ori %or3A_493, %reduce_max3A_507 : i32
      %broadcast_in_dim3A_509 = vector.broadcast %or3A_508 : i32 to vector<16xi32>
      %lt3A_510 = arith.constant 0 : i32
      %lt3A_511 = vector.broadcast %lt3A_510 : i32 to vector<16xi32>
      %lt3A_512 = arith.cmpi slt, %broadcast_in_dim3A_509, %lt3A_511 : vector<16xi32>
      %and3A_513 = arith.constant 2147483647 : i32
      %and3A_514 = vector.broadcast %and3A_513 : i32 to vector<16xi32>
      %and3A_515 = arith.andi %broadcast_in_dim3A_509, %and3A_514 : vector<16xi32>
      %not3A_516 = arith.constant dense<-1> : vector<16xi32>
      %not3A_517 = arith.xori %broadcast_in_dim3A_509, %not3A_516 : vector<16xi32>
      %select_n3A_518 = arith.select %lt3A_512, %and3A_515, %not3A_517 : vector<16xi1>, vector<16xi32>
      %bitcast3A_519 = vector.bitcast %select_n3A_518 : vector<16xi32> to vector<16xf32>
      %reduce_max3A_520 = arith.constant true
      %reduce_max3A_521 = vector.broadcast %reduce_max3A_520 : i1 to vector<16xi1>
      %reduce_max3A_522 = tpu.scan <max>, %bitcast3A_519 masked %reduce_max3A_521 : vector<16xf32>, vector<16xi1> -> vector<16xf32>
      %reduce_max3A_523 = vector.extract %reduce_max3A_522[15] : f32 from vector<16xf32>
      %shift_left3A_524 = arith.constant 21 : i32
      %shift_left3A_525 = arith.shli %reduce_max3A_204, %shift_left3A_524 : i32
      %shift_left3A_526 = arith.constant 10 : i32
      %shift_left3A_527 = arith.shli %reduce_max3A_320, %shift_left3A_526 : i32
      %or3A_528 = arith.ori %shift_left3A_525, %shift_left3A_527 : i32
      %eq3A_529 = arith.constant 5 : i32
      %eq3A_530 = vector.broadcast %eq3A_529 : i32 to vector<16xi32>
      %eq3A_531 = arith.cmpi eq, %iota3A, %eq3A_530 : vector<16xi32>
      %jit3A_532 = arith.constant -2147483648 : i32
      %broadcast_in_dim3A_533 = vector.broadcast %jit3A_532 : i32 to vector<16xi32>
      %select_n3A_534 = arith.select %eq3A_531, %scan3A_351#0, %broadcast_in_dim3A_533 : vector<16xi1>, vector<16xi32>
      %reduce_max3A_535 = arith.constant true
      %reduce_max3A_536 = vector.broadcast %reduce_max3A_535 : i1 to vector<16xi1>
      %reduce_max3A_537 = arith.constant -2147483648 : i32
      %reduce_max3A_538 = vector.broadcast %reduce_max3A_537 : i32 to vector<16xi32>
      %reduce_max3A_539 = arith.xori %select_n3A_534, %reduce_max3A_538 : vector<16xi32>
      %reduce_max3A_540 = tpu.scan <max>, %reduce_max3A_539 masked %reduce_max3A_536 : vector<16xi32>, vector<16xi1> -> vector<16xi32>
      %reduce_max3A_541 = arith.xori %reduce_max3A_540, %reduce_max3A_538 : vector<16xi32>
      %reduce_max3A_542 = vector.extract %reduce_max3A_541[15] : i32 from vector<16xi32>
      %or3A_543 = arith.ori %or3A_528, %reduce_max3A_542 : i32
      %broadcast_in_dim3A_544 = vector.broadcast %or3A_543 : i32 to vector<16xi32>
      %lt3A_545 = arith.constant 0 : i32
      %lt3A_546 = vector.broadcast %lt3A_545 : i32 to vector<16xi32>
      %lt3A_547 = arith.cmpi slt, %broadcast_in_dim3A_544, %lt3A_546 : vector<16xi32>
      %and3A_548 = arith.constant 2147483647 : i32
      %and3A_549 = vector.broadcast %and3A_548 : i32 to vector<16xi32>
      %and3A_550 = arith.andi %broadcast_in_dim3A_544, %and3A_549 : vector<16xi32>
      %not3A_551 = arith.constant dense<-1> : vector<16xi32>
      %not3A_552 = arith.xori %broadcast_in_dim3A_544, %not3A_551 : vector<16xi32>
      %select_n3A_553 = arith.select %lt3A_547, %and3A_550, %not3A_552 : vector<16xi1>, vector<16xi32>
      %bitcast3A_554 = vector.bitcast %select_n3A_553 : vector<16xi32> to vector<16xf32>
      %reduce_max3A_555 = arith.constant true
      %reduce_max3A_556 = vector.broadcast %reduce_max3A_555 : i1 to vector<16xi1>
      %reduce_max3A_557 = tpu.scan <max>, %bitcast3A_554 masked %reduce_max3A_556 : vector<16xf32>, vector<16xi1> -> vector<16xf32>
      %reduce_max3A_558 = vector.extract %reduce_max3A_557[15] : f32 from vector<16xf32>
      %reduce_sum3A = arith.constant true
      %reduce_sum3A_559 = vector.broadcast %reduce_sum3A : i1 to vector<16xi1>
      %reduce_sum3A_560 = tpu.scan <sum>, %while3A_115#0 masked %reduce_sum3A_559 : vector<16xf32>, vector<16xi1> -> vector<16xf32>
      %reduce_sum3A_561 = vector.extract %reduce_sum3A_560[15] : f32 from vector<16xf32>
      %mul3A_562 = arith.mulf %reduce_sum3A_561, %squeeze3A_72 : f32
      %reduce_sum3A_563 = arith.constant true
      %reduce_sum3A_564 = vector.broadcast %reduce_sum3A_563 : i1 to vector<16xi1>
      %reduce_sum3A_565 = tpu.scan <sum>, %while3A_115#1 masked %reduce_sum3A_564 : vector<16xf32>, vector<16xi1> -> vector<16xf32>
      %reduce_sum3A_566 = vector.extract %reduce_sum3A_565[15] : f32 from vector<16xf32>
      %mul3A_567 = arith.mulf %reduce_sum3A_561, %reduce_sum3A_561 : f32
      %mul3A_568 = arith.mulf %mul3A_567, %squeeze3A_72 : f32
      %sub3A_569 = arith.subf %reduce_sum3A_566, %mul3A_568 : f32
      %mul3A_570 = arith.mulf %sub3A_569, %squeeze3A_74 : f32
      %mul3A_571 = arith.constant 2.500000e-01 : f32
      %mul3A_572 = arith.mulf %reduce_max3A_383, %mul3A_571 : f32
      %mul3A_573 = arith.constant 7.500000e-01 : f32
      %mul3A_574 = arith.mulf %reduce_max3A_418, %mul3A_573 : f32
      %add3A_575 = arith.addf %mul3A_572, %mul3A_574 : f32
      %mul3A_576 = arith.constant 5.000000e-01 : f32
      %mul3A_577 = arith.mulf %reduce_max3A_453, %mul3A_576 : f32
      %mul3A_578 = arith.constant 5.000000e-01 : f32
      %mul3A_579 = arith.mulf %reduce_max3A_488, %mul3A_578 : f32
      %add3A_580 = arith.addf %mul3A_577, %mul3A_579 : f32
      %mul3A_581 = arith.constant 7.500000e-01 : f32
      %mul3A_582 = arith.mulf %reduce_max3A_523, %mul3A_581 : f32
      %mul3A_583 = arith.constant 2.500000e-01 : f32
      %mul3A_584 = arith.mulf %reduce_max3A_558, %mul3A_583 : f32
      %add3A_585 = arith.addf %mul3A_582, %mul3A_584 : f32
      %broadcast_in_dim3A_586 = arith.constant 0.000000e+00 : f32
      %broadcast_in_dim3A_587 = vector.broadcast %broadcast_in_dim3A_586 : f32 to vector<16xf32>
      %reduce_min3A = arith.constant true
      %reduce_min3A_588 = vector.broadcast %reduce_min3A : i1 to vector<16xi1>
      %reduce_min3A_589 = tpu.scan <min>, %while3A_115#2 masked %reduce_min3A_588 : vector<16xf32>, vector<16xi1> -> vector<16xf32>
      %reduce_min3A_590 = vector.extract %reduce_min3A_589[15] : f32 from vector<16xf32>
      %reduce_max3A_591 = arith.constant true
      %reduce_max3A_592 = vector.broadcast %reduce_max3A_591 : i1 to vector<16xi1>
      %reduce_max3A_593 = tpu.scan <max>, %while3A_115#3 masked %reduce_max3A_592 : vector<16xf32>, vector<16xi1> -> vector<16xf32>
      %reduce_max3A_594 = vector.extract %reduce_max3A_593[15] : f32 from vector<16xf32>
      %eq3A_595 = arith.constant 0 : i32
      %eq3A_596 = vector.broadcast %eq3A_595 : i32 to vector<16xi32>
      %eq3A_597 = arith.cmpi eq, %iota3A, %eq3A_596 : vector<16xi32>
      %broadcast_in_dim3A_598 = vector.broadcast %mul3A_562 : f32 to vector<16xf32>
      %select_n3A_599 = arith.select %eq3A_597, %broadcast_in_dim3A_598, %broadcast_in_dim3A_587 : vector<16xi1>, vector<16xf32>
      %eq3A_600 = arith.constant 1 : i32
      %eq3A_601 = vector.broadcast %eq3A_600 : i32 to vector<16xi32>
      %eq3A_602 = arith.cmpi eq, %iota3A, %eq3A_601 : vector<16xi32>
      %broadcast_in_dim3A_603 = vector.broadcast %mul3A_570 : f32 to vector<16xf32>
      %select_n3A_604 = arith.select %eq3A_602, %broadcast_in_dim3A_603, %select_n3A_599 : vector<16xi1>, vector<16xf32>
      %eq3A_605 = arith.constant 2 : i32
      %eq3A_606 = vector.broadcast %eq3A_605 : i32 to vector<16xi32>
      %eq3A_607 = arith.cmpi eq, %iota3A, %eq3A_606 : vector<16xi32>
      %broadcast_in_dim3A_608 = vector.broadcast %reduce_min3A_590 : f32 to vector<16xf32>
      %select_n3A_609 = arith.select %eq3A_607, %broadcast_in_dim3A_608, %select_n3A_604 : vector<16xi1>, vector<16xf32>
      %eq3A_610 = arith.constant 3 : i32
      %eq3A_611 = vector.broadcast %eq3A_610 : i32 to vector<16xi32>
      %eq3A_612 = arith.cmpi eq, %iota3A, %eq3A_611 : vector<16xi32>
      %broadcast_in_dim3A_613 = vector.broadcast %add3A_575 : f32 to vector<16xf32>
      %select_n3A_614 = arith.select %eq3A_612, %broadcast_in_dim3A_613, %select_n3A_609 : vector<16xi1>, vector<16xf32>
      %eq3A_615 = arith.constant 4 : i32
      %eq3A_616 = vector.broadcast %eq3A_615 : i32 to vector<16xi32>
      %eq3A_617 = arith.cmpi eq, %iota3A, %eq3A_616 : vector<16xi32>
      %broadcast_in_dim3A_618 = vector.broadcast %add3A_580 : f32 to vector<16xf32>
      %select_n3A_619 = arith.select %eq3A_617, %broadcast_in_dim3A_618, %select_n3A_614 : vector<16xi1>, vector<16xf32>
      %eq3A_620 = arith.constant 5 : i32
      %eq3A_621 = vector.broadcast %eq3A_620 : i32 to vector<16xi32>
      %eq3A_622 = arith.cmpi eq, %iota3A, %eq3A_621 : vector<16xi32>
      %broadcast_in_dim3A_623 = vector.broadcast %add3A_585 : f32 to vector<16xf32>
      %select_n3A_624 = arith.select %eq3A_622, %broadcast_in_dim3A_623, %select_n3A_619 : vector<16xi1>, vector<16xf32>
      %eq3A_625 = arith.constant 6 : i32
      %eq3A_626 = vector.broadcast %eq3A_625 : i32 to vector<16xi32>
      %eq3A_627 = arith.cmpi eq, %iota3A, %eq3A_626 : vector<16xi32>
      %broadcast_in_dim3A_628 = vector.broadcast %reduce_max3A_594 : f32 to vector<16xf32>
      %select_n3A_629 = arith.select %eq3A_627, %broadcast_in_dim3A_628, %select_n3A_624 : vector<16xi1>, vector<16xf32>
      %swap3A = arith.constant 0 : index
      %swap3A_630 = tpu.vector_load %arg15[%swap3A] {strides = array<i32>} : memref<16xf32, #tpu.memory_space<vmem>>, vector<16xf32>,
      tpu.vector_store %arg15[%swap3A], %select_n3A_629 {strides = array<i32>} : memref<16xf32, #tpu.memory_space<vmem>>, vector<16xf32>,
      %mul3A_631 = arith.constant 8 : i32
      %mul3A_632 = arith.muli %select_n3A_9, %mul3A_631 : i32
      %add3A_633 = arith.addi %mul3A_632, %squeeze3A_70 : i32
      %mul3A_634 = arith.constant 16 : i32
      %mul3A_635 = arith.muli %add3A_633, %mul3A_634 : i32
      "tpu.region"() ({
        %run_scoped3A = tpu.sem_alloc : memref<!tpu.dma_semaphore, #tpu.memory_space<semaphore_mem>>
        %dma_start3A = tpu.memref_slice %arg7[%mul3A_635] : memref<2048xf32, #tpu.memory_space<hbm>> -> memref<16xf32, #tpu.memory_space<hbm>>
        %dma_start3A_636 = tpu.memref_slice %arg7[%mul3A_635] : memref<2048xf32, #tpu.memory_space<hbm>> -> memref<16xf32, #tpu.memory_space<hbm>>
        tpu.enqueue_dma source(%arg15 : memref<16xf32, #tpu.memory_space<vmem>>) target(%dma_start3A_636 : memref<16xf32, #tpu.memory_space<hbm>>) target_semaphore(%run_scoped3A : memref<!tpu.dma_semaphore, #tpu.memory_space<semaphore_mem>>)
        %dma_wait3A = tpu.memref_slice %arg7[%mul3A_635] : memref<2048xf32, #tpu.memory_space<hbm>> -> memref<16xf32, #tpu.memory_space<hbm>>
        %dma_wait3A_637 = tpu.memref_slice %arg7[%mul3A_635] : memref<2048xf32, #tpu.memory_space<hbm>> -> memref<16xf32, #tpu.memory_space<hbm>>
        tpu.wait_dma2 semaphore(%run_scoped3A : memref<!tpu.dma_semaphore, #tpu.memory_space<semaphore_mem>>) src(%arg15 : memref<16xf32, #tpu.memory_space<vmem>>) dst(%dma_wait3A_637 : memref<16xf32, #tpu.memory_space<hbm>>)
        tpu.yield
      }) : () -> ()
    }
    return
  }
}

</mosaic_0001>

<sc_bundles>
// kernel: _run.3.cloned.1.call-start
scs
__scs_entry_jumppad:
0x0: {  	(pc) =	sbr.rel $0x88, $3  }
0x1: {  	(tag) =	ssettag $0x0;
	lr =	simm.s32 $0x1  }
0x2: {  	[smem:$0x3F9C] =	sst lr;
	_ =	strace $0xD0000000  }
0x3: {  	_ = 	snop  }
0x4: {  	_ = 	snop  }
0x5: {  	_ = 	snop  }
0x6: {  	_ = 	snop  }
0x7: {  	_ = 	snop  }
__scs_overlays_trampoline_lowered:
0x8: {  	[smem:$0x3FAB] =	sst s0  }
0x9: {  	[smem:$0x3FAC] =	sst s1  }
0xa: {  	[smem:$0x3FAD] =	sst s2  }
0xb: {  	[smem:$0x3FAE] =	sst s3  }
0xc: {  	[smem:$0x3FAF] =	sst s4  }
0xd: {  	[smem:$0x3FB0] =	sst s5  }
0xe: {  	[smem:$0x3FB1] =	sst s6  }
0xf: {  	[smem:$0x3FB2] =	sst s7  }
0x10: {  	[smem:$0x3FB3] =	sst s8  }
0x11: {  	[smem:$0x3FB4] =	sst s9;
	s0 =	simm.s32 @!p0 $0x0  }
0x12: {  	s1 =	sld [smem:$0x3F9A];
	s0 =	simm.s32 @p0 $0x1  }
0x13: {  	[smem:$0x3FB5] =	sst s0;
	s0 =	simm.s32 @!p1 $0x0  }
0x14: {  	s2 =	sld [smem:$0x3F99];
	s0 =	simm.s32 @p1 $0x1  }
0x15: {  	[smem:$0x3FB6] =	sst s0;
	s0 =	simm.s32 @!p2 $0x0  }
0x16: {  	s3 =	sld [smem:$0x3FDB];
	s0 =	simm.s32 @p2 $0x1  }
0x17: {  	s4 =	simm.s32 $0x1BF5;
	[smem:$0x3FB8] =	sst s0  }
0x18: {  	s0 =	sld [smem:$0x3F9B];
	_ =	swait.ge [sflag:s4], $0x0  }
0x19: {  	s7 =	sld [smem:$0x3F9C]  }
0x1a: {  	s8 =	sadd.s32 $0xFFFFE003, lr  }
0x1b: {  	s9 =	sadd.s32 $0xFFFFFEF7, lr;
	s5 =	simm.s32 $0xFFFFFFFF;
	p2 =	slt.u32 s8, $0xFFFFF086  }
0x1c: {  	p1 =	slt.u32 s9, $0xF7A;
	s5 =	simm.s32 @!p2 $0x0  }
0x1d: {  	s5 =	simm.s32 @p1 $0x1;
	p0 =	seq.s32 s7, s2  }
0x1e: {  	s7 =	smul.u32 @!p0 $0xF7A, s2;
	p2 =	seq.s32 @!p0 s5, $0x0  }
0x1f: {  	s9 =	smul.u32 $0xF7A, s1;
	s8 =	simm.s32 @!p0 $0x1BF5;
	p2 =	por !p2, p0  }
0x20: {  	[sflag:s8] =	ssyncset.s32 @!p0 $0xFFFFF086;
	s6 =	sadd.s32 @!p0 s3, s7;
	s7 =	simm.s32 @!p0 $0x108  }
0x21: {  	s3 =	sadd.s32 s3, s9;
	s6 =	sadd.s32 @!p0 $0x88, s6;
	s7 =	simm.s32 @p2 $0x1082  }
0x22: {  	[simem:s7], [sflag:s8] =	dma.local @!p0 [hbm:s6], $0xF7A  }
0x23: {  	s9 =	sor.u32 $0xD0000000, s2;
	s6 =	simm.s32 $0x108;
	_ =	swait.ge @!p0 [sflag:s8], $0x0  }
0x24: {  	s3 =	sadd.s32 $0x88, s3;
	s6 =	simm.s32 @!p1 $0x1082;
	[sflag:s4] =	ssyncset.s32 $0xFFFFF086  }
0x25: {  	[simem:s6], [sflag:s4] =	dma.local [hbm:s3], $0xF7A  }
0x26: {  	[smem:$0x3F9C] =	sst s1;
	(tag) =	ssettag s2;
	_ =	strace s9  }
0x27: {  	s1 =	sld [smem:$0x3FAC]  }
0x28: {  	s2 =	sld [smem:$0x3FAD]  }
0x29: {  	s4 =	sld [smem:$0x3FAF]  }
0x2a: {  	p0 =	seq.s32 s5, $0x0;
	s5 =	sld [smem:$0x3FB0]  }
0x2b: {  	s6 =	sld [smem:$0x3FB1]  }
0x2c: {  	s7 =	sld [smem:$0x3FB2]  }
0x2d: {  	s3 =	simm.s32 $0x108;
	s8 =	sld [smem:$0x3FB3]  }
0x2e: {  	s3 =	simm.s32 @!p0 $0x1082;
	s9 =	sld [smem:$0x3FB4]  }
0x2f: {  	lr =	sadd.s32 s0, s3;
	s0 =	sld [smem:$0x3FAB]  }
0x30: {  	s3 =	sld [smem:$0x3FAE]  }
0x31: {  	[smem:$0x3FB7] =	sst s10  }
0x32: {  	s10 =	sld [smem:$0x3FB5];
	_ =	sdelay $0x3  }
0x33: {  	p0 =	seq.s32 s10, $0x1;
	s10 =	sld [smem:$0x3FB7];
	_ =	sdelay $0x3  }
0x34: {  	[smem:$0x3FB7] =	sst s10  }
0x35: {  	s10 =	sld [smem:$0x3FB6];
	_ =	sdelay $0x3  }
0x36: {  	p1 =	seq.s32 s10, $0x1;
	s10 =	sld [smem:$0x3FB7];
	_ =	sdelay $0x3  }
0x37: {  	[smem:$0x3FB7] =	sst s10  }
0x38: {  	s10 =	sld [smem:$0x3FB8]  }
0x39: {  	_ = 	snop;
	(pc) =	sbr.ind lr, $3  }
0x3a: {  	_ = 	snop  }
0x3b: {  	_ = 	snop  }
0x3c: {  	p2 =	seq.s32 s10, $0x1;
	s10 =	sld [smem:$0x3FB7]  }
0x3d: {  	_ =	shalt  }
0x3e: {  	_ =	shalt  }
0x3f: {  	_ =	shalt  }
0x40: {  	_ =	shalt  }
0x41: {  	_ =	shalt  }
0x42: {  	_ =	shalt  }
0x43: {  	_ =	shalt  }
0x44: {  	_ =	shalt  }
0x45: {  	_ =	shalt  }
0x46: {  	_ =	shalt  }
0x47: {  	_ =	shalt  }
0x48: {  	_ =	shalt  }
0x49: {  	_ =	shalt  }
0x4a: {  	_ =	shalt  }
0x4b: {  	_ =	shalt  }
0x4c: {  	_ =	shalt  }
0x4d: {  	_ =	shalt  }
0x4e: {  	_ =	shalt  }
0x4f: {  	_ =	shalt  }
0x50: {  	_ =	shalt  }
0x51: {  	_ =	shalt  }
0x52: {  	_ =	shalt  }
0x53: {  	_ =	shalt  }
0x54: {  	_ =	shalt  }
0x55: {  	_ =	shalt  }
0x56: {  	_ =	shalt  }
0x57: {  	_ =	shalt  }
0x58: {  	_ =	shalt  }
0x59: {  	_ =	shalt  }
0x5a: {  	_ =	shalt  }
0x5b: {  	_ =	shalt  }
0x5c: {  	_ =	shalt  }
0x5d: {  	_ =	shalt  }
0x5e: {  	_ =	shalt  }
0x5f: {  	_ =	shalt  }
0x60: {  	_ =	shalt  }
0x61: {  	_ =	shalt  }
0x62: {  	_ =	shalt  }
0x63: {  	_ =	shalt  }
0x64: {  	_ =	shalt  }
0x65: {  	_ =	shalt  }
0x66: {  	_ =	shalt  }
0x67: {  	_ =	shalt  }
0x68: {  	_ =	shalt  }
0x69: {  	_ =	shalt  }
0x6a: {  	_ =	shalt  }
0x6b: {  	_ =	shalt  }
0x6c: {  	_ =	shalt  }
0x6d: {  	_ =	shalt  }
0x6e: {  	_ =	shalt  }
0x6f: {  	_ =	shalt  }
0x70: {  	_ =	shalt  }
0x71: {  	_ =	shalt  }
0x72: {  	_ =	shalt  }
0x73: {  	_ =	shalt  }
0x74: {  	_ =	shalt  }
0x75: {  	_ =	shalt  }
0x76: {  	_ =	shalt  }
0x77: {  	_ =	shalt  }
0x78: {  	_ =	shalt  }
0x79: {  	_ =	shalt  }
0x7a: {  	_ =	shalt  }
0x7b: {  	_ =	shalt  }
0x7c: {  	_ =	shalt  }
0x7d: {  	_ =	shalt  }
0x7e: {  	_ =	shalt  }
0x7f: {  	_ =	shalt  }
0x80: {  	_ =	shalt  }
0x81: {  	_ =	shalt  }
0x82: {  	_ =	shalt  }
0x83: {  	_ =	shalt  }
0x84: {  	_ =	shalt  }
0x85: {  	_ =	shalt  }
0x86: {  	_ =	shalt  }
0x87: {  	_ =	shalt  }
.Lfunc_end0:
.L_simem_size_0:
called_computation_lowered:
.L_overlay_start_0:
0x88: {  	s2 =	sld [smem:$0x3FD9]  }
0x89: {  	s3 =	sld [smem:$0x3FFE];
	_ =	sdelay $0x1  }
0x8a: {  	s1 =	srdreg.scid  }
0x8b: {  	s0 =	sand.u32 $0x1, s1  }
0x8c: {  	s18 =	sshll.u32 s0, $0xA;
	s2 =	sadd.s32 s3, s2  }
0x8d: {  	s2 =	sadd.s32 s2, s18  }
0x8e: {  	[smem:$0x3FC3] =	sst s2  }
0x8f: {  	_ = 	snop  }
0x90: {  	s2 =	sld [smem:$0x3FC9]  }
0x91: {  	s19 =	sld [smem:$0x3FC8]  }
0x92: {  	s4 =	sld [smem:$0x3FC7]  }
0x93: {  	s5 =	sld [smem:$0x3FC6]  }
0x94: {  	s6 =	sld [smem:$0x3FC5]  }
0x95: {  	s7 =	sld [smem:$0x3FD0];
	(tm) =	ssettm $0x1  }
0x96: {  	s8 =	sld [smem:$0x3FFB];
	_ =	sdelay $0x3  }
0x97: {  	_ =	strace s8  }
0x98: {  	s8 =	sld [smem:$0x3FFC];
	_ =	sdelay $0x3  }
0x99: {  	_ =	strace s8  }
0x9a: {  	s8 =	sld [smem:$0x3FFD];
	_ =	sdelay $0x3  }
0x9b: {  	_ =	strace s8  }
0x9c: {  	_ =	strace $0x8FFFFFFF  }
0x9d: {  	s20 =	sld [smem:$0x3FDB];
	_ =	sdelay $0x1  }
0x9e: {  	s9 =	simm.s32 $_scs_section_size  }
0x9f: {  	s10 =	simm.s32 $_size__tile_overlayer_lowered;
	s11 =	simm.s32 $_tile_overlayer_lowered  }
0xa0: {  	s23 =	simm.s32 $0x1BFF;
	s22 =	sshll.u32 s11, $0x1;
	s8 =	sadd.s32 s9, s20  }
0xa1: {  	s12 =	simm.s32 $0x0;
	s21 =	sshll.u32 s10, $0x1;
	s10 =	sadd.s32 s22, s8  }
0xa2: {  	[timem:s12], [sflag:s23] =	dma.local [hbm:s10], s21  }
0xa3: {  	_ =	swait.ge [sflag:s23], s21  }
0xa4: {  	s9 =	ssub.s32 $0x0, s21;
	[sflag:s23] =	ssyncset.done $0x0  }
0xa5: {  	[sflag:s23] =	ssyncadd.s32 s9;
	_ =	sdelay $0x1  }
0xa6: {  	s24 =	simm.s32 $0x1B8B  }
0xa7: {  	_ =	swait.ge [sflag:s24], $0x1  }
0xa8: {  	[sflag:s24] =	ssyncset.done $0x0  }
0xa9: {  	s25 =	simm.s32 $0x1B8E;
	[sflag:s24] =	ssyncadd.s32 $0xFFFFFFFF  }
0xaa: {  	s26 =	simm.s32 $execute0_lowered;
	[smem:$0x3FD2] =	sst s25  }
0xab: {  	s9 =	sshll.u32 s26, $0x1;
	_ =	strace $0x80000046;
	[dreg:$0x1] =	wrdreg $0xFFFFFFFF  }
0xac: {  	s28 =	simm.s32 $_size_execute0_lowered;
	s8 =	sadd.s32 s8, s9;
	[dreg:$0x0] =	wrdreg $0x0  }
0xad: {  	s9 =	sshll.u32 s28, $0x1;
	[dreg:$0x2] =	wrdreg s8  }
0xae: {  	[dreg:$0x3] =	wrdreg s9  }
0xaf: {  	[dreg:$0x4] =	wrdreg $0xC0  }
0xb0: {  	_ =	task [dreg:s12], $0x5FFFF  }
0xb1: {  	[dreg:$0x1] =	wrdreg $0xFFFFFFFF  }
0xb2: {  	[dreg:$0x0] =	wrdreg $0x60  }
0xb3: {  	[dreg:$0x2] =	wrdreg s2  }
0xb4: {  	[dreg:$0x3] =	wrdreg s19  }
0xb5: {  	[dreg:$0x4] =	wrdreg s4  }
0xb6: {  	[dreg:$0x5] =	wrdreg s5  }
0xb7: {  	[dreg:$0x6] =	wrdreg s6  }
0xb8: {  	[dreg:$0x7] =	wrdreg s7  }
0xb9: {  	[dreg:$0x8] =	wrdreg $0x9  }
0xba: {  	_ =	task.clear_ibuf [dreg:s12], $0x9FFFF;
	_ =	strace $0x90000046  }
0xbb: {  	s29 =	simm.s32 $0x9;
	_ =	strace $0x80000048  }
0xbc: {  	_ =	swait.ge [sflag:s29], $0x1  }
0xbd: {  	[sflag:s29] =	ssyncadd.s32 $0xFFFFFFFF  }
0xbe: {  	_ =	strace $0x90000048  }
0xbf: {  	_ =	sfence  }
0xc0: {  	s30 =	sld [smem:$0x0];
	_ =	sdelay $0x2  }
0xc1: {  	s31 =	sshll.u32 s1, $0xD;
	s1 =	sshrl.u32 s1, $0x2  }
0xc2: {  	s3 =	sand.u32 $0x4000, s31;
	s1 =	sadd.s32 s1, s30  }
0xc3: {  	s0 =	sor.u32 s3, s0;
	s1 =	sshll.u32 s1, $0x11  }
0xc4: {  	s0 =	sor.u32 s1, s0  }
0xc5: {  	s0 =	sadd.s32 $0x8F2B, s0  }
0xc6: {  	[sflag:s0] =	ssyncadd.remote.s32 $0x1  }
0xc7: {  	_ =	sfence.sel $0xFFFF  }
0xc8: {  	[dreg:$0x0] =	wrdreg $0xFFFFFFFF;
	(pc) =	sbr.abs _section_cstart, $3  }
0xc9: {  	[dreg:$0x1] =	wrdreg $0xFFFFFFFF  }
0xca: {  	_ =	task.clear_ibuf [dreg:s12], $0x2FFFF;
	_ =	strace $0x9FFFFFFF  }
0xcb: {  	(tm) =	ssettm $0x7FFFFFFF  }
tec
execute0_lowered:
.L_overlay_start_1:
0x0: {  	(tag) =	ssettag $0x1  }
0x1: {  	s2 =	rddreg [dreg:$0x1];
	s0 =	srdreg.scid;
	s8 =	simm.s32 $0x0  }
0x2: {  	s5 =	stileid.u32;
	s0 =	sand.u32 $0x1, s0;
	[smem:$0x7FF] =	sst s8  }
0x3: {  	s4 =	sshll.u32 s5, $0x1;
	p0 =	slt.u32 s5, $0x8;
	s5 =	simm.s32 $0x6  }
0x4: {  	s1 =	ssub.s32 $0x2, s0;
	_ =	strace $0x80000047;
	s4 =	sand.u32 $0xE, s4  }
0x5: {  	v0 =	vimm.s32 $0x0;
	s5 =	simm.s32 @!p0 $0x2;
	s3 =	sshrl.u32 s1, $0x1;
	s0 =	sor.u32 s0, s4  }
0x6: {  	v1 =	vimm.s32 $0x1;
	v2 =	vlaneseq.u32;
	vm0 =	vmmov $0x1;
	[dreg:$0x7] =	wrdreg s5;
	s30 =	smul.u32 $0x644B0, s0;
	s4 =	sshll.u32 s0, $0x7  }
0x7: {  	vm1 =	vcmask $0x308;
	vm2 =	vcmask $0x70C;
	vm3 =	vcmask $0xB10;
	s17 =	simm.s32 $0xA900;
	s1 =	ssub.s32 s1, s3;
	[dreg:$0x9] =	wrdreg s4  }
0x8: {  	vm4 =	vcmask $0xF14;
	vm5 =	vcmask $0x1318;
	s18 =	simm.s32 $0xB100;
	vm7 =	vcmask $0x704;
	s31 =	smax.u32 s1, $0x1;
	[dreg:$0x8] =	wrdreg s30  }
0x9: {  	s19 =	simm.s32 $0xE180;
	vm8 =	vcmask $0xB08;
	vm9 =	vcmask $0x1B18;
	v3 =	vor.u32 $0x80000000, v2;
	s1 =	simm.s32 $0x0;
	[dreg:$0xa] =	wrdreg s31  }
.LBB2_1:
0xa: {  	[dreg:$0xb] =	wrdreg s1  }
0xb: {  	s0 =	rddreg [dreg:$0x2];
	s26 =	simm.s32 $0x6400;
	s28 =	simm.s32 $0x2  }
0xc: {  	[tilespmem:s26], [sflag:$0x2] =	stream.linear.gather [hbm4b:s0+s8], $0x4400, $0x38;
	[tilespmem:$0xFA80] =	vst v63  }
0xd: {  	_ =	swait.ge [sflag:s28], $0x4400  }
0xe: {  	[sflag:s28] =	ssyncset.done $0x0  }
0xf: {  	[sflag:s28] =	ssyncadd.s32 $0xFFFFBC00  }
0x10: {  	s3 =	simm.s32 $0xA800;
	s29 =	rddreg [dreg:$0x3]  }
0x11: {  	[tilespmem:s3], [sflag:$0x2] =	stream.linear.gather [hbm4b:s29+s8], $0x80, $0x38;
	[tilespmem:$0xFA80] =	vst v63  }
0x12: {  	_ =	swait.ge [sflag:s28], $0x80  }
0x13: {  	[sflag:s28] =	ssyncset.done $0x0  }
0x14: {  	[sflag:s28] =	ssyncadd.s32 $0xFFFFFF80  }
0x15: {  	s31 =	simm.s32 $0xA880;
	s30 =	rddreg [dreg:$0x4]  }
0x16: {  	[tilespmem:s31], [sflag:$0x2] =	stream.linear.gather [hbm4b:s30+s8], $0x80, $0x38;
	[tilespmem:$0xFA80] =	vst v63  }
0x17: {  	_ =	swait.ge [sflag:s28], $0x80  }
0x18: {  	[sflag:s28] =	ssyncset.done $0x0  }
0x19: {  	s22 =	simm.s32 $0x0;
	[sflag:s28] =	ssyncadd.s32 $0xFFFFFF80  }
.LBB2_2:
0x1a: {  	s0 =	sshll.u32 s22, $0x4  }
0x1b: {  	s1 =	sadd.s32 $0x60, s0  }
0x1c: {  	s1 =	smov.u32 @p0 s0  }
0x1d: {  	v8 =	vld [tilespmem:s1+$0xA800]  }
0x1e: {  	s0 =	simm.s32 $0x0;
	v4 =	vld [tilespmem:s1+$0xA880];
	s1 =	simm.s32 $0x40  }
.LBB2_3:
0x1f: {  	p1 =	sne.s32 s1, $0x1FC0;
	[tilespmem:s0+$0xA900] =	vst v0;
	s0 =	smov.u32 s1;
	s1 =	sadd.s32 $0x40, s1  }
.Ltmp0:
0x20: {  	(pc) =	sbr.rel @p1 .LBB2_3-.Ltmp0, $2  }
0x21: {  	_ =	sdelay $0x2  }
0x22: {  	s0 =	sshra.s32 s0, $0x2  }
0x23: {  	(v2sf) =	vpush v8, $0x0  }
0x24: {  	(v2sf) =	vpush v8, $0x1  }
0x25: {  	(v2sf) =	vpush v8, $0x2  }
0x26: {  	(v2sf) =	vpush v8, $0x3  }
0x27: {  	(v2sf) =	vpush v8, $0x4  }
0x28: {  	(v2sf) =	vpush v8, $0x8  }
0x29: {  	(v2sf) =	vpush v4, $0x0;
	_ =	sdelay $0x1  }
0x2a: {  	(v2sf) =	vpush v4, $0x1;
	_ =	sdelay $0x6  }
0x2b: {  	s1 =	spop (v2sf)  }
0x2c: {  	s5 =	rddreg [dreg:$0x8];
	s3 =	spop (v2sf);
	p1 =	seq.s32 s1, $0x0  }
0x2d: {  	s26 =	spop (v2sf);
	s4 =	smov.u32 @p1 s5  }
0x2e: {  	[tilespmem:s0+$0xA900] =	vst v0;
	s0 =	rddreg [dreg:$0x0];
	s16 =	spop (v2sf);
	s28 =	sadd.s32 s3, s4  }
0x2f: {  	p1 =	sne.s32 s1, $0x0;
	s6 =	spop (v2sf);
	s1 =	sand.u32 $0x1FFFFFFF, s28  }
0x30: {  	s23 =	spop (v2sf);
	s4 =	sadd.s32 @p1 s0, s1  }
0x31: {  	s0 =	simm.s32 @p1 $0x0;
	[dreg:$0xc] =	wrdreg s23;
	s24 =	spop (v2sf)  }
0x32: {  	[tilespmem:s0], [sflag:$0x2] =	stream.linear.gather @p1 [hbm4b:s4+s0], $0x400, $0x38;
	[tilespmem:$0xFA80] =	vst v63  }
0x33: {  	[dreg:$0xd] =	wrdreg s24;
	s25 =	spop (v2sf)  }
0x34: {  	s0 =	simm.s32 @p1 $0x2;
	[dreg:$0xe] =	wrdreg s25  }
0x35: {  	_ =	swait.ge @p1 [sflag:s0], $0x400  }
0x36: {  	p2 =	slt.s32 s26, $0x1;
	[sflag:s0] =	ssyncset.done @p1 $0x0  }
0x37: {  	s5 =	sadd.s32 @!p1 s2, s1;
	[sflag:s0] =	ssyncadd.s32 @p1 $0xFFFFFC00;
	s0 =	simm.s32 @!p1 $0x0  }
0x38: {  	[tilespmem:s0], [sflag:$0x2] =	stream.linear.gather @!p1 [hbm4b:s5+s0], $0x3200, $0x38;
	[tilespmem:$0xFA80] =	vst v63  }
.Ltmp1:
0x39: {  	_ = 	snop;
	(pc) =	sbr.rel @p2 .LBB2_5-.Ltmp1, $4  }
0x3a: {  	s0 =	simm.s32 @!p1 $0x2  }
0x3b: {  	_ =	swait.ge @!p1 [sflag:s0], $0x3200  }
0x3c: {  	s31 =	sshll.u32 s6, $0x6;
	[sflag:s0] =	ssyncset.done @!p1 $0x0  }
0x3d: {  	s29 =	sshrl.u32 s16, $0x1;
	s30 =	sshra.s32 s31, $0x2;
	[sflag:s0] =	ssyncadd.s32 @!p1 $0xFFFFCE00  }
.Ltmp2:
0x3e: {  	(pc) =	sbr.rel .LBB2_38-.Ltmp2, $3  }
0x3f: {  	_ =	sdelay $0x1  }
0x40: {  	s0 =	sshrl.u32 s16, $0x1;
	v6 =	vimm.f32 $0.0e+00  }
0x41: {  	s1 =	sadd.s32 $0x6410, s30;
	s6 =	simm.s32 $0x0;
	v5 =	vimm.f32 $3.399999950e+38;
	v4 =	vimm.f32 $-3.399999950e+38;
	v7 =	vimm.f32 $0.0e+00;
	p3 =	seq.s32 s0, $0x0  }
.LBB2_41:
0x42: {  	p5 =	seq.s32 s3, s26  }
.Ltmp3:
0x43: {  	_ = 	snop;
	(pc) =	sbr.rel @p5 .LBB2_6-.Ltmp3, $4  }
0x44: {  	s6 =	simm.s32 @!p4 $0x1  }
0x45: {  	_ =	swait.ge @!p4 [sflag:s6], $0x3200  }
0x46: {  	[sflag:s6] =	ssyncset.done @!p4 $0x0  }
0x47: {  	[sflag:s6] =	ssyncadd.s32 @!p4 $0xFFFFCE00;
	s6 =	smov.u32 s3  }
.LBB2_38:
0x48: {  	s3 =	sadd.s32 $0x1, s6  }
0x49: {  	p4 =	sge.s32 s3, s26  }
0x4a: {  	s9 =	smul.u32 @!p4 $0x640, s3  }
.Ltmp4:
0x4b: {  	s10 =	sand.u32 @!p4 $0x1, s3;
	(pc) =	sbr.rel @p3 .LBB2_41-.Ltmp4, $4  }
0x4c: {  	p5 =	seq.s32 @!p4 s10, $0x1;
	s9 =	sadd.s32 @!p4 s28, s9  }
0x4d: {  	s10 =	simm.s32 @!p4 $0x3200;
	p5 =	por !p5, p4;
	s9 =	sand.u32 @!p4 $0x1FFFFFFF, s9  }
0x4e: {  	s11 =	simm.s32 @!p4 $0x0;
	s10 =	simm.s32 @p5 $0x0;
	s9 =	sadd.s32 @!p4 s2, s9  }
0x4f: {  	[tilespmem:s10], [sflag:$0x1] =	stream.linear.gather @!p4 [hbm4b:s9+s11], $0x3200, $0x38;
	[tilespmem:$0xFA80] =	vst v63  }
0x50: {  	s6 =	sand.u32 $0x1, s6  }
0x51: {  	p5 =	seq.s32 s6, $0x1;
	s6 =	simm.s32 $0x3200  }
0x52: {  	s6 =	simm.s32 @!p5 $0x0  }
0x53: {  	s9 =	smov.u32 s0;
	v9 =	vmov s6;
	s6 =	smov.u32 s1  }
.LBB2_40:
0x54: {  	v10 =	vld [tilespmem:s6+$0xFFFFFFF0];
	_ =	sdelay $0x4  }
0x55: {  	v10 =	vadd.s32 v9, v10;
	_ =	sdelay $0x4  }
0x56: {  	v10 =	vld.idx.msk [tilespmem:v10+s8+$0x0], $0xffff;
	_ =	sdelay $0x3  }
0x57: {  	v11 =	vld [tilespmem:s6+$0x0]  }
0x58: {  	v12 =	vshra.s32 v10, $0x1F  }
0x59: {  	v12 =	vor.u32 $0x80000000, v12  }
0x5a: {  	v12 =	vxor.u32 v10, v12  }
0x5b: {  	v12 =	vshrl.u32 v12, $0x15  }
0x5c: {  	v11 =	vadd.s32 v9, v11;
	_ =	sdelay $0x3  }
0x5d: {  	[tilespmem:v12+s17+$0x0] =	vst.idx.add.s32.msk $0xffff, v1  }
0x5e: {  	v11 =	vld.idx.msk [tilespmem:v11+s8+$0x0], $0xffff;
	_ =	sdelay $0x4  }
0x5f: {  	v62 =	vshra.s32 v11, $0x1F  }
0x60: {  	v12 =	vor.u32 $0x80000000, v62  }
0x61: {  	v12 =	vxor.u32 v11, v12  }
0x62: {  	p5 =	sne.s32 s9, $0x1;
	v12 =	vshrl.u32 v12, $0x15  }
.Ltmp5:
0x63: {  	v13 =	vmul.f32 v10, v10;
	(pc) =	sbr.rel @p5 .LBB2_40-.Ltmp5, $4  }
0x64: {  	v7 =	vadd.f32 v10, v7  }
0x65: {  	v5 =	vmin.f32 v5, v10;
	v6 =	vadd.f32 v13, v6;
	v63 =	vmul.f32 v11, v11  }
0x66: {  	v4 =	vmax.f32 v4, v10;
	v7 =	vadd.f32 v11, v7;
	v5 =	vmin.f32 v5, v11  }
0x67: {  	s6 =	sadd.s32 $0x20, s6;
	s9 =	sadd.s32 $0xFFFFFFFF, s9;
	v4 =	vmax.f32 v4, v11;
	v6 =	vadd.f32 v63, v6;
	[tilespmem:v12+s17+$0x0] =	vst.idx.add.s32.msk $0xffff, v1  }
.Ltmp6:
0x68: {  	_ = 	snop;
	(pc) =	sbr.rel .LBB2_41-.Ltmp6, $1  }
0x69: {  	_ =	sdelay $0x3  }
.LBB2_5:
0x6a: {  	v4 =	vimm.f32 $-3.399999950e+38  }
0x6b: {  	v5 =	vimm.f32 $3.399999950e+38;
	v7 =	vimm.f32 $0.0e+00;
	v6 =	vimm.f32 $0.0e+00  }
.LBB2_6:
0x6c: {  	v9 =	vxor.u32 $0x80000000, v8;
	s0 =	simm.s32 $0x0;
	v13 =	vimm.s32 $0x0;
	v8 =	vimm.s32 $0x0;
	s1 =	simm.s32 $0x0  }
.LBB2_7:
0x6d: {  	s3 =	sshrl.u32 s1, $0x1  }
0x6e: {  	s3 =	sadd.s32 $0x5, s3  }
0x6f: {  	v10 =	vmov s3  }
0x70: {  	vm10 =	veq.s32 v10, v2  }
0x71: {  	v10 =	vnsel vm10, $0x0, v9  }
0x72: {  	(xrf0) =	vmax.scan.msk.u32 $0xffff, v10;
	_ =	sdelay $0x1  }
0x73: {  	s20 =	simm.s32 $0xA900  }
0x74: {  	v10 =	vld [tilespmem:s20+$0x0];
	_ =	sdelay $0x2  }
0x75: {  	v11, _, _ =	vpop (xrf0)  }
0x76: {  	(v2sf) =	vpush v11, $0xF  }
0x77: {  	(xrf0) =	vadd.scan.msk.s32 $0xffff, v10;
	_ =	sdelay $0x4  }
0x78: {  	s21 =	simm.s32 $0xA910  }
0x79: {  	v10 =	vld [tilespmem:s21+$0x0];
	v11, _, _ =	vpop (xrf0)  }
0x7a: {  	v12 =	vxor.u32 $0x80000000, v11  }
0x7b: {  	(xrf0) =	vmax.scan.msk.u32 $0xffff, v12;
	_ =	sdelay $0x2  }
0x7c: {  	(xrf0) =	vadd.scan.msk.s32 $0xffff, v10;
	_ =	sdelay $0x2  }
0x7d: {  	s6 =	sand.u32 $0x1, s1;
	v10, _, _ =	vpop (xrf0);
	s23 =	spop (v2sf)  }
0x7e: {  	(v2sf) =	vpush v10, $0xF;
	s3 =	sadd.s32 s23, s6  }
0x7f: {  	s3 =	sadd.s32 $0x80000000, s3  }
0x80: {  	v11 =	vadd.s32 s0, v11;
	v14, _, _ =	vpop (xrf0);
	v10 =	vmov s3  }
0x81: {  	v15 =	vxor.u32 $0x80000000, v14;
	vm10 =	vle.s32 v11, v10  }
0x82: {  	(xrf0) =	vmax.scan.msk.u32 $0xffff, v15;
	v11 =	vnsel vm10, $0x80000000, v12  }
0x83: {  	(xrf0) =	vmax.scan.msk.u32 $0xffff, v11  }
0x84: {  	s24 =	simm.s32 $0xA920;
	v11 =	vsel vm10, $0x1, v0  }
0x85: {  	(xrf0) =	vadd.scan.msk.s32 $0xffff, v11;
	v11 =	vld [tilespmem:s24+$0x0];
	_ =	sdelay $0x2  }
0x86: {  	v12, _, _ =	vpop (xrf0)  }
0x87: {  	(v2sf) =	vpush v12, $0xF;
	v12, _, _ =	vpop (xrf0)  }
0x88: {  	(xrf0) =	vadd.scan.msk.s32 $0xffff, v11;
	(v2sf) =	vpush v12, $0xF;
	_ =	sdelay $0x1  }
0x89: {  	v11, _, _ =	vpop (xrf0)  }
0x8a: {  	(v2sf) =	vpush v11, $0xF;
	s25 =	spop (v2sf)  }
0x8b: {  	s6 =	sadd.s32 $0x0, s25  }
0x8c: {  	s9 =	sadd.s32 $0x80000000, s6  }
0x8d: {  	v12, _, _ =	vpop (xrf0);
	v14 =	vadd.s32 s9, v14  }
0x8e: {  	v11 =	vxor.u32 $0x80000000, v12;
	vm10 =	vle.s32 v14, v10  }
0x8f: {  	(xrf0) =	vmax.scan.msk.u32 $0xffff, v11;
	v14 =	vnsel vm10, $0x80000000, v15  }
0x90: {  	s11 =	simm.s32 $0xA930;
	(xrf0) =	vmax.scan.msk.u32 $0xffff, v14  }
0x91: {  	v15 =	vsel vm10, $0x1, v0;
	v14 =	vld [tilespmem:s11+$0x0]  }
0x92: {  	(xrf0) =	vadd.scan.msk.s32 $0xffff, v15;
	_ =	sdelay $0x2  }
0x93: {  	s10 =	simm.s32 $0x10;
	s13 =	spop (v2sf);
	v15, _, _ =	vpop (xrf0)  }
0x94: {  	s15 =	simm.s32 $0x20;
	s12 =	simm.s32 $0x30;
	(xrf0) =	vadd.scan.msk.s32 $0xffff, v14;
	s14 =	spop (v2sf);
	(v2sf) =	vpush v15, $0xF;
	v15, _, _ =	vpop (xrf0)  }
0x95: {  	p3 =	por $0x1, $0x1;
	s20 =	simm.s32 $0x40;
	s21 =	ssub.s32 s3, s0;
	(v2sf) =	vpush v15, $0xF  }
0x96: {  	s6 =	simm.s32 $0xFFFFFFFF;
	s13 =	sadd.s32 s13, s9;
	s23 =	sxor.u32 $0x7FFFFFFF, s14;
	v16, _, _ =	vpop (xrf0)  }
0x97: {  	s14 =	sadd.s32 $0x80000000, s13;
	s31 =	spop (v2sf);
	s13 =	simm.s32 $0x0;
	(v2sf) =	vpush v16, $0xF  }
0x98: {  	s23 =	sadd.s32 s21, s23;
	p5 =	slt.s32 s31, $0x10;
	s21 =	sadd.s32 $0x0, s31  }
.LBB2_8:
0x99: {  	p4 =	sne.s32 s20, $0x7F0;
	p3 =	por !p3, !p5;
	s23 =	sadd.s32 $0x1, s23  }
0x9a: {  	v14 =	vadd.s32 s14, v12;
	v12, _, _ =	vpop (xrf0);
	s24 =	smov.u32 s10;
	s10 =	smov.u32 s15;
	s15 =	smov.u32 s12  }
0x9b: {  	s12 =	smov.u32 s20;
	s20 =	sadd.s32 $0x10, s20;
	v15 =	vxor.u32 $0x80000000, v12;
	vm10 =	vle.s32 v14, v10;
	p3 =	por !p3, !p3  }
0x9c: {  	s11 =	sadd.s32 $0x10, s11;
	(xrf0) =	vmax.scan.msk.u32 $0xffff, v15;
	v14 =	vsel vm10, $0x1, v0;
	v16 =	vnsel vm10, $0x80000000, v11;
	s6 =	smov.u32 @p3 s21;
	s13 =	smov.u32 @p3 s23;
	v11 =	vmov v15  }
0x9d: {  	v15 =	vld [tilespmem:s11+$0x0];
	(xrf0) =	vmax.scan.msk.u32 $0xffff, v16  }
0x9e: {  	(xrf0) =	vadd.scan.msk.s32 $0xffff, v14;
	_ =	sdelay $0x3  }
0x9f: {  	(xrf0) =	vadd.scan.msk.s32 $0xffff, v15;
	v14, _, _ =	vpop (xrf0)  }
.Ltmp7:
0xa0: {  	(v2sf) =	vpush v14, $0xF;
	v14, _, _ =	vpop (xrf0);
	(pc) =	sbr.rel @p4 .LBB2_8-.Ltmp7, $4  }
0xa1: {  	s23 =	ssub.s32 s3, s9;
	s9 =	smov.u32 s14;
	s21 =	spop (v2sf);
	v15, _, _ =	vpop (xrf0);
	(v2sf) =	vpush v14, $0xF  }
0xa2: {  	p3 =	slt.s32 s6, $0x0;
	s14 =	sadd.s32 s21, s14;
	(v2sf) =	vpush v15, $0xF;
	s21 =	spop (v2sf)  }
0xa3: {  	s14 =	sadd.s32 $0x80000000, s14;
	s21 =	sxor.u32 $0x7FFFFFFF, s21;
	s25 =	spop (v2sf)  }
0xa4: {  	s23 =	sadd.s32 s23, s21;
	p5 =	slt.s32 s25, $0x10;
	s21 =	sadd.s32 s24, s25  }
0xa5: {  	_ =	sdelay $0x8  }
0xa6: {  	v14, _, _ =	vpop (xrf0);
	v12 =	vadd.s32 s14, v12  }
0xa7: {  	v15 =	vxor.u32 $0x80000000, v14;
	vm10 =	vle.s32 v12, v10;
	s11 =	spop (v2sf)  }
0xa8: {  	(xrf0) =	vmax.scan.msk.u32 $0xffff, v15;
	v11 =	vnsel vm10, $0x80000000, v11;
	s11 =	sadd.s32 s11, s14  }
0xa9: {  	(xrf0) =	vmax.scan.msk.u32 $0xffff, v11;
	s11 =	sadd.s32 $0x80000000, s11  }
0xaa: {  	v12 =	vsel vm10, $0x1, v0;
	v11 =	vadd.s32 s11, v14  }
0xab: {  	(xrf0) =	vadd.scan.msk.s32 $0xffff, v12;
	vm10 =	vle.s32 v11, v10  }
0xac: {  	v10 =	vnsel vm10, $0x80000000, v15;
	_ =	sdelay $0x1  }
0xad: {  	v12 =	vsel vm10, $0x1, v0;
	v11, _, _ =	vpop (xrf0);
	(xrf0) =	vmax.scan.msk.u32 $0xffff, v10  }
0xae: {  	v10, _, _ =	vpop (xrf0);
	(xrf0) =	vadd.scan.msk.s32 $0xffff, v12  }
0xaf: {  	(v2sf) =	vpush v11, $0xF  }
0xb0: {  	v11, _, _ =	vpop (xrf0);
	(v2sf) =	vpush v10, $0xF  }
0xb1: {  	(v2sf) =	vpush v11, $0xF;
	_ =	sdelay $0x1  }
0xb2: {  	v10, _, _ =	vpop (xrf0)  }
0xb3: {  	(v2sf) =	vpush v10, $0xF;
	v11, _, _ =	vpop (xrf0)  }
0xb4: {  	(v2sf) =	vpush v11, $0xF;
	_ =	sdelay $0x2  }
0xb5: {  	p3 =	por !p3, !p5  }
0xb6: {  	p3 =	por !p3, !p3  }
0xb7: {  	s9 =	ssub.s32 s3, s9;
	s6 =	smov.u32 @p3 s21;
	s21 =	sadd.s32 $0x1, s23  }
0xb8: {  	s13 =	smov.u32 @p3 s21;
	p6 =	slt.s32 s6, $0x0;
	s20 =	spop (v2sf)  }
0xb9: {  	s21 =	ssub.s32 s3, s14;
	s25 =	spop (v2sf);
	s20 =	sxor.u32 $0x7FFFFFFF, s20  }
0xba: {  	p4 =	slt.s32 s25, $0x10;
	s9 =	sadd.s32 s9, s20;
	s10 =	sadd.s32 s10, s25  }
0xbb: {  	s25 =	ssub.s32 s3, s11;
	p3 =	por !p6, !p4;
	s31 =	spop (v2sf)  }
0xbc: {  	s9 =	sadd.s32 $0x1, s9;
	p3 =	por !p3, !p3;
	s20 =	spop (v2sf)  }
0xbd: {  	s6 =	smov.u32 @p3 s10;
	s13 =	smov.u32 @p3 s9;
	s7 =	spop (v2sf)  }
0xbe: {  	p5 =	slt.s32 s6, $0x0;
	s23 =	sxor.u32 $0x7FFFFFFF, s20;
	p6 =	slt.s32 s7, $0x10  }
0xbf: {  	v10 =	vmov s1;
	s1 =	sadd.s32 $0x1, s1;
	s9 =	sadd.s32 s21, s23;
	p3 =	por !p5, !p6  }
0xc0: {  	s10 =	sadd.s32 s15, s7;
	p3 =	por !p3, !p3;
	s24 =	spop (v2sf)  }
0xc1: {  	s9 =	sadd.s32 $0x1, s9;
	s6 =	smov.u32 @p3 s10;
	s31 =	spop (v2sf)  }
0xc2: {  	s10 =	sxor.u32 $0x7FFFFFFF, s24;
	p5 =	slt.s32 s6, $0x0;
	p6 =	slt.s32 s31, $0x10  }
0xc3: {  	s13 =	smov.u32 @p3 s9;
	s3 =	sadd.s32 s25, s10;
	p3 =	por !p5, !p6  }
0xc4: {  	s9 =	sadd.s32 s12, s31;
	s3 =	sadd.s32 $0x1, s3;
	p3 =	por !p3, !p3  }
0xc5: {  	s6 =	smov.u32 @p3 s9;
	s13 =	smov.u32 @p3 s3;
	p3 =	sne.s32 s1, $0x6  }
.Ltmp8:
0xc6: {  	_ = 	snop;
	(pc) =	sbr.rel @p3 .LBB2_7-.Ltmp8, $3  }
0xc7: {  	_ =	sdelay $0x1  }
0xc8: {  	vm10 =	veq.s32 v10, v2  }
0xc9: {  	v8 =	vsel vm10, s6, v8;
	v13 =	vsel vm10, s13, v13  }
0xca: {  	s1 =	simm.s32 $0x40;
	s0 =	simm.s32 $0x0  }
.LBB2_11:
0xcb: {  	p3 =	sne.s32 s1, $0xBFC0;
	[tilespmem:s0+$0xB100] =	vst v0;
	s0 =	smov.u32 s1;
	s1 =	sadd.s32 $0x40, s1  }
.Ltmp9:
0xcc: {  	(pc) =	sbr.rel @p3 .LBB2_11-.Ltmp9, $2  }
0xcd: {  	_ =	sdelay $0x2  }
0xce: {  	s0 =	sshra.s32 s0, $0x2  }
0xcf: {  	v9 =	vnsel vm0, $0x80000000, v8  }
0xd0: {  	v10 =	vsel vm1, $0x80000000, v8;
	v9 =	vxor.u32 $0x80000000, v9  }
0xd1: {  	(xrf0) =	vmax.scan.msk.u32 $0xffff, v9;
	v9 =	vxor.u32 $0x80000000, v10;
	v10 =	vsel vm2, $0x80000000, v8  }
0xd2: {  	(xrf0) =	vmax.scan.msk.u32 $0xffff, v9;
	v9 =	vxor.u32 $0x80000000, v10;
	v10 =	vsel vm3, $0x80000000, v8  }
0xd3: {  	(xrf0) =	vmax.scan.msk.u32 $0xffff, v9;
	v9 =	vxor.u32 $0x80000000, v10;
	v10 =	vsel vm4, $0x80000000, v8  }
0xd4: {  	(xrf0) =	vmax.scan.msk.u32 $0xffff, v9;
	v9 =	vxor.u32 $0x80000000, v10  }
0xd5: {  	v8 =	vsel vm5, $0x80000000, v8  }
0xd6: {  	v8 =	vxor.u32 $0x80000000, v8;
	(xrf0) =	vmax.scan.msk.u32 $0xffff, v9  }
0xd7: {  	v9, _, _ =	vpop (xrf0);
	(xrf0) =	vmax.scan.msk.u32 $0xffff, v8;
	_ =	sdelay $0x1  }
0xd8: {  	v8, _, _ =	vpop (xrf0);
	(v2sf) =	vpush v9, $0xF  }
0xd9: {  	v9, _, _ =	vpop (xrf0);
	(v2sf) =	vpush v8, $0xF  }
0xda: {  	v8, _, _ =	vpop (xrf0);
	(v2sf) =	vpush v9, $0xF  }
0xdb: {  	v9, _, _ =	vpop (xrf0);
	(v2sf) =	vpush v8, $0xF  }
0xdc: {  	(v2sf) =	vpush v9, $0xF;
	v8, _, _ =	vpop (xrf0)  }
0xdd: {  	(v2sf) =	vpush v8, $0xF;
	_ =	sdelay $0x7  }
0xde: {  	[tilespmem:s0+$0xB100] =	vst v0;
	s0 =	simm.s32 @p1 $0x0  }
0xdf: {  	[tilespmem:s0], [sflag:$0x2] =	stream.linear.gather @p1 [hbm4b:s4+s0], $0x400, $0x38;
	[tilespmem:$0xFA80] =	vst v63  }
0xe0: {  	s15 =	spop (v2sf)  }
0xe1: {  	s13 =	spop (v2sf)  }
0xe2: {  	s3 =	spop (v2sf)  }
0xe3: {  	s1 =	spop (v2sf)  }
0xe4: {  	s12 =	spop (v2sf)  }
0xe5: {  	s0 =	simm.s32 @p1 $0x2;
	s7 =	spop (v2sf)  }
0xe6: {  	s6 =	simm.s32 @!p1 $0x2;
	s31 =	sxor.u32 $0x80000000, s15;
	_ =	swait.ge @p1 [sflag:s0], $0x400  }
0xe7: {  	s9 =	sxor.u32 $0x80000000, s13;
	s10 =	sxor.u32 $0x80000000, s3;
	[sflag:s0] =	ssyncset.done @p1 $0x0  }
.Ltmp10:
0xe8: {  	[sflag:s0] =	ssyncadd.s32 @p1 $0xFFFFFC00;
	s0 =	simm.s32 @!p1 $0x0;
	(pc) =	sbr.rel @p2 .LBB2_18-.Ltmp10, $4  }
0xe9: {  	[tilespmem:s0], [sflag:$0x2] =	stream.linear.gather @!p1 [hbm4b:s5+s0], $0x3200, $0x38;
	[tilespmem:$0xFA80] =	vst v63  }
0xea: {  	s11 =	sxor.u32 $0x80000000, s1;
	_ =	swait.ge @!p1 [sflag:s6], $0x3200;
	[dreg:$0x11] =	wrdreg s1  }
0xeb: {  	v8 =	vmov s31;
	v9 =	vmov s9;
	[dreg:$0x10] =	wrdreg s12;
	s12 =	sxor.u32 $0x80000000, s12;
	[sflag:s6] =	ssyncset.done @!p1 $0x0  }
0xec: {  	v10 =	vmov s10;
	v11 =	vmov s11;
	s21 =	sxor.u32 $0x80000000, s7;
	[dreg:$0xf] =	wrdreg s7;
	v12 =	vmov s12;
	[sflag:s6] =	ssyncadd.s32 @!p1 $0xFFFFCE00  }
.Ltmp11:
0xed: {  	(pc) =	sbr.rel .LBB2_14-.Ltmp11, $3  }
0xee: {  	_ =	sdelay $0x1  }
0xef: {  	s0 =	sshrl.u32 s16, $0x1  }
0xf0: {  	v14 =	vmov s21;
	s6 =	sadd.s32 $0x6410, s30;
	s10 =	simm.s32 $0x0;
	p3 =	seq.s32 s0, $0x0  }
.LBB2_17:
0xf1: {  	p5 =	seq.s32 s9, s26  }
.Ltmp12:
0xf2: {  	_ = 	snop;
	(pc) =	sbr.rel @p5 .LBB2_18-.Ltmp12, $4  }
0xf3: {  	s10 =	simm.s32 @!p4 $0x1  }
0xf4: {  	_ =	swait.ge @!p4 [sflag:s10], $0x3200  }
0xf5: {  	[sflag:s10] =	ssyncset.done @!p4 $0x0  }
0xf6: {  	[sflag:s10] =	ssyncadd.s32 @!p4 $0xFFFFCE00;
	s10 =	smov.u32 s9  }
.LBB2_14:
0xf7: {  	s9 =	sadd.s32 $0x1, s10  }
0xf8: {  	p4 =	sge.s32 s9, s26  }
0xf9: {  	s11 =	smul.u32 @!p4 $0x640, s9  }
.Ltmp13:
0xfa: {  	s12 =	sand.u32 @!p4 $0x1, s9;
	(pc) =	sbr.rel @p3 .LBB2_17-.Ltmp13, $4  }
0xfb: {  	p5 =	seq.s32 @!p4 s12, $0x1;
	s11 =	sadd.s32 @!p4 s28, s11  }
0xfc: {  	s12 =	simm.s32 @!p4 $0x3200;
	p5 =	por !p5, p4;
	s11 =	sand.u32 @!p4 $0x1FFFFFFF, s11  }
0xfd: {  	s14 =	simm.s32 @!p4 $0x0;
	s12 =	simm.s32 @p5 $0x0;
	s11 =	sadd.s32 @!p4 s2, s11  }
0xfe: {  	[tilespmem:s12], [sflag:$0x1] =	stream.linear.gather @!p4 [hbm4b:s11+s14], $0x3200, $0x38;
	[tilespmem:$0xFA80] =	vst v63  }
0xff: {  	s10 =	sand.u32 $0x1, s10  }
0x100: {  	p5 =	seq.s32 s10, $0x1;
	s10 =	simm.s32 $0x3200  }
0x101: {  	s10 =	simm.s32 @!p5 $0x0  }
0x102: {  	s11 =	smov.u32 s0;
	v15 =	vmov s10;
	s10 =	smov.u32 s6  }
.LBB2_16:
0x103: {  	v16 =	vld [tilespmem:s10+$0xFFFFFFF0];
	_ =	sdelay $0x4  }
0x104: {  	v16 =	vadd.s32 v15, v16;
	_ =	sdelay $0x4  }
0x105: {  	v16 =	vld.idx.msk [tilespmem:v16+s8+$0x0], $0xffff;
	_ =	sdelay $0x4  }
0x106: {  	v17 =	vshra.s32 v16, $0x1F  }
0x107: {  	v17 =	vor.u32 $0x80000000, v17  }
0x108: {  	v16 =	vxor.u32 v16, v17  }
0x109: {  	v17 =	vshrl.u32 v16, $0x15  }
0x10a: {  	v16 =	vshrl.u32 v16, $0xA;
	vm10 =	veq.s32 v17, v8  }
0x10b: {  	v16 =	vand.u32 $0x7FF, v16;
	vm11 =	veq.s32 v17, v9  }
0x10c: {  	v18 =	vld [tilespmem:s10+$0x0];
	vm12 =	veq.s32 v17, v10;
	v19 =	vor.u32 $0x800, v16  }
0x10d: {  	vm13 =	veq.s32 v17, v11;
	v20 =	vor.u32 $0x1000, v16  }
0x10e: {  	vm14 =	veq.s32 v17, v12;
	v21 =	vor.u32 $0x1800, v16  }
0x10f: {  	vm15 =	veq.s32 v17, v14;
	v17 =	vor.u32 $0x2000, v16  }
0x110: {  	[tilespmem:v16+s18+$0x0] =	vst.idx.add.s32.msk vm10, v1;
	v16 =	vor.u32 $0x2800, v16  }
0x111: {  	v18 =	vadd.s32 v15, v18;
	[tilespmem:v19+s18+$0x0] =	vst.idx.add.s32.msk vm11, v1  }
0x112: {  	[tilespmem:v20+s18+$0x0] =	vst.idx.add.s32.msk vm12, v1  }
0x113: {  	[tilespmem:v21+s18+$0x0] =	vst.idx.add.s32.msk vm13, v1  }
0x114: {  	[tilespmem:v17+s18+$0x0] =	vst.idx.add.s32.msk vm14, v1  }
0x115: {  	[tilespmem:v16+s18+$0x0] =	vst.idx.add.s32.msk vm15, v1  }
0x116: {  	v16 =	vld.idx.msk [tilespmem:v18+s8+$0x0], $0xffff;
	_ =	sdelay $0x4  }
0x117: {  	v17 =	vshra.s32 v16, $0x1F  }
0x118: {  	v17 =	vor.u32 $0x80000000, v17  }
0x119: {  	v16 =	vxor.u32 v16, v17  }
0x11a: {  	v17 =	vshrl.u32 v16, $0x15  }
0x11b: {  	v16 =	vshrl.u32 v16, $0xA;
	vm10 =	veq.s32 v17, v8  }
0x11c: {  	v16 =	vand.u32 $0x7FF, v16;
	vm11 =	veq.s32 v17, v9  }
0x11d: {  	vm12 =	veq.s32 v17, v10;
	v61 =	vor.u32 $0x800, v16  }
0x11e: {  	vm13 =	veq.s32 v17, v11;
	v62 =	vor.u32 $0x1000, v16  }
0x11f: {  	vm14 =	veq.s32 v17, v12;
	v63 =	vor.u32 $0x1800, v16  }
0x120: {  	vm15 =	veq.s32 v17, v14;
	v17 =	vor.u32 $0x2000, v16  }
0x121: {  	p5 =	sne.s32 s11, $0x1;
	[tilespmem:v16+s18+$0x0] =	vst.idx.add.s32.msk vm10, v1;
	v16 =	vor.u32 $0x2800, v16  }
.Ltmp14:
0x122: {  	[tilespmem:v61+s18+$0x0] =	vst.idx.add.s32.msk vm11, v1;
	(pc) =	sbr.rel @p5 .LBB2_16-.Ltmp14, $4  }
0x123: {  	[tilespmem:v62+s18+$0x0] =	vst.idx.add.s32.msk vm12, v1  }
0x124: {  	[tilespmem:v63+s18+$0x0] =	vst.idx.add.s32.msk vm13, v1  }
0x125: {  	[tilespmem:v17+s18+$0x0] =	vst.idx.add.s32.msk vm14, v1  }
0x126: {  	s10 =	sadd.s32 $0x20, s10;
	s11 =	sadd.s32 $0xFFFFFFFF, s11;
	[tilespmem:v16+s18+$0x0] =	vst.idx.add.s32.msk vm15, v1  }
.Ltmp15:
0x127: {  	_ = 	snop;
	(pc) =	sbr.rel .LBB2_17-.Ltmp15, $1  }
0x128: {  	_ =	sdelay $0x3  }
.LBB2_18:
0x129: {  	s1 =	smov.u32 s30;
	v15 =	vxor.u32 $0x80000000, v13;
	s0 =	simm.s32 $0x0;
	v13 =	vimm.s32 $0x0;
	v14 =	vimm.s32 $0x0;
	s6 =	simm.s32 $0x0  }
.LBB2_19:
0x12a: {  	v16 =	vmov s6  }
0x12b: {  	vm10 =	veq.s32 v16, v2  }
0x12c: {  	v16 =	vnsel vm10, $0x0, v3  }
0x12d: {  	(xrf0) =	vmax.scan.msk.u32 $0xffff, v16;
	_ =	sdelay $0x5  }
0x12e: {  	v16, _, _ =	vpop (xrf0)  }
0x12f: {  	(v2sf) =	vpush v16, $0xF;
	_ =	sdelay $0xe  }
0x130: {  	v16 =	vnsel vm10, $0x0, v15;
	s9 =	spop (v2sf)  }
0x131: {  	(xrf0) =	vmax.scan.msk.u32 $0xffff, v16;
	s9 =	sshll.u32 s9, $0xD  }
0x132: {  	s9 =	sshra.s32 s9, $0x2  }
0x133: {  	s14 =	sand.u32 $0x780, s0;
	s10 =	sadd.s32 $0xB100, s9  }
0x134: {  	s11 =	sand.u32 $0x70, s0;
	s9 =	sadd.s32 s14, s10  }
0x135: {  	s9 =	sadd.s32 s11, s9  }
0x136: {  	v16 =	vld [tilespmem:s9+$0x0]  }
0x137: {  	v17, _, _ =	vpop (xrf0)  }
0x138: {  	(v2sf) =	vpush v17, $0xF;
	_ =	sdelay $0x2  }
0x139: {  	(xrf0) =	vadd.scan.msk.s32 $0xffff, v16;
	_ =	sdelay $0x5  }
0x13a: {  	v17, _, _ =	vpop (xrf0)  }
0x13b: {  	s12 =	simm.s32 $0x10;
	v18 =	vxor.u32 $0x80000000, v17  }
0x13c: {  	s16 =	sand.u32 $0x780, s12;
	(xrf0) =	vmax.scan.msk.u32 $0xffff, v18  }
0x13d: {  	s20 =	sand.u32 $0x70, s12;
	s9 =	sadd.s32 s16, s10  }
0x13e: {  	s9 =	sadd.s32 s20, s9  }
0x13f: {  	v19 =	vld [tilespmem:s9+$0x0]  }
0x140: {  	s23 =	spop (v2sf)  }
0x141: {  	s16 =	sxor.u32 $0x80000000, s23  }
0x142: {  	v16 =	vmov s16;
	v17 =	vadd.s32 s0, v17;
	v20, _, _ =	vpop (xrf0)  }
0x143: {  	vm11 =	vle.s32 v17, v16;
	(v2sf) =	vpush v20, $0xF  }
0x144: {  	(xrf0) =	vadd.scan.msk.s32 $0xffff, v19;
	v17 =	vnsel vm11, $0x80000000, v18  }
0x145: {  	(xrf0) =	vmax.scan.msk.u32 $0xffff, v17  }
0x146: {  	v17 =	vsel vm11, $0x1, v0  }
0x147: {  	(xrf0) =	vadd.scan.msk.s32 $0xffff, v17;
	_ =	sdelay $0x2  }
0x148: {  	v17, _, _ =	vpop (xrf0)  }
0x149: {  	v18, _, _ =	vpop (xrf0)  }
0x14a: {  	s20 =	simm.s32 $0x20;
	(v2sf) =	vpush v18, $0xF  }
0x14b: {  	s24 =	sand.u32 $0x780, s20;
	v18, _, _ =	vpop (xrf0)  }
0x14c: {  	s25 =	sand.u32 $0x70, s20;
	s9 =	sadd.s32 s24, s10;
	v19 =	vxor.u32 $0x80000000, v17;
	(v2sf) =	vpush v18, $0xF  }
0x14d: {  	s9 =	sadd.s32 s25, s9;
	(xrf0) =	vmax.scan.msk.u32 $0xffff, v19  }
0x14e: {  	v18 =	vld [tilespmem:s9+$0x0];
	_ =	sdelay $0x1  }
0x14f: {  	s31 =	spop (v2sf)  }
0x150: {  	s9 =	sadd.s32 $0x0, s31  }
0x151: {  	s11 =	sadd.s32 $0x80000000, s9  }
0x152: {  	(xrf0) =	vadd.scan.msk.s32 $0xffff, v18;
	v18, _, _ =	vpop (xrf0);
	v17 =	vadd.s32 s11, v17  }
0x153: {  	(v2sf) =	vpush v18, $0xF;
	vm11 =	vle.s32 v17, v16  }
0x154: {  	v17 =	vnsel vm11, $0x80000000, v19  }
0x155: {  	(xrf0) =	vmax.scan.msk.u32 $0xffff, v17  }
0x156: {  	v19 =	vsel vm11, $0x1, v0  }
0x157: {  	(xrf0) =	vadd.scan.msk.s32 $0xffff, v19  }
0x158: {  	s30 =	simm.s32 $0x30;
	p3 =	por $0x1, $0x1;
	s14 =	spop (v2sf)  }
0x159: {  	s23 =	ssub.s32 s16, s0;
	s9 =	simm.s32 $0xFFFFFFFF;
	s14 =	sxor.u32 $0x7FFFFFFF, s14  }
0x15a: {  	s24 =	sadd.s32 s23, s14;
	s14 =	simm.s32 $0x0;
	s25 =	spop (v2sf);
	v17, _, _ =	vpop (xrf0)  }
0x15b: {  	s23 =	smov.u32 s11;
	p5 =	slt.s32 s25, $0x10;
	s25 =	sadd.s32 $0x0, s25;
	v18, _, _ =	vpop (xrf0)  }
.LBB2_20:
0x15c: {  	p3 =	por !p3, !p5;
	s24 =	sadd.s32 $0x1, s24;
	s7 =	smov.u32 s12  }
0x15d: {  	v19 =	vxor.u32 $0x80000000, v17;
	v20, _, _ =	vpop (xrf0);
	(v2sf) =	vpush v18, $0xF;
	s12 =	smov.u32 s20;
	s20 =	smov.u32 s30;
	s31 =	sadd.s32 $0x10, s30  }
0x15e: {  	p4 =	sne.s32 s30, $0x7F0;
	(xrf0) =	vmax.scan.msk.u32 $0xffff, v19;
	(v2sf) =	vpush v20, $0xF;
	p3 =	por !p3, !p3  }
0x15f: {  	s30 =	sand.u32 $0x780, s20;
	s9 =	smov.u32 @p3 s25;
	s14 =	smov.u32 @p3 s24  }
0x160: {  	s24 =	sand.u32 $0x70, s20;
	s25 =	sadd.s32 s30, s10  }
0x161: {  	s24 =	sadd.s32 s24, s25  }
0x162: {  	v18 =	vld [tilespmem:s24+$0x0];
	s24 =	spop (v2sf)  }
0x163: {  	s11 =	sadd.s32 s24, s11  }
0x164: {  	v20, _, _ =	vpop (xrf0);
	s11 =	sadd.s32 $0x80000000, s11  }
0x165: {  	v17 =	vadd.s32 s11, v17;
	(v2sf) =	vpush v20, $0xF  }
0x166: {  	vm11 =	vle.s32 v17, v16  }
0x167: {  	(xrf0) =	vadd.scan.msk.s32 $0xffff, v18;
	v17 =	vsel vm11, $0x1, v0;
	v18 =	vnsel vm11, $0x80000000, v19  }
0x168: {  	(xrf0) =	vmax.scan.msk.u32 $0xffff, v18  }
0x169: {  	(xrf0) =	vadd.scan.msk.s32 $0xffff, v17;
	_ =	sdelay $0x1  }
.Ltmp16:
0x16a: {  	(pc) =	sbr.rel @p4 .LBB2_20-.Ltmp16, $4  }
0x16b: {  	s24 =	ssub.s32 s16, s23;
	s23 =	spop (v2sf)  }
0x16c: {  	p3 =	slt.s32 s9, $0x0;
	s25 =	sxor.u32 $0x7FFFFFFF, s23  }
0x16d: {  	v17, _, _ =	vpop (xrf0);
	s30 =	spop (v2sf);
	s23 =	smov.u32 s11;
	s24 =	sadd.s32 s24, s25  }
0x16e: {  	v18, _, _ =	vpop (xrf0);
	p5 =	slt.s32 s30, $0x10;
	s25 =	sadd.s32 s7, s30;
	s30 =	smov.u32 s31  }
0x16f: {  	_ =	sdelay $0x3  }
0x170: {  	s7 =	spop (v2sf)  }
0x171: {  	s7 =	sadd.s32 s7, s11  }
0x172: {  	s7 =	sadd.s32 $0x80000000, s7  }
0x173: {  	v19 =	vadd.s32 s7, v17  }
0x174: {  	v17 =	vxor.u32 $0x80000000, v17;
	vm11 =	vle.s32 v19, v16  }
0x175: {  	(xrf0) =	vmax.scan.msk.u32 $0xffff, v17;
	v16 =	vnsel vm11, $0x80000000, v17  }
0x176: {  	v17 =	vsel vm11, $0x1, v0;
	(xrf0) =	vmax.scan.msk.u32 $0xffff, v16  }
0x177: {  	(xrf0) =	vadd.scan.msk.s32 $0xffff, v17;
	_ =	sdelay $0x1  }
0x178: {  	(v2sf) =	vpush v18, $0xF;
	v16, _, _ =	vpop (xrf0)  }
0x179: {  	(v2sf) =	vpush v16, $0xF  }
0x17a: {  	v16, _, _ =	vpop (xrf0)  }
0x17b: {  	(v2sf) =	vpush v16, $0xF;
	v16, _, _ =	vpop (xrf0)  }
0x17c: {  	v17, _, _ =	vpop (xrf0);
	(v2sf) =	vpush v16, $0xF  }
0x17d: {  	(v2sf) =	vpush v17, $0xF;
	_ =	sdelay $0x7  }
0x17e: {  	p3 =	por !p3, !p5  }
0x17f: {  	s24 =	sadd.s32 $0x1, s24;
	s23 =	ssub.s32 s16, s23;
	p3 =	por !p3, !p3  }
0x180: {  	s6 =	sadd.s32 $0x1, s6;
	s9 =	smov.u32 @p3 s25;
	s10 =	spop (v2sf)  }
0x181: {  	s14 =	smov.u32 @p3 s24;
	p4 =	slt.s32 s9, $0x0;
	s31 =	spop (v2sf)  }
0x182: {  	s7 =	ssub.s32 s16, s7;
	s10 =	sxor.u32 $0x7FFFFFFF, s10;
	p6 =	slt.s32 s31, $0x10  }
0x183: {  	s10 =	sadd.s32 s23, s10;
	p4 =	por !p4, !p6;
	s25 =	spop (v2sf)  }
0x184: {  	s11 =	sadd.s32 s12, s31;
	p3 =	por !p4, !p4;
	s30 =	spop (v2sf)  }
0x185: {  	s10 =	sadd.s32 $0x1, s10;
	s9 =	smov.u32 @p3 s11;
	s31 =	spop (v2sf)  }
0x186: {  	p5 =	slt.s32 s9, $0x0;
	s11 =	sxor.u32 $0x7FFFFFFF, s30;
	p6 =	slt.s32 s31, $0x10  }
0x187: {  	s14 =	smov.u32 @p3 s10;
	s7 =	sadd.s32 s7, s11;
	p3 =	por !p5, !p6  }
0x188: {  	s10 =	sadd.s32 s20, s31;
	s7 =	sadd.s32 $0x1, s7;
	p3 =	por !p3, !p3  }
0x189: {  	s9 =	smov.u32 @p3 s10;
	s14 =	smov.u32 @p3 s7;
	p3 =	sne.s32 s6, $0x6  }
.Ltmp17:
0x18a: {  	_ = 	snop;
	(pc) =	sbr.rel @p3 .LBB2_19-.Ltmp17, $2  }
0x18b: {  	_ =	sdelay $0x2  }
0x18c: {  	v14 =	vsel vm10, s9, v14;
	v13 =	vsel vm10, s14, v13  }
0x18d: {  	s0 =	simm.s32 $0x40;
	s9 =	simm.s32 $0x0  }
.LBB2_23:
0x18e: {  	p3 =	sne.s32 s0, $0x5FC0;
	[tilespmem:s9+$0xE180] =	vst v0;
	s6 =	smov.u32 s0;
	s0 =	sadd.s32 $0x40, s0  }
.Ltmp18:
0x18f: {  	(pc) =	sbr.rel @p3 .LBB2_23-.Ltmp18, $2  }
0x190: {  	_ =	sdelay $0x2  }
0x191: {  	s9 =	sshra.s32 s6, $0x2  }
0x192: {  	v15 =	vnsel vm0, $0x80000000, v14  }
0x193: {  	v16 =	vsel vm1, $0x80000000, v14;
	v15 =	vxor.u32 $0x80000000, v15  }
0x194: {  	v61 =	vsel vm2, $0x80000000, v14;
	(xrf0) =	vmax.scan.msk.u32 $0xffff, v15;
	v15 =	vxor.u32 $0x80000000, v16  }
0x195: {  	v62 =	vsel vm3, $0x80000000, v14;
	(xrf0) =	vmax.scan.msk.u32 $0xffff, v15;
	v15 =	vxor.u32 $0x80000000, v61  }
0x196: {  	v63 =	vsel vm4, $0x80000000, v14;
	(xrf0) =	vmax.scan.msk.u32 $0xffff, v15;
	v15 =	vxor.u32 $0x80000000, v62  }
0x197: {  	(xrf0) =	vmax.scan.msk.u32 $0xffff, v15;
	v15 =	vxor.u32 $0x80000000, v63  }
0x198: {  	v14 =	vsel vm5, $0x80000000, v14  }
0x199: {  	v14 =	vxor.u32 $0x80000000, v14;
	(xrf0) =	vmax.scan.msk.u32 $0xffff, v15  }
0x19a: {  	v15, _, _ =	vpop (xrf0);
	(xrf0) =	vmax.scan.msk.u32 $0xffff, v14;
	_ =	sdelay $0x1  }
0x19b: {  	v14, _, _ =	vpop (xrf0);
	(v2sf) =	vpush v15, $0xF  }
0x19c: {  	v15, _, _ =	vpop (xrf0);
	(v2sf) =	vpush v14, $0xF  }
0x19d: {  	v14, _, _ =	vpop (xrf0);
	(v2sf) =	vpush v15, $0xF  }
0x19e: {  	v15, _, _ =	vpop (xrf0);
	(v2sf) =	vpush v14, $0xF  }
0x19f: {  	(v2sf) =	vpush v15, $0xF;
	v14, _, _ =	vpop (xrf0)  }
0x1a0: {  	(v2sf) =	vpush v14, $0xF;
	_ =	sdelay $0x7  }
0x1a1: {  	[tilespmem:s9+$0xE180] =	vst v0;
	s7 =	simm.s32 @p1 $0x0  }
0x1a2: {  	[tilespmem:s7], [sflag:$0x2] =	stream.linear.gather @p1 [hbm4b:s4+s7], $0x400, $0x38;
	[tilespmem:$0xFA80] =	vst v63  }
0x1a3: {  	s20 =	spop (v2sf)  }
0x1a4: {  	s6 =	spop (v2sf)  }
0x1a5: {  	s0 =	spop (v2sf)  }
0x1a6: {  	s12 =	spop (v2sf)  }
0x1a7: {  	s16 =	spop (v2sf)  }
0x1a8: {  	s7 =	simm.s32 @p1 $0x2;
	s4 =	spop (v2sf)  }
0x1a9: {  	_ =	swait.ge @p1 [sflag:s7], $0x400  }
0x1aa: {  	[sflag:s7] =	ssyncset.done @p1 $0x0  }
0x1ab: {  	[sflag:s7] =	ssyncadd.s32 @p1 $0xFFFFFC00;
	s7 =	simm.s32 @!p1 $0x0  }
0x1ac: {  	[tilespmem:s7], [sflag:$0x2] =	stream.linear.gather @!p1 [hbm4b:s5+s7], $0x3200, $0x38;
	[tilespmem:$0xFA80] =	vst v63  }
.Ltmp19:
0x1ad: {  	_ = 	snop;
	(pc) =	sbr.rel @p2 .LBB2_30-.Ltmp19, $4  }
0x1ae: {  	s5 =	simm.s32 @!p1 $0x2  }
0x1af: {  	_ =	swait.ge @!p1 [sflag:s5], $0x3200  }
0x1b0: {  	[sflag:s5] =	ssyncset.done @!p1 $0x0  }
0x1b1: {  	[sflag:s5] =	ssyncadd.s32 @!p1 $0xFFFFCE00  }
.Ltmp20:
0x1b2: {  	(pc) =	sbr.rel .LBB2_26-.Ltmp20, $4  }
0x1b3: {  	_ = 	snop  }
0x1b4: {  	s5 =	sxor.u32 $0x80000000, s20;
	s7 =	sxor.u32 $0x80000000, s6;
	s9 =	sxor.u32 $0x80000000, s0;
	v19 =	vmov s21  }
0x1b5: {  	s10 =	sxor.u32 $0x80000000, s12;
	s31 =	sxor.u32 $0x80000000, s16;
	s11 =	sxor.u32 $0x80000000, s4;
	v14 =	vmov s5;
	v15 =	vmov s7;
	v16 =	vmov s9  }
0x1b6: {  	p1 =	seq.s32 s29, $0x0;
	v17 =	vmov s10;
	v18 =	vmov s31;
	v20 =	vmov s11;
	s5 =	sadd.s32 $0x6410, s1;
	s9 =	simm.s32 $0x0  }
.LBB2_29:
0x1b7: {  	p3 =	seq.s32 s7, s26  }
.Ltmp21:
0x1b8: {  	_ = 	snop;
	(pc) =	sbr.rel @p3 .LBB2_30-.Ltmp21, $4  }
0x1b9: {  	s9 =	simm.s32 @!p2 $0x1  }
0x1ba: {  	_ =	swait.ge @!p2 [sflag:s9], $0x3200  }
0x1bb: {  	[sflag:s9] =	ssyncset.done @!p2 $0x0  }
0x1bc: {  	[sflag:s9] =	ssyncadd.s32 @!p2 $0xFFFFCE00;
	s9 =	smov.u32 s7  }
.LBB2_26:
0x1bd: {  	s7 =	sadd.s32 $0x1, s9  }
0x1be: {  	p2 =	sge.s32 s7, s26  }
0x1bf: {  	s10 =	smul.u32 @!p2 $0x640, s7  }
.Ltmp22:
0x1c0: {  	s11 =	sand.u32 @!p2 $0x1, s7;
	(pc) =	sbr.rel @p1 .LBB2_29-.Ltmp22, $4  }
0x1c1: {  	p3 =	seq.s32 @!p2 s11, $0x1;
	s10 =	sadd.s32 @!p2 s28, s10  }
0x1c2: {  	s11 =	simm.s32 @!p2 $0x3200;
	p3 =	por !p3, p2;
	s10 =	sand.u32 @!p2 $0x1FFFFFFF, s10  }
0x1c3: {  	s14 =	simm.s32 @!p2 $0x0;
	s11 =	simm.s32 @p3 $0x0;
	s10 =	sadd.s32 @!p2 s2, s10  }
0x1c4: {  	[tilespmem:s11], [sflag:$0x1] =	stream.linear.gather @!p2 [hbm4b:s10+s14], $0x3200, $0x38;
	[tilespmem:$0xFA80] =	vst v63  }
0x1c5: {  	s9 =	sand.u32 $0x1, s9  }
0x1c6: {  	p3 =	seq.s32 s9, $0x1;
	s9 =	simm.s32 $0x3200  }
0x1c7: {  	s9 =	simm.s32 @!p3 $0x0  }
0x1c8: {  	s10 =	smov.u32 s29;
	v21 =	vmov s9;
	s9 =	smov.u32 s5  }
.LBB2_28:
0x1c9: {  	v22 =	vld [tilespmem:s9+$0xFFFFFFF0];
	_ =	sdelay $0x4  }
0x1ca: {  	v22 =	vadd.s32 v21, v22;
	_ =	sdelay $0x4  }
0x1cb: {  	v22 =	vld.idx.msk [tilespmem:v22+s8+$0x0], $0xffff;
	_ =	sdelay $0x4  }
0x1cc: {  	v23 =	vshra.s32 v22, $0x1F  }
0x1cd: {  	v23 =	vor.u32 $0x80000000, v23  }
0x1ce: {  	v22 =	vxor.u32 v22, v23  }
0x1cf: {  	v23 =	vshrl.u32 v22, $0xA;
	v24 =	vshrl.u32 v22, $0x15;
	v22 =	vand.u32 $0x3FF, v22  }
0x1d0: {  	v23 =	vand.u32 $0x7FF, v23;
	vm10 =	veq.s32 v24, v8;
	v25 =	vor.u32 $0x400, v22  }
0x1d1: {  	vm15 =	veq.s32 v24, v12;
	v27 =	vor.u32 $0x800, v22;
	vm11 =	veq.s32 v23, v14  }
0x1d2: {  	vm12 =	veq.s32 v23, v15;
	vm10 =	vmand vm10, vm11;
	vm11 =	veq.s32 v24, v9  }
0x1d3: {  	vm13 =	veq.s32 v23, v16;
	vm11 =	vmand vm11, vm12;
	vm12 =	veq.s32 v24, v10  }
0x1d4: {  	v26 =	vld [tilespmem:s9+$0x0];
	vm14 =	veq.s32 v23, v17;
	vm12 =	vmand vm12, vm13;
	vm13 =	veq.s32 v24, v11  }
0x1d5: {  	v58 =	vor.u32 $0xC00, v22;
	vm6 =	veq.s32 v23, v18;
	vm13 =	vmand vm13, vm14  }
0x1d6: {  	vm6 =	vmand vm15, vm6;
	vm15 =	veq.s32 v23, v20;
	vm14 =	veq.s32 v24, v19  }
0x1d7: {  	v23 =	vor.u32 $0x1000, v22;
	vm14 =	vmand vm14, vm15  }
0x1d8: {  	[tilespmem:v22+s19+$0x0] =	vst.idx.add.s32.msk vm10, v1;
	v22 =	vor.u32 $0x1400, v22  }
0x1d9: {  	v59 =	vadd.s32 v21, v26;
	[tilespmem:v25+s19+$0x0] =	vst.idx.add.s32.msk vm11, v1  }
0x1da: {  	[tilespmem:v27+s19+$0x0] =	vst.idx.add.s32.msk vm12, v1  }
0x1db: {  	[tilespmem:v58+s19+$0x0] =	vst.idx.add.s32.msk vm13, v1  }
0x1dc: {  	[tilespmem:v23+s19+$0x0] =	vst.idx.add.s32.msk vm6, v1  }
0x1dd: {  	[tilespmem:v22+s19+$0x0] =	vst.idx.add.s32.msk vm14, v1  }
0x1de: {  	v22 =	vld.idx.msk [tilespmem:v59+s8+$0x0], $0xffff;
	_ =	sdelay $0x4  }
0x1df: {  	v23 =	vshra.s32 v22, $0x1F  }
0x1e0: {  	v23 =	vor.u32 $0x80000000, v23  }
0x1e1: {  	v22 =	vxor.u32 v22, v23  }
0x1e2: {  	v23 =	vshrl.u32 v22, $0xA;
	v60 =	vshrl.u32 v22, $0x15;
	v22 =	vand.u32 $0x3FF, v22  }
0x1e3: {  	v23 =	vand.u32 $0x7FF, v23;
	vm6 =	veq.s32 v60, v8;
	v61 =	vor.u32 $0x400, v22  }
0x1e4: {  	vm14 =	veq.s32 v60, v12;
	v62 =	vor.u32 $0x800, v22;
	vm10 =	veq.s32 v23, v14  }
0x1e5: {  	vm11 =	veq.s32 v23, v15;
	vm6 =	vmand vm6, vm10;
	vm10 =	veq.s32 v60, v9  }
0x1e6: {  	vm12 =	veq.s32 v23, v16;
	vm10 =	vmand vm10, vm11;
	vm11 =	veq.s32 v60, v10  }
0x1e7: {  	vm13 =	veq.s32 v23, v17;
	vm11 =	vmand vm11, vm12;
	vm12 =	veq.s32 v60, v11  }
0x1e8: {  	v63 =	vor.u32 $0xC00, v22;
	vm15 =	veq.s32 v23, v18;
	vm12 =	vmand vm12, vm13  }
0x1e9: {  	vm13 =	vmand vm14, vm15;
	vm14 =	veq.s32 v60, v19;
	vm15 =	veq.s32 v23, v20  }
0x1ea: {  	v23 =	vor.u32 $0x1000, v22;
	vm14 =	vmand vm14, vm15  }
0x1eb: {  	p3 =	sne.s32 s10, $0x1;
	[tilespmem:v22+s19+$0x0] =	vst.idx.add.s32.msk vm6, v1;
	v22 =	vor.u32 $0x1400, v22  }
.Ltmp23:
0x1ec: {  	[tilespmem:v61+s19+$0x0] =	vst.idx.add.s32.msk vm10, v1;
	(pc) =	sbr.rel @p3 .LBB2_28-.Ltmp23, $4  }
0x1ed: {  	[tilespmem:v62+s19+$0x0] =	vst.idx.add.s32.msk vm11, v1  }
0x1ee: {  	[tilespmem:v63+s19+$0x0] =	vst.idx.add.s32.msk vm12, v1  }
0x1ef: {  	[tilespmem:v23+s19+$0x0] =	vst.idx.add.s32.msk vm13, v1  }
0x1f0: {  	s9 =	sadd.s32 $0x20, s9;
	s10 =	sadd.s32 $0xFFFFFFFF, s10;
	[tilespmem:v22+s19+$0x0] =	vst.idx.add.s32.msk vm14, v1  }
.Ltmp24:
0x1f1: {  	_ = 	snop;
	(pc) =	sbr.rel .LBB2_29-.Ltmp24, $1  }
0x1f2: {  	_ =	sdelay $0x3  }
.LBB2_30:
0x1f3: {  	v9 =	vxor.u32 $0x80000000, v13;
	s5 =	simm.s32 $0x0;
	v8 =	vimm.s32 $0x0;
	s7 =	simm.s32 $0x0  }
.LBB2_31:
0x1f4: {  	v10 =	vmov s7  }
0x1f5: {  	vm10 =	veq.s32 v10, v2  }
0x1f6: {  	v10 =	vnsel vm10, $0x0, v3  }
0x1f7: {  	(xrf0) =	vmax.scan.msk.u32 $0xffff, v10;
	_ =	sdelay $0x5  }
0x1f8: {  	v10, _, _ =	vpop (xrf0)  }
0x1f9: {  	(v2sf) =	vpush v10, $0xF;
	_ =	sdelay $0xe  }
0x1fa: {  	s9 =	spop (v2sf)  }
0x1fb: {  	s9 =	sshll.u32 s9, $0xC  }
0x1fc: {  	s9 =	sshra.s32 s9, $0x2  }
0x1fd: {  	s24 =	sand.u32 $0x380, s5;
	s10 =	sadd.s32 $0xE180, s9  }
0x1fe: {  	s11 =	sand.u32 $0x70, s5;
	v10 =	vnsel vm10, $0x0, v9;
	s9 =	sadd.s32 s24, s10  }
0x1ff: {  	(xrf0) =	vmax.scan.msk.u32 $0xffff, v10;
	s9 =	sadd.s32 s11, s9  }
0x200: {  	v10 =	vld [tilespmem:s9+$0x0];
	_ =	sdelay $0x4  }
0x201: {  	v11, _, _ =	vpop (xrf0);
	(xrf0) =	vadd.scan.msk.s32 $0xffff, v10  }
0x202: {  	(v2sf) =	vpush v11, $0xF;
	_ =	sdelay $0x4  }
0x203: {  	s21 =	simm.s32 $0x10;
	v11, _, _ =	vpop (xrf0)  }
0x204: {  	s25 =	sand.u32 $0x380, s21;
	v10 =	vxor.u32 $0x80000000, v11  }
0x205: {  	s26 =	sand.u32 $0x70, s21;
	s9 =	sadd.s32 s25, s10;
	(xrf0) =	vmax.scan.msk.u32 $0xffff, v10  }
0x206: {  	s9 =	sadd.s32 s26, s9  }
0x207: {  	v10 =	vld [tilespmem:s9+$0x0];
	_ =	sdelay $0x3  }
0x208: {  	v12, _, _ =	vpop (xrf0)  }
0x209: {  	(xrf0) =	vadd.scan.msk.s32 $0xffff, v10;
	(v2sf) =	vpush v12, $0xF  }
0x20a: {  	s28 =	spop (v2sf)  }
0x20b: {  	s9 =	sxor.u32 $0x80000000, s28  }
0x20c: {  	v11 =	vadd.s32 s5, v11;
	v10 =	vmov s9  }
0x20d: {  	vm6 =	vle.s32 v11, v10  }
0x20e: {  	v11 =	vsel vm6, $0x1, v0  }
0x20f: {  	s9 =	simm.s32 $0x20;
	(xrf0) =	vadd.scan.msk.s32 $0xffff, v11;
	v57, _, _ =	vpop (xrf0)  }
0x210: {  	s29 =	sand.u32 $0x380, s9;
	v11 =	vxor.u32 $0x80000000, v57  }
0x211: {  	s14 =	sand.u32 $0x70, s9;
	s11 =	sadd.s32 s29, s10;
	(xrf0) =	vmax.scan.msk.u32 $0xffff, v11  }
0x212: {  	s11 =	sadd.s32 s14, s11  }
0x213: {  	v11 =	vld [tilespmem:s11+$0x0];
	_ =	sdelay $0x1  }
0x214: {  	v13, _, _ =	vpop (xrf0)  }
0x215: {  	(v2sf) =	vpush v13, $0xF  }
0x216: {  	v58, _, _ =	vpop (xrf0)  }
0x217: {  	(xrf0) =	vadd.scan.msk.s32 $0xffff, v11;
	(v2sf) =	vpush v58, $0xF;
	s30 =	spop (v2sf)  }
0x218: {  	s11 =	sadd.s32 $0x0, s30  }
0x219: {  	s11 =	sadd.s32 $0x80000000, s11  }
0x21a: {  	v11 =	vadd.s32 s11, v57;
	_ =	sdelay $0x1  }
0x21b: {  	vm6 =	vle.s32 v11, v10  }
0x21c: {  	s14 =	simm.s32 $0x30;
	v59 =	vsel vm6, $0x1, v0;
	v11, _, _ =	vpop (xrf0)  }
0x21d: {  	s23 =	sand.u32 $0x380, s14;
	(xrf0) =	vadd.scan.msk.s32 $0xffff, v59;
	v60 =	vxor.u32 $0x80000000, v11  }
0x21e: {  	s24 =	sand.u32 $0x70, s14;
	s23 =	sadd.s32 s23, s10;
	(xrf0) =	vmax.scan.msk.u32 $0xffff, v60  }
0x21f: {  	s23 =	sadd.s32 s24, s23  }
0x220: {  	v61 =	vld [tilespmem:s23+$0x0];
	_ =	sdelay $0x2  }
0x221: {  	p2 =	por $0x1, $0x1;
	s26 =	simm.s32 $0xFFFFFFFF;
	s31 =	spop (v2sf);
	v62, _, _ =	vpop (xrf0)  }
0x222: {  	s23 =	simm.s32 $0xFFFFFFFF;
	p1 =	slt.s32 s31, $0x10;
	s28 =	sadd.s32 $0x0, s31;
	(v2sf) =	vpush v62, $0xF;
	v63, _, _ =	vpop (xrf0)  }
0x223: {  	s24 =	simm.s32 $0x40;
	s23 =	smov.u32 @p1 s28;
	(xrf0) =	vadd.scan.msk.s32 $0xffff, v61;
	s25 =	spop (v2sf);
	(v2sf) =	vpush v63, $0xF  }
.LBB2_32:
0x224: {  	s11 =	sadd.s32 s25, s11;
	s26 =	smov.u32 @p2 s23;
	s23 =	smov.u32 s9  }
0x225: {  	s9 =	smov.u32 s14;
	s14 =	smov.u32 s24;
	s28 =	sadd.s32 $0x10, s24  }
0x226: {  	p1 =	sne.s32 s24, $0x3F0;
	s11 =	sadd.s32 $0x80000000, s11  }
0x227: {  	v11 =	vadd.s32 s11, v11  }
0x228: {  	vm6 =	vle.s32 v11, v10  }
0x229: {  	v12 =	vsel vm6, $0x1, v0  }
0x22a: {  	v11, _, _ =	vpop (xrf0);
	(xrf0) =	vadd.scan.msk.s32 $0xffff, v12  }
0x22b: {  	s24 =	sand.u32 $0x380, s14;
	v12 =	vxor.u32 $0x80000000, v11  }
0x22c: {  	s25 =	sand.u32 $0x70, s14;
	s24 =	sadd.s32 s24, s10;
	(xrf0) =	vmax.scan.msk.u32 $0xffff, v12  }
0x22d: {  	s24 =	sadd.s32 s25, s24  }
0x22e: {  	v12 =	vld [tilespmem:s24+$0x0];
	_ =	sdelay $0x1  }
.Ltmp25:
0x22f: {  	v13, _, _ =	vpop (xrf0);
	(pc) =	sbr.rel @p1 .LBB2_32-.Ltmp25, $4  }
0x230: {  	s24 =	spop (v2sf)  }
0x231: {  	p2 =	slt.s32 s26, $0x0;
	(v2sf) =	vpush v13, $0xF;
	p3 =	slt.s32 s24, $0x10  }
0x232: {  	v13, _, _ =	vpop (xrf0);
	s24 =	sadd.s32 s21, s24;
	s21 =	smov.u32 s23;
	s23 =	smov.u32 s26  }
0x233: {  	(xrf0) =	vadd.scan.msk.s32 $0xffff, v12;
	(v2sf) =	vpush v13, $0xF;
	s25 =	spop (v2sf);
	s23 =	smov.u32 @p3 s24;
	s24 =	smov.u32 s28  }
0x234: {  	_ =	sdelay $0xb  }
0x235: {  	s10 =	sadd.s32 s25, s11  }
0x236: {  	s10 =	sadd.s32 $0x80000000, s10;
	s28 =	spop (v2sf)  }
0x237: {  	v11 =	vadd.s32 s10, v11;
	s24 =	spop (v2sf)  }
0x238: {  	vm6 =	vle.s32 v11, v10;
	s10 =	sadd.s32 s24, s10  }
0x239: {  	v11 =	vsel vm6, $0x1, v0;
	v12, _, _ =	vpop (xrf0);
	s10 =	sadd.s32 $0x80000000, s10  }
0x23a: {  	(xrf0) =	vadd.scan.msk.s32 $0xffff, v11;
	v11 =	vadd.s32 s10, v12  }
0x23b: {  	v12 =	vxor.u32 $0x80000000, v12;
	vm6 =	vle.s32 v11, v10  }
0x23c: {  	(xrf0) =	vmax.scan.msk.u32 $0xffff, v12;
	v10 =	vsel vm6, $0x1, v0  }
0x23d: {  	(xrf0) =	vadd.scan.msk.s32 $0xffff, v10;
	_ =	sdelay $0x2  }
0x23e: {  	v10, _, _ =	vpop (xrf0)  }
0x23f: {  	(v2sf) =	vpush v10, $0xF  }
0x240: {  	v10, _, _ =	vpop (xrf0)  }
0x241: {  	(v2sf) =	vpush v10, $0xF;
	v10, _, _ =	vpop (xrf0)  }
0x242: {  	(v2sf) =	vpush v10, $0xF;
	_ =	sdelay $0x8  }
0x243: {  	s26 =	smov.u32 @p2 s23  }
0x244: {  	s11 =	smov.u32 s26;
	p1 =	slt.s32 s28, $0x10;
	s10 =	sadd.s32 s21, s28  }
0x245: {  	p2 =	slt.s32 s26, $0x0;
	s11 =	smov.u32 @p1 s10  }
0x246: {  	s26 =	smov.u32 @p2 s11;
	s29 =	spop (v2sf)  }
0x247: {  	s10 =	smov.u32 s26;
	p1 =	slt.s32 s29, $0x10;
	s9 =	sadd.s32 s9, s29  }
0x248: {  	p2 =	slt.s32 s26, $0x0;
	s30 =	spop (v2sf);
	s10 =	smov.u32 @p1 s9  }
0x249: {  	s7 =	sadd.s32 $0x1, s7;
	s26 =	smov.u32 @p2 s10;
	s31 =	spop (v2sf)  }
0x24a: {  	s10 =	smov.u32 s26;
	p1 =	slt.s32 s31, $0x10;
	s9 =	sadd.s32 s14, s31  }
0x24b: {  	s10 =	smov.u32 @p1 s9;
	p1 =	sne.s32 s7, $0x6  }
.Ltmp26:
0x24c: {  	_ = 	snop;
	(pc) =	sbr.rel @p1 .LBB2_31-.Ltmp26, $4  }
0x24d: {  	_ = 	snop  }
0x24e: {  	p2 =	slt.s32 s26, $0x0  }
0x24f: {  	s26 =	smov.u32 @p2 s10  }
0x250: {  	v8 =	vsel vm10, s26, v8  }
0x251: {  	v9 =	vnsel vm0, $0x80000000, v8  }
0x252: {  	v9 =	vxor.u32 $0x80000000, v9  }
0x253: {  	(xrf0) =	vmax.scan.msk.u32 $0xffff, v9;
	_ =	sdelay $0x5  }
0x254: {  	v9, _, _ =	vpop (xrf0)  }
0x255: {  	(v2sf) =	vpush v9, $0xF;
	_ =	sdelay $0xe  }
0x256: {  	s5 =	sshll.u32 s15, $0x15;
	s7 =	sshll.u32 s20, $0xA;
	s9 =	spop (v2sf)  }
0x257: {  	s5 =	sor.u32 s5, s7;
	s15 =	sxor.u32 $0x80000000, s9  }
0x258: {  	s5 =	sor.u32 s15, s5  }
0x259: {  	v31 =	vmov s5  }
0x25a: {  	vm6 =	vlt.s32 v31, $0x0;
	v10 =	vand.u32 $0x7FFFFFFF, v31;
	v9 =	vxor.u32 $0xFFFFFFFF, v31  }
0x25b: {  	v32 =	vsel vm1, $0x80000000, v8;
	v9 =	vsel vm6, v10, v9  }
0x25c: {  	v33 =	vxor.u32 $0x80000000, v32;
	(xrf0) =	vmax.scan.msk.f32 $0xffff, v9  }
0x25d: {  	(xrf0) =	vmax.scan.msk.u32 $0xffff, v33;
	_ =	sdelay $0x4  }
0x25e: {  	v34, _, _ =	vpop (xrf0)  }
0x25f: {  	(v2sf) =	vpush v34, $0xF;
	v35, _, _ =	vpop (xrf0)  }
0x260: {  	(v2sf) =	vpush v35, $0xF;
	_ =	sdelay $0xd  }
0x261: {  	s5 =	spop (v2sf)  }
0x262: {  	s20 =	sshll.u32 s13, $0x15;
	s6 =	sshll.u32 s6, $0xA;
	s21 =	spop (v2sf)  }
0x263: {  	s6 =	sor.u32 s20, s6;
	s23 =	sxor.u32 $0x80000000, s21  }
0x264: {  	s6 =	sor.u32 s23, s6  }
0x265: {  	v36 =	vmov s6  }
0x266: {  	vm6 =	vlt.s32 v36, $0x0;
	v37 =	vand.u32 $0x7FFFFFFF, v36;
	v9 =	vxor.u32 $0xFFFFFFFF, v36  }
0x267: {  	v38 =	vsel vm2, $0x80000000, v8;
	v9 =	vsel vm6, v37, v9  }
0x268: {  	v39 =	vxor.u32 $0x80000000, v38;
	(xrf0) =	vmax.scan.msk.f32 $0xffff, v9  }
0x269: {  	(xrf0) =	vmax.scan.msk.u32 $0xffff, v39;
	_ =	sdelay $0x4  }
0x26a: {  	v40, _, _ =	vpop (xrf0)  }
0x26b: {  	(v2sf) =	vpush v40, $0xF;
	v41, _, _ =	vpop (xrf0)  }
0x26c: {  	(v2sf) =	vpush v41, $0xF;
	_ =	sdelay $0xd  }
0x26d: {  	s6 =	spop (v2sf)  }
0x26e: {  	s3 =	sshll.u32 s3, $0x15;
	s0 =	sshll.u32 s0, $0xA;
	s24 =	spop (v2sf)  }
0x26f: {  	s0 =	sor.u32 s3, s0;
	s25 =	sxor.u32 $0x80000000, s24  }
0x270: {  	s0 =	sor.u32 s25, s0  }
0x271: {  	v42 =	vmov s0  }
0x272: {  	vm6 =	vlt.s32 v42, $0x0;
	v43 =	vand.u32 $0x7FFFFFFF, v42;
	v9 =	vxor.u32 $0xFFFFFFFF, v42  }
0x273: {  	v44 =	vsel vm3, $0x80000000, v8;
	v9 =	vsel vm6, v43, v9  }
0x274: {  	v45 =	vxor.u32 $0x80000000, v44;
	(xrf0) =	vmax.scan.msk.f32 $0xffff, v9  }
0x275: {  	(xrf0) =	vmax.scan.msk.u32 $0xffff, v45;
	_ =	sdelay $0x4  }
0x276: {  	v46, _, _ =	vpop (xrf0)  }
0x277: {  	(v2sf) =	vpush v46, $0xF;
	v47, _, _ =	vpop (xrf0)  }
0x278: {  	(v2sf) =	vpush v47, $0xF;
	_ =	sdelay $0xd  }
0x279: {  	s1 =	rddreg [dreg:$0x11];
	s26 =	spop (v2sf)  }
0x27a: {  	s28 =	sshll.u32 s12, $0xA;
	s1 =	sshll.u32 s1, $0x15;
	s29 =	spop (v2sf)  }
0x27b: {  	s1 =	sor.u32 s1, s28;
	s30 =	sxor.u32 $0x80000000, s29  }
0x27c: {  	s1 =	sor.u32 s30, s1  }
0x27d: {  	v48 =	vmov s1  }
0x27e: {  	vm6 =	vlt.s32 v48, $0x0;
	v49 =	vand.u32 $0x7FFFFFFF, v48;
	v9 =	vxor.u32 $0xFFFFFFFF, v48  }
0x27f: {  	v50 =	vsel vm4, $0x80000000, v8;
	v9 =	vsel vm6, v49, v9  }
0x280: {  	v51 =	vxor.u32 $0x80000000, v50;
	(xrf0) =	vmax.scan.msk.f32 $0xffff, v9  }
0x281: {  	(xrf0) =	vmax.scan.msk.u32 $0xffff, v51;
	_ =	sdelay $0x4  }
0x282: {  	v52, _, _ =	vpop (xrf0)  }
0x283: {  	(v2sf) =	vpush v52, $0xF;
	v53, _, _ =	vpop (xrf0)  }
0x284: {  	(v2sf) =	vpush v53, $0xF;
	_ =	sdelay $0xd  }
0x285: {  	s9 =	rddreg [dreg:$0x10];
	s31 =	spop (v2sf)  }
0x286: {  	s10 =	sshll.u32 s16, $0xA;
	s3 =	sshll.u32 s9, $0x15;
	s11 =	spop (v2sf)  }
0x287: {  	s3 =	sor.u32 s3, s10;
	s12 =	sxor.u32 $0x80000000, s11  }
0x288: {  	s3 =	sor.u32 s12, s3  }
0x289: {  	v54 =	vmov s3  }
0x28a: {  	vm6 =	vlt.s32 v54, $0x0;
	v55 =	vand.u32 $0x7FFFFFFF, v54;
	v9 =	vxor.u32 $0xFFFFFFFF, v54  }
0x28b: {  	v56 =	vsel vm5, $0x80000000, v8;
	v9 =	vsel vm6, v55, v9  }
0x28c: {  	v8 =	vxor.u32 $0x80000000, v56;
	(xrf0) =	vmax.scan.msk.f32 $0xffff, v9  }
0x28d: {  	(xrf0) =	vmax.scan.msk.u32 $0xffff, v8;
	_ =	sdelay $0x4  }
0x28e: {  	v57, _, _ =	vpop (xrf0)  }
0x28f: {  	(v2sf) =	vpush v57, $0xF;
	v58, _, _ =	vpop (xrf0)  }
0x290: {  	(v2sf) =	vpush v58, $0xF;
	_ =	sdelay $0xd  }
0x291: {  	s14 =	rddreg [dreg:$0xf];
	s13 =	spop (v2sf)  }
0x292: {  	s4 =	sshll.u32 s4, $0xA;
	s7 =	sshll.u32 s14, $0x15;
	s15 =	spop (v2sf)  }
0x293: {  	s4 =	sor.u32 s7, s4;
	s16 =	sxor.u32 $0x80000000, s15  }
0x294: {  	s4 =	sor.u32 s16, s4  }
0x295: {  	(xrf2) =	vadd.scan.msk.f32 $0xffff, v7;
	v59 =	vmov s4  }
0x296: {  	vm6 =	vlt.s32 v59, $0x0;
	v60 =	vand.u32 $0x7FFFFFFF, v59;
	v8 =	vxor.u32 $0xFFFFFFFF, v59  }
0x297: {  	v7 =	vsel vm6, v60, v8  }
0x298: {  	(xrf0) =	vmax.scan.msk.f32 $0xffff, v7  }
0x299: {  	(xrf2) =	vadd.scan.msk.f32 $0xffff, v6;
	_ =	sdelay $0x4  }
0x29a: {  	v61, _, _ =	vpop (xrf0)  }
0x29b: {  	v62, _, _ =	vpop (xrf2);
	(v2sf) =	vpush v61, $0xF  }
0x29c: {  	(v2sf) =	vpush v62, $0xF;
	_ =	sdelay $0x2  }
0x29d: {  	v63, _, _ =	vpop (xrf2)  }
0x29e: {  	(v2sf) =	vpush v63, $0xF;
	_ =	sdelay $0x9  }
0x29f: {  	s20 =	spop (v2sf)  }
0x2a0: {  	s21 =	spop (v2sf)  }
0x2a1: {  	s23 =	smul.f32 s21, s21  }
0x2a2: {  	s5 =	smul.f32 $2.500000000e-01, s5;
	s11 =	rddreg [dreg:$0xd];
	(xrf0) =	vmin.scan.msk.f32 $0xffff, v5  }
0x2a3: {  	s9 =	smul.f32 s23, s11  }
0x2a4: {  	s6 =	smul.f32 $7.500000000e-01, s6;
	s10 =	spop (v2sf)  }
0x2a5: {  	s7 =	smul.f32 s21, s11;
	s9 =	ssub.f32 s10, s9  }
0x2a6: {  	s24 =	rddreg [dreg:$0xe];
	s0 =	smul.f32 $5.000000000e-01, s26;
	(xrf0) =	vmax.scan.msk.f32 $0xffff, v4  }
0x2a7: {  	vm6 =	vcmask $0x300;
	v5 =	vmov s7;
	s9 =	smul.f32 s9, s24  }
0x2a8: {  	s1 =	smul.f32 $5.000000000e-01, s31;
	v4, _, _ =	vpop (xrf0);
	v5 =	vnsel vm6, $0x0, v5  }
0x2a9: {  	s5 =	sadd.f32 s6, s5;
	s3 =	smul.f32 $7.500000000e-01, s13;
	v4 =	vbroadcast v4, $0xF;
	v5 =	vsel vm7, s9, v5  }
0x2aa: {  	s26 =	rddreg [dreg:$0xc];
	s4 =	smul.f32 $2.500000000e-01, s20  }
0x2ab: {  	s0 =	sadd.f32 s1, s0;
	vm6 =	veq.s32 v2, $0x3;
	v4 =	vsel vm8, v4, v5  }
0x2ac: {  	s25 =	sadd.f32 s4, s3;
	v4 =	vsel vm6, s5, v4;
	vm6 =	veq.s32 v2, $0x4;
	v5, _, _ =	vpop (xrf0)  }
0x2ad: {  	s4 =	rddreg [dreg:$0x9];
	v4 =	vsel vm6, s0, v4;
	vm6 =	veq.s32 v2, $0x5;
	s0 =	sshll.u32 s26, $0x4;
	v5 =	vbroadcast v5, $0xF  }
0x2ae: {  	v4 =	vsel vm6, s25, v4;
	s0 =	sadd.s32 s4, s0  }
0x2af: {  	s28 =	rddreg [dreg:$0x5];
	s0 =	sshrl.u32 s0, $0x3;
	v4 =	vsel vm9, v5, v4  }
0x2b0: {  	s29 =	simm.s32 $0xFA00;
	s30 =	simm.s32 $0x2;
	s0 =	sadd.s32 s28, s0;
	[tilespmem:$0xFA00] =	vst v4  }
0x2b1: {  	[hbm4b:s0+s8] =	stream.linear.scatter [tilespmem:s29], [sflag:$0x2], $0x10, $0x38;
	[tilespmem:$0xFA80] =	vst v63  }
0x2b2: {  	_ =	swait.ge [sflag:s30], $0x10  }
0x2b3: {  	s22 =	sadd.s32 $0x1, s22;
	s31 =	rddreg [dreg:$0x7]  }
0x2b4: {  	p1 =	sne.s32 s22, s31  }
.Ltmp27:
0x2b5: {  	_ = 	snop;
	(pc) =	sbr.rel @p1 .LBB2_2-.Ltmp27, $3  }
0x2b6: {  	_ =	sdelay $0x1  }
0x2b7: {  	[sflag:s30] =	ssyncset.done $0x0  }
0x2b8: {  	[sflag:s30] =	ssyncadd.s32 $0xFFFFFFF0  }
0x2b9: {  	s1 =	rddreg [dreg:$0xb]  }
0x2ba: {  	s0 =	rddreg [dreg:$0xa];
	s1 =	sadd.s32 $0x1, s1  }
0x2bb: {  	p1 =	sne.s32 s1, s0  }
.Ltmp28:
0x2bc: {  	_ = 	snop;
	(pc) =	sbr.rel @p1 .LBB2_1-.Ltmp28, $1  }
0x2bd: {  	_ =	sdelay $0x3  }
0x2be: {  	_ =	sfence.sel $0x180000  }
0x2bf: {  	[bflag:$0x0] =	sbarrier.arrive $0xFFFF  }
0x2c0: {  	_ =	strace $0x90000047  }
0x2c1: {  	s0 =	stileid.u32;
	[bflag:$0x2] =	sbarrier.arrive $0xFFFF  }
0x2c2: {  	p0 =	sne.s32 s0, $0x0;
	s0 =	rddreg [dreg:$0x6]  }
0x2c3: {  	s0 =	sadd.s32 @!p0 $0x100000, s0  }
0x2c4: {  	[sflag:s0] =	ssyncadd.tile.s32 @!p0 $0x1;
	_ =	shalt  }
.Lfunc_end2:
_tile_overlayer_lowered:
.L_overlay_start_2:
0x2c5: {  	(tag) =	ssettag $0x2  }
0x2c6: {  	s0 =	rddreg [dreg:$0x0];
	s2 =	stileid.u32  }
0x2c7: {  	s1 =	rddreg [dreg:$0x1];
	p0 =	sne.s32 s2, $0x0  }
0x2c8: {  	s3 =	rddreg [dreg:$0x2];
	[bflag:$0x3] =	sbarrier.arrive $0xFFFF;
	s2 =	simm.s32 @!p0 $0x1C02  }
0x2c9: {  	[timem:s3], [sflag:s2] =	dma.local @!p0 [hbm:s0], s1  }
0x2ca: {  	s0 =	simm.s32 @!p0 $0x2  }
0x2cb: {  	_ =	swait.ge @!p0 [sflag:s0], s1  }
0x2cc: {  	s1 =	ssub.s32 @!p0 $0x0, s1;
	[sflag:s0] =	ssyncset.done @!p0 $0x0  }
0x2cd: {  	[sflag:s0] =	ssyncadd.s32 @!p0 s1  }
0x2ce: {  	[bflag:$0x3] =	sbarrier.arrive $0xFFFF  }
0x2cf: {  	_ =	shalt  }

</sc_bundles>
